<compile_context>
chip_gen: v7x
topology: tpu7x:2x2x1
jax: 0.10.2.dev20260603
libtpu: 0.0.44.dev20260713+nightly
codegen_flags: <defaults>
</compile_context>

<pallas_src>
import functools

import jax
import jax.numpy as jnp
from jax import lax
from jax.experimental import pallas as pl
from jax.experimental.pallas import tpu as pltpu
from jax.experimental.pallas import tpu_sc as plsc

N = 10000
E = 320000
NODE_DIM = 128
EDGE_DIM = 16
HEADS = 4
HID = 128
C = HID // HEADS
LATENT = 32
G = 64

NPAD = 10240
EP = 327680
NC = 2
NS = 16
NW = NC * NS
EPT = EP // NW
KA = 128
NCHUNK = EPT // KA
SUPA = 4
KB = 128
NCHUNK_B = EPT // KB
BN = 1024
NBLK = NPAD // BN
RPT = NPAD // NS



def _pre_body(x_ref, w_ref, am_ref, xp_ref, asd_ref):
    xp = x_ref[...] @ w_ref[...]
    xp_ref[...] = xp
    asd_ref[...] = xp @ am_ref[...]


def _aed_body(ea_ref, we_ref, aef_ref, aed_ref):
    ve = we_ref[...] @ aef_ref[...]
    aed_ref[...] = ea_ref[...] @ ve


def _comb_body(na_ref, asd_ref, exl_ref, dinv_ref):
    na = na_ref[0] + na_ref[1]
    deg = jnp.maximum(na[:, 12:13], 1.0)
    asd = asd_ref[...]
    al = asd[:, 0:4] + asd[:, 4:8] + na[:, 8:12] / deg
    al = jnp.where(al >= 0, al, 0.2 * al)
    exl = jnp.exp(al)
    exl_ref[...] = exl
    dinv_ref[...] = 1.0 / (na[:, 0:4] + exl + 1e-16)


def _silu(v):
    return v / (1.0 + jnp.exp(-v))


def _tail_body(p_ref, xp_ref, exl_ref, dinv_ref, em_ref, bg_ref, b3_ref,
               w1_ref, b1_ref, pa_ref, w2_ref, b2_ref, pw1_ref, pb1_ref,
               pw2_ref, pb2_ref, pw3_ref, pb3_ref, z_ref, pred_ref, ps_ref,
               cnt_ref):
    i = pl.program_id(0)
    exl = exl_ref[...] @ em_ref[...]
    dinv = dinv_ref[...] @ em_ref[...]
    out = (p_ref[0] + p_ref[1] + xp_ref[...] * exl) * dinv + bg_ref[...]
    h = jnp.where(out > 0, out, jnp.exp(jnp.minimum(out, 0.0)) - 1.0)
    h1 = h @ w1_ref[...] + b1_ref[...]
    h1 = jnp.where(h1 >= 0, h1, pa_ref[...] * h1)
    z = h1 @ w2_ref[...] + b2_ref[...]
    z_ref[...] = z
    bids = b3_ref[0]
    gi = lax.broadcasted_iota(jnp.int32, (G, 1), 0)
    mask = (bids == gi).astype(jnp.float32)
    ps = mask @ z
    ct = jnp.sum(mask, axis=1, keepdims=True)

    @pl.when(i == 0)
    def _():
        ps_ref[...] = ps
        cnt_ref[...] = ct

    @pl.when(i > 0)
    def _():
        ps_ref[...] += ps
        cnt_ref[...] += ct

    @pl.when(i == pl.num_programs(0) - 1)
    def _():
        pooled = ps_ref[...] / jnp.maximum(cnt_ref[...], 1.0)
        p1 = _silu(pooled @ pw1_ref[...] + pb1_ref[...])
        p2 = _silu(p1 @ pw2_ref[...] + pb2_ref[...])
        pred_ref[...] = p2 @ pw3_ref[...] + pb3_ref[...]



_MESH = plsc.VectorSubcoreMesh(core_axis_name="c", subcore_axis_name="s",
                               num_cores=NC, num_subcores=NS)
_SC_PARAMS = pltpu.CompilerParams(needs_layout_passes=False)


@functools.partial(
    pl.kernel,
    out_type=[jax.ShapeDtypeStruct((NC, NPAD, HID), jnp.float32),
              jax.ShapeDtypeStruct((NC, NPAD, HID), jnp.float32),
              jax.ShapeDtypeStruct((EP * 4,), jnp.float32)],
    mesh=_MESH,
    scratch_types=[
        pltpu.VMEM((SUPA, 2, KA), jnp.int32),
        pltpu.VMEM((8, 2, KB), jnp.int32),
        pltpu.VMEM((SUPA * KA * 4,), jnp.float32),
        pltpu.VMEM((8 * KB * 4,), jnp.float32),
        pltpu.VMEM((KA, HID), jnp.float32),
        pltpu.VMEM((KA, HID), jnp.float32),
        pltpu.VMEM_SHARED((NPAD, HID), jnp.float32),
        pltpu.SemaphoreType.DMA,
        pltpu.SemaphoreType.DMA,
    ],
    compiler_params=_SC_PARAMS,
)
def _sc_edges(sda_hbm, sdb_hbm, aed_hbm, asd_hbm, xp_hbm, z128_hbm,
              nacc_out, part_out, ex_out,
              sda_v, sdb_v, aed_v, ex_v, srows_v, drows_v,
              acc_sh, sem, sem2):
    rows_v = srows_v
    cid = lax.axis_index("c")
    sid = lax.axis_index("s")
    wid = cid * NS + sid
    r0 = sid * RPT

    i16 = lax.iota(jnp.int32, 16)
    one16 = jnp.ones((16,), jnp.float32)

    pltpu.sync_copy(z128_hbm.at[pl.ds(r0, RPT)], acc_sh.at[pl.ds(r0, RPT)])
    plsc.subcore_barrier()

    def a_super(s, carry):
        ebase = wid * EPT + s * SUPA * KA

        def a_group(jg, carry2):
            j = jg // (KA // 16)
            g = jg % (KA // 16)
            l16 = g * 16 + i16
            asrcs = []
            adsts = []
            aehs = []
            for h in range(HEADS):
                asrcs.append(plsc.load_gather(
                    srows_v, [l16, jnp.full((16,), h, jnp.int32)]))
                adsts.append(plsc.load_gather(
                    drows_v, [l16, jnp.full((16,), 4 + h, jnp.int32)]))
                aehs.append(plsc.load_gather(
                    aed_v, [j * (KA * 4) + l16 * 4 + h]))
            plsc.store_scatter(drows_v, [l16, jnp.full((16,), 12, jnp.int32)],
                               one16)
            for h in range(HEADS):
                al = asrcs[h] + adsts[h] + aehs[h]
                al = jnp.where(al >= 0, al, 0.2 * al)
                exh = jnp.exp(al)
                plsc.store_scatter(ex_v, [j * (KA * 4) + l16 * 4 + h], exh)
                plsc.store_scatter(drows_v, [l16, jnp.full((16,), h,
                                                           jnp.int32)], exh)
                plsc.store_scatter(drows_v, [l16, jnp.full((16,), 8 + h,
                                                           jnp.int32)],
                                   aehs[h])
            return carry2

        def a_sub(j, carry2):
            cp1 = pltpu.async_copy(asd_hbm.at[sda_v.at[j, 0]], srows_v, sem)

            @pl.when(j > 0)
            def _():
                pltpu.make_async_copy(z128_hbm.at[pl.ds(0, KA)], drows_v,
                                      sem2).wait()

            cp2 = pltpu.async_copy(asd_hbm.at[sda_v.at[j, 1]], drows_v, sem)
            cp1.wait()
            cp2.wait()
            lax.fori_loop(j * (KA // 16), (j + 1) * (KA // 16), a_group, 0)
            pltpu.async_copy(drows_v, acc_sh.at[sda_v.at[j, 1]], sem2,
                             add=True)
            return carry2

        @pl.when(s > 0)
        def _():
            pltpu.make_async_copy(z128_hbm.at[pl.ds(0, KA)], drows_v,
                                  sem2).wait()

        pltpu.sync_copy(sda_hbm.at[pl.ds(wid * NCHUNK + s * SUPA, SUPA)],
                        sda_v)
        pltpu.async_copy(aed_hbm.at[pl.ds(ebase * 4, SUPA * KA * 4)], aed_v,
                         sem).wait()
        lax.fori_loop(0, SUPA, a_sub, 0)
        pltpu.sync_copy(ex_v.at[pl.ds(0, SUPA * KA * 4)],
                        ex_out.at[pl.ds(ebase * 4, SUPA * KA * 4)])
        return carry

    lax.fori_loop(0, NCHUNK // SUPA, a_super, 0)
    pltpu.make_async_copy(z128_hbm.at[pl.ds(0, KA)], drows_v, sem2).wait()
    plsc.subcore_barrier()

    pltpu.sync_copy(acc_sh.at[pl.ds(r0, RPT)],
                    nacc_out.at[cid, pl.ds(r0, RPT)])
    pltpu.sync_copy(z128_hbm.at[pl.ds(r0, RPT)], acc_sh.at[pl.ds(r0, RPT)])
    plsc.subcore_barrier()

    def b_super(s, carry):
        ebase = wid * EPT + s * 8 * KB

        def b_group(jg, carry2):
            j = jg // (KB // 16)
            g = jg % (KB // 16)
            for i in range(16):
                eloc = g * 16 + i
                for h in range(HEADS):
                    wb = plsc.load_gather(
                        ex_v, [j * (KB * 4) + g * 64
                               + jnp.full((16,), i * 4 + h, jnp.int32)])
                    for half in range(2):
                        jc = 2 * h + half
                        rv = rows_v[eloc, pl.ds(jc * 16, 16)]
                        rows_v[eloc, pl.ds(jc * 16, 16)] = rv * wb
            return carry2

        def b_sub(j, carry2):
            pltpu.async_copy(xp_hbm.at[sdb_v.at[j, 0]], rows_v, sem).wait()
            lax.fori_loop(j * (KB // 16), (j + 1) * (KB // 16), b_group, 0)
            pltpu.sync_copy(rows_v, acc_sh.at[sdb_v.at[j, 1]], add=True)
            return carry2

        pltpu.sync_copy(sdb_hbm.at[pl.ds(wid * NCHUNK_B + s * 8, 8)], sdb_v)
        pltpu.async_copy(ex_out.at[pl.ds(ebase * 4, 8 * KB * 4)], ex_v,
                         sem).wait()
        lax.fori_loop(0, 8, b_sub, 0)
        return carry

    lax.fori_loop(0, NCHUNK_B // 8, b_super, 0)
    plsc.subcore_barrier()
    pltpu.sync_copy(acc_sh.at[pl.ds(r0, RPT)],
                    part_out.at[cid, pl.ds(r0, RPT)])



def kernel(x, edge_index, edge_attr, batch, W_gat, att_src, att_dst, att_edge,
           W_edge, b_gat, enc_W1, enc_b1, prelu_a, enc_W2, enc_b2, p_W1, p_b1,
           p_W2, p_b2, p_W3, p_b3):
    f32 = jnp.float32
    x_pad = jnp.pad(x, ((0, NPAD - N), (0, 0)))
    src_pad = jnp.pad(edge_index[0], (0, EP - E))
    dummy = N + jnp.arange(EP - E, dtype=jnp.int32) % (NPAD - N)
    dst_pad = jnp.concatenate([edge_index[1], dummy])
    sda = jnp.stack([src_pad.reshape(EP // KA, KA),
                     dst_pad.reshape(EP // KA, KA)], axis=1)
    sdb = jnp.stack([src_pad.reshape(EP // KB, KB),
                     dst_pad.reshape(EP // KB, KB)], axis=1)
    ea_pad = jnp.pad(edge_attr, ((0, EP - E), (0, 0)))
    batch3 = jnp.pad(batch, (0, NPAD - N),
                     constant_values=G).reshape(NBLK, 1, BN)

    rep = jnp.repeat(jnp.eye(HEADS, dtype=f32), C, axis=0)
    aef = rep * att_edge.reshape(-1)[:, None]
    att_mat = jnp.concatenate([rep * att_src.reshape(-1)[:, None],
                               rep * att_dst.reshape(-1)[:, None]], axis=1)
    att_mat128 = jnp.pad(att_mat, ((0, 0), (0, 120)))
    zeros128 = jnp.zeros((NPAD, HID), f32)

    xp, asd16 = pl.pallas_call(
        _pre_body,
        grid=(NBLK,),
        in_specs=[pl.BlockSpec((BN, NODE_DIM), lambda i: (i, 0)),
                  pl.BlockSpec((NODE_DIM, HID), lambda i: (0, 0)),
                  pl.BlockSpec((HID, HID), lambda i: (0, 0))],
        out_specs=[pl.BlockSpec((BN, HID), lambda i: (i, 0)),
                   pl.BlockSpec((BN, HID), lambda i: (i, 0))],
        out_shape=[jax.ShapeDtypeStruct((NPAD, HID), f32),
                   jax.ShapeDtypeStruct((NPAD, HID), f32)],
    )(x_pad, W_gat, att_mat128)

    EB = 2048
    aed = pl.pallas_call(
        _aed_body,
        grid=(EP // EB,),
        in_specs=[pl.BlockSpec((EB, EDGE_DIM), lambda i: (i, 0)),
                  pl.BlockSpec((EDGE_DIM, HID), lambda i: (0, 0)),
                  pl.BlockSpec((HID, HEADS), lambda i: (0, 0))],
        out_specs=pl.BlockSpec((EB, HEADS), lambda i: (i, 0)),
        out_shape=jax.ShapeDtypeStruct((EP, HEADS), f32),
    )(ea_pad, W_edge, aef)

    nacc, part, _ = _sc_edges(sda, sdb, aed.reshape(EP * 4), asd16, xp,
                              zeros128)

    exl, dinv = pl.pallas_call(
        _comb_body,
        grid=(NBLK,),
        in_specs=[pl.BlockSpec((NC, BN, HID), lambda i: (0, i, 0)),
                  pl.BlockSpec((BN, HID), lambda i: (i, 0))],
        out_specs=[pl.BlockSpec((BN, HEADS), lambda i: (i, 0)),
                   pl.BlockSpec((BN, HEADS), lambda i: (i, 0))],
        out_shape=[jax.ShapeDtypeStruct((NPAD, HEADS), f32),
                   jax.ShapeDtypeStruct((NPAD, HEADS), f32)],
    )(nacc, asd16)

    em = jnp.repeat(jnp.eye(HEADS, dtype=f32), C, axis=1)
    z_pad, pred = pl.pallas_call(
        _tail_body,
        grid=(NBLK,),
        in_specs=[pl.BlockSpec((NC, BN, HID), lambda i: (0, i, 0)),
                  pl.BlockSpec((BN, HID), lambda i: (i, 0)),
                  pl.BlockSpec((BN, HEADS), lambda i: (i, 0)),
                  pl.BlockSpec((BN, HEADS), lambda i: (i, 0)),
                  pl.BlockSpec((HEADS, HID), lambda i: (0, 0)),
                  pl.BlockSpec((1, HID), lambda i: (0, 0)),
                  pl.BlockSpec((1, 1, BN), lambda i: (i, 0, 0)),
                  pl.BlockSpec((HID, HID), lambda i: (0, 0)),
                  pl.BlockSpec((1, HID), lambda i: (0, 0)),
                  pl.BlockSpec((1, 1), lambda i: (0, 0)),
                  pl.BlockSpec((HID, LATENT), lambda i: (0, 0)),
                  pl.BlockSpec((1, LATENT), lambda i: (0, 0)),
                  pl.BlockSpec((LATENT, 128), lambda i: (0, 0)),
                  pl.BlockSpec((1, 128), lambda i: (0, 0)),
                  pl.BlockSpec((128, 64), lambda i: (0, 0)),
                  pl.BlockSpec((1, 64), lambda i: (0, 0)),
                  pl.BlockSpec((64, 1), lambda i: (0, 0)),
                  pl.BlockSpec((1, 1), lambda i: (0, 0))],
        out_specs=[pl.BlockSpec((BN, LATENT), lambda i: (i, 0)),
                   pl.BlockSpec((G, 1), lambda i: (0, 0))],
        out_shape=[jax.ShapeDtypeStruct((NPAD, LATENT), f32),
                   jax.ShapeDtypeStruct((G, 1), f32)],
        scratch_shapes=[pltpu.VMEM((G, LATENT), f32),
                        pltpu.VMEM((G, 1), f32)],
    )(part, xp, exl, dinv, em, b_gat.reshape(1, HID), batch3, enc_W1,
      enc_b1.reshape(1, HID), prelu_a.reshape(1, 1), enc_W2,
      enc_b2.reshape(1, LATENT), p_W1, p_b1.reshape(1, 128), p_W2,
      p_b2.reshape(1, 64), p_W3, p_b3.reshape(1, 1))

    return (pred.reshape(G), z_pad[:N])

# --- scband reference (transcript-rebuilt; emitter-appended) ---
"""Pipeline reference for scband-gcae-38809324486725 (READ-ONLY COPY).

The authoritative reference and input builder live on the scoring server;
editing this copy changes nothing except your own understanding.
"""

import jax, jax.numpy as jnp
import numpy as np

N = 10000
E = 320000
NODE_DIM = 128
EDGE_DIM = 16
HEADS = 4
HID = 128
C = HID // HEADS
LATENT = 32
NUM_GRAPHS = 64


def setup_inputs(seed: int = 0):
    key = jax.random.key(seed)
    ks = jax.random.split(key, 16)
    def nrm(i, shape, scale=0.1):
        return jax.random.normal(ks[i], shape, dtype=jnp.float32) * scale
    inp = {}
    inp["x"] = jax.random.normal(ks[0], (N, NODE_DIM), dtype=jnp.float32)
    inp["edge_index"] = jax.random.randint(ks[1], (2, E), 0, N, dtype=jnp.int32)
    inp["edge_attr"] = jax.random.normal(ks[2], (E, EDGE_DIM), dtype=jnp.float32)
    b = jnp.sort(jax.random.randint(ks[3], (N,), 0, NUM_GRAPHS, dtype=jnp.int32))
    inp["batch"] = b.at[-1].set(NUM_GRAPHS - 1)
    inp["W_gat"] = nrm(4, (NODE_DIM, HID))
    inp["att_src"] = nrm(5, (HEADS, C))
    inp["att_dst"] = nrm(6, (HEADS, C))
    inp["att_edge"] = nrm(7, (HEADS, C))
    inp["W_edge"] = nrm(8, (EDGE_DIM, HID))
    inp["b_gat"] = jnp.zeros((HID,), dtype=jnp.float32)
    inp["enc_W1"] = nrm(9, (HID, HID))
    inp["enc_b1"] = jnp.zeros((HID,), dtype=jnp.float32)
    inp["prelu_a"] = jnp.full((1,), 0.25, dtype=jnp.float32)
    inp["enc_W2"] = nrm(10, (HID, LATENT))
    inp["enc_b2"] = jnp.zeros((LATENT,), dtype=jnp.float32)
    inp["p_W1"] = nrm(11, (LATENT, 128))
    inp["p_b1"] = jnp.zeros((128,), dtype=jnp.float32)
    inp["p_W2"] = nrm(12, (128, 64))
    inp["p_b2"] = jnp.zeros((64,), dtype=jnp.float32)
    inp["p_W3"] = nrm(13, (64, 1))
    inp["p_b3"] = jnp.zeros((1,), dtype=jnp.float32)
    return inp


def _gat_forward(x, edge_index, edge_attr, W_gat, att_src, att_dst, att_edge, W_edge, b_gat):
    n = x.shape[0]
    src = edge_index[0]
    dst = edge_index[1]
    # add_self_loops with fill_value='mean': self-loop edge attr = mean of incoming edge attrs
    deg = jax.ops.segment_sum(jnp.ones((src.shape[0],), jnp.float32), dst, num_segments=n)
    loop_attr = jax.ops.segment_sum(edge_attr, dst, num_segments=n) / jnp.maximum(deg, 1.0)[:, None]
    loop_idx = jnp.arange(n, dtype=src.dtype)
    src = jnp.concatenate([src, loop_idx])
    dst = jnp.concatenate([dst, loop_idx])
    ea = jnp.concatenate([edge_attr, loop_attr], axis=0)
    xp = (x @ W_gat).reshape(n, HEADS, C)
    ep = (ea @ W_edge).reshape(-1, HEADS, C)
    a_src = (xp * att_src[None]).sum(-1)
    a_dst = (xp * att_dst[None]).sum(-1)
    a_edge = (ep * att_edge[None]).sum(-1)
    alpha = a_src[src] + a_dst[dst] + a_edge
    alpha = jax.nn.leaky_relu(alpha, 0.2)
    amax = jax.lax.stop_gradient(jax.ops.segment_max(alpha, dst, num_segments=n))
    ex = jnp.exp(alpha - amax[dst])
    denom = jax.ops.segment_sum(ex, dst, num_segments=n)
    att = ex / (denom[dst] + 1e-16)
    msg = xp[src] * att[:, :, None]
    out = jax.ops.segment_sum(msg, dst, num_segments=n).reshape(n, HEADS * C)
    return out + b_gat


def reference(x, edge_index, edge_attr, batch, W_gat, att_src, att_dst, att_edge, W_edge, b_gat, enc_W1, enc_b1, prelu_a, enc_W2, enc_b2, p_W1, p_b1, p_W2, p_b2, p_W3, p_b3):
    h = jax.nn.elu(_gat_forward(x, edge_index, edge_attr, W_gat, att_src, att_dst, att_edge, W_edge, b_gat))
    h1 = h @ enc_W1 + enc_b1
    h1 = jnp.where(h1 >= 0, h1, prelu_a * h1)
    z = h1 @ enc_W2 + enc_b2
    g = NUM_GRAPHS
    counts = jax.ops.segment_sum(jnp.ones((z.shape[0],), jnp.float32), batch, num_segments=g)
    pooled = jax.ops.segment_sum(z, batch, num_segments=g) / jnp.maximum(counts, 1.0)[:, None]
    p = jax.nn.silu(pooled @ p_W1 + p_b1)
    p = jax.nn.silu(p @ p_W2 + p_b2)
    pred = (p @ p_W3 + p_b3).squeeze(-1)
    return (pred, z)

if __name__ == "__main__":
    import jax
    _d = setup_inputs()
    print(jax.jit(kernel)(*tuple(_d.values())))

</pallas_src>

<mosaic_0001>
#map = affine_map<(d0, d1) -> (0, 0, 0)>
#map1 = affine_map<(d0, d1) -> (0)>
#map2 = affine_map<(d0, d1) -> (0, 0)>
module attributes {stable_mosaic.version = 14 : i64} {
  func.func @_sc_edges(%arg0: i32, %arg1: i32, %arg2: memref<2560x2x128xi32, #tpu.memory_space<hbm>>, %arg3: memref<2560x2x128xi32, #tpu.memory_space<hbm>>, %arg4: memref<1310720xf32, #tpu.memory_space<hbm>>, %arg5: memref<10240x128xf32, #tpu.memory_space<hbm>>, %arg6: memref<10240x128xf32, #tpu.memory_space<hbm>>, %arg7: memref<10240x128xf32, #tpu.memory_space<hbm>>, %arg8: memref<2x10240x128xf32, #tpu.memory_space<hbm>>, %arg9: memref<2x10240x128xf32, #tpu.memory_space<hbm>>, %arg10: memref<1310720xf32, #tpu.memory_space<hbm>>, %arg11: memref<4x2x128xi32, #tpu.memory_space<vmem>>, %arg12: memref<8x2x128xi32, #tpu.memory_space<vmem>>, %arg13: memref<2048xf32, #tpu.memory_space<vmem>>, %arg14: memref<4096xf32, #tpu.memory_space<vmem>>, %arg15: memref<128x128xf32, #tpu.memory_space<vmem>>, %arg16: memref<128x128xf32, #tpu.memory_space<vmem>>, %arg17: memref<10240x128xf32, #tpu.memory_space<vmem_shared>>, %arg18: memref<!tpu.dma_semaphore, #tpu.memory_space<semaphore_mem>>, %arg19: memref<!tpu.dma_semaphore, #tpu.memory_space<semaphore_mem>>) attributes {dimension_semantics = [#tpu.dimension_semantics<core_parallel>, #tpu.dimension_semantics<subcore_parallel>], iteration_bounds = array<i64: 2, 16>, scalar_prefetch = 0 : i64, scratch_operands = 9 : i64, tpu.core_type = #tpu.core_type<sc_vector_subcore>, window_params = [{transform_indices = #map}, {transform_indices = #map}, {transform_indices = #map1}, {transform_indices = #map2}, {transform_indices = #map2}, {transform_indices = #map2}, {transform_indices = #map}, {transform_indices = #map}, {transform_indices = #map1}]} {
    %mul3A = arith.constant 16 : i32
    %mul3A_0 = arith.muli %arg0, %mul3A : i32
    %add3A = arith.addi %mul3A_0, %arg1 : i32
    %mul3A_1 = arith.constant 640 : i32
    %mul3A_2 = arith.muli %arg1, %mul3A_1 : i32
    %iota3A = tpu.iota {dimensions = array<i32: 0>} : vector<16xi32>
    %broadcast_in_dim3A = arith.constant 1.000000e+00 : f32
    %broadcast_in_dim3A_3 = vector.broadcast %broadcast_in_dim3A : f32 to vector<16xf32>
    "tpu.region"() ({
      %run_scoped3A = tpu.sem_alloc : memref<!tpu.dma_semaphore, #tpu.memory_space<semaphore_mem>>
      %dma_start3A = arith.constant 0 : i32
      %dma_start3A_23 = tpu.memref_slice %arg17[%mul3A_2, %dma_start3A] : memref<10240x128xf32, #tpu.memory_space<vmem_shared>> -> memref<640x128xf32, #tpu.memory_space<vmem_shared>>
      %dma_start3A_24 = arith.constant 0 : i32
      %dma_start3A_25 = tpu.memref_slice %arg7[%mul3A_2, %dma_start3A_24] : memref<10240x128xf32, #tpu.memory_space<hbm>> -> memref<640x128xf32, #tpu.memory_space<hbm>>
      tpu.enqueue_dma source(%dma_start3A_25 : memref<640x128xf32, #tpu.memory_space<hbm>>) target(%dma_start3A_23 : memref<640x128xf32, #tpu.memory_space<vmem_shared>>) target_semaphore(%run_scoped3A : memref<!tpu.dma_semaphore, #tpu.memory_space<semaphore_mem>>)
      %dma_wait3A_26 = arith.constant 0 : i32
      %dma_wait3A_27 = tpu.memref_slice %arg17[%mul3A_2, %dma_wait3A_26] : memref<10240x128xf32, #tpu.memory_space<vmem_shared>> -> memref<640x128xf32, #tpu.memory_space<vmem_shared>>
      %dma_wait3A_28 = arith.constant 0 : i32
      %dma_wait3A_29 = tpu.memref_slice %arg7[%mul3A_2, %dma_wait3A_28] : memref<10240x128xf32, #tpu.memory_space<hbm>> -> memref<640x128xf32, #tpu.memory_space<hbm>>
      tpu.wait_dma2 semaphore(%run_scoped3A : memref<!tpu.dma_semaphore, #tpu.memory_space<semaphore_mem>>) src(%dma_wait3A_29 : memref<640x128xf32, #tpu.memory_space<hbm>>) dst(%dma_wait3A_27 : memref<640x128xf32, #tpu.memory_space<vmem_shared>>)
      tpu.yield
    }) : () -> ()
    %barrier3A = arith.constant 0 : index
    tpu.barrier barrier_id(%barrier3A)
    %scan3A = arith.constant 0 : i32
    %scan3A_4 = arith.constant 0 : i32
    %scan3A_5 = arith.constant 20 : i32
    %scan3A_6 = arith.addi %scan3A_4, %scan3A_5 : i32
    %scan3A_7 = arith.constant 1 : i32
    scf.for %scan3A_23 = %scan3A_4 to %scan3A_6 step %scan3A_7  : i32 {
      %mul3A_24 = arith.constant 10240 : i32
      %mul3A_25 = arith.muli %add3A, %mul3A_24 : i32
      %mul3A_26 = arith.constant 4 : i32
      %mul3A_27 = arith.muli %scan3A_23, %mul3A_26 : i32
      %mul3A_28 = arith.constant 128 : i32
      %mul3A_29 = arith.muli %mul3A_27, %mul3A_28 : i32
      %add3A_30 = arith.addi %mul3A_25, %mul3A_29 : i32
      %gt3A = arith.constant 0 : i32
      %gt3A_31 = arith.cmpi sgt, %scan3A_23, %gt3A : i32
      %convert_element_type3A = arith.extui %gt3A_31 : i1 to i32
      %cond3A = arith.constant 0 : i32
      %cond3A_32 = arith.cmpi ne, %convert_element_type3A, %cond3A : i32
      scf.if %cond3A_32 {
        %dma_wait3A_51 = arith.constant 0 : i32
        %dma_wait3A_52 = arith.constant 0 : i32
        %dma_wait3A_53 = tpu.memref_slice %arg7[%dma_wait3A_51, %dma_wait3A_52] : memref<10240x128xf32, #tpu.memory_space<hbm>> -> memref<128x128xf32, #tpu.memory_space<hbm>>
        %dma_wait3A_54 = arith.constant 0 : i32
        %dma_wait3A_55 = arith.constant 0 : i32
        %dma_wait3A_56 = tpu.memref_slice %arg7[%dma_wait3A_54, %dma_wait3A_55] : memref<10240x128xf32, #tpu.memory_space<hbm>> -> memref<128x128xf32, #tpu.memory_space<hbm>>
        tpu.wait_dma2 semaphore(%arg19 : memref<!tpu.dma_semaphore, #tpu.memory_space<semaphore_mem>>) src(%dma_wait3A_56 : memref<128x128xf32, #tpu.memory_space<hbm>>) dst(%arg16 : memref<128x128xf32, #tpu.memory_space<vmem>>)
      } else {
      }
      %mul3A_33 = arith.constant 80 : i32
      %mul3A_34 = arith.muli %add3A, %mul3A_33 : i32
      %mul3A_35 = arith.constant 4 : i32
      %mul3A_36 = arith.muli %scan3A_23, %mul3A_35 : i32
      %add3A_37 = arith.addi %mul3A_34, %mul3A_36 : i32
      "tpu.region"() ({
        %run_scoped3A = tpu.sem_alloc : memref<!tpu.dma_semaphore, #tpu.memory_space<semaphore_mem>>
        %dma_start3A_51 = arith.constant 0 : i32
        %dma_start3A_52 = arith.constant 0 : i32
        %dma_start3A_53 = tpu.memref_slice %arg2[%add3A_37, %dma_start3A_51, %dma_start3A_52] : memref<2560x2x128xi32, #tpu.memory_space<hbm>> -> memref<4x2x128xi32, #tpu.memory_space<hbm>>
        %dma_start3A_54 = arith.constant 0 : i32
        %dma_start3A_55 = arith.constant 0 : i32
        %dma_start3A_56 = tpu.memref_slice %arg2[%add3A_37, %dma_start3A_54, %dma_start3A_55] : memref<2560x2x128xi32, #tpu.memory_space<hbm>> -> memref<4x2x128xi32, #tpu.memory_space<hbm>>
        tpu.enqueue_dma source(%dma_start3A_56 : memref<4x2x128xi32, #tpu.memory_space<hbm>>) target(%arg11 : memref<4x2x128xi32, #tpu.memory_space<vmem>>) target_semaphore(%run_scoped3A : memref<!tpu.dma_semaphore, #tpu.memory_space<semaphore_mem>>)
        %dma_wait3A_57 = arith.constant 0 : i32
        %dma_wait3A_58 = arith.constant 0 : i32
        %dma_wait3A_59 = tpu.memref_slice %arg2[%add3A_37, %dma_wait3A_57, %dma_wait3A_58] : memref<2560x2x128xi32, #tpu.memory_space<hbm>> -> memref<4x2x128xi32, #tpu.memory_space<hbm>>
        %dma_wait3A_60 = arith.constant 0 : i32
        %dma_wait3A_61 = arith.constant 0 : i32
        %dma_wait3A_62 = tpu.memref_slice %arg2[%add3A_37, %dma_wait3A_60, %dma_wait3A_61] : memref<2560x2x128xi32, #tpu.memory_space<hbm>> -> memref<4x2x128xi32, #tpu.memory_space<hbm>>
        tpu.wait_dma2 semaphore(%run_scoped3A : memref<!tpu.dma_semaphore, #tpu.memory_space<semaphore_mem>>) src(%dma_wait3A_62 : memref<4x2x128xi32, #tpu.memory_space<hbm>>) dst(%arg11 : memref<4x2x128xi32, #tpu.memory_space<vmem>>)
        tpu.yield
      }) : () -> ()
      %mul3A_38 = arith.constant 4 : i32
      %mul3A_39 = arith.muli %add3A_30, %mul3A_38 : i32
      %dma_start3A = tpu.memref_slice %arg4[%mul3A_39] : memref<1310720xf32, #tpu.memory_space<hbm>> -> memref<2048xf32, #tpu.memory_space<hbm>>
      %dma_start3A_40 = tpu.memref_slice %arg4[%mul3A_39] : memref<1310720xf32, #tpu.memory_space<hbm>> -> memref<2048xf32, #tpu.memory_space<hbm>>
      tpu.enqueue_dma source(%dma_start3A_40 : memref<2048xf32, #tpu.memory_space<hbm>>) target(%arg13 : memref<2048xf32, #tpu.memory_space<vmem>>) target_semaphore(%arg18 : memref<!tpu.dma_semaphore, #tpu.memory_space<semaphore_mem>>)
      %dma_wait3A_41 = tpu.memref_slice %arg4[%mul3A_39] : memref<1310720xf32, #tpu.memory_space<hbm>> -> memref<2048xf32, #tpu.memory_space<hbm>>
      %dma_wait3A_42 = tpu.memref_slice %arg4[%mul3A_39] : memref<1310720xf32, #tpu.memory_space<hbm>> -> memref<2048xf32, #tpu.memory_space<hbm>>
      tpu.wait_dma2 semaphore(%arg18 : memref<!tpu.dma_semaphore, #tpu.memory_space<semaphore_mem>>) src(%dma_wait3A_42 : memref<2048xf32, #tpu.memory_space<hbm>>) dst(%arg13 : memref<2048xf32, #tpu.memory_space<vmem>>)
      %scan3A_43 = arith.constant 0 : i32
      %scan3A_44 = arith.constant 0 : i32
      %scan3A_45 = arith.constant 4 : i32
      %scan3A_46 = arith.addi %scan3A_44, %scan3A_45 : i32
      %scan3A_47 = arith.constant 1 : i32
      scf.for %scan3A_51 = %scan3A_44 to %scan3A_46 step %scan3A_47  : i32 {
        %dma_start3A_52 = arith.constant 0 : i32
        %dma_start3A_53 = arith.constant 0 : i32
        %dma_start3A_54 = tpu.memref_slice %arg11[%scan3A_51, %dma_start3A_52, %dma_start3A_53] : memref<4x2x128xi32, #tpu.memory_space<vmem>> -> memref<1x1x128xi32, #tpu.memory_space<vmem>>
        %dma_start3A_55 = tpu.memref_squeeze %dma_start3A_54 : memref<1x1x128xi32, #tpu.memory_space<vmem>> -> memref<128xi32, #tpu.memory_space<vmem>>
        %dma_start3A_56 = arith.constant 0 : i32
        %dma_start3A_57 = arith.constant 0 : i32
        %dma_start3A_58 = tpu.memref_slice %arg5[%dma_start3A_56, %dma_start3A_57] : memref<10240x128xf32, #tpu.memory_space<hbm>> -> memref<10240x128xf32, #tpu.memory_space<hbm>>
        tpu.enqueue_indirect_dma source(%dma_start3A_58 : memref<10240x128xf32, #tpu.memory_space<hbm>>) target(%arg15 : memref<128x128xf32, #tpu.memory_space<vmem>>) offsets(%dma_start3A_55 : memref<128xi32, #tpu.memory_space<vmem>>) semaphore(%arg18 : memref<!tpu.dma_semaphore, #tpu.memory_space<semaphore_mem>>)
        %gt3A_59 = arith.constant 0 : i32
        %gt3A_60 = arith.cmpi sgt, %scan3A_51, %gt3A_59 : i32
        %convert_element_type3A_61 = arith.extui %gt3A_60 : i1 to i32
        %cond3A_62 = arith.constant 0 : i32
        %cond3A_63 = arith.cmpi ne, %convert_element_type3A_61, %cond3A_62 : i32
        scf.if %cond3A_63 {
          %dma_wait3A_106 = arith.constant 0 : i32
          %dma_wait3A_107 = arith.constant 0 : i32
          %dma_wait3A_108 = tpu.memref_slice %arg7[%dma_wait3A_106, %dma_wait3A_107] : memref<10240x128xf32, #tpu.memory_space<hbm>> -> memref<128x128xf32, #tpu.memory_space<hbm>>
          %dma_wait3A_109 = arith.constant 0 : i32
          %dma_wait3A_110 = arith.constant 0 : i32
          %dma_wait3A_111 = tpu.memref_slice %arg7[%dma_wait3A_109, %dma_wait3A_110] : memref<10240x128xf32, #tpu.memory_space<hbm>> -> memref<128x128xf32, #tpu.memory_space<hbm>>
          tpu.wait_dma2 semaphore(%arg19 : memref<!tpu.dma_semaphore, #tpu.memory_space<semaphore_mem>>) src(%dma_wait3A_111 : memref<128x128xf32, #tpu.memory_space<hbm>>) dst(%arg16 : memref<128x128xf32, #tpu.memory_space<vmem>>)
        } else {
        }
        %dma_start3A_64 = arith.constant 1 : i32
        %dma_start3A_65 = arith.constant 0 : i32
        %dma_start3A_66 = tpu.memref_slice %arg11[%scan3A_51, %dma_start3A_64, %dma_start3A_65] : memref<4x2x128xi32, #tpu.memory_space<vmem>> -> memref<1x1x128xi32, #tpu.memory_space<vmem>>
        %dma_start3A_67 = tpu.memref_squeeze %dma_start3A_66 : memref<1x1x128xi32, #tpu.memory_space<vmem>> -> memref<128xi32, #tpu.memory_space<vmem>>
        %dma_start3A_68 = arith.constant 0 : i32
        %dma_start3A_69 = arith.constant 0 : i32
        %dma_start3A_70 = tpu.memref_slice %arg5[%dma_start3A_68, %dma_start3A_69] : memref<10240x128xf32, #tpu.memory_space<hbm>> -> memref<10240x128xf32, #tpu.memory_space<hbm>>
        tpu.enqueue_indirect_dma source(%dma_start3A_70 : memref<10240x128xf32, #tpu.memory_space<hbm>>) target(%arg16 : memref<128x128xf32, #tpu.memory_space<vmem>>) offsets(%dma_start3A_67 : memref<128xi32, #tpu.memory_space<vmem>>) semaphore(%arg18 : memref<!tpu.dma_semaphore, #tpu.memory_space<semaphore_mem>>)
        %dma_wait3A_71 = arith.constant 0 : i32
        %dma_wait3A_72 = arith.constant 0 : i32
        %dma_wait3A_73 = tpu.memref_slice %arg11[%scan3A_51, %dma_wait3A_71, %dma_wait3A_72] : memref<4x2x128xi32, #tpu.memory_space<vmem>> -> memref<1x1x128xi32, #tpu.memory_space<vmem>>
        %dma_wait3A_74 = tpu.memref_squeeze %dma_wait3A_73 : memref<1x1x128xi32, #tpu.memory_space<vmem>> -> memref<128xi32, #tpu.memory_space<vmem>>
        %dma_wait3A_75 = arith.constant 0 : i32
        %dma_wait3A_76 = arith.constant 0 : i32
        %dma_wait3A_77 = tpu.memref_slice %arg5[%dma_wait3A_75, %dma_wait3A_76] : memref<10240x128xf32, #tpu.memory_space<hbm>> -> memref<10240x128xf32, #tpu.memory_space<hbm>>
        tpu.wait_indirect_dma semaphore(%arg18 : memref<!tpu.dma_semaphore, #tpu.memory_space<semaphore_mem>>) src(%dma_wait3A_77 : memref<10240x128xf32, #tpu.memory_space<hbm>>) dst(%arg15 : memref<128x128xf32, #tpu.memory_space<vmem>>)
        %dma_wait3A_78 = arith.constant 1 : i32
        %dma_wait3A_79 = arith.constant 0 : i32
        %dma_wait3A_80 = tpu.memref_slice %arg11[%scan3A_51, %dma_wait3A_78, %dma_wait3A_79] : memref<4x2x128xi32, #tpu.memory_space<vmem>> -> memref<1x1x128xi32, #tpu.memory_space<vmem>>
        %dma_wait3A_81 = tpu.memref_squeeze %dma_wait3A_80 : memref<1x1x128xi32, #tpu.memory_space<vmem>> -> memref<128xi32, #tpu.memory_space<vmem>>
        %dma_wait3A_82 = arith.constant 0 : i32
        %dma_wait3A_83 = arith.constant 0 : i32
        %dma_wait3A_84 = tpu.memref_slice %arg5[%dma_wait3A_82, %dma_wait3A_83] : memref<10240x128xf32, #tpu.memory_space<hbm>> -> memref<10240x128xf32, #tpu.memory_space<hbm>>
        tpu.wait_indirect_dma semaphore(%arg18 : memref<!tpu.dma_semaphore, #tpu.memory_space<semaphore_mem>>) src(%dma_wait3A_84 : memref<10240x128xf32, #tpu.memory_space<hbm>>) dst(%arg16 : memref<128x128xf32, #tpu.memory_space<vmem>>)
        %mul3A_85 = arith.constant 8 : i32
        %mul3A_86 = arith.muli %scan3A_51, %mul3A_85 : i32
        %add3A_87 = arith.constant 1 : i32
        %add3A_88 = arith.addi %scan3A_51, %add3A_87 : i32
        %mul3A_89 = arith.constant 8 : i32
        %mul3A_90 = arith.muli %add3A_88, %mul3A_89 : i32
        %while3A = arith.constant 0 : i32
        %while3A_91 = arith.subi %mul3A_90, %mul3A_86 : i32
        %while3A_92 = arith.addi %mul3A_86, %while3A_91 : i32
        %while3A_93 = arith.constant 1 : i32
        %while3A_94 = arith.divsi %while3A_91, %while3A_93 : i32
        %while3A_95 = arith.muli %while3A_94, %while3A_93 : i32
        %while3A_96 = arith.addi %mul3A_86, %while3A_95 : i32
        %while3A_97 = arith.constant 1 : i32
        scf.for %while3A_106 = %mul3A_86 to %while3A_96 step %while3A_97  : i32 {
          %jit3A = arith.constant 8 : i32
          %div3A = arith.divsi %while3A_106, %jit3A : i32
          %sign3A = arith.constant 0 : i32
          %sign3A_107 = arith.cmpi sgt, %while3A_106, %sign3A : i32
          %sign3A_108 = arith.extui %sign3A_107 : i1 to i32
          %sign3A_109 = arith.constant 0 : i32
          %sign3A_110 = arith.cmpi slt, %while3A_106, %sign3A_109 : i32
          %sign3A_111 = arith.extui %sign3A_110 : i1 to i32
          %sign3A_112 = arith.subi %sign3A_108, %sign3A_111 : i32
          %sign3A_113 = arith.constant 0 : i32
          %sign3A_114 = arith.cmpi sgt, %jit3A, %sign3A_113 : i32
          %sign3A_115 = arith.extui %sign3A_114 : i1 to i32
          %sign3A_116 = arith.constant 0 : i32
          %sign3A_117 = arith.cmpi slt, %jit3A, %sign3A_116 : i32
          %sign3A_118 = arith.extui %sign3A_117 : i1 to i32
          %sign3A_119 = arith.subi %sign3A_115, %sign3A_118 : i32
          %ne3A = arith.cmpi ne, %sign3A_112, %sign3A_119 : i32
          %rem3A = arith.remsi %while3A_106, %jit3A : i32
          %ne3A_120 = arith.constant 0 : i32
          %ne3A_121 = arith.cmpi ne, %rem3A, %ne3A_120 : i32
          %and3A = arith.andi %ne3A, %ne3A_121 : i1
          %sub3A = arith.constant 1 : i32
          %sub3A_122 = arith.subi %div3A, %sub3A : i32
          %select_n3A = arith.select %and3A, %sub3A_122, %div3A : i32
          %jit3A_123 = arith.constant 8 : i32
          %eq3A = arith.constant 0 : i32
          %eq3A_124 = arith.cmpi eq, %jit3A_123, %eq3A : i32
          %jit3A_125 = arith.constant 1 : i32
          %select_n3A_126 = arith.select %eq3A_124, %jit3A_125, %jit3A_123 : i32
          %rem3A_127 = arith.remsi %while3A_106, %select_n3A_126 : i32
          %ne3A_128 = arith.constant 0 : i32
          %ne3A_129 = arith.cmpi ne, %rem3A_127, %ne3A_128 : i32
          %lt3A = arith.constant 0 : i32
          %lt3A_130 = arith.cmpi slt, %rem3A_127, %lt3A : i32
          %lt3A_131 = arith.constant 0 : i32
          %lt3A_132 = arith.cmpi slt, %select_n3A_126, %lt3A_131 : i32
          %ne3A_133 = arith.xori %lt3A_130, %lt3A_132 : i1
          %and3A_134 = arith.andi %ne3A_133, %ne3A_129 : i1
          %add3A_135 = arith.addi %rem3A_127, %select_n3A_126 : i32
          %select_n3A_136 = arith.select %and3A_134, %add3A_135, %rem3A_127 : i32
          %mul3A_137 = arith.constant 16 : i32
          %mul3A_138 = arith.muli %select_n3A_136, %mul3A_137 : i32
          %add3A_139 = vector.broadcast %mul3A_138 : i32 to vector<16xi32>
          %add3A_140 = arith.addi %add3A_139, %iota3A : vector<16xi32>
          %broadcast_in_dim3A_141 = arith.constant 0 : i32
          %broadcast_in_dim3A_142 = vector.broadcast %broadcast_in_dim3A_141 : i32 to vector<16xi32>
          %gather3A = tpu.vector_load_idx %arg15[%add3A_140, %broadcast_in_dim3A_142] : memref<128x128xf32, #tpu.memory_space<vmem>>[vector<16xi32>, vector<16xi32>], vector<16xf32>,
          %broadcast_in_dim3A_143 = arith.constant 4 : i32
          %broadcast_in_dim3A_144 = vector.broadcast %broadcast_in_dim3A_143 : i32 to vector<16xi32>
          %gather3A_145 = tpu.vector_load_idx %arg16[%add3A_140, %broadcast_in_dim3A_144] : memref<128x128xf32, #tpu.memory_space<vmem>>[vector<16xi32>, vector<16xi32>], vector<16xf32>,
          %mul3A_146 = arith.constant 512 : i32
          %mul3A_147 = arith.muli %select_n3A, %mul3A_146 : i32
          %mul3A_148 = arith.constant 4 : i32
          %mul3A_149 = vector.broadcast %mul3A_148 : i32 to vector<16xi32>
          %mul3A_150 = arith.muli %add3A_140, %mul3A_149 : vector<16xi32>
          %add3A_151 = vector.broadcast %mul3A_147 : i32 to vector<16xi32>
          %add3A_152 = arith.addi %add3A_151, %mul3A_150 : vector<16xi32>
          %add3A_153 = arith.constant 0 : i32
          %add3A_154 = vector.broadcast %add3A_153 : i32 to vector<16xi32>
          %add3A_155 = arith.addi %add3A_152, %add3A_154 : vector<16xi32>
          %gather3A_156 = tpu.vector_load_idx %arg13[%add3A_155] : memref<2048xf32, #tpu.memory_space<vmem>>[vector<16xi32>], vector<16xf32>,
          %broadcast_in_dim3A_157 = arith.constant 1 : i32
          %broadcast_in_dim3A_158 = vector.broadcast %broadcast_in_dim3A_157 : i32 to vector<16xi32>
          %gather3A_159 = tpu.vector_load_idx %arg15[%add3A_140, %broadcast_in_dim3A_158] : memref<128x128xf32, #tpu.memory_space<vmem>>[vector<16xi32>, vector<16xi32>], vector<16xf32>,
          %broadcast_in_dim3A_160 = arith.constant 5 : i32
          %broadcast_in_dim3A_161 = vector.broadcast %broadcast_in_dim3A_160 : i32 to vector<16xi32>
          %gather3A_162 = tpu.vector_load_idx %arg16[%add3A_140, %broadcast_in_dim3A_161] : memref<128x128xf32, #tpu.memory_space<vmem>>[vector<16xi32>, vector<16xi32>], vector<16xf32>,
          %mul3A_163 = arith.constant 512 : i32
          %mul3A_164 = arith.muli %select_n3A, %mul3A_163 : i32
          %mul3A_165 = arith.constant 4 : i32
          %mul3A_166 = vector.broadcast %mul3A_165 : i32 to vector<16xi32>
          %mul3A_167 = arith.muli %add3A_140, %mul3A_166 : vector<16xi32>
          %add3A_168 = vector.broadcast %mul3A_164 : i32 to vector<16xi32>
          %add3A_169 = arith.addi %add3A_168, %mul3A_167 : vector<16xi32>
          %add3A_170 = arith.constant 1 : i32
          %add3A_171 = vector.broadcast %add3A_170 : i32 to vector<16xi32>
          %add3A_172 = arith.addi %add3A_169, %add3A_171 : vector<16xi32>
          %gather3A_173 = tpu.vector_load_idx %arg13[%add3A_172] : memref<2048xf32, #tpu.memory_space<vmem>>[vector<16xi32>], vector<16xf32>,
          %broadcast_in_dim3A_174 = arith.constant 2 : i32
          %broadcast_in_dim3A_175 = vector.broadcast %broadcast_in_dim3A_174 : i32 to vector<16xi32>
          %gather3A_176 = tpu.vector_load_idx %arg15[%add3A_140, %broadcast_in_dim3A_175] : memref<128x128xf32, #tpu.memory_space<vmem>>[vector<16xi32>, vector<16xi32>], vector<16xf32>,
          %broadcast_in_dim3A_177 = arith.constant 6 : i32
          %broadcast_in_dim3A_178 = vector.broadcast %broadcast_in_dim3A_177 : i32 to vector<16xi32>
          %gather3A_179 = tpu.vector_load_idx %arg16[%add3A_140, %broadcast_in_dim3A_178] : memref<128x128xf32, #tpu.memory_space<vmem>>[vector<16xi32>, vector<16xi32>], vector<16xf32>,
          %mul3A_180 = arith.constant 512 : i32
          %mul3A_181 = arith.muli %select_n3A, %mul3A_180 : i32
          %mul3A_182 = arith.constant 4 : i32
          %mul3A_183 = vector.broadcast %mul3A_182 : i32 to vector<16xi32>
          %mul3A_184 = arith.muli %add3A_140, %mul3A_183 : vector<16xi32>
          %add3A_185 = vector.broadcast %mul3A_181 : i32 to vector<16xi32>
          %add3A_186 = arith.addi %add3A_185, %mul3A_184 : vector<16xi32>
          %add3A_187 = arith.constant 2 : i32
          %add3A_188 = vector.broadcast %add3A_187 : i32 to vector<16xi32>
          %add3A_189 = arith.addi %add3A_186, %add3A_188 : vector<16xi32>
          %gather3A_190 = tpu.vector_load_idx %arg13[%add3A_189] : memref<2048xf32, #tpu.memory_space<vmem>>[vector<16xi32>], vector<16xf32>,
          %broadcast_in_dim3A_191 = arith.constant 3 : i32
          %broadcast_in_dim3A_192 = vector.broadcast %broadcast_in_dim3A_191 : i32 to vector<16xi32>
          %gather3A_193 = tpu.vector_load_idx %arg15[%add3A_140, %broadcast_in_dim3A_192] : memref<128x128xf32, #tpu.memory_space<vmem>>[vector<16xi32>, vector<16xi32>], vector<16xf32>,
          %broadcast_in_dim3A_194 = arith.constant 7 : i32
          %broadcast_in_dim3A_195 = vector.broadcast %broadcast_in_dim3A_194 : i32 to vector<16xi32>
          %gather3A_196 = tpu.vector_load_idx %arg16[%add3A_140, %broadcast_in_dim3A_195] : memref<128x128xf32, #tpu.memory_space<vmem>>[vector<16xi32>, vector<16xi32>], vector<16xf32>,
          %mul3A_197 = arith.constant 512 : i32
          %mul3A_198 = arith.muli %select_n3A, %mul3A_197 : i32
          %mul3A_199 = arith.constant 4 : i32
          %mul3A_200 = vector.broadcast %mul3A_199 : i32 to vector<16xi32>
          %mul3A_201 = arith.muli %add3A_140, %mul3A_200 : vector<16xi32>
          %add3A_202 = vector.broadcast %mul3A_198 : i32 to vector<16xi32>
          %add3A_203 = arith.addi %add3A_202, %mul3A_201 : vector<16xi32>
          %add3A_204 = arith.constant 3 : i32
          %add3A_205 = vector.broadcast %add3A_204 : i32 to vector<16xi32>
          %add3A_206 = arith.addi %add3A_203, %add3A_205 : vector<16xi32>
          %gather3A_207 = tpu.vector_load_idx %arg13[%add3A_206] : memref<2048xf32, #tpu.memory_space<vmem>>[vector<16xi32>], vector<16xf32>,
          %broadcast_in_dim3A_208 = arith.constant 12 : i32
          %broadcast_in_dim3A_209 = vector.broadcast %broadcast_in_dim3A_208 : i32 to vector<16xi32>
          tpu.vector_store_idx %arg16[%add3A_140, %broadcast_in_dim3A_209], %broadcast_in_dim3A_3 : memref<128x128xf32, #tpu.memory_space<vmem>>[vector<16xi32>, vector<16xi32>], vector<16xf32>,
          %add3A_210 = arith.addf %gather3A, %gather3A_145 : vector<16xf32>
          %add3A_211 = arith.addf %add3A_210, %gather3A_156 : vector<16xf32>
          %ge3A = arith.constant 0.000000e+00 : f32
          %ge3A_212 = vector.broadcast %ge3A : f32 to vector<16xf32>
          %ge3A_213 = arith.cmpf oge, %add3A_211, %ge3A_212 : vector<16xf32>
          %mul3A_214 = arith.constant 2.000000e-01 : f32
          %mul3A_215 = vector.broadcast %mul3A_214 : f32 to vector<16xf32>
          %mul3A_216 = arith.mulf %mul3A_215, %add3A_211 : vector<16xf32>
          %select_n3A_217 = arith.select %ge3A_213, %add3A_211, %mul3A_216 : vector<16xi1>, vector<16xf32>
          %exp3A = math.exp %select_n3A_217 : vector<16xf32>
          %mul3A_218 = arith.constant 512 : i32
          %mul3A_219 = arith.muli %select_n3A, %mul3A_218 : i32
          %mul3A_220 = arith.constant 4 : i32
          %mul3A_221 = vector.broadcast %mul3A_220 : i32 to vector<16xi32>
          %mul3A_222 = arith.muli %add3A_140, %mul3A_221 : vector<16xi32>
          %add3A_223 = vector.broadcast %mul3A_219 : i32 to vector<16xi32>
          %add3A_224 = arith.addi %add3A_223, %mul3A_222 : vector<16xi32>
          %add3A_225 = arith.constant 0 : i32
          %add3A_226 = vector.broadcast %add3A_225 : i32 to vector<16xi32>
          %add3A_227 = arith.addi %add3A_224, %add3A_226 : vector<16xi32>
          tpu.vector_store_idx %arg14[%add3A_227], %exp3A : memref<4096xf32, #tpu.memory_space<vmem>>[vector<16xi32>], vector<16xf32>,
          %broadcast_in_dim3A_228 = arith.constant 0 : i32
          %broadcast_in_dim3A_229 = vector.broadcast %broadcast_in_dim3A_228 : i32 to vector<16xi32>
          tpu.vector_store_idx %arg16[%add3A_140, %broadcast_in_dim3A_229], %exp3A : memref<128x128xf32, #tpu.memory_space<vmem>>[vector<16xi32>, vector<16xi32>], vector<16xf32>,
          %broadcast_in_dim3A_230 = arith.constant 8 : i32
          %broadcast_in_dim3A_231 = vector.broadcast %broadcast_in_dim3A_230 : i32 to vector<16xi32>
          tpu.vector_store_idx %arg16[%add3A_140, %broadcast_in_dim3A_231], %gather3A_156 : memref<128x128xf32, #tpu.memory_space<vmem>>[vector<16xi32>, vector<16xi32>], vector<16xf32>,
          %add3A_232 = arith.addf %gather3A_159, %gather3A_162 : vector<16xf32>
          %add3A_233 = arith.addf %add3A_232, %gather3A_173 : vector<16xf32>
          %ge3A_234 = arith.constant 0.000000e+00 : f32
          %ge3A_235 = vector.broadcast %ge3A_234 : f32 to vector<16xf32>
          %ge3A_236 = arith.cmpf oge, %add3A_233, %ge3A_235 : vector<16xf32>
          %mul3A_237 = arith.constant 2.000000e-01 : f32
          %mul3A_238 = vector.broadcast %mul3A_237 : f32 to vector<16xf32>
          %mul3A_239 = arith.mulf %mul3A_238, %add3A_233 : vector<16xf32>
          %select_n3A_240 = arith.select %ge3A_236, %add3A_233, %mul3A_239 : vector<16xi1>, vector<16xf32>
          %exp3A_241 = math.exp %select_n3A_240 : vector<16xf32>
          %mul3A_242 = arith.constant 512 : i32
          %mul3A_243 = arith.muli %select_n3A, %mul3A_242 : i32
          %mul3A_244 = arith.constant 4 : i32
          %mul3A_245 = vector.broadcast %mul3A_244 : i32 to vector<16xi32>
          %mul3A_246 = arith.muli %add3A_140, %mul3A_245 : vector<16xi32>
          %add3A_247 = vector.broadcast %mul3A_243 : i32 to vector<16xi32>
          %add3A_248 = arith.addi %add3A_247, %mul3A_246 : vector<16xi32>
          %add3A_249 = arith.constant 1 : i32
          %add3A_250 = vector.broadcast %add3A_249 : i32 to vector<16xi32>
          %add3A_251 = arith.addi %add3A_248, %add3A_250 : vector<16xi32>
          tpu.vector_store_idx %arg14[%add3A_251], %exp3A_241 : memref<4096xf32, #tpu.memory_space<vmem>>[vector<16xi32>], vector<16xf32>,
          %broadcast_in_dim3A_252 = arith.constant 1 : i32
          %broadcast_in_dim3A_253 = vector.broadcast %broadcast_in_dim3A_252 : i32 to vector<16xi32>
          tpu.vector_store_idx %arg16[%add3A_140, %broadcast_in_dim3A_253], %exp3A_241 : memref<128x128xf32, #tpu.memory_space<vmem>>[vector<16xi32>, vector<16xi32>], vector<16xf32>,
          %broadcast_in_dim3A_254 = arith.constant 9 : i32
          %broadcast_in_dim3A_255 = vector.broadcast %broadcast_in_dim3A_254 : i32 to vector<16xi32>
          tpu.vector_store_idx %arg16[%add3A_140, %broadcast_in_dim3A_255], %gather3A_173 : memref<128x128xf32, #tpu.memory_space<vmem>>[vector<16xi32>, vector<16xi32>], vector<16xf32>,
          %add3A_256 = arith.addf %gather3A_176, %gather3A_179 : vector<16xf32>
          %add3A_257 = arith.addf %add3A_256, %gather3A_190 : vector<16xf32>
          %ge3A_258 = arith.constant 0.000000e+00 : f32
          %ge3A_259 = vector.broadcast %ge3A_258 : f32 to vector<16xf32>
          %ge3A_260 = arith.cmpf oge, %add3A_257, %ge3A_259 : vector<16xf32>
          %mul3A_261 = arith.constant 2.000000e-01 : f32
          %mul3A_262 = vector.broadcast %mul3A_261 : f32 to vector<16xf32>
          %mul3A_263 = arith.mulf %mul3A_262, %add3A_257 : vector<16xf32>
          %select_n3A_264 = arith.select %ge3A_260, %add3A_257, %mul3A_263 : vector<16xi1>, vector<16xf32>
          %exp3A_265 = math.exp %select_n3A_264 : vector<16xf32>
          %mul3A_266 = arith.constant 512 : i32
          %mul3A_267 = arith.muli %select_n3A, %mul3A_266 : i32
          %mul3A_268 = arith.constant 4 : i32
          %mul3A_269 = vector.broadcast %mul3A_268 : i32 to vector<16xi32>
          %mul3A_270 = arith.muli %add3A_140, %mul3A_269 : vector<16xi32>
          %add3A_271 = vector.broadcast %mul3A_267 : i32 to vector<16xi32>
          %add3A_272 = arith.addi %add3A_271, %mul3A_270 : vector<16xi32>
          %add3A_273 = arith.constant 2 : i32
          %add3A_274 = vector.broadcast %add3A_273 : i32 to vector<16xi32>
          %add3A_275 = arith.addi %add3A_272, %add3A_274 : vector<16xi32>
          tpu.vector_store_idx %arg14[%add3A_275], %exp3A_265 : memref<4096xf32, #tpu.memory_space<vmem>>[vector<16xi32>], vector<16xf32>,
          %broadcast_in_dim3A_276 = arith.constant 2 : i32
          %broadcast_in_dim3A_277 = vector.broadcast %broadcast_in_dim3A_276 : i32 to vector<16xi32>
          tpu.vector_store_idx %arg16[%add3A_140, %broadcast_in_dim3A_277], %exp3A_265 : memref<128x128xf32, #tpu.memory_space<vmem>>[vector<16xi32>, vector<16xi32>], vector<16xf32>,
          %broadcast_in_dim3A_278 = arith.constant 10 : i32
          %broadcast_in_dim3A_279 = vector.broadcast %broadcast_in_dim3A_278 : i32 to vector<16xi32>
          tpu.vector_store_idx %arg16[%add3A_140, %broadcast_in_dim3A_279], %gather3A_190 : memref<128x128xf32, #tpu.memory_space<vmem>>[vector<16xi32>, vector<16xi32>], vector<16xf32>,
          %add3A_280 = arith.addf %gather3A_193, %gather3A_196 : vector<16xf32>
          %add3A_281 = arith.addf %add3A_280, %gather3A_207 : vector<16xf32>
          %ge3A_282 = arith.constant 0.000000e+00 : f32
          %ge3A_283 = vector.broadcast %ge3A_282 : f32 to vector<16xf32>
          %ge3A_284 = arith.cmpf oge, %add3A_281, %ge3A_283 : vector<16xf32>
          %mul3A_285 = arith.constant 2.000000e-01 : f32
          %mul3A_286 = vector.broadcast %mul3A_285 : f32 to vector<16xf32>
          %mul3A_287 = arith.mulf %mul3A_286, %add3A_281 : vector<16xf32>
          %select_n3A_288 = arith.select %ge3A_284, %add3A_281, %mul3A_287 : vector<16xi1>, vector<16xf32>
          %exp3A_289 = math.exp %select_n3A_288 : vector<16xf32>
          %mul3A_290 = arith.constant 512 : i32
          %mul3A_291 = arith.muli %select_n3A, %mul3A_290 : i32
          %mul3A_292 = arith.constant 4 : i32
          %mul3A_293 = vector.broadcast %mul3A_292 : i32 to vector<16xi32>
          %mul3A_294 = arith.muli %add3A_140, %mul3A_293 : vector<16xi32>
          %add3A_295 = vector.broadcast %mul3A_291 : i32 to vector<16xi32>
          %add3A_296 = arith.addi %add3A_295, %mul3A_294 : vector<16xi32>
          %add3A_297 = arith.constant 3 : i32
          %add3A_298 = vector.broadcast %add3A_297 : i32 to vector<16xi32>
          %add3A_299 = arith.addi %add3A_296, %add3A_298 : vector<16xi32>
          tpu.vector_store_idx %arg14[%add3A_299], %exp3A_289 : memref<4096xf32, #tpu.memory_space<vmem>>[vector<16xi32>], vector<16xf32>,
          %broadcast_in_dim3A_300 = arith.constant 3 : i32
          %broadcast_in_dim3A_301 = vector.broadcast %broadcast_in_dim3A_300 : i32 to vector<16xi32>
          tpu.vector_store_idx %arg16[%add3A_140, %broadcast_in_dim3A_301], %exp3A_289 : memref<128x128xf32, #tpu.memory_space<vmem>>[vector<16xi32>, vector<16xi32>], vector<16xf32>,
          %broadcast_in_dim3A_302 = arith.constant 11 : i32
          %broadcast_in_dim3A_303 = vector.broadcast %broadcast_in_dim3A_302 : i32 to vector<16xi32>
          tpu.vector_store_idx %arg16[%add3A_140, %broadcast_in_dim3A_303], %gather3A_207 : memref<128x128xf32, #tpu.memory_space<vmem>>[vector<16xi32>, vector<16xi32>], vector<16xf32>,
        }
        %while3A_98 = arith.constant 1 : i32
        scf.for %while3A_106 = %while3A_96 to %while3A_92 step %while3A_98  : i32 {
          %jit3A = arith.constant 8 : i32
          %div3A = arith.divsi %while3A_106, %jit3A : i32
          %sign3A = arith.constant 0 : i32
          %sign3A_107 = arith.cmpi sgt, %while3A_106, %sign3A : i32
          %sign3A_108 = arith.extui %sign3A_107 : i1 to i32
          %sign3A_109 = arith.constant 0 : i32
          %sign3A_110 = arith.cmpi slt, %while3A_106, %sign3A_109 : i32
          %sign3A_111 = arith.extui %sign3A_110 : i1 to i32
          %sign3A_112 = arith.subi %sign3A_108, %sign3A_111 : i32
          %sign3A_113 = arith.constant 0 : i32
          %sign3A_114 = arith.cmpi sgt, %jit3A, %sign3A_113 : i32
          %sign3A_115 = arith.extui %sign3A_114 : i1 to i32
          %sign3A_116 = arith.constant 0 : i32
          %sign3A_117 = arith.cmpi slt, %jit3A, %sign3A_116 : i32
          %sign3A_118 = arith.extui %sign3A_117 : i1 to i32
          %sign3A_119 = arith.subi %sign3A_115, %sign3A_118 : i32
          %ne3A = arith.cmpi ne, %sign3A_112, %sign3A_119 : i32
          %rem3A = arith.remsi %while3A_106, %jit3A : i32
          %ne3A_120 = arith.constant 0 : i32
          %ne3A_121 = arith.cmpi ne, %rem3A, %ne3A_120 : i32
          %and3A = arith.andi %ne3A, %ne3A_121 : i1
          %sub3A = arith.constant 1 : i32
          %sub3A_122 = arith.subi %div3A, %sub3A : i32
          %select_n3A = arith.select %and3A, %sub3A_122, %div3A : i32
          %jit3A_123 = arith.constant 8 : i32
          %eq3A = arith.constant 0 : i32
          %eq3A_124 = arith.cmpi eq, %jit3A_123, %eq3A : i32
          %jit3A_125 = arith.constant 1 : i32
          %select_n3A_126 = arith.select %eq3A_124, %jit3A_125, %jit3A_123 : i32
          %rem3A_127 = arith.remsi %while3A_106, %select_n3A_126 : i32
          %ne3A_128 = arith.constant 0 : i32
          %ne3A_129 = arith.cmpi ne, %rem3A_127, %ne3A_128 : i32
          %lt3A = arith.constant 0 : i32
          %lt3A_130 = arith.cmpi slt, %rem3A_127, %lt3A : i32
          %lt3A_131 = arith.constant 0 : i32
          %lt3A_132 = arith.cmpi slt, %select_n3A_126, %lt3A_131 : i32
          %ne3A_133 = arith.xori %lt3A_130, %lt3A_132 : i1
          %and3A_134 = arith.andi %ne3A_133, %ne3A_129 : i1
          %add3A_135 = arith.addi %rem3A_127, %select_n3A_126 : i32
          %select_n3A_136 = arith.select %and3A_134, %add3A_135, %rem3A_127 : i32
          %mul3A_137 = arith.constant 16 : i32
          %mul3A_138 = arith.muli %select_n3A_136, %mul3A_137 : i32
          %add3A_139 = vector.broadcast %mul3A_138 : i32 to vector<16xi32>
          %add3A_140 = arith.addi %add3A_139, %iota3A : vector<16xi32>
          %broadcast_in_dim3A_141 = arith.constant 0 : i32
          %broadcast_in_dim3A_142 = vector.broadcast %broadcast_in_dim3A_141 : i32 to vector<16xi32>
          %gather3A = tpu.vector_load_idx %arg15[%add3A_140, %broadcast_in_dim3A_142] : memref<128x128xf32, #tpu.memory_space<vmem>>[vector<16xi32>, vector<16xi32>], vector<16xf32>,
          %broadcast_in_dim3A_143 = arith.constant 4 : i32
          %broadcast_in_dim3A_144 = vector.broadcast %broadcast_in_dim3A_143 : i32 to vector<16xi32>
          %gather3A_145 = tpu.vector_load_idx %arg16[%add3A_140, %broadcast_in_dim3A_144] : memref<128x128xf32, #tpu.memory_space<vmem>>[vector<16xi32>, vector<16xi32>], vector<16xf32>,
          %mul3A_146 = arith.constant 512 : i32
          %mul3A_147 = arith.muli %select_n3A, %mul3A_146 : i32
          %mul3A_148 = arith.constant 4 : i32
          %mul3A_149 = vector.broadcast %mul3A_148 : i32 to vector<16xi32>
          %mul3A_150 = arith.muli %add3A_140, %mul3A_149 : vector<16xi32>
          %add3A_151 = vector.broadcast %mul3A_147 : i32 to vector<16xi32>
          %add3A_152 = arith.addi %add3A_151, %mul3A_150 : vector<16xi32>
          %add3A_153 = arith.constant 0 : i32
          %add3A_154 = vector.broadcast %add3A_153 : i32 to vector<16xi32>
          %add3A_155 = arith.addi %add3A_152, %add3A_154 : vector<16xi32>
          %gather3A_156 = tpu.vector_load_idx %arg13[%add3A_155] : memref<2048xf32, #tpu.memory_space<vmem>>[vector<16xi32>], vector<16xf32>,
          %broadcast_in_dim3A_157 = arith.constant 1 : i32
          %broadcast_in_dim3A_158 = vector.broadcast %broadcast_in_dim3A_157 : i32 to vector<16xi32>
          %gather3A_159 = tpu.vector_load_idx %arg15[%add3A_140, %broadcast_in_dim3A_158] : memref<128x128xf32, #tpu.memory_space<vmem>>[vector<16xi32>, vector<16xi32>], vector<16xf32>,
          %broadcast_in_dim3A_160 = arith.constant 5 : i32
          %broadcast_in_dim3A_161 = vector.broadcast %broadcast_in_dim3A_160 : i32 to vector<16xi32>
          %gather3A_162 = tpu.vector_load_idx %arg16[%add3A_140, %broadcast_in_dim3A_161] : memref<128x128xf32, #tpu.memory_space<vmem>>[vector<16xi32>, vector<16xi32>], vector<16xf32>,
          %mul3A_163 = arith.constant 512 : i32
          %mul3A_164 = arith.muli %select_n3A, %mul3A_163 : i32
          %mul3A_165 = arith.constant 4 : i32
          %mul3A_166 = vector.broadcast %mul3A_165 : i32 to vector<16xi32>
          %mul3A_167 = arith.muli %add3A_140, %mul3A_166 : vector<16xi32>
          %add3A_168 = vector.broadcast %mul3A_164 : i32 to vector<16xi32>
          %add3A_169 = arith.addi %add3A_168, %mul3A_167 : vector<16xi32>
          %add3A_170 = arith.constant 1 : i32
          %add3A_171 = vector.broadcast %add3A_170 : i32 to vector<16xi32>
          %add3A_172 = arith.addi %add3A_169, %add3A_171 : vector<16xi32>
          %gather3A_173 = tpu.vector_load_idx %arg13[%add3A_172] : memref<2048xf32, #tpu.memory_space<vmem>>[vector<16xi32>], vector<16xf32>,
          %broadcast_in_dim3A_174 = arith.constant 2 : i32
          %broadcast_in_dim3A_175 = vector.broadcast %broadcast_in_dim3A_174 : i32 to vector<16xi32>
          %gather3A_176 = tpu.vector_load_idx %arg15[%add3A_140, %broadcast_in_dim3A_175] : memref<128x128xf32, #tpu.memory_space<vmem>>[vector<16xi32>, vector<16xi32>], vector<16xf32>,
          %broadcast_in_dim3A_177 = arith.constant 6 : i32
          %broadcast_in_dim3A_178 = vector.broadcast %broadcast_in_dim3A_177 : i32 to vector<16xi32>
          %gather3A_179 = tpu.vector_load_idx %arg16[%add3A_140, %broadcast_in_dim3A_178] : memref<128x128xf32, #tpu.memory_space<vmem>>[vector<16xi32>, vector<16xi32>], vector<16xf32>,
          %mul3A_180 = arith.constant 512 : i32
          %mul3A_181 = arith.muli %select_n3A, %mul3A_180 : i32
          %mul3A_182 = arith.constant 4 : i32
          %mul3A_183 = vector.broadcast %mul3A_182 : i32 to vector<16xi32>
          %mul3A_184 = arith.muli %add3A_140, %mul3A_183 : vector<16xi32>
          %add3A_185 = vector.broadcast %mul3A_181 : i32 to vector<16xi32>
          %add3A_186 = arith.addi %add3A_185, %mul3A_184 : vector<16xi32>
          %add3A_187 = arith.constant 2 : i32
          %add3A_188 = vector.broadcast %add3A_187 : i32 to vector<16xi32>
          %add3A_189 = arith.addi %add3A_186, %add3A_188 : vector<16xi32>
          %gather3A_190 = tpu.vector_load_idx %arg13[%add3A_189] : memref<2048xf32, #tpu.memory_space<vmem>>[vector<16xi32>], vector<16xf32>,
          %broadcast_in_dim3A_191 = arith.constant 3 : i32
          %broadcast_in_dim3A_192 = vector.broadcast %broadcast_in_dim3A_191 : i32 to vector<16xi32>
          %gather3A_193 = tpu.vector_load_idx %arg15[%add3A_140, %broadcast_in_dim3A_192] : memref<128x128xf32, #tpu.memory_space<vmem>>[vector<16xi32>, vector<16xi32>], vector<16xf32>,
          %broadcast_in_dim3A_194 = arith.constant 7 : i32
          %broadcast_in_dim3A_195 = vector.broadcast %broadcast_in_dim3A_194 : i32 to vector<16xi32>
          %gather3A_196 = tpu.vector_load_idx %arg16[%add3A_140, %broadcast_in_dim3A_195] : memref<128x128xf32, #tpu.memory_space<vmem>>[vector<16xi32>, vector<16xi32>], vector<16xf32>,
          %mul3A_197 = arith.constant 512 : i32
          %mul3A_198 = arith.muli %select_n3A, %mul3A_197 : i32
          %mul3A_199 = arith.constant 4 : i32
          %mul3A_200 = vector.broadcast %mul3A_199 : i32 to vector<16xi32>
          %mul3A_201 = arith.muli %add3A_140, %mul3A_200 : vector<16xi32>
          %add3A_202 = vector.broadcast %mul3A_198 : i32 to vector<16xi32>
          %add3A_203 = arith.addi %add3A_202, %mul3A_201 : vector<16xi32>
          %add3A_204 = arith.constant 3 : i32
          %add3A_205 = vector.broadcast %add3A_204 : i32 to vector<16xi32>
          %add3A_206 = arith.addi %add3A_203, %add3A_205 : vector<16xi32>
          %gather3A_207 = tpu.vector_load_idx %arg13[%add3A_206] : memref<2048xf32, #tpu.memory_space<vmem>>[vector<16xi32>], vector<16xf32>,
          %broadcast_in_dim3A_208 = arith.constant 12 : i32
          %broadcast_in_dim3A_209 = vector.broadcast %broadcast_in_dim3A_208 : i32 to vector<16xi32>
          tpu.vector_store_idx %arg16[%add3A_140, %broadcast_in_dim3A_209], %broadcast_in_dim3A_3 : memref<128x128xf32, #tpu.memory_space<vmem>>[vector<16xi32>, vector<16xi32>], vector<16xf32>,
          %add3A_210 = arith.addf %gather3A, %gather3A_145 : vector<16xf32>
          %add3A_211 = arith.addf %add3A_210, %gather3A_156 : vector<16xf32>
          %ge3A = arith.constant 0.000000e+00 : f32
          %ge3A_212 = vector.broadcast %ge3A : f32 to vector<16xf32>
          %ge3A_213 = arith.cmpf oge, %add3A_211, %ge3A_212 : vector<16xf32>
          %mul3A_214 = arith.constant 2.000000e-01 : f32
          %mul3A_215 = vector.broadcast %mul3A_214 : f32 to vector<16xf32>
          %mul3A_216 = arith.mulf %mul3A_215, %add3A_211 : vector<16xf32>
          %select_n3A_217 = arith.select %ge3A_213, %add3A_211, %mul3A_216 : vector<16xi1>, vector<16xf32>
          %exp3A = math.exp %select_n3A_217 : vector<16xf32>
          %mul3A_218 = arith.constant 512 : i32
          %mul3A_219 = arith.muli %select_n3A, %mul3A_218 : i32
          %mul3A_220 = arith.constant 4 : i32
          %mul3A_221 = vector.broadcast %mul3A_220 : i32 to vector<16xi32>
          %mul3A_222 = arith.muli %add3A_140, %mul3A_221 : vector<16xi32>
          %add3A_223 = vector.broadcast %mul3A_219 : i32 to vector<16xi32>
          %add3A_224 = arith.addi %add3A_223, %mul3A_222 : vector<16xi32>
          %add3A_225 = arith.constant 0 : i32
          %add3A_226 = vector.broadcast %add3A_225 : i32 to vector<16xi32>
          %add3A_227 = arith.addi %add3A_224, %add3A_226 : vector<16xi32>
          tpu.vector_store_idx %arg14[%add3A_227], %exp3A : memref<4096xf32, #tpu.memory_space<vmem>>[vector<16xi32>], vector<16xf32>,
          %broadcast_in_dim3A_228 = arith.constant 0 : i32
          %broadcast_in_dim3A_229 = vector.broadcast %broadcast_in_dim3A_228 : i32 to vector<16xi32>
          tpu.vector_store_idx %arg16[%add3A_140, %broadcast_in_dim3A_229], %exp3A : memref<128x128xf32, #tpu.memory_space<vmem>>[vector<16xi32>, vector<16xi32>], vector<16xf32>,
          %broadcast_in_dim3A_230 = arith.constant 8 : i32
          %broadcast_in_dim3A_231 = vector.broadcast %broadcast_in_dim3A_230 : i32 to vector<16xi32>
          tpu.vector_store_idx %arg16[%add3A_140, %broadcast_in_dim3A_231], %gather3A_156 : memref<128x128xf32, #tpu.memory_space<vmem>>[vector<16xi32>, vector<16xi32>], vector<16xf32>,
          %add3A_232 = arith.addf %gather3A_159, %gather3A_162 : vector<16xf32>
          %add3A_233 = arith.addf %add3A_232, %gather3A_173 : vector<16xf32>
          %ge3A_234 = arith.constant 0.000000e+00 : f32
          %ge3A_235 = vector.broadcast %ge3A_234 : f32 to vector<16xf32>
          %ge3A_236 = arith.cmpf oge, %add3A_233, %ge3A_235 : vector<16xf32>
          %mul3A_237 = arith.constant 2.000000e-01 : f32
          %mul3A_238 = vector.broadcast %mul3A_237 : f32 to vector<16xf32>
          %mul3A_239 = arith.mulf %mul3A_238, %add3A_233 : vector<16xf32>
          %select_n3A_240 = arith.select %ge3A_236, %add3A_233, %mul3A_239 : vector<16xi1>, vector<16xf32>
          %exp3A_241 = math.exp %select_n3A_240 : vector<16xf32>
          %mul3A_242 = arith.constant 512 : i32
          %mul3A_243 = arith.muli %select_n3A, %mul3A_242 : i32
          %mul3A_244 = arith.constant 4 : i32
          %mul3A_245 = vector.broadcast %mul3A_244 : i32 to vector<16xi32>
          %mul3A_246 = arith.muli %add3A_140, %mul3A_245 : vector<16xi32>
          %add3A_247 = vector.broadcast %mul3A_243 : i32 to vector<16xi32>
          %add3A_248 = arith.addi %add3A_247, %mul3A_246 : vector<16xi32>
          %add3A_249 = arith.constant 1 : i32
          %add3A_250 = vector.broadcast %add3A_249 : i32 to vector<16xi32>
          %add3A_251 = arith.addi %add3A_248, %add3A_250 : vector<16xi32>
          tpu.vector_store_idx %arg14[%add3A_251], %exp3A_241 : memref<4096xf32, #tpu.memory_space<vmem>>[vector<16xi32>], vector<16xf32>,
          %broadcast_in_dim3A_252 = arith.constant 1 : i32
          %broadcast_in_dim3A_253 = vector.broadcast %broadcast_in_dim3A_252 : i32 to vector<16xi32>
          tpu.vector_store_idx %arg16[%add3A_140, %broadcast_in_dim3A_253], %exp3A_241 : memref<128x128xf32, #tpu.memory_space<vmem>>[vector<16xi32>, vector<16xi32>], vector<16xf32>,
          %broadcast_in_dim3A_254 = arith.constant 9 : i32
          %broadcast_in_dim3A_255 = vector.broadcast %broadcast_in_dim3A_254 : i32 to vector<16xi32>
          tpu.vector_store_idx %arg16[%add3A_140, %broadcast_in_dim3A_255], %gather3A_173 : memref<128x128xf32, #tpu.memory_space<vmem>>[vector<16xi32>, vector<16xi32>], vector<16xf32>,
          %add3A_256 = arith.addf %gather3A_176, %gather3A_179 : vector<16xf32>
          %add3A_257 = arith.addf %add3A_256, %gather3A_190 : vector<16xf32>
          %ge3A_258 = arith.constant 0.000000e+00 : f32
          %ge3A_259 = vector.broadcast %ge3A_258 : f32 to vector<16xf32>
          %ge3A_260 = arith.cmpf oge, %add3A_257, %ge3A_259 : vector<16xf32>
          %mul3A_261 = arith.constant 2.000000e-01 : f32
          %mul3A_262 = vector.broadcast %mul3A_261 : f32 to vector<16xf32>
          %mul3A_263 = arith.mulf %mul3A_262, %add3A_257 : vector<16xf32>
          %select_n3A_264 = arith.select %ge3A_260, %add3A_257, %mul3A_263 : vector<16xi1>, vector<16xf32>
          %exp3A_265 = math.exp %select_n3A_264 : vector<16xf32>
          %mul3A_266 = arith.constant 512 : i32
          %mul3A_267 = arith.muli %select_n3A, %mul3A_266 : i32
          %mul3A_268 = arith.constant 4 : i32
          %mul3A_269 = vector.broadcast %mul3A_268 : i32 to vector<16xi32>
          %mul3A_270 = arith.muli %add3A_140, %mul3A_269 : vector<16xi32>
          %add3A_271 = vector.broadcast %mul3A_267 : i32 to vector<16xi32>
          %add3A_272 = arith.addi %add3A_271, %mul3A_270 : vector<16xi32>
          %add3A_273 = arith.constant 2 : i32
          %add3A_274 = vector.broadcast %add3A_273 : i32 to vector<16xi32>
          %add3A_275 = arith.addi %add3A_272, %add3A_274 : vector<16xi32>
          tpu.vector_store_idx %arg14[%add3A_275], %exp3A_265 : memref<4096xf32, #tpu.memory_space<vmem>>[vector<16xi32>], vector<16xf32>,
          %broadcast_in_dim3A_276 = arith.constant 2 : i32
          %broadcast_in_dim3A_277 = vector.broadcast %broadcast_in_dim3A_276 : i32 to vector<16xi32>
          tpu.vector_store_idx %arg16[%add3A_140, %broadcast_in_dim3A_277], %exp3A_265 : memref<128x128xf32, #tpu.memory_space<vmem>>[vector<16xi32>, vector<16xi32>], vector<16xf32>,
          %broadcast_in_dim3A_278 = arith.constant 10 : i32
          %broadcast_in_dim3A_279 = vector.broadcast %broadcast_in_dim3A_278 : i32 to vector<16xi32>
          tpu.vector_store_idx %arg16[%add3A_140, %broadcast_in_dim3A_279], %gather3A_190 : memref<128x128xf32, #tpu.memory_space<vmem>>[vector<16xi32>, vector<16xi32>], vector<16xf32>,
          %add3A_280 = arith.addf %gather3A_193, %gather3A_196 : vector<16xf32>
          %add3A_281 = arith.addf %add3A_280, %gather3A_207 : vector<16xf32>
          %ge3A_282 = arith.constant 0.000000e+00 : f32
          %ge3A_283 = vector.broadcast %ge3A_282 : f32 to vector<16xf32>
          %ge3A_284 = arith.cmpf oge, %add3A_281, %ge3A_283 : vector<16xf32>
          %mul3A_285 = arith.constant 2.000000e-01 : f32
          %mul3A_286 = vector.broadcast %mul3A_285 : f32 to vector<16xf32>
          %mul3A_287 = arith.mulf %mul3A_286, %add3A_281 : vector<16xf32>
          %select_n3A_288 = arith.select %ge3A_284, %add3A_281, %mul3A_287 : vector<16xi1>, vector<16xf32>
          %exp3A_289 = math.exp %select_n3A_288 : vector<16xf32>
          %mul3A_290 = arith.constant 512 : i32
          %mul3A_291 = arith.muli %select_n3A, %mul3A_290 : i32
          %mul3A_292 = arith.constant 4 : i32
          %mul3A_293 = vector.broadcast %mul3A_292 : i32 to vector<16xi32>
          %mul3A_294 = arith.muli %add3A_140, %mul3A_293 : vector<16xi32>
          %add3A_295 = vector.broadcast %mul3A_291 : i32 to vector<16xi32>
          %add3A_296 = arith.addi %add3A_295, %mul3A_294 : vector<16xi32>
          %add3A_297 = arith.constant 3 : i32
          %add3A_298 = vector.broadcast %add3A_297 : i32 to vector<16xi32>
          %add3A_299 = arith.addi %add3A_296, %add3A_298 : vector<16xi32>
          tpu.vector_store_idx %arg14[%add3A_299], %exp3A_289 : memref<4096xf32, #tpu.memory_space<vmem>>[vector<16xi32>], vector<16xf32>,
          %broadcast_in_dim3A_300 = arith.constant 3 : i32
          %broadcast_in_dim3A_301 = vector.broadcast %broadcast_in_dim3A_300 : i32 to vector<16xi32>
          tpu.vector_store_idx %arg16[%add3A_140, %broadcast_in_dim3A_301], %exp3A_289 : memref<128x128xf32, #tpu.memory_space<vmem>>[vector<16xi32>, vector<16xi32>], vector<16xf32>,
          %broadcast_in_dim3A_302 = arith.constant 11 : i32
          %broadcast_in_dim3A_303 = vector.broadcast %broadcast_in_dim3A_302 : i32 to vector<16xi32>
          tpu.vector_store_idx %arg16[%add3A_140, %broadcast_in_dim3A_303], %gather3A_207 : memref<128x128xf32, #tpu.memory_space<vmem>>[vector<16xi32>, vector<16xi32>], vector<16xf32>,
        }
        %dma_start3A_99 = arith.constant 1 : i32
        %dma_start3A_100 = arith.constant 0 : i32
        %dma_start3A_101 = tpu.memref_slice %arg11[%scan3A_51, %dma_start3A_99, %dma_start3A_100] : memref<4x2x128xi32, #tpu.memory_space<vmem>> -> memref<1x1x128xi32, #tpu.memory_space<vmem>>
        %dma_start3A_102 = tpu.memref_squeeze %dma_start3A_101 : memref<1x1x128xi32, #tpu.memory_space<vmem>> -> memref<128xi32, #tpu.memory_space<vmem>>
        %dma_start3A_103 = arith.constant 0 : i32
        %dma_start3A_104 = arith.constant 0 : i32
        %dma_start3A_105 = tpu.memref_slice %arg17[%dma_start3A_103, %dma_start3A_104] : memref<10240x128xf32, #tpu.memory_space<vmem_shared>> -> memref<10240x128xf32, #tpu.memory_space<vmem_shared>>
        tpu.enqueue_indirect_dma source(%arg16 : memref<128x128xf32, #tpu.memory_space<vmem>>) target(%dma_start3A_105 : memref<10240x128xf32, #tpu.memory_space<vmem_shared>>) offsets(%dma_start3A_102 : memref<128xi32, #tpu.memory_space<vmem>>) semaphore(%arg19 : memref<!tpu.dma_semaphore, #tpu.memory_space<semaphore_mem>>) {add = true}
      }
      %scan3A_48 = arith.constant 4 : i32
      %mul3A_49 = arith.constant 4 : i32
      %mul3A_50 = arith.muli %add3A_30, %mul3A_49 : i32
      "tpu.region"() ({
        %run_scoped3A = tpu.sem_alloc : memref<!tpu.dma_semaphore, #tpu.memory_space<semaphore_mem>>
        %dma_start3A_51 = arith.constant 0 : i32
        %dma_start3A_52 = tpu.memref_slice %arg14[%dma_start3A_51] : memref<4096xf32, #tpu.memory_space<vmem>> -> memref<2048xf32, #tpu.memory_space<vmem>>
        %dma_start3A_53 = tpu.memref_slice %arg10[%mul3A_50] : memref<1310720xf32, #tpu.memory_space<hbm>> -> memref<2048xf32, #tpu.memory_space<hbm>>
        %dma_start3A_54 = tpu.memref_slice %arg10[%mul3A_50] : memref<1310720xf32, #tpu.memory_space<hbm>> -> memref<2048xf32, #tpu.memory_space<hbm>>
        %dma_start3A_55 = arith.constant 0 : i32
        %dma_start3A_56 = tpu.memref_slice %arg14[%dma_start3A_55] : memref<4096xf32, #tpu.memory_space<vmem>> -> memref<2048xf32, #tpu.memory_space<vmem>>
        tpu.enqueue_dma source(%dma_start3A_56 : memref<2048xf32, #tpu.memory_space<vmem>>) target(%dma_start3A_54 : memref<2048xf32, #tpu.memory_space<hbm>>) target_semaphore(%run_scoped3A : memref<!tpu.dma_semaphore, #tpu.memory_space<semaphore_mem>>)
        %dma_wait3A_57 = arith.constant 0 : i32
        %dma_wait3A_58 = tpu.memref_slice %arg14[%dma_wait3A_57] : memref<4096xf32, #tpu.memory_space<vmem>> -> memref<2048xf32, #tpu.memory_space<vmem>>
        %dma_wait3A_59 = tpu.memref_slice %arg10[%mul3A_50] : memref<1310720xf32, #tpu.memory_space<hbm>> -> memref<2048xf32, #tpu.memory_space<hbm>>
        %dma_wait3A_60 = tpu.memref_slice %arg10[%mul3A_50] : memref<1310720xf32, #tpu.memory_space<hbm>> -> memref<2048xf32, #tpu.memory_space<hbm>>
        %dma_wait3A_61 = arith.constant 0 : i32
        %dma_wait3A_62 = tpu.memref_slice %arg14[%dma_wait3A_61] : memref<4096xf32, #tpu.memory_space<vmem>> -> memref<2048xf32, #tpu.memory_space<vmem>>
        tpu.wait_dma2 semaphore(%run_scoped3A : memref<!tpu.dma_semaphore, #tpu.memory_space<semaphore_mem>>) src(%dma_wait3A_62 : memref<2048xf32, #tpu.memory_space<vmem>>) dst(%dma_wait3A_60 : memref<2048xf32, #tpu.memory_space<hbm>>)
        tpu.yield
      }) : () -> ()
    }
    %scan3A_8 = arith.constant 20 : i32
    %dma_wait3A = arith.constant 0 : i32
    %dma_wait3A_9 = arith.constant 0 : i32
    %dma_wait3A_10 = tpu.memref_slice %arg7[%dma_wait3A, %dma_wait3A_9] : memref<10240x128xf32, #tpu.memory_space<hbm>> -> memref<128x128xf32, #tpu.memory_space<hbm>>
    %dma_wait3A_11 = arith.constant 0 : i32
    %dma_wait3A_12 = arith.constant 0 : i32
    %dma_wait3A_13 = tpu.memref_slice %arg7[%dma_wait3A_11, %dma_wait3A_12] : memref<10240x128xf32, #tpu.memory_space<hbm>> -> memref<128x128xf32, #tpu.memory_space<hbm>>
    tpu.wait_dma2 semaphore(%arg19 : memref<!tpu.dma_semaphore, #tpu.memory_space<semaphore_mem>>) src(%dma_wait3A_13 : memref<128x128xf32, #tpu.memory_space<hbm>>) dst(%arg16 : memref<128x128xf32, #tpu.memory_space<vmem>>)
    %barrier3A_14 = arith.constant 0 : index
    tpu.barrier barrier_id(%barrier3A_14)
    "tpu.region"() ({
      %run_scoped3A = tpu.sem_alloc : memref<!tpu.dma_semaphore, #tpu.memory_space<semaphore_mem>>
      %dma_start3A = arith.constant 0 : i32
      %dma_start3A_23 = tpu.memref_slice %arg8[%arg0, %mul3A_2, %dma_start3A] : memref<2x10240x128xf32, #tpu.memory_space<hbm>> -> memref<1x640x128xf32, #tpu.memory_space<hbm>>
      %dma_start3A_24 = tpu.memref_squeeze %dma_start3A_23 : memref<1x640x128xf32, #tpu.memory_space<hbm>> -> memref<640x128xf32, #tpu.memory_space<hbm>>
      %dma_start3A_25 = arith.constant 0 : i32
      %dma_start3A_26 = tpu.memref_slice %arg17[%mul3A_2, %dma_start3A_25] : memref<10240x128xf32, #tpu.memory_space<vmem_shared>> -> memref<640x128xf32, #tpu.memory_space<vmem_shared>>
      tpu.enqueue_dma source(%dma_start3A_26 : memref<640x128xf32, #tpu.memory_space<vmem_shared>>) target(%dma_start3A_24 : memref<640x128xf32, #tpu.memory_space<hbm>>) target_semaphore(%run_scoped3A : memref<!tpu.dma_semaphore, #tpu.memory_space<semaphore_mem>>)
      %dma_wait3A_27 = arith.constant 0 : i32
      %dma_wait3A_28 = tpu.memref_slice %arg8[%arg0, %mul3A_2, %dma_wait3A_27] : memref<2x10240x128xf32, #tpu.memory_space<hbm>> -> memref<1x640x128xf32, #tpu.memory_space<hbm>>
      %dma_wait3A_29 = tpu.memref_squeeze %dma_wait3A_28 : memref<1x640x128xf32, #tpu.memory_space<hbm>> -> memref<640x128xf32, #tpu.memory_space<hbm>>
      %dma_wait3A_30 = arith.constant 0 : i32
      %dma_wait3A_31 = tpu.memref_slice %arg17[%mul3A_2, %dma_wait3A_30] : memref<10240x128xf32, #tpu.memory_space<vmem_shared>> -> memref<640x128xf32, #tpu.memory_space<vmem_shared>>
      tpu.wait_dma2 semaphore(%run_scoped3A : memref<!tpu.dma_semaphore, #tpu.memory_space<semaphore_mem>>) src(%dma_wait3A_31 : memref<640x128xf32, #tpu.memory_space<vmem_shared>>) dst(%dma_wait3A_29 : memref<640x128xf32, #tpu.memory_space<hbm>>)
      tpu.yield
    }) : () -> ()
    "tpu.region"() ({
      %run_scoped3A = tpu.sem_alloc : memref<!tpu.dma_semaphore, #tpu.memory_space<semaphore_mem>>
      %dma_start3A = arith.constant 0 : i32
      %dma_start3A_23 = tpu.memref_slice %arg17[%mul3A_2, %dma_start3A] : memref<10240x128xf32, #tpu.memory_space<vmem_shared>> -> memref<640x128xf32, #tpu.memory_space<vmem_shared>>
      %dma_start3A_24 = arith.constant 0 : i32
      %dma_start3A_25 = tpu.memref_slice %arg7[%mul3A_2, %dma_start3A_24] : memref<10240x128xf32, #tpu.memory_space<hbm>> -> memref<640x128xf32, #tpu.memory_space<hbm>>
      tpu.enqueue_dma source(%dma_start3A_25 : memref<640x128xf32, #tpu.memory_space<hbm>>) target(%dma_start3A_23 : memref<640x128xf32, #tpu.memory_space<vmem_shared>>) target_semaphore(%run_scoped3A : memref<!tpu.dma_semaphore, #tpu.memory_space<semaphore_mem>>)
      %dma_wait3A_26 = arith.constant 0 : i32
      %dma_wait3A_27 = tpu.memref_slice %arg17[%mul3A_2, %dma_wait3A_26] : memref<10240x128xf32, #tpu.memory_space<vmem_shared>> -> memref<640x128xf32, #tpu.memory_space<vmem_shared>>
      %dma_wait3A_28 = arith.constant 0 : i32
      %dma_wait3A_29 = tpu.memref_slice %arg7[%mul3A_2, %dma_wait3A_28] : memref<10240x128xf32, #tpu.memory_space<hbm>> -> memref<640x128xf32, #tpu.memory_space<hbm>>
      tpu.wait_dma2 semaphore(%run_scoped3A : memref<!tpu.dma_semaphore, #tpu.memory_space<semaphore_mem>>) src(%dma_wait3A_29 : memref<640x128xf32, #tpu.memory_space<hbm>>) dst(%dma_wait3A_27 : memref<640x128xf32, #tpu.memory_space<vmem_shared>>)
      tpu.yield
    }) : () -> ()
    %barrier3A_15 = arith.constant 0 : index
    tpu.barrier barrier_id(%barrier3A_15)
    %scan3A_16 = arith.constant 0 : i32
    %scan3A_17 = arith.constant 0 : i32
    %scan3A_18 = arith.constant 10 : i32
    %scan3A_19 = arith.addi %scan3A_17, %scan3A_18 : i32
    %scan3A_20 = arith.constant 1 : i32
    scf.for %scan3A_23 = %scan3A_17 to %scan3A_19 step %scan3A_20  : i32 {
      %mul3A_24 = arith.constant 10240 : i32
      %mul3A_25 = arith.muli %add3A, %mul3A_24 : i32
      %mul3A_26 = arith.constant 8 : i32
      %mul3A_27 = arith.muli %scan3A_23, %mul3A_26 : i32
      %mul3A_28 = arith.constant 128 : i32
      %mul3A_29 = arith.muli %mul3A_27, %mul3A_28 : i32
      %add3A_30 = arith.addi %mul3A_25, %mul3A_29 : i32
      %mul3A_31 = arith.constant 80 : i32
      %mul3A_32 = arith.muli %add3A, %mul3A_31 : i32
      %mul3A_33 = arith.constant 8 : i32
      %mul3A_34 = arith.muli %scan3A_23, %mul3A_33 : i32
      %add3A_35 = arith.addi %mul3A_32, %mul3A_34 : i32
      "tpu.region"() ({
        %run_scoped3A = tpu.sem_alloc : memref<!tpu.dma_semaphore, #tpu.memory_space<semaphore_mem>>
        %dma_start3A_47 = arith.constant 0 : i32
        %dma_start3A_48 = arith.constant 0 : i32
        %dma_start3A_49 = tpu.memref_slice %arg3[%add3A_35, %dma_start3A_47, %dma_start3A_48] : memref<2560x2x128xi32, #tpu.memory_space<hbm>> -> memref<8x2x128xi32, #tpu.memory_space<hbm>>
        %dma_start3A_50 = arith.constant 0 : i32
        %dma_start3A_51 = arith.constant 0 : i32
        %dma_start3A_52 = tpu.memref_slice %arg3[%add3A_35, %dma_start3A_50, %dma_start3A_51] : memref<2560x2x128xi32, #tpu.memory_space<hbm>> -> memref<8x2x128xi32, #tpu.memory_space<hbm>>
        tpu.enqueue_dma source(%dma_start3A_52 : memref<8x2x128xi32, #tpu.memory_space<hbm>>) target(%arg12 : memref<8x2x128xi32, #tpu.memory_space<vmem>>) target_semaphore(%run_scoped3A : memref<!tpu.dma_semaphore, #tpu.memory_space<semaphore_mem>>)
        %dma_wait3A_53 = arith.constant 0 : i32
        %dma_wait3A_54 = arith.constant 0 : i32
        %dma_wait3A_55 = tpu.memref_slice %arg3[%add3A_35, %dma_wait3A_53, %dma_wait3A_54] : memref<2560x2x128xi32, #tpu.memory_space<hbm>> -> memref<8x2x128xi32, #tpu.memory_space<hbm>>
        %dma_wait3A_56 = arith.constant 0 : i32
        %dma_wait3A_57 = arith.constant 0 : i32
        %dma_wait3A_58 = tpu.memref_slice %arg3[%add3A_35, %dma_wait3A_56, %dma_wait3A_57] : memref<2560x2x128xi32, #tpu.memory_space<hbm>> -> memref<8x2x128xi32, #tpu.memory_space<hbm>>
        tpu.wait_dma2 semaphore(%run_scoped3A : memref<!tpu.dma_semaphore, #tpu.memory_space<semaphore_mem>>) src(%dma_wait3A_58 : memref<8x2x128xi32, #tpu.memory_space<hbm>>) dst(%arg12 : memref<8x2x128xi32, #tpu.memory_space<vmem>>)
        tpu.yield
      }) : () -> ()
      %mul3A_36 = arith.constant 4 : i32
      %mul3A_37 = arith.muli %add3A_30, %mul3A_36 : i32
      %dma_start3A = tpu.memref_slice %arg10[%mul3A_37] : memref<1310720xf32, #tpu.memory_space<hbm>> -> memref<4096xf32, #tpu.memory_space<hbm>>
      %dma_start3A_38 = tpu.memref_slice %arg10[%mul3A_37] : memref<1310720xf32, #tpu.memory_space<hbm>> -> memref<4096xf32, #tpu.memory_space<hbm>>
      tpu.enqueue_dma source(%dma_start3A_38 : memref<4096xf32, #tpu.memory_space<hbm>>) target(%arg14 : memref<4096xf32, #tpu.memory_space<vmem>>) target_semaphore(%arg18 : memref<!tpu.dma_semaphore, #tpu.memory_space<semaphore_mem>>)
      %dma_wait3A_39 = tpu.memref_slice %arg10[%mul3A_37] : memref<1310720xf32, #tpu.memory_space<hbm>> -> memref<4096xf32, #tpu.memory_space<hbm>>
      %dma_wait3A_40 = tpu.memref_slice %arg10[%mul3A_37] : memref<1310720xf32, #tpu.memory_space<hbm>> -> memref<4096xf32, #tpu.memory_space<hbm>>
      tpu.wait_dma2 semaphore(%arg18 : memref<!tpu.dma_semaphore, #tpu.memory_space<semaphore_mem>>) src(%dma_wait3A_40 : memref<4096xf32, #tpu.memory_space<hbm>>) dst(%arg14 : memref<4096xf32, #tpu.memory_space<vmem>>)
      %scan3A_41 = arith.constant 0 : i32
      %scan3A_42 = arith.constant 0 : i32
      %scan3A_43 = arith.constant 8 : i32
      %scan3A_44 = arith.addi %scan3A_42, %scan3A_43 : i32
      %scan3A_45 = arith.constant 1 : i32
      scf.for %scan3A_47 = %scan3A_42 to %scan3A_44 step %scan3A_45  : i32 {
        %dma_start3A_48 = arith.constant 0 : i32
        %dma_start3A_49 = arith.constant 0 : i32
        %dma_start3A_50 = tpu.memref_slice %arg12[%scan3A_47, %dma_start3A_48, %dma_start3A_49] : memref<8x2x128xi32, #tpu.memory_space<vmem>> -> memref<1x1x128xi32, #tpu.memory_space<vmem>>
        %dma_start3A_51 = tpu.memref_squeeze %dma_start3A_50 : memref<1x1x128xi32, #tpu.memory_space<vmem>> -> memref<128xi32, #tpu.memory_space<vmem>>
        %dma_start3A_52 = arith.constant 0 : i32
        %dma_start3A_53 = arith.constant 0 : i32
        %dma_start3A_54 = tpu.memref_slice %arg6[%dma_start3A_52, %dma_start3A_53] : memref<10240x128xf32, #tpu.memory_space<hbm>> -> memref<10240x128xf32, #tpu.memory_space<hbm>>
        tpu.enqueue_indirect_dma source(%dma_start3A_54 : memref<10240x128xf32, #tpu.memory_space<hbm>>) target(%arg15 : memref<128x128xf32, #tpu.memory_space<vmem>>) offsets(%dma_start3A_51 : memref<128xi32, #tpu.memory_space<vmem>>) semaphore(%arg18 : memref<!tpu.dma_semaphore, #tpu.memory_space<semaphore_mem>>)
        %dma_wait3A_55 = arith.constant 0 : i32
        %dma_wait3A_56 = arith.constant 0 : i32
        %dma_wait3A_57 = tpu.memref_slice %arg12[%scan3A_47, %dma_wait3A_55, %dma_wait3A_56] : memref<8x2x128xi32, #tpu.memory_space<vmem>> -> memref<1x1x128xi32, #tpu.memory_space<vmem>>
        %dma_wait3A_58 = tpu.memref_squeeze %dma_wait3A_57 : memref<1x1x128xi32, #tpu.memory_space<vmem>> -> memref<128xi32, #tpu.memory_space<vmem>>
        %dma_wait3A_59 = arith.constant 0 : i32
        %dma_wait3A_60 = arith.constant 0 : i32
        %dma_wait3A_61 = tpu.memref_slice %arg6[%dma_wait3A_59, %dma_wait3A_60] : memref<10240x128xf32, #tpu.memory_space<hbm>> -> memref<10240x128xf32, #tpu.memory_space<hbm>>
        tpu.wait_indirect_dma semaphore(%arg18 : memref<!tpu.dma_semaphore, #tpu.memory_space<semaphore_mem>>) src(%dma_wait3A_61 : memref<10240x128xf32, #tpu.memory_space<hbm>>) dst(%arg15 : memref<128x128xf32, #tpu.memory_space<vmem>>)
        %mul3A_62 = arith.constant 8 : i32
        %mul3A_63 = arith.muli %scan3A_47, %mul3A_62 : i32
        %add3A_64 = arith.constant 1 : i32
        %add3A_65 = arith.addi %scan3A_47, %add3A_64 : i32
        %mul3A_66 = arith.constant 8 : i32
        %mul3A_67 = arith.muli %add3A_65, %mul3A_66 : i32
        %while3A = arith.constant 0 : i32
        %while3A_68 = arith.subi %mul3A_67, %mul3A_63 : i32
        %while3A_69 = arith.addi %mul3A_63, %while3A_68 : i32
        %while3A_70 = arith.constant 1 : i32
        %while3A_71 = arith.divsi %while3A_68, %while3A_70 : i32
        %while3A_72 = arith.muli %while3A_71, %while3A_70 : i32
        %while3A_73 = arith.addi %mul3A_63, %while3A_72 : i32
        %while3A_74 = arith.constant 1 : i32
        scf.for %while3A_76 = %mul3A_63 to %while3A_73 step %while3A_74  : i32 {
          %jit3A = arith.constant 8 : i32
          %div3A = arith.divsi %while3A_76, %jit3A : i32
          %sign3A = arith.constant 0 : i32
          %sign3A_77 = arith.cmpi sgt, %while3A_76, %sign3A : i32
          %sign3A_78 = arith.extui %sign3A_77 : i1 to i32
          %sign3A_79 = arith.constant 0 : i32
          %sign3A_80 = arith.cmpi slt, %while3A_76, %sign3A_79 : i32
          %sign3A_81 = arith.extui %sign3A_80 : i1 to i32
          %sign3A_82 = arith.subi %sign3A_78, %sign3A_81 : i32
          %sign3A_83 = arith.constant 0 : i32
          %sign3A_84 = arith.cmpi sgt, %jit3A, %sign3A_83 : i32
          %sign3A_85 = arith.extui %sign3A_84 : i1 to i32
          %sign3A_86 = arith.constant 0 : i32
          %sign3A_87 = arith.cmpi slt, %jit3A, %sign3A_86 : i32
          %sign3A_88 = arith.extui %sign3A_87 : i1 to i32
          %sign3A_89 = arith.subi %sign3A_85, %sign3A_88 : i32
          %ne3A = arith.cmpi ne, %sign3A_82, %sign3A_89 : i32
          %rem3A = arith.remsi %while3A_76, %jit3A : i32
          %ne3A_90 = arith.constant 0 : i32
          %ne3A_91 = arith.cmpi ne, %rem3A, %ne3A_90 : i32
          %and3A = arith.andi %ne3A, %ne3A_91 : i1
          %sub3A = arith.constant 1 : i32
          %sub3A_92 = arith.subi %div3A, %sub3A : i32
          %select_n3A = arith.select %and3A, %sub3A_92, %div3A : i32
          %jit3A_93 = arith.constant 8 : i32
          %eq3A = arith.constant 0 : i32
          %eq3A_94 = arith.cmpi eq, %jit3A_93, %eq3A : i32
          %jit3A_95 = arith.constant 1 : i32
          %select_n3A_96 = arith.select %eq3A_94, %jit3A_95, %jit3A_93 : i32
          %rem3A_97 = arith.remsi %while3A_76, %select_n3A_96 : i32
          %ne3A_98 = arith.constant 0 : i32
          %ne3A_99 = arith.cmpi ne, %rem3A_97, %ne3A_98 : i32
          %lt3A = arith.constant 0 : i32
          %lt3A_100 = arith.cmpi slt, %rem3A_97, %lt3A : i32
          %lt3A_101 = arith.constant 0 : i32
          %lt3A_102 = arith.cmpi slt, %select_n3A_96, %lt3A_101 : i32
          %ne3A_103 = arith.xori %lt3A_100, %lt3A_102 : i1
          %and3A_104 = arith.andi %ne3A_103, %ne3A_99 : i1
          %add3A_105 = arith.addi %rem3A_97, %select_n3A_96 : i32
          %select_n3A_106 = arith.select %and3A_104, %add3A_105, %rem3A_97 : i32
          %mul3A_107 = arith.constant 16 : i32
          %mul3A_108 = arith.muli %select_n3A_106, %mul3A_107 : i32
          %add3A_109 = arith.constant 0 : i32
          %add3A_110 = arith.addi %mul3A_108, %add3A_109 : i32
          %mul3A_111 = arith.constant 512 : i32
          %mul3A_112 = arith.muli %select_n3A, %mul3A_111 : i32
          %mul3A_113 = arith.constant 64 : i32
          %mul3A_114 = arith.muli %select_n3A_106, %mul3A_113 : i32
          %add3A_115 = arith.addi %mul3A_112, %mul3A_114 : i32
          %broadcast_in_dim3A_116 = arith.constant 0 : i32
          %broadcast_in_dim3A_117 = vector.broadcast %broadcast_in_dim3A_116 : i32 to vector<16xi32>
          %add3A_118 = vector.broadcast %add3A_115 : i32 to vector<16xi32>
          %add3A_119 = arith.addi %add3A_118, %broadcast_in_dim3A_117 : vector<16xi32>
          %gather3A = tpu.vector_load_idx %arg14[%add3A_119] : memref<4096xf32, #tpu.memory_space<vmem>>[vector<16xi32>], vector<16xf32>,
          %get3A = arith.index_cast %add3A_110 : i32 to index
          %get3A_120 = arith.constant 0 : index
          %get3A_121 = tpu.vector_load %arg15[%get3A, %get3A_120] {strides = array<i32>} : memref<128x128xf32, #tpu.memory_space<vmem>>, vector<16xf32>,
          %mul3A_122 = arith.mulf %get3A_121, %gather3A : vector<16xf32>
          %swap3A = arith.index_cast %add3A_110 : i32 to index
          %swap3A_123 = arith.constant 0 : index
          %swap3A_124 = tpu.vector_load %arg15[%swap3A, %swap3A_123] {strides = array<i32>} : memref<128x128xf32, #tpu.memory_space<vmem>>, vector<16xf32>,
          tpu.vector_store %arg15[%swap3A, %swap3A_123], %mul3A_122 {strides = array<i32>} : memref<128x128xf32, #tpu.memory_space<vmem>>, vector<16xf32>,
          %get3A_125 = arith.index_cast %add3A_110 : i32 to index
          %get3A_126 = arith.constant 16 : index
          %get3A_127 = tpu.vector_load %arg15[%get3A_125, %get3A_126] {strides = array<i32>} : memref<128x128xf32, #tpu.memory_space<vmem>>, vector<16xf32>,
          %mul3A_128 = arith.mulf %get3A_127, %gather3A : vector<16xf32>
          %swap3A_129 = arith.index_cast %add3A_110 : i32 to index
          %swap3A_130 = arith.constant 16 : index
          %swap3A_131 = tpu.vector_load %arg15[%swap3A_129, %swap3A_130] {strides = array<i32>} : memref<128x128xf32, #tpu.memory_space<vmem>>, vector<16xf32>,
          tpu.vector_store %arg15[%swap3A_129, %swap3A_130], %mul3A_128 {strides = array<i32>} : memref<128x128xf32, #tpu.memory_space<vmem>>, vector<16xf32>,
          %mul3A_132 = arith.constant 512 : i32
          %mul3A_133 = arith.muli %select_n3A, %mul3A_132 : i32
          %mul3A_134 = arith.constant 64 : i32
          %mul3A_135 = arith.muli %select_n3A_106, %mul3A_134 : i32
          %add3A_136 = arith.addi %mul3A_133, %mul3A_135 : i32
          %broadcast_in_dim3A_137 = arith.constant 1 : i32
          %broadcast_in_dim3A_138 = vector.broadcast %broadcast_in_dim3A_137 : i32 to vector<16xi32>
          %add3A_139 = vector.broadcast %add3A_136 : i32 to vector<16xi32>
          %add3A_140 = arith.addi %add3A_139, %broadcast_in_dim3A_138 : vector<16xi32>
          %gather3A_141 = tpu.vector_load_idx %arg14[%add3A_140] : memref<4096xf32, #tpu.memory_space<vmem>>[vector<16xi32>], vector<16xf32>,
          %get3A_142 = arith.index_cast %add3A_110 : i32 to index
          %get3A_143 = arith.constant 32 : index
          %get3A_144 = tpu.vector_load %arg15[%get3A_142, %get3A_143] {strides = array<i32>} : memref<128x128xf32, #tpu.memory_space<vmem>>, vector<16xf32>,
          %mul3A_145 = arith.mulf %get3A_144, %gather3A_141 : vector<16xf32>
          %swap3A_146 = arith.index_cast %add3A_110 : i32 to index
          %swap3A_147 = arith.constant 32 : index
          %swap3A_148 = tpu.vector_load %arg15[%swap3A_146, %swap3A_147] {strides = array<i32>} : memref<128x128xf32, #tpu.memory_space<vmem>>, vector<16xf32>,
          tpu.vector_store %arg15[%swap3A_146, %swap3A_147], %mul3A_145 {strides = array<i32>} : memref<128x128xf32, #tpu.memory_space<vmem>>, vector<16xf32>,
          %get3A_149 = arith.index_cast %add3A_110 : i32 to index
          %get3A_150 = arith.constant 48 : index
          %get3A_151 = tpu.vector_load %arg15[%get3A_149, %get3A_150] {strides = array<i32>} : memref<128x128xf32, #tpu.memory_space<vmem>>, vector<16xf32>,
          %mul3A_152 = arith.mulf %get3A_151, %gather3A_141 : vector<16xf32>
          %swap3A_153 = arith.index_cast %add3A_110 : i32 to index
          %swap3A_154 = arith.constant 48 : index
          %swap3A_155 = tpu.vector_load %arg15[%swap3A_153, %swap3A_154] {strides = array<i32>} : memref<128x128xf32, #tpu.memory_space<vmem>>, vector<16xf32>,
          tpu.vector_store %arg15[%swap3A_153, %swap3A_154], %mul3A_152 {strides = array<i32>} : memref<128x128xf32, #tpu.memory_space<vmem>>, vector<16xf32>,
          %mul3A_156 = arith.constant 512 : i32
          %mul3A_157 = arith.muli %select_n3A, %mul3A_156 : i32
          %mul3A_158 = arith.constant 64 : i32
          %mul3A_159 = arith.muli %select_n3A_106, %mul3A_158 : i32
          %add3A_160 = arith.addi %mul3A_157, %mul3A_159 : i32
          %broadcast_in_dim3A_161 = arith.constant 2 : i32
          %broadcast_in_dim3A_162 = vector.broadcast %broadcast_in_dim3A_161 : i32 to vector<16xi32>
          %add3A_163 = vector.broadcast %add3A_160 : i32 to vector<16xi32>
          %add3A_164 = arith.addi %add3A_163, %broadcast_in_dim3A_162 : vector<16xi32>
          %gather3A_165 = tpu.vector_load_idx %arg14[%add3A_164] : memref<4096xf32, #tpu.memory_space<vmem>>[vector<16xi32>], vector<16xf32>,
          %get3A_166 = arith.index_cast %add3A_110 : i32 to index
          %get3A_167 = arith.constant 64 : index
          %get3A_168 = tpu.vector_load %arg15[%get3A_166, %get3A_167] {strides = array<i32>} : memref<128x128xf32, #tpu.memory_space<vmem>>, vector<16xf32>,
          %mul3A_169 = arith.mulf %get3A_168, %gather3A_165 : vector<16xf32>
          %swap3A_170 = arith.index_cast %add3A_110 : i32 to index
          %swap3A_171 = arith.constant 64 : index
          %swap3A_172 = tpu.vector_load %arg15[%swap3A_170, %swap3A_171] {strides = array<i32>} : memref<128x128xf32, #tpu.memory_space<vmem>>, vector<16xf32>,
          tpu.vector_store %arg15[%swap3A_170, %swap3A_171], %mul3A_169 {strides = array<i32>} : memref<128x128xf32, #tpu.memory_space<vmem>>, vector<16xf32>,
          %get3A_173 = arith.index_cast %add3A_110 : i32 to index
          %get3A_174 = arith.constant 80 : index
          %get3A_175 = tpu.vector_load %arg15[%get3A_173, %get3A_174] {strides = array<i32>} : memref<128x128xf32, #tpu.memory_space<vmem>>, vector<16xf32>,
          %mul3A_176 = arith.mulf %get3A_175, %gather3A_165 : vector<16xf32>
          %swap3A_177 = arith.index_cast %add3A_110 : i32 to index
          %swap3A_178 = arith.constant 80 : index
          %swap3A_179 = tpu.vector_load %arg15[%swap3A_177, %swap3A_178] {strides = array<i32>} : memref<128x128xf32, #tpu.memory_space<vmem>>, vector<16xf32>,
          tpu.vector_store %arg15[%swap3A_177, %swap3A_178], %mul3A_176 {strides = array<i32>} : memref<128x128xf32, #tpu.memory_space<vmem>>, vector<16xf32>,
          %mul3A_180 = arith.constant 512 : i32
          %mul3A_181 = arith.muli %select_n3A, %mul3A_180 : i32
          %mul3A_182 = arith.constant 64 : i32
          %mul3A_183 = arith.muli %select_n3A_106, %mul3A_182 : i32
          %add3A_184 = arith.addi %mul3A_181, %mul3A_183 : i32
          %broadcast_in_dim3A_185 = arith.constant 3 : i32
          %broadcast_in_dim3A_186 = vector.broadcast %broadcast_in_dim3A_185 : i32 to vector<16xi32>
          %add3A_187 = vector.broadcast %add3A_184 : i32 to vector<16xi32>
          %add3A_188 = arith.addi %add3A_187, %broadcast_in_dim3A_186 : vector<16xi32>
          %gather3A_189 = tpu.vector_load_idx %arg14[%add3A_188] : memref<4096xf32, #tpu.memory_space<vmem>>[vector<16xi32>], vector<16xf32>,
          %get3A_190 = arith.index_cast %add3A_110 : i32 to index
          %get3A_191 = arith.constant 96 : index
          %get3A_192 = tpu.vector_load %arg15[%get3A_190, %get3A_191] {strides = array<i32>} : memref<128x128xf32, #tpu.memory_space<vmem>>, vector<16xf32>,
          %mul3A_193 = arith.mulf %get3A_192, %gather3A_189 : vector<16xf32>
          %swap3A_194 = arith.index_cast %add3A_110 : i32 to index
          %swap3A_195 = arith.constant 96 : index
          %swap3A_196 = tpu.vector_load %arg15[%swap3A_194, %swap3A_195] {strides = array<i32>} : memref<128x128xf32, #tpu.memory_space<vmem>>, vector<16xf32>,
          tpu.vector_store %arg15[%swap3A_194, %swap3A_195], %mul3A_193 {strides = array<i32>} : memref<128x128xf32, #tpu.memory_space<vmem>>, vector<16xf32>,
          %get3A_197 = arith.index_cast %add3A_110 : i32 to index
          %get3A_198 = arith.constant 112 : index
          %get3A_199 = tpu.vector_load %arg15[%get3A_197, %get3A_198] {strides = array<i32>} : memref<128x128xf32, #tpu.memory_space<vmem>>, vector<16xf32>,
          %mul3A_200 = arith.mulf %get3A_199, %gather3A_189 : vector<16xf32>
          %swap3A_201 = arith.index_cast %add3A_110 : i32 to index
          %swap3A_202 = arith.constant 112 : index
          %swap3A_203 = tpu.vector_load %arg15[%swap3A_201, %swap3A_202] {strides = array<i32>} : memref<128x128xf32, #tpu.memory_space<vmem>>, vector<16xf32>,
          tpu.vector_store %arg15[%swap3A_201, %swap3A_202], %mul3A_200 {strides = array<i32>} : memref<128x128xf32, #tpu.memory_space<vmem>>, vector<16xf32>,
          %mul3A_204 = arith.constant 16 : i32
          %mul3A_205 = arith.muli %select_n3A_106, %mul3A_204 : i32
          %add3A_206 = arith.constant 1 : i32
          %add3A_207 = arith.addi %mul3A_205, %add3A_206 : i32
          %mul3A_208 = arith.constant 512 : i32
          %mul3A_209 = arith.muli %select_n3A, %mul3A_208 : i32
          %mul3A_210 = arith.constant 64 : i32
          %mul3A_211 = arith.muli %select_n3A_106, %mul3A_210 : i32
          %add3A_212 = arith.addi %mul3A_209, %mul3A_211 : i32
          %broadcast_in_dim3A_213 = arith.constant 4 : i32
          %broadcast_in_dim3A_214 = vector.broadcast %broadcast_in_dim3A_213 : i32 to vector<16xi32>
          %add3A_215 = vector.broadcast %add3A_212 : i32 to vector<16xi32>
          %add3A_216 = arith.addi %add3A_215, %broadcast_in_dim3A_214 : vector<16xi32>
          %gather3A_217 = tpu.vector_load_idx %arg14[%add3A_216] : memref<4096xf32, #tpu.memory_space<vmem>>[vector<16xi32>], vector<16xf32>,
          %get3A_218 = arith.index_cast %add3A_207 : i32 to index
          %get3A_219 = arith.constant 0 : index
          %get3A_220 = tpu.vector_load %arg15[%get3A_218, %get3A_219] {strides = array<i32>} : memref<128x128xf32, #tpu.memory_space<vmem>>, vector<16xf32>,
          %mul3A_221 = arith.mulf %get3A_220, %gather3A_217 : vector<16xf32>
          %swap3A_222 = arith.index_cast %add3A_207 : i32 to index
          %swap3A_223 = arith.constant 0 : index
          %swap3A_224 = tpu.vector_load %arg15[%swap3A_222, %swap3A_223] {strides = array<i32>} : memref<128x128xf32, #tpu.memory_space<vmem>>, vector<16xf32>,
          tpu.vector_store %arg15[%swap3A_222, %swap3A_223], %mul3A_221 {strides = array<i32>} : memref<128x128xf32, #tpu.memory_space<vmem>>, vector<16xf32>,
          %get3A_225 = arith.index_cast %add3A_207 : i32 to index
          %get3A_226 = arith.constant 16 : index
          %get3A_227 = tpu.vector_load %arg15[%get3A_225, %get3A_226] {strides = array<i32>} : memref<128x128xf32, #tpu.memory_space<vmem>>, vector<16xf32>,
          %mul3A_228 = arith.mulf %get3A_227, %gather3A_217 : vector<16xf32>
          %swap3A_229 = arith.index_cast %add3A_207 : i32 to index
          %swap3A_230 = arith.constant 16 : index
          %swap3A_231 = tpu.vector_load %arg15[%swap3A_229, %swap3A_230] {strides = array<i32>} : memref<128x128xf32, #tpu.memory_space<vmem>>, vector<16xf32>,
          tpu.vector_store %arg15[%swap3A_229, %swap3A_230], %mul3A_228 {strides = array<i32>} : memref<128x128xf32, #tpu.memory_space<vmem>>, vector<16xf32>,
          %mul3A_232 = arith.constant 512 : i32
          %mul3A_233 = arith.muli %select_n3A, %mul3A_232 : i32
          %mul3A_234 = arith.constant 64 : i32
          %mul3A_235 = arith.muli %select_n3A_106, %mul3A_234 : i32
          %add3A_236 = arith.addi %mul3A_233, %mul3A_235 : i32
          %broadcast_in_dim3A_237 = arith.constant 5 : i32
          %broadcast_in_dim3A_238 = vector.broadcast %broadcast_in_dim3A_237 : i32 to vector<16xi32>
          %add3A_239 = vector.broadcast %add3A_236 : i32 to vector<16xi32>
          %add3A_240 = arith.addi %add3A_239, %broadcast_in_dim3A_238 : vector<16xi32>
          %gather3A_241 = tpu.vector_load_idx %arg14[%add3A_240] : memref<4096xf32, #tpu.memory_space<vmem>>[vector<16xi32>], vector<16xf32>,
          %get3A_242 = arith.index_cast %add3A_207 : i32 to index
          %get3A_243 = arith.constant 32 : index
          %get3A_244 = tpu.vector_load %arg15[%get3A_242, %get3A_243] {strides = array<i32>} : memref<128x128xf32, #tpu.memory_space<vmem>>, vector<16xf32>,
          %mul3A_245 = arith.mulf %get3A_244, %gather3A_241 : vector<16xf32>
          %swap3A_246 = arith.index_cast %add3A_207 : i32 to index
          %swap3A_247 = arith.constant 32 : index
          %swap3A_248 = tpu.vector_load %arg15[%swap3A_246, %swap3A_247] {strides = array<i32>} : memref<128x128xf32, #tpu.memory_space<vmem>>, vector<16xf32>,
          tpu.vector_store %arg15[%swap3A_246, %swap3A_247], %mul3A_245 {strides = array<i32>} : memref<128x128xf32, #tpu.memory_space<vmem>>, vector<16xf32>,
          %get3A_249 = arith.index_cast %add3A_207 : i32 to index
          %get3A_250 = arith.constant 48 : index
          %get3A_251 = tpu.vector_load %arg15[%get3A_249, %get3A_250] {strides = array<i32>} : memref<128x128xf32, #tpu.memory_space<vmem>>, vector<16xf32>,
          %mul3A_252 = arith.mulf %get3A_251, %gather3A_241 : vector<16xf32>
          %swap3A_253 = arith.index_cast %add3A_207 : i32 to index
          %swap3A_254 = arith.constant 48 : index
          %swap3A_255 = tpu.vector_load %arg15[%swap3A_253, %swap3A_254] {strides = array<i32>} : memref<128x128xf32, #tpu.memory_space<vmem>>, vector<16xf32>,
          tpu.vector_store %arg15[%swap3A_253, %swap3A_254], %mul3A_252 {strides = array<i32>} : memref<128x128xf32, #tpu.memory_space<vmem>>, vector<16xf32>,
          %mul3A_256 = arith.constant 512 : i32
          %mul3A_257 = arith.muli %select_n3A, %mul3A_256 : i32
          %mul3A_258 = arith.constant 64 : i32
          %mul3A_259 = arith.muli %select_n3A_106, %mul3A_258 : i32
          %add3A_260 = arith.addi %mul3A_257, %mul3A_259 : i32
          %broadcast_in_dim3A_261 = arith.constant 6 : i32
          %broadcast_in_dim3A_262 = vector.broadcast %broadcast_in_dim3A_261 : i32 to vector<16xi32>
          %add3A_263 = vector.broadcast %add3A_260 : i32 to vector<16xi32>
          %add3A_264 = arith.addi %add3A_263, %broadcast_in_dim3A_262 : vector<16xi32>
          %gather3A_265 = tpu.vector_load_idx %arg14[%add3A_264] : memref<4096xf32, #tpu.memory_space<vmem>>[vector<16xi32>], vector<16xf32>,
          %get3A_266 = arith.index_cast %add3A_207 : i32 to index
          %get3A_267 = arith.constant 64 : index
          %get3A_268 = tpu.vector_load %arg15[%get3A_266, %get3A_267] {strides = array<i32>} : memref<128x128xf32, #tpu.memory_space<vmem>>, vector<16xf32>,
          %mul3A_269 = arith.mulf %get3A_268, %gather3A_265 : vector<16xf32>
          %swap3A_270 = arith.index_cast %add3A_207 : i32 to index
          %swap3A_271 = arith.constant 64 : index
          %swap3A_272 = tpu.vector_load %arg15[%swap3A_270, %swap3A_271] {strides = array<i32>} : memref<128x128xf32, #tpu.memory_space<vmem>>, vector<16xf32>,
          tpu.vector_store %arg15[%swap3A_270, %swap3A_271], %mul3A_269 {strides = array<i32>} : memref<128x128xf32, #tpu.memory_space<vmem>>, vector<16xf32>,
          %get3A_273 = arith.index_cast %add3A_207 : i32 to index
          %get3A_274 = arith.constant 80 : index
          %get3A_275 = tpu.vector_load %arg15[%get3A_273, %get3A_274] {strides = array<i32>} : memref<128x128xf32, #tpu.memory_space<vmem>>, vector<16xf32>,
          %mul3A_276 = arith.mulf %get3A_275, %gather3A_265 : vector<16xf32>
          %swap3A_277 = arith.index_cast %add3A_207 : i32 to index
          %swap3A_278 = arith.constant 80 : index
          %swap3A_279 = tpu.vector_load %arg15[%swap3A_277, %swap3A_278] {strides = array<i32>} : memref<128x128xf32, #tpu.memory_space<vmem>>, vector<16xf32>,
          tpu.vector_store %arg15[%swap3A_277, %swap3A_278], %mul3A_276 {strides = array<i32>} : memref<128x128xf32, #tpu.memory_space<vmem>>, vector<16xf32>,
          %mul3A_280 = arith.constant 512 : i32
          %mul3A_281 = arith.muli %select_n3A, %mul3A_280 : i32
          %mul3A_282 = arith.constant 64 : i32
          %mul3A_283 = arith.muli %select_n3A_106, %mul3A_282 : i32
          %add3A_284 = arith.addi %mul3A_281, %mul3A_283 : i32
          %broadcast_in_dim3A_285 = arith.constant 7 : i32
          %broadcast_in_dim3A_286 = vector.broadcast %broadcast_in_dim3A_285 : i32 to vector<16xi32>
          %add3A_287 = vector.broadcast %add3A_284 : i32 to vector<16xi32>
          %add3A_288 = arith.addi %add3A_287, %broadcast_in_dim3A_286 : vector<16xi32>
          %gather3A_289 = tpu.vector_load_idx %arg14[%add3A_288] : memref<4096xf32, #tpu.memory_space<vmem>>[vector<16xi32>], vector<16xf32>,
          %get3A_290 = arith.index_cast %add3A_207 : i32 to index
          %get3A_291 = arith.constant 96 : index
          %get3A_292 = tpu.vector_load %arg15[%get3A_290, %get3A_291] {strides = array<i32>} : memref<128x128xf32, #tpu.memory_space<vmem>>, vector<16xf32>,
          %mul3A_293 = arith.mulf %get3A_292, %gather3A_289 : vector<16xf32>
          %swap3A_294 = arith.index_cast %add3A_207 : i32 to index
          %swap3A_295 = arith.constant 96 : index
          %swap3A_296 = tpu.vector_load %arg15[%swap3A_294, %swap3A_295] {strides = array<i32>} : memref<128x128xf32, #tpu.memory_space<vmem>>, vector<16xf32>,
          tpu.vector_store %arg15[%swap3A_294, %swap3A_295], %mul3A_293 {strides = array<i32>} : memref<128x128xf32, #tpu.memory_space<vmem>>, vector<16xf32>,
          %get3A_297 = arith.index_cast %add3A_207 : i32 to index
          %get3A_298 = arith.constant 112 : index
          %get3A_299 = tpu.vector_load %arg15[%get3A_297, %get3A_298] {strides = array<i32>} : memref<128x128xf32, #tpu.memory_space<vmem>>, vector<16xf32>,
          %mul3A_300 = arith.mulf %get3A_299, %gather3A_289 : vector<16xf32>
          %swap3A_301 = arith.index_cast %add3A_207 : i32 to index
          %swap3A_302 = arith.constant 112 : index
          %swap3A_303 = tpu.vector_load %arg15[%swap3A_301, %swap3A_302] {strides = array<i32>} : memref<128x128xf32, #tpu.memory_space<vmem>>, vector<16xf32>,
          tpu.vector_store %arg15[%swap3A_301, %swap3A_302], %mul3A_300 {strides = array<i32>} : memref<128x128xf32, #tpu.memory_space<vmem>>, vector<16xf32>,
          %mul3A_304 = arith.constant 16 : i32
          %mul3A_305 = arith.muli %select_n3A_106, %mul3A_304 : i32
          %add3A_306 = arith.constant 2 : i32
          %add3A_307 = arith.addi %mul3A_305, %add3A_306 : i32
          %mul3A_308 = arith.constant 512 : i32
          %mul3A_309 = arith.muli %select_n3A, %mul3A_308 : i32
          %mul3A_310 = arith.constant 64 : i32
          %mul3A_311 = arith.muli %select_n3A_106, %mul3A_310 : i32
          %add3A_312 = arith.addi %mul3A_309, %mul3A_311 : i32
          %broadcast_in_dim3A_313 = arith.constant 8 : i32
          %broadcast_in_dim3A_314 = vector.broadcast %broadcast_in_dim3A_313 : i32 to vector<16xi32>
          %add3A_315 = vector.broadcast %add3A_312 : i32 to vector<16xi32>
          %add3A_316 = arith.addi %add3A_315, %broadcast_in_dim3A_314 : vector<16xi32>
          %gather3A_317 = tpu.vector_load_idx %arg14[%add3A_316] : memref<4096xf32, #tpu.memory_space<vmem>>[vector<16xi32>], vector<16xf32>,
          %get3A_318 = arith.index_cast %add3A_307 : i32 to index
          %get3A_319 = arith.constant 0 : index
          %get3A_320 = tpu.vector_load %arg15[%get3A_318, %get3A_319] {strides = array<i32>} : memref<128x128xf32, #tpu.memory_space<vmem>>, vector<16xf32>,
          %mul3A_321 = arith.mulf %get3A_320, %gather3A_317 : vector<16xf32>
          %swap3A_322 = arith.index_cast %add3A_307 : i32 to index
          %swap3A_323 = arith.constant 0 : index
          %swap3A_324 = tpu.vector_load %arg15[%swap3A_322, %swap3A_323] {strides = array<i32>} : memref<128x128xf32, #tpu.memory_space<vmem>>, vector<16xf32>,
          tpu.vector_store %arg15[%swap3A_322, %swap3A_323], %mul3A_321 {strides = array<i32>} : memref<128x128xf32, #tpu.memory_space<vmem>>, vector<16xf32>,
          %get3A_325 = arith.index_cast %add3A_307 : i32 to index
          %get3A_326 = arith.constant 16 : index
          %get3A_327 = tpu.vector_load %arg15[%get3A_325, %get3A_326] {strides = array<i32>} : memref<128x128xf32, #tpu.memory_space<vmem>>, vector<16xf32>,
          %mul3A_328 = arith.mulf %get3A_327, %gather3A_317 : vector<16xf32>
          %swap3A_329 = arith.index_cast %add3A_307 : i32 to index
          %swap3A_330 = arith.constant 16 : index
          %swap3A_331 = tpu.vector_load %arg15[%swap3A_329, %swap3A_330] {strides = array<i32>} : memref<128x128xf32, #tpu.memory_space<vmem>>, vector<16xf32>,
          tpu.vector_store %arg15[%swap3A_329, %swap3A_330], %mul3A_328 {strides = array<i32>} : memref<128x128xf32, #tpu.memory_space<vmem>>, vector<16xf32>,
          %mul3A_332 = arith.constant 512 : i32
          %mul3A_333 = arith.muli %select_n3A, %mul3A_332 : i32
          %mul3A_334 = arith.constant 64 : i32
          %mul3A_335 = arith.muli %select_n3A_106, %mul3A_334 : i32
          %add3A_336 = arith.addi %mul3A_333, %mul3A_335 : i32
          %broadcast_in_dim3A_337 = arith.constant 9 : i32
          %broadcast_in_dim3A_338 = vector.broadcast %broadcast_in_dim3A_337 : i32 to vector<16xi32>
          %add3A_339 = vector.broadcast %add3A_336 : i32 to vector<16xi32>
          %add3A_340 = arith.addi %add3A_339, %broadcast_in_dim3A_338 : vector<16xi32>
          %gather3A_341 = tpu.vector_load_idx %arg14[%add3A_340] : memref<4096xf32, #tpu.memory_space<vmem>>[vector<16xi32>], vector<16xf32>,
          %get3A_342 = arith.index_cast %add3A_307 : i32 to index
          %get3A_343 = arith.constant 32 : index
          %get3A_344 = tpu.vector_load %arg15[%get3A_342, %get3A_343] {strides = array<i32>} : memref<128x128xf32, #tpu.memory_space<vmem>>, vector<16xf32>,
          %mul3A_345 = arith.mulf %get3A_344, %gather3A_341 : vector<16xf32>
          %swap3A_346 = arith.index_cast %add3A_307 : i32 to index
          %swap3A_347 = arith.constant 32 : index
          %swap3A_348 = tpu.vector_load %arg15[%swap3A_346, %swap3A_347] {strides = array<i32>} : memref<128x128xf32, #tpu.memory_space<vmem>>, vector<16xf32>,
          tpu.vector_store %arg15[%swap3A_346, %swap3A_347], %mul3A_345 {strides = array<i32>} : memref<128x128xf32, #tpu.memory_space<vmem>>, vector<16xf32>,
          %get3A_349 = arith.index_cast %add3A_307 : i32 to index
          %get3A_350 = arith.constant 48 : index
          %get3A_351 = tpu.vector_load %arg15[%get3A_349, %get3A_350] {strides = array<i32>} : memref<128x128xf32, #tpu.memory_space<vmem>>, vector<16xf32>,
          %mul3A_352 = arith.mulf %get3A_351, %gather3A_341 : vector<16xf32>
          %swap3A_353 = arith.index_cast %add3A_307 : i32 to index
          %swap3A_354 = arith.constant 48 : index
          %swap3A_355 = tpu.vector_load %arg15[%swap3A_353, %swap3A_354] {strides = array<i32>} : memref<128x128xf32, #tpu.memory_space<vmem>>, vector<16xf32>,
          tpu.vector_store %arg15[%swap3A_353, %swap3A_354], %mul3A_352 {strides = array<i32>} : memref<128x128xf32, #tpu.memory_space<vmem>>, vector<16xf32>,
          %mul3A_356 = arith.constant 512 : i32
          %mul3A_357 = arith.muli %select_n3A, %mul3A_356 : i32
          %mul3A_358 = arith.constant 64 : i32
          %mul3A_359 = arith.muli %select_n3A_106, %mul3A_358 : i32
          %add3A_360 = arith.addi %mul3A_357, %mul3A_359 : i32
          %broadcast_in_dim3A_361 = arith.constant 10 : i32
          %broadcast_in_dim3A_362 = vector.broadcast %broadcast_in_dim3A_361 : i32 to vector<16xi32>
          %add3A_363 = vector.broadcast %add3A_360 : i32 to vector<16xi32>
          %add3A_364 = arith.addi %add3A_363, %broadcast_in_dim3A_362 : vector<16xi32>
          %gather3A_365 = tpu.vector_load_idx %arg14[%add3A_364] : memref<4096xf32, #tpu.memory_space<vmem>>[vector<16xi32>], vector<16xf32>,
          %get3A_366 = arith.index_cast %add3A_307 : i32 to index
          %get3A_367 = arith.constant 64 : index
          %get3A_368 = tpu.vector_load %arg15[%get3A_366, %get3A_367] {strides = array<i32>} : memref<128x128xf32, #tpu.memory_space<vmem>>, vector<16xf32>,
          %mul3A_369 = arith.mulf %get3A_368, %gather3A_365 : vector<16xf32>
          %swap3A_370 = arith.index_cast %add3A_307 : i32 to index
          %swap3A_371 = arith.constant 64 : index
          %swap3A_372 = tpu.vector_load %arg15[%swap3A_370, %swap3A_371] {strides = array<i32>} : memref<128x128xf32, #tpu.memory_space<vmem>>, vector<16xf32>,
          tpu.vector_store %arg15[%swap3A_370, %swap3A_371], %mul3A_369 {strides = array<i32>} : memref<128x128xf32, #tpu.memory_space<vmem>>, vector<16xf32>,
          %get3A_373 = arith.index_cast %add3A_307 : i32 to index
          %get3A_374 = arith.constant 80 : index
          %get3A_375 = tpu.vector_load %arg15[%get3A_373, %get3A_374] {strides = array<i32>} : memref<128x128xf32, #tpu.memory_space<vmem>>, vector<16xf32>,
          %mul3A_376 = arith.mulf %get3A_375, %gather3A_365 : vector<16xf32>
          %swap3A_377 = arith.index_cast %add3A_307 : i32 to index
          %swap3A_378 = arith.constant 80 : index
          %swap3A_379 = tpu.vector_load %arg15[%swap3A_377, %swap3A_378] {strides = array<i32>} : memref<128x128xf32, #tpu.memory_space<vmem>>, vector<16xf32>,
          tpu.vector_store %arg15[%swap3A_377, %swap3A_378], %mul3A_376 {strides = array<i32>} : memref<128x128xf32, #tpu.memory_space<vmem>>, vector<16xf32>,
          %mul3A_380 = arith.constant 512 : i32
          %mul3A_381 = arith.muli %select_n3A, %mul3A_380 : i32
          %mul3A_382 = arith.constant 64 : i32
          %mul3A_383 = arith.muli %select_n3A_106, %mul3A_382 : i32
          %add3A_384 = arith.addi %mul3A_381, %mul3A_383 : i32
          %broadcast_in_dim3A_385 = arith.constant 11 : i32
          %broadcast_in_dim3A_386 = vector.broadcast %broadcast_in_dim3A_385 : i32 to vector<16xi32>
          %add3A_387 = vector.broadcast %add3A_384 : i32 to vector<16xi32>
          %add3A_388 = arith.addi %add3A_387, %broadcast_in_dim3A_386 : vector<16xi32>
          %gather3A_389 = tpu.vector_load_idx %arg14[%add3A_388] : memref<4096xf32, #tpu.memory_space<vmem>>[vector<16xi32>], vector<16xf32>,
          %get3A_390 = arith.index_cast %add3A_307 : i32 to index
          %get3A_391 = arith.constant 96 : index
          %get3A_392 = tpu.vector_load %arg15[%get3A_390, %get3A_391] {strides = array<i32>} : memref<128x128xf32, #tpu.memory_space<vmem>>, vector<16xf32>,
          %mul3A_393 = arith.mulf %get3A_392, %gather3A_389 : vector<16xf32>
          %swap3A_394 = arith.index_cast %add3A_307 : i32 to index
          %swap3A_395 = arith.constant 96 : index
          %swap3A_396 = tpu.vector_load %arg15[%swap3A_394, %swap3A_395] {strides = array<i32>} : memref<128x128xf32, #tpu.memory_space<vmem>>, vector<16xf32>,
          tpu.vector_store %arg15[%swap3A_394, %swap3A_395], %mul3A_393 {strides = array<i32>} : memref<128x128xf32, #tpu.memory_space<vmem>>, vector<16xf32>,
          %get3A_397 = arith.index_cast %add3A_307 : i32 to index
          %get3A_398 = arith.constant 112 : index
          %get3A_399 = tpu.vector_load %arg15[%get3A_397, %get3A_398] {strides = array<i32>} : memref<128x128xf32, #tpu.memory_space<vmem>>, vector<16xf32>,
          %mul3A_400 = arith.mulf %get3A_399, %gather3A_389 : vector<16xf32>
          %swap3A_401 = arith.index_cast %add3A_307 : i32 to index
          %swap3A_402 = arith.constant 112 : index
          %swap3A_403 = tpu.vector_load %arg15[%swap3A_401, %swap3A_402] {strides = array<i32>} : memref<128x128xf32, #tpu.memory_space<vmem>>, vector<16xf32>,
          tpu.vector_store %arg15[%swap3A_401, %swap3A_402], %mul3A_400 {strides = array<i32>} : memref<128x128xf32, #tpu.memory_space<vmem>>, vector<16xf32>,
          %mul3A_404 = arith.constant 16 : i32
          %mul3A_405 = arith.muli %select_n3A_106, %mul3A_404 : i32
          %add3A_406 = arith.constant 3 : i32
          %add3A_407 = arith.addi %mul3A_405, %add3A_406 : i32
          %mul3A_408 = arith.constant 512 : i32
          %mul3A_409 = arith.muli %select_n3A, %mul3A_408 : i32
          %mul3A_410 = arith.constant 64 : i32
          %mul3A_411 = arith.muli %select_n3A_106, %mul3A_410 : i32
          %add3A_412 = arith.addi %mul3A_409, %mul3A_411 : i32
          %broadcast_in_dim3A_413 = arith.constant 12 : i32
          %broadcast_in_dim3A_414 = vector.broadcast %broadcast_in_dim3A_413 : i32 to vector<16xi32>
          %add3A_415 = vector.broadcast %add3A_412 : i32 to vector<16xi32>
          %add3A_416 = arith.addi %add3A_415, %broadcast_in_dim3A_414 : vector<16xi32>
          %gather3A_417 = tpu.vector_load_idx %arg14[%add3A_416] : memref<4096xf32, #tpu.memory_space<vmem>>[vector<16xi32>], vector<16xf32>,
          %get3A_418 = arith.index_cast %add3A_407 : i32 to index
          %get3A_419 = arith.constant 0 : index
          %get3A_420 = tpu.vector_load %arg15[%get3A_418, %get3A_419] {strides = array<i32>} : memref<128x128xf32, #tpu.memory_space<vmem>>, vector<16xf32>,
          %mul3A_421 = arith.mulf %get3A_420, %gather3A_417 : vector<16xf32>
          %swap3A_422 = arith.index_cast %add3A_407 : i32 to index
          %swap3A_423 = arith.constant 0 : index
          %swap3A_424 = tpu.vector_load %arg15[%swap3A_422, %swap3A_423] {strides = array<i32>} : memref<128x128xf32, #tpu.memory_space<vmem>>, vector<16xf32>,
          tpu.vector_store %arg15[%swap3A_422, %swap3A_423], %mul3A_421 {strides = array<i32>} : memref<128x128xf32, #tpu.memory_space<vmem>>, vector<16xf32>,
          %get3A_425 = arith.index_cast %add3A_407 : i32 to index
          %get3A_426 = arith.constant 16 : index
          %get3A_427 = tpu.vector_load %arg15[%get3A_425, %get3A_426] {strides = array<i32>} : memref<128x128xf32, #tpu.memory_space<vmem>>, vector<16xf32>,
          %mul3A_428 = arith.mulf %get3A_427, %gather3A_417 : vector<16xf32>
          %swap3A_429 = arith.index_cast %add3A_407 : i32 to index
          %swap3A_430 = arith.constant 16 : index
          %swap3A_431 = tpu.vector_load %arg15[%swap3A_429, %swap3A_430] {strides = array<i32>} : memref<128x128xf32, #tpu.memory_space<vmem>>, vector<16xf32>,
          tpu.vector_store %arg15[%swap3A_429, %swap3A_430], %mul3A_428 {strides = array<i32>} : memref<128x128xf32, #tpu.memory_space<vmem>>, vector<16xf32>,
          %mul3A_432 = arith.constant 512 : i32
          %mul3A_433 = arith.muli %select_n3A, %mul3A_432 : i32
          %mul3A_434 = arith.constant 64 : i32
          %mul3A_435 = arith.muli %select_n3A_106, %mul3A_434 : i32
          %add3A_436 = arith.addi %mul3A_433, %mul3A_435 : i32
          %broadcast_in_dim3A_437 = arith.constant 13 : i32
          %broadcast_in_dim3A_438 = vector.broadcast %broadcast_in_dim3A_437 : i32 to vector<16xi32>
          %add3A_439 = vector.broadcast %add3A_436 : i32 to vector<16xi32>
          %add3A_440 = arith.addi %add3A_439, %broadcast_in_dim3A_438 : vector<16xi32>
          %gather3A_441 = tpu.vector_load_idx %arg14[%add3A_440] : memref<4096xf32, #tpu.memory_space<vmem>>[vector<16xi32>], vector<16xf32>,
          %get3A_442 = arith.index_cast %add3A_407 : i32 to index
          %get3A_443 = arith.constant 32 : index
          %get3A_444 = tpu.vector_load %arg15[%get3A_442, %get3A_443] {strides = array<i32>} : memref<128x128xf32, #tpu.memory_space<vmem>>, vector<16xf32>,
          %mul3A_445 = arith.mulf %get3A_444, %gather3A_441 : vector<16xf32>
          %swap3A_446 = arith.index_cast %add3A_407 : i32 to index
          %swap3A_447 = arith.constant 32 : index
          %swap3A_448 = tpu.vector_load %arg15[%swap3A_446, %swap3A_447] {strides = array<i32>} : memref<128x128xf32, #tpu.memory_space<vmem>>, vector<16xf32>,
          tpu.vector_store %arg15[%swap3A_446, %swap3A_447], %mul3A_445 {strides = array<i32>} : memref<128x128xf32, #tpu.memory_space<vmem>>, vector<16xf32>,
          %get3A_449 = arith.index_cast %add3A_407 : i32 to index
          %get3A_450 = arith.constant 48 : index
          %get3A_451 = tpu.vector_load %arg15[%get3A_449, %get3A_450] {strides = array<i32>} : memref<128x128xf32, #tpu.memory_space<vmem>>, vector<16xf32>,
          %mul3A_452 = arith.mulf %get3A_451, %gather3A_441 : vector<16xf32>
          %swap3A_453 = arith.index_cast %add3A_407 : i32 to index
          %swap3A_454 = arith.constant 48 : index
          %swap3A_455 = tpu.vector_load %arg15[%swap3A_453, %swap3A_454] {strides = array<i32>} : memref<128x128xf32, #tpu.memory_space<vmem>>, vector<16xf32>,
          tpu.vector_store %arg15[%swap3A_453, %swap3A_454], %mul3A_452 {strides = array<i32>} : memref<128x128xf32, #tpu.memory_space<vmem>>, vector<16xf32>,
          %mul3A_456 = arith.constant 512 : i32
          %mul3A_457 = arith.muli %select_n3A, %mul3A_456 : i32
          %mul3A_458 = arith.constant 64 : i32
          %mul3A_459 = arith.muli %select_n3A_106, %mul3A_458 : i32
          %add3A_460 = arith.addi %mul3A_457, %mul3A_459 : i32
          %broadcast_in_dim3A_461 = arith.constant 14 : i32
          %broadcast_in_dim3A_462 = vector.broadcast %broadcast_in_dim3A_461 : i32 to vector<16xi32>
          %add3A_463 = vector.broadcast %add3A_460 : i32 to vector<16xi32>
          %add3A_464 = arith.addi %add3A_463, %broadcast_in_dim3A_462 : vector<16xi32>
          %gather3A_465 = tpu.vector_load_idx %arg14[%add3A_464] : memref<4096xf32, #tpu.memory_space<vmem>>[vector<16xi32>], vector<16xf32>,
          %get3A_466 = arith.index_cast %add3A_407 : i32 to index
          %get3A_467 = arith.constant 64 : index
          %get3A_468 = tpu.vector_load %arg15[%get3A_466, %get3A_467] {strides = array<i32>} : memref<128x128xf32, #tpu.memory_space<vmem>>, vector<16xf32>,
          %mul3A_469 = arith.mulf %get3A_468, %gather3A_465 : vector<16xf32>
          %swap3A_470 = arith.index_cast %add3A_407 : i32 to index
          %swap3A_471 = arith.constant 64 : index
          %swap3A_472 = tpu.vector_load %arg15[%swap3A_470, %swap3A_471] {strides = array<i32>} : memref<128x128xf32, #tpu.memory_space<vmem>>, vector<16xf32>,
          tpu.vector_store %arg15[%swap3A_470, %swap3A_471], %mul3A_469 {strides = array<i32>} : memref<128x128xf32, #tpu.memory_space<vmem>>, vector<16xf32>,
          %get3A_473 = arith.index_cast %add3A_407 : i32 to index
          %get3A_474 = arith.constant 80 : index
          %get3A_475 = tpu.vector_load %arg15[%get3A_473, %get3A_474] {strides = array<i32>} : memref<128x128xf32, #tpu.memory_space<vmem>>, vector<16xf32>,
          %mul3A_476 = arith.mulf %get3A_475, %gather3A_465 : vector<16xf32>
          %swap3A_477 = arith.index_cast %add3A_407 : i32 to index
          %swap3A_478 = arith.constant 80 : index
          %swap3A_479 = tpu.vector_load %arg15[%swap3A_477, %swap3A_478] {strides = array<i32>} : memref<128x128xf32, #tpu.memory_space<vmem>>, vector<16xf32>,
          tpu.vector_store %arg15[%swap3A_477, %swap3A_478], %mul3A_476 {strides = array<i32>} : memref<128x128xf32, #tpu.memory_space<vmem>>, vector<16xf32>,
          %mul3A_480 = arith.constant 512 : i32
          %mul3A_481 = arith.muli %select_n3A, %mul3A_480 : i32
          %mul3A_482 = arith.constant 64 : i32
          %mul3A_483 = arith.muli %select_n3A_106, %mul3A_482 : i32
          %add3A_484 = arith.addi %mul3A_481, %mul3A_483 : i32
          %broadcast_in_dim3A_485 = arith.constant 15 : i32
          %broadcast_in_dim3A_486 = vector.broadcast %broadcast_in_dim3A_485 : i32 to vector<16xi32>
          %add3A_487 = vector.broadcast %add3A_484 : i32 to vector<16xi32>
          %add3A_488 = arith.addi %add3A_487, %broadcast_in_dim3A_486 : vector<16xi32>
          %gather3A_489 = tpu.vector_load_idx %arg14[%add3A_488] : memref<4096xf32, #tpu.memory_space<vmem>>[vector<16xi32>], vector<16xf32>,
          %get3A_490 = arith.index_cast %add3A_407 : i32 to index
          %get3A_491 = arith.constant 96 : index
          %get3A_492 = tpu.vector_load %arg15[%get3A_490, %get3A_491] {strides = array<i32>} : memref<128x128xf32, #tpu.memory_space<vmem>>, vector<16xf32>,
          %mul3A_493 = arith.mulf %get3A_492, %gather3A_489 : vector<16xf32>
          %swap3A_494 = arith.index_cast %add3A_407 : i32 to index
          %swap3A_495 = arith.constant 96 : index
          %swap3A_496 = tpu.vector_load %arg15[%swap3A_494, %swap3A_495] {strides = array<i32>} : memref<128x128xf32, #tpu.memory_space<vmem>>, vector<16xf32>,
          tpu.vector_store %arg15[%swap3A_494, %swap3A_495], %mul3A_493 {strides = array<i32>} : memref<128x128xf32, #tpu.memory_space<vmem>>, vector<16xf32>,
          %get3A_497 = arith.index_cast %add3A_407 : i32 to index
          %get3A_498 = arith.constant 112 : index
          %get3A_499 = tpu.vector_load %arg15[%get3A_497, %get3A_498] {strides = array<i32>} : memref<128x128xf32, #tpu.memory_space<vmem>>, vector<16xf32>,
          %mul3A_500 = arith.mulf %get3A_499, %gather3A_489 : vector<16xf32>
          %swap3A_501 = arith.index_cast %add3A_407 : i32 to index
          %swap3A_502 = arith.constant 112 : index
          %swap3A_503 = tpu.vector_load %arg15[%swap3A_501, %swap3A_502] {strides = array<i32>} : memref<128x128xf32, #tpu.memory_space<vmem>>, vector<16xf32>,
          tpu.vector_store %arg15[%swap3A_501, %swap3A_502], %mul3A_500 {strides = array<i32>} : memref<128x128xf32, #tpu.memory_space<vmem>>, vector<16xf32>,
          %mul3A_504 = arith.constant 16 : i32
          %mul3A_505 = arith.muli %select_n3A_106, %mul3A_504 : i32
          %add3A_506 = arith.constant 4 : i32
          %add3A_507 = arith.addi %mul3A_505, %add3A_506 : i32
          %mul3A_508 = arith.constant 512 : i32
          %mul3A_509 = arith.muli %select_n3A, %mul3A_508 : i32
          %mul3A_510 = arith.constant 64 : i32
          %mul3A_511 = arith.muli %select_n3A_106, %mul3A_510 : i32
          %add3A_512 = arith.addi %mul3A_509, %mul3A_511 : i32
          %broadcast_in_dim3A_513 = arith.constant 16 : i32
          %broadcast_in_dim3A_514 = vector.broadcast %broadcast_in_dim3A_513 : i32 to vector<16xi32>
          %add3A_515 = vector.broadcast %add3A_512 : i32 to vector<16xi32>
          %add3A_516 = arith.addi %add3A_515, %broadcast_in_dim3A_514 : vector<16xi32>
          %gather3A_517 = tpu.vector_load_idx %arg14[%add3A_516] : memref<4096xf32, #tpu.memory_space<vmem>>[vector<16xi32>], vector<16xf32>,
          %get3A_518 = arith.index_cast %add3A_507 : i32 to index
          %get3A_519 = arith.constant 0 : index
          %get3A_520 = tpu.vector_load %arg15[%get3A_518, %get3A_519] {strides = array<i32>} : memref<128x128xf32, #tpu.memory_space<vmem>>, vector<16xf32>,
          %mul3A_521 = arith.mulf %get3A_520, %gather3A_517 : vector<16xf32>
          %swap3A_522 = arith.index_cast %add3A_507 : i32 to index
          %swap3A_523 = arith.constant 0 : index
          %swap3A_524 = tpu.vector_load %arg15[%swap3A_522, %swap3A_523] {strides = array<i32>} : memref<128x128xf32, #tpu.memory_space<vmem>>, vector<16xf32>,
          tpu.vector_store %arg15[%swap3A_522, %swap3A_523], %mul3A_521 {strides = array<i32>} : memref<128x128xf32, #tpu.memory_space<vmem>>, vector<16xf32>,
          %get3A_525 = arith.index_cast %add3A_507 : i32 to index
          %get3A_526 = arith.constant 16 : index
          %get3A_527 = tpu.vector_load %arg15[%get3A_525, %get3A_526] {strides = array<i32>} : memref<128x128xf32, #tpu.memory_space<vmem>>, vector<16xf32>,
          %mul3A_528 = arith.mulf %get3A_527, %gather3A_517 : vector<16xf32>
          %swap3A_529 = arith.index_cast %add3A_507 : i32 to index
          %swap3A_530 = arith.constant 16 : index
          %swap3A_531 = tpu.vector_load %arg15[%swap3A_529, %swap3A_530] {strides = array<i32>} : memref<128x128xf32, #tpu.memory_space<vmem>>, vector<16xf32>,
          tpu.vector_store %arg15[%swap3A_529, %swap3A_530], %mul3A_528 {strides = array<i32>} : memref<128x128xf32, #tpu.memory_space<vmem>>, vector<16xf32>,
          %mul3A_532 = arith.constant 512 : i32
          %mul3A_533 = arith.muli %select_n3A, %mul3A_532 : i32
          %mul3A_534 = arith.constant 64 : i32
          %mul3A_535 = arith.muli %select_n3A_106, %mul3A_534 : i32
          %add3A_536 = arith.addi %mul3A_533, %mul3A_535 : i32
          %broadcast_in_dim3A_537 = arith.constant 17 : i32
          %broadcast_in_dim3A_538 = vector.broadcast %broadcast_in_dim3A_537 : i32 to vector<16xi32>
          %add3A_539 = vector.broadcast %add3A_536 : i32 to vector<16xi32>
          %add3A_540 = arith.addi %add3A_539, %broadcast_in_dim3A_538 : vector<16xi32>
          %gather3A_541 = tpu.vector_load_idx %arg14[%add3A_540] : memref<4096xf32, #tpu.memory_space<vmem>>[vector<16xi32>], vector<16xf32>,
          %get3A_542 = arith.index_cast %add3A_507 : i32 to index
          %get3A_543 = arith.constant 32 : index
          %get3A_544 = tpu.vector_load %arg15[%get3A_542, %get3A_543] {strides = array<i32>} : memref<128x128xf32, #tpu.memory_space<vmem>>, vector<16xf32>,
          %mul3A_545 = arith.mulf %get3A_544, %gather3A_541 : vector<16xf32>
          %swap3A_546 = arith.index_cast %add3A_507 : i32 to index
          %swap3A_547 = arith.constant 32 : index
          %swap3A_548 = tpu.vector_load %arg15[%swap3A_546, %swap3A_547] {strides = array<i32>} : memref<128x128xf32, #tpu.memory_space<vmem>>, vector<16xf32>,
          tpu.vector_store %arg15[%swap3A_546, %swap3A_547], %mul3A_545 {strides = array<i32>} : memref<128x128xf32, #tpu.memory_space<vmem>>, vector<16xf32>,
          %get3A_549 = arith.index_cast %add3A_507 : i32 to index
          %get3A_550 = arith.constant 48 : index
          %get3A_551 = tpu.vector_load %arg15[%get3A_549, %get3A_550] {strides = array<i32>} : memref<128x128xf32, #tpu.memory_space<vmem>>, vector<16xf32>,
          %mul3A_552 = arith.mulf %get3A_551, %gather3A_541 : vector<16xf32>
          %swap3A_553 = arith.index_cast %add3A_507 : i32 to index
          %swap3A_554 = arith.constant 48 : index
          %swap3A_555 = tpu.vector_load %arg15[%swap3A_553, %swap3A_554] {strides = array<i32>} : memref<128x128xf32, #tpu.memory_space<vmem>>, vector<16xf32>,
          tpu.vector_store %arg15[%swap3A_553, %swap3A_554], %mul3A_552 {strides = array<i32>} : memref<128x128xf32, #tpu.memory_space<vmem>>, vector<16xf32>,
          %mul3A_556 = arith.constant 512 : i32
          %mul3A_557 = arith.muli %select_n3A, %mul3A_556 : i32
          %mul3A_558 = arith.constant 64 : i32
          %mul3A_559 = arith.muli %select_n3A_106, %mul3A_558 : i32
          %add3A_560 = arith.addi %mul3A_557, %mul3A_559 : i32
          %broadcast_in_dim3A_561 = arith.constant 18 : i32
          %broadcast_in_dim3A_562 = vector.broadcast %broadcast_in_dim3A_561 : i32 to vector<16xi32>
          %add3A_563 = vector.broadcast %add3A_560 : i32 to vector<16xi32>
          %add3A_564 = arith.addi %add3A_563, %broadcast_in_dim3A_562 : vector<16xi32>
          %gather3A_565 = tpu.vector_load_idx %arg14[%add3A_564] : memref<4096xf32, #tpu.memory_space<vmem>>[vector<16xi32>], vector<16xf32>,
          %get3A_566 = arith.index_cast %add3A_507 : i32 to index
          %get3A_567 = arith.constant 64 : index
          %get3A_568 = tpu.vector_load %arg15[%get3A_566, %get3A_567] {strides = array<i32>} : memref<128x128xf32, #tpu.memory_space<vmem>>, vector<16xf32>,
          %mul3A_569 = arith.mulf %get3A_568, %gather3A_565 : vector<16xf32>
          %swap3A_570 = arith.index_cast %add3A_507 : i32 to index
          %swap3A_571 = arith.constant 64 : index
          %swap3A_572 = tpu.vector_load %arg15[%swap3A_570, %swap3A_571] {strides = array<i32>} : memref<128x128xf32, #tpu.memory_space<vmem>>, vector<16xf32>,
          tpu.vector_store %arg15[%swap3A_570, %swap3A_571], %mul3A_569 {strides = array<i32>} : memref<128x128xf32, #tpu.memory_space<vmem>>, vector<16xf32>,
          %get3A_573 = arith.index_cast %add3A_507 : i32 to index
          %get3A_574 = arith.constant 80 : index
          %get3A_575 = tpu.vector_load %arg15[%get3A_573, %get3A_574] {strides = array<i32>} : memref<128x128xf32, #tpu.memory_space<vmem>>, vector<16xf32>,
          %mul3A_576 = arith.mulf %get3A_575, %gather3A_565 : vector<16xf32>
          %swap3A_577 = arith.index_cast %add3A_507 : i32 to index
          %swap3A_578 = arith.constant 80 : index
          %swap3A_579 = tpu.vector_load %arg15[%swap3A_577, %swap3A_578] {strides = array<i32>} : memref<128x128xf32, #tpu.memory_space<vmem>>, vector<16xf32>,
          tpu.vector_store %arg15[%swap3A_577, %swap3A_578], %mul3A_576 {strides = array<i32>} : memref<128x128xf32, #tpu.memory_space<vmem>>, vector<16xf32>,
          %mul3A_580 = arith.constant 512 : i32
          %mul3A_581 = arith.muli %select_n3A, %mul3A_580 : i32
          %mul3A_582 = arith.constant 64 : i32
          %mul3A_583 = arith.muli %select_n3A_106, %mul3A_582 : i32
          %add3A_584 = arith.addi %mul3A_581, %mul3A_583 : i32
          %broadcast_in_dim3A_585 = arith.constant 19 : i32
          %broadcast_in_dim3A_586 = vector.broadcast %broadcast_in_dim3A_585 : i32 to vector<16xi32>
          %add3A_587 = vector.broadcast %add3A_584 : i32 to vector<16xi32>
          %add3A_588 = arith.addi %add3A_587, %broadcast_in_dim3A_586 : vector<16xi32>
          %gather3A_589 = tpu.vector_load_idx %arg14[%add3A_588] : memref<4096xf32, #tpu.memory_space<vmem>>[vector<16xi32>], vector<16xf32>,
          %get3A_590 = arith.index_cast %add3A_507 : i32 to index
          %get3A_591 = arith.constant 96 : index
          %get3A_592 = tpu.vector_load %arg15[%get3A_590, %get3A_591] {strides = array<i32>} : memref<128x128xf32, #tpu.memory_space<vmem>>, vector<16xf32>,
          %mul3A_593 = arith.mulf %get3A_592, %gather3A_589 : vector<16xf32>
          %swap3A_594 = arith.index_cast %add3A_507 : i32 to index
          %swap3A_595 = arith.constant 96 : index
          %swap3A_596 = tpu.vector_load %arg15[%swap3A_594, %swap3A_595] {strides = array<i32>} : memref<128x128xf32, #tpu.memory_space<vmem>>, vector<16xf32>,
          tpu.vector_store %arg15[%swap3A_594, %swap3A_595], %mul3A_593 {strides = array<i32>} : memref<128x128xf32, #tpu.memory_space<vmem>>, vector<16xf32>,
          %get3A_597 = arith.index_cast %add3A_507 : i32 to index
          %get3A_598 = arith.constant 112 : index
          %get3A_599 = tpu.vector_load %arg15[%get3A_597, %get3A_598] {strides = array<i32>} : memref<128x128xf32, #tpu.memory_space<vmem>>, vector<16xf32>,
          %mul3A_600 = arith.mulf %get3A_599, %gather3A_589 : vector<16xf32>
          %swap3A_601 = arith.index_cast %add3A_507 : i32 to index
          %swap3A_602 = arith.constant 112 : index
          %swap3A_603 = tpu.vector_load %arg15[%swap3A_601, %swap3A_602] {strides = array<i32>} : memref<128x128xf32, #tpu.memory_space<vmem>>, vector<16xf32>,
          tpu.vector_store %arg15[%swap3A_601, %swap3A_602], %mul3A_600 {strides = array<i32>} : memref<128x128xf32, #tpu.memory_space<vmem>>, vector<16xf32>,
          %mul3A_604 = arith.constant 16 : i32
          %mul3A_605 = arith.muli %select_n3A_106, %mul3A_604 : i32
          %add3A_606 = arith.constant 5 : i32
          %add3A_607 = arith.addi %mul3A_605, %add3A_606 : i32
          %mul3A_608 = arith.constant 512 : i32
          %mul3A_609 = arith.muli %select_n3A, %mul3A_608 : i32
          %mul3A_610 = arith.constant 64 : i32
          %mul3A_611 = arith.muli %select_n3A_106, %mul3A_610 : i32
          %add3A_612 = arith.addi %mul3A_609, %mul3A_611 : i32
          %broadcast_in_dim3A_613 = arith.constant 20 : i32
          %broadcast_in_dim3A_614 = vector.broadcast %broadcast_in_dim3A_613 : i32 to vector<16xi32>
          %add3A_615 = vector.broadcast %add3A_612 : i32 to vector<16xi32>
          %add3A_616 = arith.addi %add3A_615, %broadcast_in_dim3A_614 : vector<16xi32>
          %gather3A_617 = tpu.vector_load_idx %arg14[%add3A_616] : memref<4096xf32, #tpu.memory_space<vmem>>[vector<16xi32>], vector<16xf32>,
          %get3A_618 = arith.index_cast %add3A_607 : i32 to index
          %get3A_619 = arith.constant 0 : index
          %get3A_620 = tpu.vector_load %arg15[%get3A_618, %get3A_619] {strides = array<i32>} : memref<128x128xf32, #tpu.memory_space<vmem>>, vector<16xf32>,
          %mul3A_621 = arith.mulf %get3A_620, %gather3A_617 : vector<16xf32>
          %swap3A_622 = arith.index_cast %add3A_607 : i32 to index
          %swap3A_623 = arith.constant 0 : index
          %swap3A_624 = tpu.vector_load %arg15[%swap3A_622, %swap3A_623] {strides = array<i32>} : memref<128x128xf32, #tpu.memory_space<vmem>>, vector<16xf32>,
          tpu.vector_store %arg15[%swap3A_622, %swap3A_623], %mul3A_621 {strides = array<i32>} : memref<128x128xf32, #tpu.memory_space<vmem>>, vector<16xf32>,
          %get3A_625 = arith.index_cast %add3A_607 : i32 to index
          %get3A_626 = arith.constant 16 : index
          %get3A_627 = tpu.vector_load %arg15[%get3A_625, %get3A_626] {strides = array<i32>} : memref<128x128xf32, #tpu.memory_space<vmem>>, vector<16xf32>,
          %mul3A_628 = arith.mulf %get3A_627, %gather3A_617 : vector<16xf32>
          %swap3A_629 = arith.index_cast %add3A_607 : i32 to index
          %swap3A_630 = arith.constant 16 : index
          %swap3A_631 = tpu.vector_load %arg15[%swap3A_629, %swap3A_630] {strides = array<i32>} : memref<128x128xf32, #tpu.memory_space<vmem>>, vector<16xf32>,
          tpu.vector_store %arg15[%swap3A_629, %swap3A_630], %mul3A_628 {strides = array<i32>} : memref<128x128xf32, #tpu.memory_space<vmem>>, vector<16xf32>,
          %mul3A_632 = arith.constant 512 : i32
          %mul3A_633 = arith.muli %select_n3A, %mul3A_632 : i32
          %mul3A_634 = arith.constant 64 : i32
          %mul3A_635 = arith.muli %select_n3A_106, %mul3A_634 : i32
          %add3A_636 = arith.addi %mul3A_633, %mul3A_635 : i32
          %broadcast_in_dim3A_637 = arith.constant 21 : i32
          %broadcast_in_dim3A_638 = vector.broadcast %broadcast_in_dim3A_637 : i32 to vector<16xi32>
          %add3A_639 = vector.broadcast %add3A_636 : i32 to vector<16xi32>
          %add3A_640 = arith.addi %add3A_639, %broadcast_in_dim3A_638 : vector<16xi32>
          %gather3A_641 = tpu.vector_load_idx %arg14[%add3A_640] : memref<4096xf32, #tpu.memory_space<vmem>>[vector<16xi32>], vector<16xf32>,
          %get3A_642 = arith.index_cast %add3A_607 : i32 to index
          %get3A_643 = arith.constant 32 : index
          %get3A_644 = tpu.vector_load %arg15[%get3A_642, %get3A_643] {strides = array<i32>} : memref<128x128xf32, #tpu.memory_space<vmem>>, vector<16xf32>,
          %mul3A_645 = arith.mulf %get3A_644, %gather3A_641 : vector<16xf32>
          %swap3A_646 = arith.index_cast %add3A_607 : i32 to index
          %swap3A_647 = arith.constant 32 : index
          %swap3A_648 = tpu.vector_load %arg15[%swap3A_646, %swap3A_647] {strides = array<i32>} : memref<128x128xf32, #tpu.memory_space<vmem>>, vector<16xf32>,
          tpu.vector_store %arg15[%swap3A_646, %swap3A_647], %mul3A_645 {strides = array<i32>} : memref<128x128xf32, #tpu.memory_space<vmem>>, vector<16xf32>,
          %get3A_649 = arith.index_cast %add3A_607 : i32 to index
          %get3A_650 = arith.constant 48 : index
          %get3A_651 = tpu.vector_load %arg15[%get3A_649, %get3A_650] {strides = array<i32>} : memref<128x128xf32, #tpu.memory_space<vmem>>, vector<16xf32>,
          %mul3A_652 = arith.mulf %get3A_651, %gather3A_641 : vector<16xf32>
          %swap3A_653 = arith.index_cast %add3A_607 : i32 to index
          %swap3A_654 = arith.constant 48 : index
          %swap3A_655 = tpu.vector_load %arg15[%swap3A_653, %swap3A_654] {strides = array<i32>} : memref<128x128xf32, #tpu.memory_space<vmem>>, vector<16xf32>,
          tpu.vector_store %arg15[%swap3A_653, %swap3A_654], %mul3A_652 {strides = array<i32>} : memref<128x128xf32, #tpu.memory_space<vmem>>, vector<16xf32>,
          %mul3A_656 = arith.constant 512 : i32
          %mul3A_657 = arith.muli %select_n3A, %mul3A_656 : i32
          %mul3A_658 = arith.constant 64 : i32
          %mul3A_659 = arith.muli %select_n3A_106, %mul3A_658 : i32
          %add3A_660 = arith.addi %mul3A_657, %mul3A_659 : i32
          %broadcast_in_dim3A_661 = arith.constant 22 : i32
          %broadcast_in_dim3A_662 = vector.broadcast %broadcast_in_dim3A_661 : i32 to vector<16xi32>
          %add3A_663 = vector.broadcast %add3A_660 : i32 to vector<16xi32>
          %add3A_664 = arith.addi %add3A_663, %broadcast_in_dim3A_662 : vector<16xi32>
          %gather3A_665 = tpu.vector_load_idx %arg14[%add3A_664] : memref<4096xf32, #tpu.memory_space<vmem>>[vector<16xi32>], vector<16xf32>,
          %get3A_666 = arith.index_cast %add3A_607 : i32 to index
          %get3A_667 = arith.constant 64 : index
          %get3A_668 = tpu.vector_load %arg15[%get3A_666, %get3A_667] {strides = array<i32>} : memref<128x128xf32, #tpu.memory_space<vmem>>, vector<16xf32>,
          %mul3A_669 = arith.mulf %get3A_668, %gather3A_665 : vector<16xf32>
          %swap3A_670 = arith.index_cast %add3A_607 : i32 to index
          %swap3A_671 = arith.constant 64 : index
          %swap3A_672 = tpu.vector_load %arg15[%swap3A_670, %swap3A_671] {strides = array<i32>} : memref<128x128xf32, #tpu.memory_space<vmem>>, vector<16xf32>,
          tpu.vector_store %arg15[%swap3A_670, %swap3A_671], %mul3A_669 {strides = array<i32>} : memref<128x128xf32, #tpu.memory_space<vmem>>, vector<16xf32>,
          %get3A_673 = arith.index_cast %add3A_607 : i32 to index
          %get3A_674 = arith.constant 80 : index
          %get3A_675 = tpu.vector_load %arg15[%get3A_673, %get3A_674] {strides = array<i32>} : memref<128x128xf32, #tpu.memory_space<vmem>>, vector<16xf32>,
          %mul3A_676 = arith.mulf %get3A_675, %gather3A_665 : vector<16xf32>
          %swap3A_677 = arith.index_cast %add3A_607 : i32 to index
          %swap3A_678 = arith.constant 80 : index
          %swap3A_679 = tpu.vector_load %arg15[%swap3A_677, %swap3A_678] {strides = array<i32>} : memref<128x128xf32, #tpu.memory_space<vmem>>, vector<16xf32>,
          tpu.vector_store %arg15[%swap3A_677, %swap3A_678], %mul3A_676 {strides = array<i32>} : memref<128x128xf32, #tpu.memory_space<vmem>>, vector<16xf32>,
          %mul3A_680 = arith.constant 512 : i32
          %mul3A_681 = arith.muli %select_n3A, %mul3A_680 : i32
          %mul3A_682 = arith.constant 64 : i32
          %mul3A_683 = arith.muli %select_n3A_106, %mul3A_682 : i32
          %add3A_684 = arith.addi %mul3A_681, %mul3A_683 : i32
          %broadcast_in_dim3A_685 = arith.constant 23 : i32
          %broadcast_in_dim3A_686 = vector.broadcast %broadcast_in_dim3A_685 : i32 to vector<16xi32>
          %add3A_687 = vector.broadcast %add3A_684 : i32 to vector<16xi32>
          %add3A_688 = arith.addi %add3A_687, %broadcast_in_dim3A_686 : vector<16xi32>
          %gather3A_689 = tpu.vector_load_idx %arg14[%add3A_688] : memref<4096xf32, #tpu.memory_space<vmem>>[vector<16xi32>], vector<16xf32>,
          %get3A_690 = arith.index_cast %add3A_607 : i32 to index
          %get3A_691 = arith.constant 96 : index
          %get3A_692 = tpu.vector_load %arg15[%get3A_690, %get3A_691] {strides = array<i32>} : memref<128x128xf32, #tpu.memory_space<vmem>>, vector<16xf32>,
          %mul3A_693 = arith.mulf %get3A_692, %gather3A_689 : vector<16xf32>
          %swap3A_694 = arith.index_cast %add3A_607 : i32 to index
          %swap3A_695 = arith.constant 96 : index
          %swap3A_696 = tpu.vector_load %arg15[%swap3A_694, %swap3A_695] {strides = array<i32>} : memref<128x128xf32, #tpu.memory_space<vmem>>, vector<16xf32>,
          tpu.vector_store %arg15[%swap3A_694, %swap3A_695], %mul3A_693 {strides = array<i32>} : memref<128x128xf32, #tpu.memory_space<vmem>>, vector<16xf32>,
          %get3A_697 = arith.index_cast %add3A_607 : i32 to index
          %get3A_698 = arith.constant 112 : index
          %get3A_699 = tpu.vector_load %arg15[%get3A_697, %get3A_698] {strides = array<i32>} : memref<128x128xf32, #tpu.memory_space<vmem>>, vector<16xf32>,
          %mul3A_700 = arith.mulf %get3A_699, %gather3A_689 : vector<16xf32>
          %swap3A_701 = arith.index_cast %add3A_607 : i32 to index
          %swap3A_702 = arith.constant 112 : index
          %swap3A_703 = tpu.vector_load %arg15[%swap3A_701, %swap3A_702] {strides = array<i32>} : memref<128x128xf32, #tpu.memory_space<vmem>>, vector<16xf32>,
          tpu.vector_store %arg15[%swap3A_701, %swap3A_702], %mul3A_700 {strides = array<i32>} : memref<128x128xf32, #tpu.memory_space<vmem>>, vector<16xf32>,
          %mul3A_704 = arith.constant 16 : i32
          %mul3A_705 = arith.muli %select_n3A_106, %mul3A_704 : i32
          %add3A_706 = arith.constant 6 : i32
          %add3A_707 = arith.addi %mul3A_705, %add3A_706 : i32
          %mul3A_708 = arith.constant 512 : i32
          %mul3A_709 = arith.muli %select_n3A, %mul3A_708 : i32
          %mul3A_710 = arith.constant 64 : i32
          %mul3A_711 = arith.muli %select_n3A_106, %mul3A_710 : i32
          %add3A_712 = arith.addi %mul3A_709, %mul3A_711 : i32
          %broadcast_in_dim3A_713 = arith.constant 24 : i32
          %broadcast_in_dim3A_714 = vector.broadcast %broadcast_in_dim3A_713 : i32 to vector<16xi32>
          %add3A_715 = vector.broadcast %add3A_712 : i32 to vector<16xi32>
          %add3A_716 = arith.addi %add3A_715, %broadcast_in_dim3A_714 : vector<16xi32>
          %gather3A_717 = tpu.vector_load_idx %arg14[%add3A_716] : memref<4096xf32, #tpu.memory_space<vmem>>[vector<16xi32>], vector<16xf32>,
          %get3A_718 = arith.index_cast %add3A_707 : i32 to index
          %get3A_719 = arith.constant 0 : index
          %get3A_720 = tpu.vector_load %arg15[%get3A_718, %get3A_719] {strides = array<i32>} : memref<128x128xf32, #tpu.memory_space<vmem>>, vector<16xf32>,
          %mul3A_721 = arith.mulf %get3A_720, %gather3A_717 : vector<16xf32>
          %swap3A_722 = arith.index_cast %add3A_707 : i32 to index
          %swap3A_723 = arith.constant 0 : index
          %swap3A_724 = tpu.vector_load %arg15[%swap3A_722, %swap3A_723] {strides = array<i32>} : memref<128x128xf32, #tpu.memory_space<vmem>>, vector<16xf32>,
          tpu.vector_store %arg15[%swap3A_722, %swap3A_723], %mul3A_721 {strides = array<i32>} : memref<128x128xf32, #tpu.memory_space<vmem>>, vector<16xf32>,
          %get3A_725 = arith.index_cast %add3A_707 : i32 to index
          %get3A_726 = arith.constant 16 : index
          %get3A_727 = tpu.vector_load %arg15[%get3A_725, %get3A_726] {strides = array<i32>} : memref<128x128xf32, #tpu.memory_space<vmem>>, vector<16xf32>,
          %mul3A_728 = arith.mulf %get3A_727, %gather3A_717 : vector<16xf32>
          %swap3A_729 = arith.index_cast %add3A_707 : i32 to index
          %swap3A_730 = arith.constant 16 : index
          %swap3A_731 = tpu.vector_load %arg15[%swap3A_729, %swap3A_730] {strides = array<i32>} : memref<128x128xf32, #tpu.memory_space<vmem>>, vector<16xf32>,
          tpu.vector_store %arg15[%swap3A_729, %swap3A_730], %mul3A_728 {strides = array<i32>} : memref<128x128xf32, #tpu.memory_space<vmem>>, vector<16xf32>,
          %mul3A_732 = arith.constant 512 : i32
          %mul3A_733 = arith.muli %select_n3A, %mul3A_732 : i32
          %mul3A_734 = arith.constant 64 : i32
          %mul3A_735 = arith.muli %select_n3A_106, %mul3A_734 : i32
          %add3A_736 = arith.addi %mul3A_733, %mul3A_735 : i32
          %broadcast_in_dim3A_737 = arith.constant 25 : i32
          %broadcast_in_dim3A_738 = vector.broadcast %broadcast_in_dim3A_737 : i32 to vector<16xi32>
          %add3A_739 = vector.broadcast %add3A_736 : i32 to vector<16xi32>
          %add3A_740 = arith.addi %add3A_739, %broadcast_in_dim3A_738 : vector<16xi32>
          %gather3A_741 = tpu.vector_load_idx %arg14[%add3A_740] : memref<4096xf32, #tpu.memory_space<vmem>>[vector<16xi32>], vector<16xf32>,
          %get3A_742 = arith.index_cast %add3A_707 : i32 to index
          %get3A_743 = arith.constant 32 : index
          %get3A_744 = tpu.vector_load %arg15[%get3A_742, %get3A_743] {strides = array<i32>} : memref<128x128xf32, #tpu.memory_space<vmem>>, vector<16xf32>,
          %mul3A_745 = arith.mulf %get3A_744, %gather3A_741 : vector<16xf32>
          %swap3A_746 = arith.index_cast %add3A_707 : i32 to index
          %swap3A_747 = arith.constant 32 : index
          %swap3A_748 = tpu.vector_load %arg15[%swap3A_746, %swap3A_747] {strides = array<i32>} : memref<128x128xf32, #tpu.memory_space<vmem>>, vector<16xf32>,
          tpu.vector_store %arg15[%swap3A_746, %swap3A_747], %mul3A_745 {strides = array<i32>} : memref<128x128xf32, #tpu.memory_space<vmem>>, vector<16xf32>,
          %get3A_749 = arith.index_cast %add3A_707 : i32 to index
          %get3A_750 = arith.constant 48 : index
          %get3A_751 = tpu.vector_load %arg15[%get3A_749, %get3A_750] {strides = array<i32>} : memref<128x128xf32, #tpu.memory_space<vmem>>, vector<16xf32>,
          %mul3A_752 = arith.mulf %get3A_751, %gather3A_741 : vector<16xf32>
          %swap3A_753 = arith.index_cast %add3A_707 : i32 to index
          %swap3A_754 = arith.constant 48 : index
          %swap3A_755 = tpu.vector_load %arg15[%swap3A_753, %swap3A_754] {strides = array<i32>} : memref<128x128xf32, #tpu.memory_space<vmem>>, vector<16xf32>,
          tpu.vector_store %arg15[%swap3A_753, %swap3A_754], %mul3A_752 {strides = array<i32>} : memref<128x128xf32, #tpu.memory_space<vmem>>, vector<16xf32>,
          %mul3A_756 = arith.constant 512 : i32
          %mul3A_757 = arith.muli %select_n3A, %mul3A_756 : i32
          %mul3A_758 = arith.constant 64 : i32
          %mul3A_759 = arith.muli %select_n3A_106, %mul3A_758 : i32
          %add3A_760 = arith.addi %mul3A_757, %mul3A_759 : i32
          %broadcast_in_dim3A_761 = arith.constant 26 : i32
          %broadcast_in_dim3A_762 = vector.broadcast %broadcast_in_dim3A_761 : i32 to vector<16xi32>
          %add3A_763 = vector.broadcast %add3A_760 : i32 to vector<16xi32>
          %add3A_764 = arith.addi %add3A_763, %broadcast_in_dim3A_762 : vector<16xi32>
          %gather3A_765 = tpu.vector_load_idx %arg14[%add3A_764] : memref<4096xf32, #tpu.memory_space<vmem>>[vector<16xi32>], vector<16xf32>,
          %get3A_766 = arith.index_cast %add3A_707 : i32 to index
          %get3A_767 = arith.constant 64 : index
          %get3A_768 = tpu.vector_load %arg15[%get3A_766, %get3A_767] {strides = array<i32>} : memref<128x128xf32, #tpu.memory_space<vmem>>, vector<16xf32>,
          %mul3A_769 = arith.mulf %get3A_768, %gather3A_765 : vector<16xf32>
          %swap3A_770 = arith.index_cast %add3A_707 : i32 to index
          %swap3A_771 = arith.constant 64 : index
          %swap3A_772 = tpu.vector_load %arg15[%swap3A_770, %swap3A_771] {strides = array<i32>} : memref<128x128xf32, #tpu.memory_space<vmem>>, vector<16xf32>,
          tpu.vector_store %arg15[%swap3A_770, %swap3A_771], %mul3A_769 {strides = array<i32>} : memref<128x128xf32, #tpu.memory_space<vmem>>, vector<16xf32>,
          %get3A_773 = arith.index_cast %add3A_707 : i32 to index
          %get3A_774 = arith.constant 80 : index
          %get3A_775 = tpu.vector_load %arg15[%get3A_773, %get3A_774] {strides = array<i32>} : memref<128x128xf32, #tpu.memory_space<vmem>>, vector<16xf32>,
          %mul3A_776 = arith.mulf %get3A_775, %gather3A_765 : vector<16xf32>
          %swap3A_777 = arith.index_cast %add3A_707 : i32 to index
          %swap3A_778 = arith.constant 80 : index
          %swap3A_779 = tpu.vector_load %arg15[%swap3A_777, %swap3A_778] {strides = array<i32>} : memref<128x128xf32, #tpu.memory_space<vmem>>, vector<16xf32>,
          tpu.vector_store %arg15[%swap3A_777, %swap3A_778], %mul3A_776 {strides = array<i32>} : memref<128x128xf32, #tpu.memory_space<vmem>>, vector<16xf32>,
          %mul3A_780 = arith.constant 512 : i32
          %mul3A_781 = arith.muli %select_n3A, %mul3A_780 : i32
          %mul3A_782 = arith.constant 64 : i32
          %mul3A_783 = arith.muli %select_n3A_106, %mul3A_782 : i32
          %add3A_784 = arith.addi %mul3A_781, %mul3A_783 : i32
          %broadcast_in_dim3A_785 = arith.constant 27 : i32
          %broadcast_in_dim3A_786 = vector.broadcast %broadcast_in_dim3A_785 : i32 to vector<16xi32>
          %add3A_787 = vector.broadcast %add3A_784 : i32 to vector<16xi32>
          %add3A_788 = arith.addi %add3A_787, %broadcast_in_dim3A_786 : vector<16xi32>
          %gather3A_789 = tpu.vector_load_idx %arg14[%add3A_788] : memref<4096xf32, #tpu.memory_space<vmem>>[vector<16xi32>], vector<16xf32>,
          %get3A_790 = arith.index_cast %add3A_707 : i32 to index
          %get3A_791 = arith.constant 96 : index
          %get3A_792 = tpu.vector_load %arg15[%get3A_790, %get3A_791] {strides = array<i32>} : memref<128x128xf32, #tpu.memory_space<vmem>>, vector<16xf32>,
          %mul3A_793 = arith.mulf %get3A_792, %gather3A_789 : vector<16xf32>
          %swap3A_794 = arith.index_cast %add3A_707 : i32 to index
          %swap3A_795 = arith.constant 96 : index
          %swap3A_796 = tpu.vector_load %arg15[%swap3A_794, %swap3A_795] {strides = array<i32>} : memref<128x128xf32, #tpu.memory_space<vmem>>, vector<16xf32>,
          tpu.vector_store %arg15[%swap3A_794, %swap3A_795], %mul3A_793 {strides = array<i32>} : memref<128x128xf32, #tpu.memory_space<vmem>>, vector<16xf32>,
          %get3A_797 = arith.index_cast %add3A_707 : i32 to index
          %get3A_798 = arith.constant 112 : index
          %get3A_799 = tpu.vector_load %arg15[%get3A_797, %get3A_798] {strides = array<i32>} : memref<128x128xf32, #tpu.memory_space<vmem>>, vector<16xf32>,
          %mul3A_800 = arith.mulf %get3A_799, %gather3A_789 : vector<16xf32>
          %swap3A_801 = arith.index_cast %add3A_707 : i32 to index
          %swap3A_802 = arith.constant 112 : index
          %swap3A_803 = tpu.vector_load %arg15[%swap3A_801, %swap3A_802] {strides = array<i32>} : memref<128x128xf32, #tpu.memory_space<vmem>>, vector<16xf32>,
          tpu.vector_store %arg15[%swap3A_801, %swap3A_802], %mul3A_800 {strides = array<i32>} : memref<128x128xf32, #tpu.memory_space<vmem>>, vector<16xf32>,
          %mul3A_804 = arith.constant 16 : i32
          %mul3A_805 = arith.muli %select_n3A_106, %mul3A_804 : i32
          %add3A_806 = arith.constant 7 : i32
          %add3A_807 = arith.addi %mul3A_805, %add3A_806 : i32
          %mul3A_808 = arith.constant 512 : i32
          %mul3A_809 = arith.muli %select_n3A, %mul3A_808 : i32
          %mul3A_810 = arith.constant 64 : i32
          %mul3A_811 = arith.muli %select_n3A_106, %mul3A_810 : i32
          %add3A_812 = arith.addi %mul3A_809, %mul3A_811 : i32
          %broadcast_in_dim3A_813 = arith.constant 28 : i32
          %broadcast_in_dim3A_814 = vector.broadcast %broadcast_in_dim3A_813 : i32 to vector<16xi32>
          %add3A_815 = vector.broadcast %add3A_812 : i32 to vector<16xi32>
          %add3A_816 = arith.addi %add3A_815, %broadcast_in_dim3A_814 : vector<16xi32>
          %gather3A_817 = tpu.vector_load_idx %arg14[%add3A_816] : memref<4096xf32, #tpu.memory_space<vmem>>[vector<16xi32>], vector<16xf32>,
          %get3A_818 = arith.index_cast %add3A_807 : i32 to index
          %get3A_819 = arith.constant 0 : index
          %get3A_820 = tpu.vector_load %arg15[%get3A_818, %get3A_819] {strides = array<i32>} : memref<128x128xf32, #tpu.memory_space<vmem>>, vector<16xf32>,
          %mul3A_821 = arith.mulf %get3A_820, %gather3A_817 : vector<16xf32>
          %swap3A_822 = arith.index_cast %add3A_807 : i32 to index
          %swap3A_823 = arith.constant 0 : index
          %swap3A_824 = tpu.vector_load %arg15[%swap3A_822, %swap3A_823] {strides = array<i32>} : memref<128x128xf32, #tpu.memory_space<vmem>>, vector<16xf32>,
          tpu.vector_store %arg15[%swap3A_822, %swap3A_823], %mul3A_821 {strides = array<i32>} : memref<128x128xf32, #tpu.memory_space<vmem>>, vector<16xf32>,
          %get3A_825 = arith.index_cast %add3A_807 : i32 to index
          %get3A_826 = arith.constant 16 : index
          %get3A_827 = tpu.vector_load %arg15[%get3A_825, %get3A_826] {strides = array<i32>} : memref<128x128xf32, #tpu.memory_space<vmem>>, vector<16xf32>,
          %mul3A_828 = arith.mulf %get3A_827, %gather3A_817 : vector<16xf32>
          %swap3A_829 = arith.index_cast %add3A_807 : i32 to index
          %swap3A_830 = arith.constant 16 : index
          %swap3A_831 = tpu.vector_load %arg15[%swap3A_829, %swap3A_830] {strides = array<i32>} : memref<128x128xf32, #tpu.memory_space<vmem>>, vector<16xf32>,
          tpu.vector_store %arg15[%swap3A_829, %swap3A_830], %mul3A_828 {strides = array<i32>} : memref<128x128xf32, #tpu.memory_space<vmem>>, vector<16xf32>,
          %mul3A_832 = arith.constant 512 : i32
          %mul3A_833 = arith.muli %select_n3A, %mul3A_832 : i32
          %mul3A_834 = arith.constant 64 : i32
          %mul3A_835 = arith.muli %select_n3A_106, %mul3A_834 : i32
          %add3A_836 = arith.addi %mul3A_833, %mul3A_835 : i32
          %broadcast_in_dim3A_837 = arith.constant 29 : i32
          %broadcast_in_dim3A_838 = vector.broadcast %broadcast_in_dim3A_837 : i32 to vector<16xi32>
          %add3A_839 = vector.broadcast %add3A_836 : i32 to vector<16xi32>
          %add3A_840 = arith.addi %add3A_839, %broadcast_in_dim3A_838 : vector<16xi32>
          %gather3A_841 = tpu.vector_load_idx %arg14[%add3A_840] : memref<4096xf32, #tpu.memory_space<vmem>>[vector<16xi32>], vector<16xf32>,
          %get3A_842 = arith.index_cast %add3A_807 : i32 to index
          %get3A_843 = arith.constant 32 : index
          %get3A_844 = tpu.vector_load %arg15[%get3A_842, %get3A_843] {strides = array<i32>} : memref<128x128xf32, #tpu.memory_space<vmem>>, vector<16xf32>,
          %mul3A_845 = arith.mulf %get3A_844, %gather3A_841 : vector<16xf32>
          %swap3A_846 = arith.index_cast %add3A_807 : i32 to index
          %swap3A_847 = arith.constant 32 : index
          %swap3A_848 = tpu.vector_load %arg15[%swap3A_846, %swap3A_847] {strides = array<i32>} : memref<128x128xf32, #tpu.memory_space<vmem>>, vector<16xf32>,
          tpu.vector_store %arg15[%swap3A_846, %swap3A_847], %mul3A_845 {strides = array<i32>} : memref<128x128xf32, #tpu.memory_space<vmem>>, vector<16xf32>,
          %get3A_849 = arith.index_cast %add3A_807 : i32 to index
          %get3A_850 = arith.constant 48 : index
          %get3A_851 = tpu.vector_load %arg15[%get3A_849, %get3A_850] {strides = array<i32>} : memref<128x128xf32, #tpu.memory_space<vmem>>, vector<16xf32>,
          %mul3A_852 = arith.mulf %get3A_851, %gather3A_841 : vector<16xf32>
          %swap3A_853 = arith.index_cast %add3A_807 : i32 to index
          %swap3A_854 = arith.constant 48 : index
          %swap3A_855 = tpu.vector_load %arg15[%swap3A_853, %swap3A_854] {strides = array<i32>} : memref<128x128xf32, #tpu.memory_space<vmem>>, vector<16xf32>,
          tpu.vector_store %arg15[%swap3A_853, %swap3A_854], %mul3A_852 {strides = array<i32>} : memref<128x128xf32, #tpu.memory_space<vmem>>, vector<16xf32>,
          %mul3A_856 = arith.constant 512 : i32
          %mul3A_857 = arith.muli %select_n3A, %mul3A_856 : i32
          %mul3A_858 = arith.constant 64 : i32
          %mul3A_859 = arith.muli %select_n3A_106, %mul3A_858 : i32
          %add3A_860 = arith.addi %mul3A_857, %mul3A_859 : i32
          %broadcast_in_dim3A_861 = arith.constant 30 : i32
          %broadcast_in_dim3A_862 = vector.broadcast %broadcast_in_dim3A_861 : i32 to vector<16xi32>
          %add3A_863 = vector.broadcast %add3A_860 : i32 to vector<16xi32>
          %add3A_864 = arith.addi %add3A_863, %broadcast_in_dim3A_862 : vector<16xi32>
          %gather3A_865 = tpu.vector_load_idx %arg14[%add3A_864] : memref<4096xf32, #tpu.memory_space<vmem>>[vector<16xi32>], vector<16xf32>,
          %get3A_866 = arith.index_cast %add3A_807 : i32 to index
          %get3A_867 = arith.constant 64 : index
          %get3A_868 = tpu.vector_load %arg15[%get3A_866, %get3A_867] {strides = array<i32>} : memref<128x128xf32, #tpu.memory_space<vmem>>, vector<16xf32>,
          %mul3A_869 = arith.mulf %get3A_868, %gather3A_865 : vector<16xf32>
          %swap3A_870 = arith.index_cast %add3A_807 : i32 to index
          %swap3A_871 = arith.constant 64 : index
          %swap3A_872 = tpu.vector_load %arg15[%swap3A_870, %swap3A_871] {strides = array<i32>} : memref<128x128xf32, #tpu.memory_space<vmem>>, vector<16xf32>,
          tpu.vector_store %arg15[%swap3A_870, %swap3A_871], %mul3A_869 {strides = array<i32>} : memref<128x128xf32, #tpu.memory_space<vmem>>, vector<16xf32>,
          %get3A_873 = arith.index_cast %add3A_807 : i32 to index
          %get3A_874 = arith.constant 80 : index
          %get3A_875 = tpu.vector_load %arg15[%get3A_873, %get3A_874] {strides = array<i32>} : memref<128x128xf32, #tpu.memory_space<vmem>>, vector<16xf32>,
          %mul3A_876 = arith.mulf %get3A_875, %gather3A_865 : vector<16xf32>
          %swap3A_877 = arith.index_cast %add3A_807 : i32 to index
          %swap3A_878 = arith.constant 80 : index
          %swap3A_879 = tpu.vector_load %arg15[%swap3A_877, %swap3A_878] {strides = array<i32>} : memref<128x128xf32, #tpu.memory_space<vmem>>, vector<16xf32>,
          tpu.vector_store %arg15[%swap3A_877, %swap3A_878], %mul3A_876 {strides = array<i32>} : memref<128x128xf32, #tpu.memory_space<vmem>>, vector<16xf32>,
          %mul3A_880 = arith.constant 512 : i32
          %mul3A_881 = arith.muli %select_n3A, %mul3A_880 : i32
          %mul3A_882 = arith.constant 64 : i32
          %mul3A_883 = arith.muli %select_n3A_106, %mul3A_882 : i32
          %add3A_884 = arith.addi %mul3A_881, %mul3A_883 : i32
          %broadcast_in_dim3A_885 = arith.constant 31 : i32
          %broadcast_in_dim3A_886 = vector.broadcast %broadcast_in_dim3A_885 : i32 to vector<16xi32>
          %add3A_887 = vector.broadcast %add3A_884 : i32 to vector<16xi32>
          %add3A_888 = arith.addi %add3A_887, %broadcast_in_dim3A_886 : vector<16xi32>
          %gather3A_889 = tpu.vector_load_idx %arg14[%add3A_888] : memref<4096xf32, #tpu.memory_space<vmem>>[vector<16xi32>], vector<16xf32>,
          %get3A_890 = arith.index_cast %add3A_807 : i32 to index
          %get3A_891 = arith.constant 96 : index
          %get3A_892 = tpu.vector_load %arg15[%get3A_890, %get3A_891] {strides = array<i32>} : memref<128x128xf32, #tpu.memory_space<vmem>>, vector<16xf32>,
          %mul3A_893 = arith.mulf %get3A_892, %gather3A_889 : vector<16xf32>
          %swap3A_894 = arith.index_cast %add3A_807 : i32 to index
          %swap3A_895 = arith.constant 96 : index
          %swap3A_896 = tpu.vector_load %arg15[%swap3A_894, %swap3A_895] {strides = array<i32>} : memref<128x128xf32, #tpu.memory_space<vmem>>, vector<16xf32>,
          tpu.vector_store %arg15[%swap3A_894, %swap3A_895], %mul3A_893 {strides = array<i32>} : memref<128x128xf32, #tpu.memory_space<vmem>>, vector<16xf32>,
          %get3A_897 = arith.index_cast %add3A_807 : i32 to index
          %get3A_898 = arith.constant 112 : index
          %get3A_899 = tpu.vector_load %arg15[%get3A_897, %get3A_898] {strides = array<i32>} : memref<128x128xf32, #tpu.memory_space<vmem>>, vector<16xf32>,
          %mul3A_900 = arith.mulf %get3A_899, %gather3A_889 : vector<16xf32>
          %swap3A_901 = arith.index_cast %add3A_807 : i32 to index
          %swap3A_902 = arith.constant 112 : index
          %swap3A_903 = tpu.vector_load %arg15[%swap3A_901, %swap3A_902] {strides = array<i32>} : memref<128x128xf32, #tpu.memory_space<vmem>>, vector<16xf32>,
          tpu.vector_store %arg15[%swap3A_901, %swap3A_902], %mul3A_900 {strides = array<i32>} : memref<128x128xf32, #tpu.memory_space<vmem>>, vector<16xf32>,
          %mul3A_904 = arith.constant 16 : i32
          %mul3A_905 = arith.muli %select_n3A_106, %mul3A_904 : i32
          %add3A_906 = arith.constant 8 : i32
          %add3A_907 = arith.addi %mul3A_905, %add3A_906 : i32
          %mul3A_908 = arith.constant 512 : i32
          %mul3A_909 = arith.muli %select_n3A, %mul3A_908 : i32
          %mul3A_910 = arith.constant 64 : i32
          %mul3A_911 = arith.muli %select_n3A_106, %mul3A_910 : i32
          %add3A_912 = arith.addi %mul3A_909, %mul3A_911 : i32
          %broadcast_in_dim3A_913 = arith.constant 32 : i32
          %broadcast_in_dim3A_914 = vector.broadcast %broadcast_in_dim3A_913 : i32 to vector<16xi32>
          %add3A_915 = vector.broadcast %add3A_912 : i32 to vector<16xi32>
          %add3A_916 = arith.addi %add3A_915, %broadcast_in_dim3A_914 : vector<16xi32>
          %gather3A_917 = tpu.vector_load_idx %arg14[%add3A_916] : memref<4096xf32, #tpu.memory_space<vmem>>[vector<16xi32>], vector<16xf32>,
          %get3A_918 = arith.index_cast %add3A_907 : i32 to index
          %get3A_919 = arith.constant 0 : index
          %get3A_920 = tpu.vector_load %arg15[%get3A_918, %get3A_919] {strides = array<i32>} : memref<128x128xf32, #tpu.memory_space<vmem>>, vector<16xf32>,
          %mul3A_921 = arith.mulf %get3A_920, %gather3A_917 : vector<16xf32>
          %swap3A_922 = arith.index_cast %add3A_907 : i32 to index
          %swap3A_923 = arith.constant 0 : index
          %swap3A_924 = tpu.vector_load %arg15[%swap3A_922, %swap3A_923] {strides = array<i32>} : memref<128x128xf32, #tpu.memory_space<vmem>>, vector<16xf32>,
          tpu.vector_store %arg15[%swap3A_922, %swap3A_923], %mul3A_921 {strides = array<i32>} : memref<128x128xf32, #tpu.memory_space<vmem>>, vector<16xf32>,
          %get3A_925 = arith.index_cast %add3A_907 : i32 to index
          %get3A_926 = arith.constant 16 : index
          %get3A_927 = tpu.vector_load %arg15[%get3A_925, %get3A_926] {strides = array<i32>} : memref<128x128xf32, #tpu.memory_space<vmem>>, vector<16xf32>,
          %mul3A_928 = arith.mulf %get3A_927, %gather3A_917 : vector<16xf32>
          %swap3A_929 = arith.index_cast %add3A_907 : i32 to index
          %swap3A_930 = arith.constant 16 : index
          %swap3A_931 = tpu.vector_load %arg15[%swap3A_929, %swap3A_930] {strides = array<i32>} : memref<128x128xf32, #tpu.memory_space<vmem>>, vector<16xf32>,
          tpu.vector_store %arg15[%swap3A_929, %swap3A_930], %mul3A_928 {strides = array<i32>} : memref<128x128xf32, #tpu.memory_space<vmem>>, vector<16xf32>,
          %mul3A_932 = arith.constant 512 : i32
          %mul3A_933 = arith.muli %select_n3A, %mul3A_932 : i32
          %mul3A_934 = arith.constant 64 : i32
          %mul3A_935 = arith.muli %select_n3A_106, %mul3A_934 : i32
          %add3A_936 = arith.addi %mul3A_933, %mul3A_935 : i32
          %broadcast_in_dim3A_937 = arith.constant 33 : i32
          %broadcast_in_dim3A_938 = vector.broadcast %broadcast_in_dim3A_937 : i32 to vector<16xi32>
          %add3A_939 = vector.broadcast %add3A_936 : i32 to vector<16xi32>
          %add3A_940 = arith.addi %add3A_939, %broadcast_in_dim3A_938 : vector<16xi32>
          %gather3A_941 = tpu.vector_load_idx %arg14[%add3A_940] : memref<4096xf32, #tpu.memory_space<vmem>>[vector<16xi32>], vector<16xf32>,
          %get3A_942 = arith.index_cast %add3A_907 : i32 to index
          %get3A_943 = arith.constant 32 : index
          %get3A_944 = tpu.vector_load %arg15[%get3A_942, %get3A_943] {strides = array<i32>} : memref<128x128xf32, #tpu.memory_space<vmem>>, vector<16xf32>,
          %mul3A_945 = arith.mulf %get3A_944, %gather3A_941 : vector<16xf32>
          %swap3A_946 = arith.index_cast %add3A_907 : i32 to index
          %swap3A_947 = arith.constant 32 : index
          %swap3A_948 = tpu.vector_load %arg15[%swap3A_946, %swap3A_947] {strides = array<i32>} : memref<128x128xf32, #tpu.memory_space<vmem>>, vector<16xf32>,
          tpu.vector_store %arg15[%swap3A_946, %swap3A_947], %mul3A_945 {strides = array<i32>} : memref<128x128xf32, #tpu.memory_space<vmem>>, vector<16xf32>,
          %get3A_949 = arith.index_cast %add3A_907 : i32 to index
          %get3A_950 = arith.constant 48 : index
          %get3A_951 = tpu.vector_load %arg15[%get3A_949, %get3A_950] {strides = array<i32>} : memref<128x128xf32, #tpu.memory_space<vmem>>, vector<16xf32>,
          %mul3A_952 = arith.mulf %get3A_951, %gather3A_941 : vector<16xf32>
          %swap3A_953 = arith.index_cast %add3A_907 : i32 to index
          %swap3A_954 = arith.constant 48 : index
          %swap3A_955 = tpu.vector_load %arg15[%swap3A_953, %swap3A_954] {strides = array<i32>} : memref<128x128xf32, #tpu.memory_space<vmem>>, vector<16xf32>,
          tpu.vector_store %arg15[%swap3A_953, %swap3A_954], %mul3A_952 {strides = array<i32>} : memref<128x128xf32, #tpu.memory_space<vmem>>, vector<16xf32>,
          %mul3A_956 = arith.constant 512 : i32
          %mul3A_957 = arith.muli %select_n3A, %mul3A_956 : i32
          %mul3A_958 = arith.constant 64 : i32
          %mul3A_959 = arith.muli %select_n3A_106, %mul3A_958 : i32
          %add3A_960 = arith.addi %mul3A_957, %mul3A_959 : i32
          %broadcast_in_dim3A_961 = arith.constant 34 : i32
          %broadcast_in_dim3A_962 = vector.broadcast %broadcast_in_dim3A_961 : i32 to vector<16xi32>
          %add3A_963 = vector.broadcast %add3A_960 : i32 to vector<16xi32>
          %add3A_964 = arith.addi %add3A_963, %broadcast_in_dim3A_962 : vector<16xi32>
          %gather3A_965 = tpu.vector_load_idx %arg14[%add3A_964] : memref<4096xf32, #tpu.memory_space<vmem>>[vector<16xi32>], vector<16xf32>,
          %get3A_966 = arith.index_cast %add3A_907 : i32 to index
          %get3A_967 = arith.constant 64 : index
          %get3A_968 = tpu.vector_load %arg15[%get3A_966, %get3A_967] {strides = array<i32>} : memref<128x128xf32, #tpu.memory_space<vmem>>, vector<16xf32>,
          %mul3A_969 = arith.mulf %get3A_968, %gather3A_965 : vector<16xf32>
          %swap3A_970 = arith.index_cast %add3A_907 : i32 to index
          %swap3A_971 = arith.constant 64 : index
          %swap3A_972 = tpu.vector_load %arg15[%swap3A_970, %swap3A_971] {strides = array<i32>} : memref<128x128xf32, #tpu.memory_space<vmem>>, vector<16xf32>,
          tpu.vector_store %arg15[%swap3A_970, %swap3A_971], %mul3A_969 {strides = array<i32>} : memref<128x128xf32, #tpu.memory_space<vmem>>, vector<16xf32>,
          %get3A_973 = arith.index_cast %add3A_907 : i32 to index
          %get3A_974 = arith.constant 80 : index
          %get3A_975 = tpu.vector_load %arg15[%get3A_973, %get3A_974] {strides = array<i32>} : memref<128x128xf32, #tpu.memory_space<vmem>>, vector<16xf32>,
          %mul3A_976 = arith.mulf %get3A_975, %gather3A_965 : vector<16xf32>
          %swap3A_977 = arith.index_cast %add3A_907 : i32 to index
          %swap3A_978 = arith.constant 80 : index
          %swap3A_979 = tpu.vector_load %arg15[%swap3A_977, %swap3A_978] {strides = array<i32>} : memref<128x128xf32, #tpu.memory_space<vmem>>, vector<16xf32>,
          tpu.vector_store %arg15[%swap3A_977, %swap3A_978], %mul3A_976 {strides = array<i32>} : memref<128x128xf32, #tpu.memory_space<vmem>>, vector<16xf32>,
          %mul3A_980 = arith.constant 512 : i32
          %mul3A_981 = arith.muli %select_n3A, %mul3A_980 : i32
          %mul3A_982 = arith.constant 64 : i32
          %mul3A_983 = arith.muli %select_n3A_106, %mul3A_982 : i32
          %add3A_984 = arith.addi %mul3A_981, %mul3A_983 : i32
          %broadcast_in_dim3A_985 = arith.constant 35 : i32
          %broadcast_in_dim3A_986 = vector.broadcast %broadcast_in_dim3A_985 : i32 to vector<16xi32>
          %add3A_987 = vector.broadcast %add3A_984 : i32 to vector<16xi32>
          %add3A_988 = arith.addi %add3A_987, %broadcast_in_dim3A_986 : vector<16xi32>
          %gather3A_989 = tpu.vector_load_idx %arg14[%add3A_988] : memref<4096xf32, #tpu.memory_space<vmem>>[vector<16xi32>], vector<16xf32>,
          %get3A_990 = arith.index_cast %add3A_907 : i32 to index
          %get3A_991 = arith.constant 96 : index
          %get3A_992 = tpu.vector_load %arg15[%get3A_990, %get3A_991] {strides = array<i32>} : memref<128x128xf32, #tpu.memory_space<vmem>>, vector<16xf32>,
          %mul3A_993 = arith.mulf %get3A_992, %gather3A_989 : vector<16xf32>
          %swap3A_994 = arith.index_cast %add3A_907 : i32 to index
          %swap3A_995 = arith.constant 96 : index
          %swap3A_996 = tpu.vector_load %arg15[%swap3A_994, %swap3A_995] {strides = array<i32>} : memref<128x128xf32, #tpu.memory_space<vmem>>, vector<16xf32>,
          tpu.vector_store %arg15[%swap3A_994, %swap3A_995], %mul3A_993 {strides = array<i32>} : memref<128x128xf32, #tpu.memory_space<vmem>>, vector<16xf32>,
          %get3A_997 = arith.index_cast %add3A_907 : i32 to index
          %get3A_998 = arith.constant 112 : index
          %get3A_999 = tpu.vector_load %arg15[%get3A_997, %get3A_998] {strides = array<i32>} : memref<128x128xf32, #tpu.memory_space<vmem>>, vector<16xf32>,
          %mul3A_1000 = arith.mulf %get3A_999, %gather3A_989 : vector<16xf32>
          %swap3A_1001 = arith.index_cast %add3A_907 : i32 to index
          %swap3A_1002 = arith.constant 112 : index
          %swap3A_1003 = tpu.vector_load %arg15[%swap3A_1001, %swap3A_1002] {strides = array<i32>} : memref<128x128xf32, #tpu.memory_space<vmem>>, vector<16xf32>,
          tpu.vector_store %arg15[%swap3A_1001, %swap3A_1002], %mul3A_1000 {strides = array<i32>} : memref<128x128xf32, #tpu.memory_space<vmem>>, vector<16xf32>,
          %mul3A_1004 = arith.constant 16 : i32
          %mul3A_1005 = arith.muli %select_n3A_106, %mul3A_1004 : i32
          %add3A_1006 = arith.constant 9 : i32
          %add3A_1007 = arith.addi %mul3A_1005, %add3A_1006 : i32
          %mul3A_1008 = arith.constant 512 : i32
          %mul3A_1009 = arith.muli %select_n3A, %mul3A_1008 : i32
          %mul3A_1010 = arith.constant 64 : i32
          %mul3A_1011 = arith.muli %select_n3A_106, %mul3A_1010 : i32
          %add3A_1012 = arith.addi %mul3A_1009, %mul3A_1011 : i32
          %broadcast_in_dim3A_1013 = arith.constant 36 : i32
          %broadcast_in_dim3A_1014 = vector.broadcast %broadcast_in_dim3A_1013 : i32 to vector<16xi32>
          %add3A_1015 = vector.broadcast %add3A_1012 : i32 to vector<16xi32>
          %add3A_1016 = arith.addi %add3A_1015, %broadcast_in_dim3A_1014 : vector<16xi32>
          %gather3A_1017 = tpu.vector_load_idx %arg14[%add3A_1016] : memref<4096xf32, #tpu.memory_space<vmem>>[vector<16xi32>], vector<16xf32>,
          %get3A_1018 = arith.index_cast %add3A_1007 : i32 to index
          %get3A_1019 = arith.constant 0 : index
          %get3A_1020 = tpu.vector_load %arg15[%get3A_1018, %get3A_1019] {strides = array<i32>} : memref<128x128xf32, #tpu.memory_space<vmem>>, vector<16xf32>,
          %mul3A_1021 = arith.mulf %get3A_1020, %gather3A_1017 : vector<16xf32>
          %swap3A_1022 = arith.index_cast %add3A_1007 : i32 to index
          %swap3A_1023 = arith.constant 0 : index
          %swap3A_1024 = tpu.vector_load %arg15[%swap3A_1022, %swap3A_1023] {strides = array<i32>} : memref<128x128xf32, #tpu.memory_space<vmem>>, vector<16xf32>,
          tpu.vector_store %arg15[%swap3A_1022, %swap3A_1023], %mul3A_1021 {strides = array<i32>} : memref<128x128xf32, #tpu.memory_space<vmem>>, vector<16xf32>,
          %get3A_1025 = arith.index_cast %add3A_1007 : i32 to index
          %get3A_1026 = arith.constant 16 : index
          %get3A_1027 = tpu.vector_load %arg15[%get3A_1025, %get3A_1026] {strides = array<i32>} : memref<128x128xf32, #tpu.memory_space<vmem>>, vector<16xf32>,
          %mul3A_1028 = arith.mulf %get3A_1027, %gather3A_1017 : vector<16xf32>
          %swap3A_1029 = arith.index_cast %add3A_1007 : i32 to index
          %swap3A_1030 = arith.constant 16 : index
          %swap3A_1031 = tpu.vector_load %arg15[%swap3A_1029, %swap3A_1030] {strides = array<i32>} : memref<128x128xf32, #tpu.memory_space<vmem>>, vector<16xf32>,
          tpu.vector_store %arg15[%swap3A_1029, %swap3A_1030], %mul3A_1028 {strides = array<i32>} : memref<128x128xf32, #tpu.memory_space<vmem>>, vector<16xf32>,
          %mul3A_1032 = arith.constant 512 : i32
          %mul3A_1033 = arith.muli %select_n3A, %mul3A_1032 : i32
          %mul3A_1034 = arith.constant 64 : i32
          %mul3A_1035 = arith.muli %select_n3A_106, %mul3A_1034 : i32
          %add3A_1036 = arith.addi %mul3A_1033, %mul3A_1035 : i32
          %broadcast_in_dim3A_1037 = arith.constant 37 : i32
          %broadcast_in_dim3A_1038 = vector.broadcast %broadcast_in_dim3A_1037 : i32 to vector<16xi32>
          %add3A_1039 = vector.broadcast %add3A_1036 : i32 to vector<16xi32>
          %add3A_1040 = arith.addi %add3A_1039, %broadcast_in_dim3A_1038 : vector<16xi32>
          %gather3A_1041 = tpu.vector_load_idx %arg14[%add3A_1040] : memref<4096xf32, #tpu.memory_space<vmem>>[vector<16xi32>], vector<16xf32>,
          %get3A_1042 = arith.index_cast %add3A_1007 : i32 to index
          %get3A_1043 = arith.constant 32 : index
          %get3A_1044 = tpu.vector_load %arg15[%get3A_1042, %get3A_1043] {strides = array<i32>} : memref<128x128xf32, #tpu.memory_space<vmem>>, vector<16xf32>,
          %mul3A_1045 = arith.mulf %get3A_1044, %gather3A_1041 : vector<16xf32>
          %swap3A_1046 = arith.index_cast %add3A_1007 : i32 to index
          %swap3A_1047 = arith.constant 32 : index
          %swap3A_1048 = tpu.vector_load %arg15[%swap3A_1046, %swap3A_1047] {strides = array<i32>} : memref<128x128xf32, #tpu.memory_space<vmem>>, vector<16xf32>,
          tpu.vector_store %arg15[%swap3A_1046, %swap3A_1047], %mul3A_1045 {strides = array<i32>} : memref<128x128xf32, #tpu.memory_space<vmem>>, vector<16xf32>,
          %get3A_1049 = arith.index_cast %add3A_1007 : i32 to index
          %get3A_1050 = arith.constant 48 : index
          %get3A_1051 = tpu.vector_load %arg15[%get3A_1049, %get3A_1050] {strides = array<i32>} : memref<128x128xf32, #tpu.memory_space<vmem>>, vector<16xf32>,
          %mul3A_1052 = arith.mulf %get3A_1051, %gather3A_1041 : vector<16xf32>
          %swap3A_1053 = arith.index_cast %add3A_1007 : i32 to index
          %swap3A_1054 = arith.constant 48 : index
          %swap3A_1055 = tpu.vector_load %arg15[%swap3A_1053, %swap3A_1054] {strides = array<i32>} : memref<128x128xf32, #tpu.memory_space<vmem>>, vector<16xf32>,
          tpu.vector_store %arg15[%swap3A_1053, %swap3A_1054], %mul3A_1052 {strides = array<i32>} : memref<128x128xf32, #tpu.memory_space<vmem>>, vector<16xf32>,
          %mul3A_1056 = arith.constant 512 : i32
          %mul3A_1057 = arith.muli %select_n3A, %mul3A_1056 : i32
          %mul3A_1058 = arith.constant 64 : i32
          %mul3A_1059 = arith.muli %select_n3A_106, %mul3A_1058 : i32
          %add3A_1060 = arith.addi %mul3A_1057, %mul3A_1059 : i32
          %broadcast_in_dim3A_1061 = arith.constant 38 : i32
          %broadcast_in_dim3A_1062 = vector.broadcast %broadcast_in_dim3A_1061 : i32 to vector<16xi32>
          %add3A_1063 = vector.broadcast %add3A_1060 : i32 to vector<16xi32>
          %add3A_1064 = arith.addi %add3A_1063, %broadcast_in_dim3A_1062 : vector<16xi32>
          %gather3A_1065 = tpu.vector_load_idx %arg14[%add3A_1064] : memref<4096xf32, #tpu.memory_space<vmem>>[vector<16xi32>], vector<16xf32>,
          %get3A_1066 = arith.index_cast %add3A_1007 : i32 to index
          %get3A_1067 = arith.constant 64 : index
          %get3A_1068 = tpu.vector_load %arg15[%get3A_1066, %get3A_1067] {strides = array<i32>} : memref<128x128xf32, #tpu.memory_space<vmem>>, vector<16xf32>,
          %mul3A_1069 = arith.mulf %get3A_1068, %gather3A_1065 : vector<16xf32>
          %swap3A_1070 = arith.index_cast %add3A_1007 : i32 to index
          %swap3A_1071 = arith.constant 64 : index
          %swap3A_1072 = tpu.vector_load %arg15[%swap3A_1070, %swap3A_1071] {strides = array<i32>} : memref<128x128xf32, #tpu.memory_space<vmem>>, vector<16xf32>,
          tpu.vector_store %arg15[%swap3A_1070, %swap3A_1071], %mul3A_1069 {strides = array<i32>} : memref<128x128xf32, #tpu.memory_space<vmem>>, vector<16xf32>,
          %get3A_1073 = arith.index_cast %add3A_1007 : i32 to index
          %get3A_1074 = arith.constant 80 : index
          %get3A_1075 = tpu.vector_load %arg15[%get3A_1073, %get3A_1074] {strides = array<i32>} : memref<128x128xf32, #tpu.memory_space<vmem>>, vector<16xf32>,
          %mul3A_1076 = arith.mulf %get3A_1075, %gather3A_1065 : vector<16xf32>
          %swap3A_1077 = arith.index_cast %add3A_1007 : i32 to index
          %swap3A_1078 = arith.constant 80 : index
          %swap3A_1079 = tpu.vector_load %arg15[%swap3A_1077, %swap3A_1078] {strides = array<i32>} : memref<128x128xf32, #tpu.memory_space<vmem>>, vector<16xf32>,
          tpu.vector_store %arg15[%swap3A_1077, %swap3A_1078], %mul3A_1076 {strides = array<i32>} : memref<128x128xf32, #tpu.memory_space<vmem>>, vector<16xf32>,
          %mul3A_1080 = arith.constant 512 : i32
          %mul3A_1081 = arith.muli %select_n3A, %mul3A_1080 : i32
          %mul3A_1082 = arith.constant 64 : i32
          %mul3A_1083 = arith.muli %select_n3A_106, %mul3A_1082 : i32
          %add3A_1084 = arith.addi %mul3A_1081, %mul3A_1083 : i32
          %broadcast_in_dim3A_1085 = arith.constant 39 : i32
          %broadcast_in_dim3A_1086 = vector.broadcast %broadcast_in_dim3A_1085 : i32 to vector<16xi32>
          %add3A_1087 = vector.broadcast %add3A_1084 : i32 to vector<16xi32>
          %add3A_1088 = arith.addi %add3A_1087, %broadcast_in_dim3A_1086 : vector<16xi32>
          %gather3A_1089 = tpu.vector_load_idx %arg14[%add3A_1088] : memref<4096xf32, #tpu.memory_space<vmem>>[vector<16xi32>], vector<16xf32>,
          %get3A_1090 = arith.index_cast %add3A_1007 : i32 to index
          %get3A_1091 = arith.constant 96 : index
          %get3A_1092 = tpu.vector_load %arg15[%get3A_1090, %get3A_1091] {strides = array<i32>} : memref<128x128xf32, #tpu.memory_space<vmem>>, vector<16xf32>,
          %mul3A_1093 = arith.mulf %get3A_1092, %gather3A_1089 : vector<16xf32>
          %swap3A_1094 = arith.index_cast %add3A_1007 : i32 to index
          %swap3A_1095 = arith.constant 96 : index
          %swap3A_1096 = tpu.vector_load %arg15[%swap3A_1094, %swap3A_1095] {strides = array<i32>} : memref<128x128xf32, #tpu.memory_space<vmem>>, vector<16xf32>,
          tpu.vector_store %arg15[%swap3A_1094, %swap3A_1095], %mul3A_1093 {strides = array<i32>} : memref<128x128xf32, #tpu.memory_space<vmem>>, vector<16xf32>,
          %get3A_1097 = arith.index_cast %add3A_1007 : i32 to index
          %get3A_1098 = arith.constant 112 : index
          %get3A_1099 = tpu.vector_load %arg15[%get3A_1097, %get3A_1098] {strides = array<i32>} : memref<128x128xf32, #tpu.memory_space<vmem>>, vector<16xf32>,
          %mul3A_1100 = arith.mulf %get3A_1099, %gather3A_1089 : vector<16xf32>
          %swap3A_1101 = arith.index_cast %add3A_1007 : i32 to index
          %swap3A_1102 = arith.constant 112 : index
          %swap3A_1103 = tpu.vector_load %arg15[%swap3A_1101, %swap3A_1102] {strides = array<i32>} : memref<128x128xf32, #tpu.memory_space<vmem>>, vector<16xf32>,
          tpu.vector_store %arg15[%swap3A_1101, %swap3A_1102], %mul3A_1100 {strides = array<i32>} : memref<128x128xf32, #tpu.memory_space<vmem>>, vector<16xf32>,
          %mul3A_1104 = arith.constant 16 : i32
          %mul3A_1105 = arith.muli %select_n3A_106, %mul3A_1104 : i32
          %add3A_1106 = arith.constant 10 : i32
          %add3A_1107 = arith.addi %mul3A_1105, %add3A_1106 : i32
          %mul3A_1108 = arith.constant 512 : i32
          %mul3A_1109 = arith.muli %select_n3A, %mul3A_1108 : i32
          %mul3A_1110 = arith.constant 64 : i32
          %mul3A_1111 = arith.muli %select_n3A_106, %mul3A_1110 : i32
          %add3A_1112 = arith.addi %mul3A_1109, %mul3A_1111 : i32
          %broadcast_in_dim3A_1113 = arith.constant 40 : i32
          %broadcast_in_dim3A_1114 = vector.broadcast %broadcast_in_dim3A_1113 : i32 to vector<16xi32>
          %add3A_1115 = vector.broadcast %add3A_1112 : i32 to vector<16xi32>
          %add3A_1116 = arith.addi %add3A_1115, %broadcast_in_dim3A_1114 : vector<16xi32>
          %gather3A_1117 = tpu.vector_load_idx %arg14[%add3A_1116] : memref<4096xf32, #tpu.memory_space<vmem>>[vector<16xi32>], vector<16xf32>,
          %get3A_1118 = arith.index_cast %add3A_1107 : i32 to index
          %get3A_1119 = arith.constant 0 : index
          %get3A_1120 = tpu.vector_load %arg15[%get3A_1118, %get3A_1119] {strides = array<i32>} : memref<128x128xf32, #tpu.memory_space<vmem>>, vector<16xf32>,
          %mul3A_1121 = arith.mulf %get3A_1120, %gather3A_1117 : vector<16xf32>
          %swap3A_1122 = arith.index_cast %add3A_1107 : i32 to index
          %swap3A_1123 = arith.constant 0 : index
          %swap3A_1124 = tpu.vector_load %arg15[%swap3A_1122, %swap3A_1123] {strides = array<i32>} : memref<128x128xf32, #tpu.memory_space<vmem>>, vector<16xf32>,
          tpu.vector_store %arg15[%swap3A_1122, %swap3A_1123], %mul3A_1121 {strides = array<i32>} : memref<128x128xf32, #tpu.memory_space<vmem>>, vector<16xf32>,
          %get3A_1125 = arith.index_cast %add3A_1107 : i32 to index
          %get3A_1126 = arith.constant 16 : index
          %get3A_1127 = tpu.vector_load %arg15[%get3A_1125, %get3A_1126] {strides = array<i32>} : memref<128x128xf32, #tpu.memory_space<vmem>>, vector<16xf32>,
          %mul3A_1128 = arith.mulf %get3A_1127, %gather3A_1117 : vector<16xf32>
          %swap3A_1129 = arith.index_cast %add3A_1107 : i32 to index
          %swap3A_1130 = arith.constant 16 : index
          %swap3A_1131 = tpu.vector_load %arg15[%swap3A_1129, %swap3A_1130] {strides = array<i32>} : memref<128x128xf32, #tpu.memory_space<vmem>>, vector<16xf32>,
          tpu.vector_store %arg15[%swap3A_1129, %swap3A_1130], %mul3A_1128 {strides = array<i32>} : memref<128x128xf32, #tpu.memory_space<vmem>>, vector<16xf32>,
          %mul3A_1132 = arith.constant 512 : i32
          %mul3A_1133 = arith.muli %select_n3A, %mul3A_1132 : i32
          %mul3A_1134 = arith.constant 64 : i32
          %mul3A_1135 = arith.muli %select_n3A_106, %mul3A_1134 : i32
          %add3A_1136 = arith.addi %mul3A_1133, %mul3A_1135 : i32
          %broadcast_in_dim3A_1137 = arith.constant 41 : i32
          %broadcast_in_dim3A_1138 = vector.broadcast %broadcast_in_dim3A_1137 : i32 to vector<16xi32>
          %add3A_1139 = vector.broadcast %add3A_1136 : i32 to vector<16xi32>
          %add3A_1140 = arith.addi %add3A_1139, %broadcast_in_dim3A_1138 : vector<16xi32>
          %gather3A_1141 = tpu.vector_load_idx %arg14[%add3A_1140] : memref<4096xf32, #tpu.memory_space<vmem>>[vector<16xi32>], vector<16xf32>,
          %get3A_1142 = arith.index_cast %add3A_1107 : i32 to index
          %get3A_1143 = arith.constant 32 : index
          %get3A_1144 = tpu.vector_load %arg15[%get3A_1142, %get3A_1143] {strides = array<i32>} : memref<128x128xf32, #tpu.memory_space<vmem>>, vector<16xf32>,
          %mul3A_1145 = arith.mulf %get3A_1144, %gather3A_1141 : vector<16xf32>
          %swap3A_1146 = arith.index_cast %add3A_1107 : i32 to index
          %swap3A_1147 = arith.constant 32 : index
          %swap3A_1148 = tpu.vector_load %arg15[%swap3A_1146, %swap3A_1147] {strides = array<i32>} : memref<128x128xf32, #tpu.memory_space<vmem>>, vector<16xf32>,
          tpu.vector_store %arg15[%swap3A_1146, %swap3A_1147], %mul3A_1145 {strides = array<i32>} : memref<128x128xf32, #tpu.memory_space<vmem>>, vector<16xf32>,
          %get3A_1149 = arith.index_cast %add3A_1107 : i32 to index
          %get3A_1150 = arith.constant 48 : index
          %get3A_1151 = tpu.vector_load %arg15[%get3A_1149, %get3A_1150] {strides = array<i32>} : memref<128x128xf32, #tpu.memory_space<vmem>>, vector<16xf32>,
          %mul3A_1152 = arith.mulf %get3A_1151, %gather3A_1141 : vector<16xf32>
          %swap3A_1153 = arith.index_cast %add3A_1107 : i32 to index
          %swap3A_1154 = arith.constant 48 : index
          %swap3A_1155 = tpu.vector_load %arg15[%swap3A_1153, %swap3A_1154] {strides = array<i32>} : memref<128x128xf32, #tpu.memory_space<vmem>>, vector<16xf32>,
          tpu.vector_store %arg15[%swap3A_1153, %swap3A_1154], %mul3A_1152 {strides = array<i32>} : memref<128x128xf32, #tpu.memory_space<vmem>>, vector<16xf32>,
          %mul3A_1156 = arith.constant 512 : i32
          %mul3A_1157 = arith.muli %select_n3A, %mul3A_1156 : i32
          %mul3A_1158 = arith.constant 64 : i32
          %mul3A_1159 = arith.muli %select_n3A_106, %mul3A_1158 : i32
          %add3A_1160 = arith.addi %mul3A_1157, %mul3A_1159 : i32
          %broadcast_in_dim3A_1161 = arith.constant 42 : i32
          %broadcast_in_dim3A_1162 = vector.broadcast %broadcast_in_dim3A_1161 : i32 to vector<16xi32>
          %add3A_1163 = vector.broadcast %add3A_1160 : i32 to vector<16xi32>
          %add3A_1164 = arith.addi %add3A_1163, %broadcast_in_dim3A_1162 : vector<16xi32>
          %gather3A_1165 = tpu.vector_load_idx %arg14[%add3A_1164] : memref<4096xf32, #tpu.memory_space<vmem>>[vector<16xi32>], vector<16xf32>,
          %get3A_1166 = arith.index_cast %add3A_1107 : i32 to index
          %get3A_1167 = arith.constant 64 : index
          %get3A_1168 = tpu.vector_load %arg15[%get3A_1166, %get3A_1167] {strides = array<i32>} : memref<128x128xf32, #tpu.memory_space<vmem>>, vector<16xf32>,
          %mul3A_1169 = arith.mulf %get3A_1168, %gather3A_1165 : vector<16xf32>
          %swap3A_1170 = arith.index_cast %add3A_1107 : i32 to index
          %swap3A_1171 = arith.constant 64 : index
          %swap3A_1172 = tpu.vector_load %arg15[%swap3A_1170, %swap3A_1171] {strides = array<i32>} : memref<128x128xf32, #tpu.memory_space<vmem>>, vector<16xf32>,
          tpu.vector_store %arg15[%swap3A_1170, %swap3A_1171], %mul3A_1169 {strides = array<i32>} : memref<128x128xf32, #tpu.memory_space<vmem>>, vector<16xf32>,
          %get3A_1173 = arith.index_cast %add3A_1107 : i32 to index
          %get3A_1174 = arith.constant 80 : index
          %get3A_1175 = tpu.vector_load %arg15[%get3A_1173, %get3A_1174] {strides = array<i32>} : memref<128x128xf32, #tpu.memory_space<vmem>>, vector<16xf32>,
          %mul3A_1176 = arith.mulf %get3A_1175, %gather3A_1165 : vector<16xf32>
          %swap3A_1177 = arith.index_cast %add3A_1107 : i32 to index
          %swap3A_1178 = arith.constant 80 : index
          %swap3A_1179 = tpu.vector_load %arg15[%swap3A_1177, %swap3A_1178] {strides = array<i32>} : memref<128x128xf32, #tpu.memory_space<vmem>>, vector<16xf32>,
          tpu.vector_store %arg15[%swap3A_1177, %swap3A_1178], %mul3A_1176 {strides = array<i32>} : memref<128x128xf32, #tpu.memory_space<vmem>>, vector<16xf32>,
          %mul3A_1180 = arith.constant 512 : i32
          %mul3A_1181 = arith.muli %select_n3A, %mul3A_1180 : i32
          %mul3A_1182 = arith.constant 64 : i32
          %mul3A_1183 = arith.muli %select_n3A_106, %mul3A_1182 : i32
          %add3A_1184 = arith.addi %mul3A_1181, %mul3A_1183 : i32
          %broadcast_in_dim3A_1185 = arith.constant 43 : i32
          %broadcast_in_dim3A_1186 = vector.broadcast %broadcast_in_dim3A_1185 : i32 to vector<16xi32>
          %add3A_1187 = vector.broadcast %add3A_1184 : i32 to vector<16xi32>
          %add3A_1188 = arith.addi %add3A_1187, %broadcast_in_dim3A_1186 : vector<16xi32>
          %gather3A_1189 = tpu.vector_load_idx %arg14[%add3A_1188] : memref<4096xf32, #tpu.memory_space<vmem>>[vector<16xi32>], vector<16xf32>,
          %get3A_1190 = arith.index_cast %add3A_1107 : i32 to index
          %get3A_1191 = arith.constant 96 : index
          %get3A_1192 = tpu.vector_load %arg15[%get3A_1190, %get3A_1191] {strides = array<i32>} : memref<128x128xf32, #tpu.memory_space<vmem>>, vector<16xf32>,
          %mul3A_1193 = arith.mulf %get3A_1192, %gather3A_1189 : vector<16xf32>
          %swap3A_1194 = arith.index_cast %add3A_1107 : i32 to index
          %swap3A_1195 = arith.constant 96 : index
          %swap3A_1196 = tpu.vector_load %arg15[%swap3A_1194, %swap3A_1195] {strides = array<i32>} : memref<128x128xf32, #tpu.memory_space<vmem>>, vector<16xf32>,
          tpu.vector_store %arg15[%swap3A_1194, %swap3A_1195], %mul3A_1193 {strides = array<i32>} : memref<128x128xf32, #tpu.memory_space<vmem>>, vector<16xf32>,
          %get3A_1197 = arith.index_cast %add3A_1107 : i32 to index
          %get3A_1198 = arith.constant 112 : index
          %get3A_1199 = tpu.vector_load %arg15[%get3A_1197, %get3A_1198] {strides = array<i32>} : memref<128x128xf32, #tpu.memory_space<vmem>>, vector<16xf32>,
          %mul3A_1200 = arith.mulf %get3A_1199, %gather3A_1189 : vector<16xf32>
          %swap3A_1201 = arith.index_cast %add3A_1107 : i32 to index
          %swap3A_1202 = arith.constant 112 : index
          %swap3A_1203 = tpu.vector_load %arg15[%swap3A_1201, %swap3A_1202] {strides = array<i32>} : memref<128x128xf32, #tpu.memory_space<vmem>>, vector<16xf32>,
          tpu.vector_store %arg15[%swap3A_1201, %swap3A_1202], %mul3A_1200 {strides = array<i32>} : memref<128x128xf32, #tpu.memory_space<vmem>>, vector<16xf32>,
          %mul3A_1204 = arith.constant 16 : i32
          %mul3A_1205 = arith.muli %select_n3A_106, %mul3A_1204 : i32
          %add3A_1206 = arith.constant 11 : i32
          %add3A_1207 = arith.addi %mul3A_1205, %add3A_1206 : i32
          %mul3A_1208 = arith.constant 512 : i32
          %mul3A_1209 = arith.muli %select_n3A, %mul3A_1208 : i32
          %mul3A_1210 = arith.constant 64 : i32
          %mul3A_1211 = arith.muli %select_n3A_106, %mul3A_1210 : i32
          %add3A_1212 = arith.addi %mul3A_1209, %mul3A_1211 : i32
          %broadcast_in_dim3A_1213 = arith.constant 44 : i32
          %broadcast_in_dim3A_1214 = vector.broadcast %broadcast_in_dim3A_1213 : i32 to vector<16xi32>
          %add3A_1215 = vector.broadcast %add3A_1212 : i32 to vector<16xi32>
          %add3A_1216 = arith.addi %add3A_1215, %broadcast_in_dim3A_1214 : vector<16xi32>
          %gather3A_1217 = tpu.vector_load_idx %arg14[%add3A_1216] : memref<4096xf32, #tpu.memory_space<vmem>>[vector<16xi32>], vector<16xf32>,
          %get3A_1218 = arith.index_cast %add3A_1207 : i32 to index
          %get3A_1219 = arith.constant 0 : index
          %get3A_1220 = tpu.vector_load %arg15[%get3A_1218, %get3A_1219] {strides = array<i32>} : memref<128x128xf32, #tpu.memory_space<vmem>>, vector<16xf32>,
          %mul3A_1221 = arith.mulf %get3A_1220, %gather3A_1217 : vector<16xf32>
          %swap3A_1222 = arith.index_cast %add3A_1207 : i32 to index
          %swap3A_1223 = arith.constant 0 : index
          %swap3A_1224 = tpu.vector_load %arg15[%swap3A_1222, %swap3A_1223] {strides = array<i32>} : memref<128x128xf32, #tpu.memory_space<vmem>>, vector<16xf32>,
          tpu.vector_store %arg15[%swap3A_1222, %swap3A_1223], %mul3A_1221 {strides = array<i32>} : memref<128x128xf32, #tpu.memory_space<vmem>>, vector<16xf32>,
          %get3A_1225 = arith.index_cast %add3A_1207 : i32 to index
          %get3A_1226 = arith.constant 16 : index
          %get3A_1227 = tpu.vector_load %arg15[%get3A_1225, %get3A_1226] {strides = array<i32>} : memref<128x128xf32, #tpu.memory_space<vmem>>, vector<16xf32>,
          %mul3A_1228 = arith.mulf %get3A_1227, %gather3A_1217 : vector<16xf32>
          %swap3A_1229 = arith.index_cast %add3A_1207 : i32 to index
          %swap3A_1230 = arith.constant 16 : index
          %swap3A_1231 = tpu.vector_load %arg15[%swap3A_1229, %swap3A_1230] {strides = array<i32>} : memref<128x128xf32, #tpu.memory_space<vmem>>, vector<16xf32>,
          tpu.vector_store %arg15[%swap3A_1229, %swap3A_1230], %mul3A_1228 {strides = array<i32>} : memref<128x128xf32, #tpu.memory_space<vmem>>, vector<16xf32>,
          %mul3A_1232 = arith.constant 512 : i32
          %mul3A_1233 = arith.muli %select_n3A, %mul3A_1232 : i32
          %mul3A_1234 = arith.constant 64 : i32
          %mul3A_1235 = arith.muli %select_n3A_106, %mul3A_1234 : i32
          %add3A_1236 = arith.addi %mul3A_1233, %mul3A_1235 : i32
          %broadcast_in_dim3A_1237 = arith.constant 45 : i32
          %broadcast_in_dim3A_1238 = vector.broadcast %broadcast_in_dim3A_1237 : i32 to vector<16xi32>
          %add3A_1239 = vector.broadcast %add3A_1236 : i32 to vector<16xi32>
          %add3A_1240 = arith.addi %add3A_1239, %broadcast_in_dim3A_1238 : vector<16xi32>
          %gather3A_1241 = tpu.vector_load_idx %arg14[%add3A_1240] : memref<4096xf32, #tpu.memory_space<vmem>>[vector<16xi32>], vector<16xf32>,
          %get3A_1242 = arith.index_cast %add3A_1207 : i32 to index
          %get3A_1243 = arith.constant 32 : index
          %get3A_1244 = tpu.vector_load %arg15[%get3A_1242, %get3A_1243] {strides = array<i32>} : memref<128x128xf32, #tpu.memory_space<vmem>>, vector<16xf32>,
          %mul3A_1245 = arith.mulf %get3A_1244, %gather3A_1241 : vector<16xf32>
          %swap3A_1246 = arith.index_cast %add3A_1207 : i32 to index
          %swap3A_1247 = arith.constant 32 : index
          %swap3A_1248 = tpu.vector_load %arg15[%swap3A_1246, %swap3A_1247] {strides = array<i32>} : memref<128x128xf32, #tpu.memory_space<vmem>>, vector<16xf32>,
          tpu.vector_store %arg15[%swap3A_1246, %swap3A_1247], %mul3A_1245 {strides = array<i32>} : memref<128x128xf32, #tpu.memory_space<vmem>>, vector<16xf32>,
          %get3A_1249 = arith.index_cast %add3A_1207 : i32 to index
          %get3A_1250 = arith.constant 48 : index
          %get3A_1251 = tpu.vector_load %arg15[%get3A_1249, %get3A_1250] {strides = array<i32>} : memref<128x128xf32, #tpu.memory_space<vmem>>, vector<16xf32>,
          %mul3A_1252 = arith.mulf %get3A_1251, %gather3A_1241 : vector<16xf32>
          %swap3A_1253 = arith.index_cast %add3A_1207 : i32 to index
          %swap3A_1254 = arith.constant 48 : index
          %swap3A_1255 = tpu.vector_load %arg15[%swap3A_1253, %swap3A_1254] {strides = array<i32>} : memref<128x128xf32, #tpu.memory_space<vmem>>, vector<16xf32>,
          tpu.vector_store %arg15[%swap3A_1253, %swap3A_1254], %mul3A_1252 {strides = array<i32>} : memref<128x128xf32, #tpu.memory_space<vmem>>, vector<16xf32>,
          %mul3A_1256 = arith.constant 512 : i32
          %mul3A_1257 = arith.muli %select_n3A, %mul3A_1256 : i32
          %mul3A_1258 = arith.constant 64 : i32
          %mul3A_1259 = arith.muli %select_n3A_106, %mul3A_1258 : i32
          %add3A_1260 = arith.addi %mul3A_1257, %mul3A_1259 : i32
          %broadcast_in_dim3A_1261 = arith.constant 46 : i32
          %broadcast_in_dim3A_1262 = vector.broadcast %broadcast_in_dim3A_1261 : i32 to vector<16xi32>
          %add3A_1263 = vector.broadcast %add3A_1260 : i32 to vector<16xi32>
          %add3A_1264 = arith.addi %add3A_1263, %broadcast_in_dim3A_1262 : vector<16xi32>
          %gather3A_1265 = tpu.vector_load_idx %arg14[%add3A_1264] : memref<4096xf32, #tpu.memory_space<vmem>>[vector<16xi32>], vector<16xf32>,
          %get3A_1266 = arith.index_cast %add3A_1207 : i32 to index
          %get3A_1267 = arith.constant 64 : index
          %get3A_1268 = tpu.vector_load %arg15[%get3A_1266, %get3A_1267] {strides = array<i32>} : memref<128x128xf32, #tpu.memory_space<vmem>>, vector<16xf32>,
          %mul3A_1269 = arith.mulf %get3A_1268, %gather3A_1265 : vector<16xf32>
          %swap3A_1270 = arith.index_cast %add3A_1207 : i32 to index
          %swap3A_1271 = arith.constant 64 : index
          %swap3A_1272 = tpu.vector_load %arg15[%swap3A_1270, %swap3A_1271] {strides = array<i32>} : memref<128x128xf32, #tpu.memory_space<vmem>>, vector<16xf32>,
          tpu.vector_store %arg15[%swap3A_1270, %swap3A_1271], %mul3A_1269 {strides = array<i32>} : memref<128x128xf32, #tpu.memory_space<vmem>>, vector<16xf32>,
          %get3A_1273 = arith.index_cast %add3A_1207 : i32 to index
          %get3A_1274 = arith.constant 80 : index
          %get3A_1275 = tpu.vector_load %arg15[%get3A_1273, %get3A_1274] {strides = array<i32>} : memref<128x128xf32, #tpu.memory_space<vmem>>, vector<16xf32>,
          %mul3A_1276 = arith.mulf %get3A_1275, %gather3A_1265 : vector<16xf32>
          %swap3A_1277 = arith.index_cast %add3A_1207 : i32 to index
          %swap3A_1278 = arith.constant 80 : index
          %swap3A_1279 = tpu.vector_load %arg15[%swap3A_1277, %swap3A_1278] {strides = array<i32>} : memref<128x128xf32, #tpu.memory_space<vmem>>, vector<16xf32>,
          tpu.vector_store %arg15[%swap3A_1277, %swap3A_1278], %mul3A_1276 {strides = array<i32>} : memref<128x128xf32, #tpu.memory_space<vmem>>, vector<16xf32>,
          %mul3A_1280 = arith.constant 512 : i32
          %mul3A_1281 = arith.muli %select_n3A, %mul3A_1280 : i32
          %mul3A_1282 = arith.constant 64 : i32
          %mul3A_1283 = arith.muli %select_n3A_106, %mul3A_1282 : i32
          %add3A_1284 = arith.addi %mul3A_1281, %mul3A_1283 : i32
          %broadcast_in_dim3A_1285 = arith.constant 47 : i32
          %broadcast_in_dim3A_1286 = vector.broadcast %broadcast_in_dim3A_1285 : i32 to vector<16xi32>
          %add3A_1287 = vector.broadcast %add3A_1284 : i32 to vector<16xi32>
          %add3A_1288 = arith.addi %add3A_1287, %broadcast_in_dim3A_1286 : vector<16xi32>
          %gather3A_1289 = tpu.vector_load_idx %arg14[%add3A_1288] : memref<4096xf32, #tpu.memory_space<vmem>>[vector<16xi32>], vector<16xf32>,
          %get3A_1290 = arith.index_cast %add3A_1207 : i32 to index
          %get3A_1291 = arith.constant 96 : index
          %get3A_1292 = tpu.vector_load %arg15[%get3A_1290, %get3A_1291] {strides = array<i32>} : memref<128x128xf32, #tpu.memory_space<vmem>>, vector<16xf32>,
          %mul3A_1293 = arith.mulf %get3A_1292, %gather3A_1289 : vector<16xf32>
          %swap3A_1294 = arith.index_cast %add3A_1207 : i32 to index
          %swap3A_1295 = arith.constant 96 : index
          %swap3A_1296 = tpu.vector_load %arg15[%swap3A_1294, %swap3A_1295] {strides = array<i32>} : memref<128x128xf32, #tpu.memory_space<vmem>>, vector<16xf32>,
          tpu.vector_store %arg15[%swap3A_1294, %swap3A_1295], %mul3A_1293 {strides = array<i32>} : memref<128x128xf32, #tpu.memory_space<vmem>>, vector<16xf32>,
          %get3A_1297 = arith.index_cast %add3A_1207 : i32 to index
          %get3A_1298 = arith.constant 112 : index
          %get3A_1299 = tpu.vector_load %arg15[%get3A_1297, %get3A_1298] {strides = array<i32>} : memref<128x128xf32, #tpu.memory_space<vmem>>, vector<16xf32>,
          %mul3A_1300 = arith.mulf %get3A_1299, %gather3A_1289 : vector<16xf32>
          %swap3A_1301 = arith.index_cast %add3A_1207 : i32 to index
          %swap3A_1302 = arith.constant 112 : index
          %swap3A_1303 = tpu.vector_load %arg15[%swap3A_1301, %swap3A_1302] {strides = array<i32>} : memref<128x128xf32, #tpu.memory_space<vmem>>, vector<16xf32>,
          tpu.vector_store %arg15[%swap3A_1301, %swap3A_1302], %mul3A_1300 {strides = array<i32>} : memref<128x128xf32, #tpu.memory_space<vmem>>, vector<16xf32>,
          %mul3A_1304 = arith.constant 16 : i32
          %mul3A_1305 = arith.muli %select_n3A_106, %mul3A_1304 : i32
          %add3A_1306 = arith.constant 12 : i32
          %add3A_1307 = arith.addi %mul3A_1305, %add3A_1306 : i32
          %mul3A_1308 = arith.constant 512 : i32
          %mul3A_1309 = arith.muli %select_n3A, %mul3A_1308 : i32
          %mul3A_1310 = arith.constant 64 : i32
          %mul3A_1311 = arith.muli %select_n3A_106, %mul3A_1310 : i32
          %add3A_1312 = arith.addi %mul3A_1309, %mul3A_1311 : i32
          %broadcast_in_dim3A_1313 = arith.constant 48 : i32
          %broadcast_in_dim3A_1314 = vector.broadcast %broadcast_in_dim3A_1313 : i32 to vector<16xi32>
          %add3A_1315 = vector.broadcast %add3A_1312 : i32 to vector<16xi32>
          %add3A_1316 = arith.addi %add3A_1315, %broadcast_in_dim3A_1314 : vector<16xi32>
          %gather3A_1317 = tpu.vector_load_idx %arg14[%add3A_1316] : memref<4096xf32, #tpu.memory_space<vmem>>[vector<16xi32>], vector<16xf32>,
          %get3A_1318 = arith.index_cast %add3A_1307 : i32 to index
          %get3A_1319 = arith.constant 0 : index
          %get3A_1320 = tpu.vector_load %arg15[%get3A_1318, %get3A_1319] {strides = array<i32>} : memref<128x128xf32, #tpu.memory_space<vmem>>, vector<16xf32>,
          %mul3A_1321 = arith.mulf %get3A_1320, %gather3A_1317 : vector<16xf32>
          %swap3A_1322 = arith.index_cast %add3A_1307 : i32 to index
          %swap3A_1323 = arith.constant 0 : index
          %swap3A_1324 = tpu.vector_load %arg15[%swap3A_1322, %swap3A_1323] {strides = array<i32>} : memref<128x128xf32, #tpu.memory_space<vmem>>, vector<16xf32>,
          tpu.vector_store %arg15[%swap3A_1322, %swap3A_1323], %mul3A_1321 {strides = array<i32>} : memref<128x128xf32, #tpu.memory_space<vmem>>, vector<16xf32>,
          %get3A_1325 = arith.index_cast %add3A_1307 : i32 to index
          %get3A_1326 = arith.constant 16 : index
          %get3A_1327 = tpu.vector_load %arg15[%get3A_1325, %get3A_1326] {strides = array<i32>} : memref<128x128xf32, #tpu.memory_space<vmem>>, vector<16xf32>,
          %mul3A_1328 = arith.mulf %get3A_1327, %gather3A_1317 : vector<16xf32>
          %swap3A_1329 = arith.index_cast %add3A_1307 : i32 to index
          %swap3A_1330 = arith.constant 16 : index
          %swap3A_1331 = tpu.vector_load %arg15[%swap3A_1329, %swap3A_1330] {strides = array<i32>} : memref<128x128xf32, #tpu.memory_space<vmem>>, vector<16xf32>,
          tpu.vector_store %arg15[%swap3A_1329, %swap3A_1330], %mul3A_1328 {strides = array<i32>} : memref<128x128xf32, #tpu.memory_space<vmem>>, vector<16xf32>,
          %mul3A_1332 = arith.constant 512 : i32
          %mul3A_1333 = arith.muli %select_n3A, %mul3A_1332 : i32
          %mul3A_1334 = arith.constant 64 : i32
          %mul3A_1335 = arith.muli %select_n3A_106, %mul3A_1334 : i32
          %add3A_1336 = arith.addi %mul3A_1333, %mul3A_1335 : i32
          %broadcast_in_dim3A_1337 = arith.constant 49 : i32
          %broadcast_in_dim3A_1338 = vector.broadcast %broadcast_in_dim3A_1337 : i32 to vector<16xi32>
          %add3A_1339 = vector.broadcast %add3A_1336 : i32 to vector<16xi32>
          %add3A_1340 = arith.addi %add3A_1339, %broadcast_in_dim3A_1338 : vector<16xi32>
          %gather3A_1341 = tpu.vector_load_idx %arg14[%add3A_1340] : memref<4096xf32, #tpu.memory_space<vmem>>[vector<16xi32>], vector<16xf32>,
          %get3A_1342 = arith.index_cast %add3A_1307 : i32 to index
          %get3A_1343 = arith.constant 32 : index
          %get3A_1344 = tpu.vector_load %arg15[%get3A_1342, %get3A_1343] {strides = array<i32>} : memref<128x128xf32, #tpu.memory_space<vmem>>, vector<16xf32>,
          %mul3A_1345 = arith.mulf %get3A_1344, %gather3A_1341 : vector<16xf32>
          %swap3A_1346 = arith.index_cast %add3A_1307 : i32 to index
          %swap3A_1347 = arith.constant 32 : index
          %swap3A_1348 = tpu.vector_load %arg15[%swap3A_1346, %swap3A_1347] {strides = array<i32>} : memref<128x128xf32, #tpu.memory_space<vmem>>, vector<16xf32>,
          tpu.vector_store %arg15[%swap3A_1346, %swap3A_1347], %mul3A_1345 {strides = array<i32>} : memref<128x128xf32, #tpu.memory_space<vmem>>, vector<16xf32>,
          %get3A_1349 = arith.index_cast %add3A_1307 : i32 to index
          %get3A_1350 = arith.constant 48 : index
          %get3A_1351 = tpu.vector_load %arg15[%get3A_1349, %get3A_1350] {strides = array<i32>} : memref<128x128xf32, #tpu.memory_space<vmem>>, vector<16xf32>,
          %mul3A_1352 = arith.mulf %get3A_1351, %gather3A_1341 : vector<16xf32>
          %swap3A_1353 = arith.index_cast %add3A_1307 : i32 to index
          %swap3A_1354 = arith.constant 48 : index
          %swap3A_1355 = tpu.vector_load %arg15[%swap3A_1353, %swap3A_1354] {strides = array<i32>} : memref<128x128xf32, #tpu.memory_space<vmem>>, vector<16xf32>,
          tpu.vector_store %arg15[%swap3A_1353, %swap3A_1354], %mul3A_1352 {strides = array<i32>} : memref<128x128xf32, #tpu.memory_space<vmem>>, vector<16xf32>,
          %mul3A_1356 = arith.constant 512 : i32
          %mul3A_1357 = arith.muli %select_n3A, %mul3A_1356 : i32
          %mul3A_1358 = arith.constant 64 : i32
          %mul3A_1359 = arith.muli %select_n3A_106, %mul3A_1358 : i32
          %add3A_1360 = arith.addi %mul3A_1357, %mul3A_1359 : i32
          %broadcast_in_dim3A_1361 = arith.constant 50 : i32
          %broadcast_in_dim3A_1362 = vector.broadcast %broadcast_in_dim3A_1361 : i32 to vector<16xi32>
          %add3A_1363 = vector.broadcast %add3A_1360 : i32 to vector<16xi32>
          %add3A_1364 = arith.addi %add3A_1363, %broadcast_in_dim3A_1362 : vector<16xi32>
          %gather3A_1365 = tpu.vector_load_idx %arg14[%add3A_1364] : memref<4096xf32, #tpu.memory_space<vmem>>[vector<16xi32>], vector<16xf32>,
          %get3A_1366 = arith.index_cast %add3A_1307 : i32 to index
          %get3A_1367 = arith.constant 64 : index
          %get3A_1368 = tpu.vector_load %arg15[%get3A_1366, %get3A_1367] {strides = array<i32>} : memref<128x128xf32, #tpu.memory_space<vmem>>, vector<16xf32>,
          %mul3A_1369 = arith.mulf %get3A_1368, %gather3A_1365 : vector<16xf32>
          %swap3A_1370 = arith.index_cast %add3A_1307 : i32 to index
          %swap3A_1371 = arith.constant 64 : index
          %swap3A_1372 = tpu.vector_load %arg15[%swap3A_1370, %swap3A_1371] {strides = array<i32>} : memref<128x128xf32, #tpu.memory_space<vmem>>, vector<16xf32>,
          tpu.vector_store %arg15[%swap3A_1370, %swap3A_1371], %mul3A_1369 {strides = array<i32>} : memref<128x128xf32, #tpu.memory_space<vmem>>, vector<16xf32>,
          %get3A_1373 = arith.index_cast %add3A_1307 : i32 to index
          %get3A_1374 = arith.constant 80 : index
          %get3A_1375 = tpu.vector_load %arg15[%get3A_1373, %get3A_1374] {strides = array<i32>} : memref<128x128xf32, #tpu.memory_space<vmem>>, vector<16xf32>,
          %mul3A_1376 = arith.mulf %get3A_1375, %gather3A_1365 : vector<16xf32>
          %swap3A_1377 = arith.index_cast %add3A_1307 : i32 to index
          %swap3A_1378 = arith.constant 80 : index
          %swap3A_1379 = tpu.vector_load %arg15[%swap3A_1377, %swap3A_1378] {strides = array<i32>} : memref<128x128xf32, #tpu.memory_space<vmem>>, vector<16xf32>,
          tpu.vector_store %arg15[%swap3A_1377, %swap3A_1378], %mul3A_1376 {strides = array<i32>} : memref<128x128xf32, #tpu.memory_space<vmem>>, vector<16xf32>,
          %mul3A_1380 = arith.constant 512 : i32
          %mul3A_1381 = arith.muli %select_n3A, %mul3A_1380 : i32
          %mul3A_1382 = arith.constant 64 : i32
          %mul3A_1383 = arith.muli %select_n3A_106, %mul3A_1382 : i32
          %add3A_1384 = arith.addi %mul3A_1381, %mul3A_1383 : i32
          %broadcast_in_dim3A_1385 = arith.constant 51 : i32
          %broadcast_in_dim3A_1386 = vector.broadcast %broadcast_in_dim3A_1385 : i32 to vector<16xi32>
          %add3A_1387 = vector.broadcast %add3A_1384 : i32 to vector<16xi32>
          %add3A_1388 = arith.addi %add3A_1387, %broadcast_in_dim3A_1386 : vector<16xi32>
          %gather3A_1389 = tpu.vector_load_idx %arg14[%add3A_1388] : memref<4096xf32, #tpu.memory_space<vmem>>[vector<16xi32>], vector<16xf32>,
          %get3A_1390 = arith.index_cast %add3A_1307 : i32 to index
          %get3A_1391 = arith.constant 96 : index
          %get3A_1392 = tpu.vector_load %arg15[%get3A_1390, %get3A_1391] {strides = array<i32>} : memref<128x128xf32, #tpu.memory_space<vmem>>, vector<16xf32>,
          %mul3A_1393 = arith.mulf %get3A_1392, %gather3A_1389 : vector<16xf32>
          %swap3A_1394 = arith.index_cast %add3A_1307 : i32 to index
          %swap3A_1395 = arith.constant 96 : index
          %swap3A_1396 = tpu.vector_load %arg15[%swap3A_1394, %swap3A_1395] {strides = array<i32>} : memref<128x128xf32, #tpu.memory_space<vmem>>, vector<16xf32>,
          tpu.vector_store %arg15[%swap3A_1394, %swap3A_1395], %mul3A_1393 {strides = array<i32>} : memref<128x128xf32, #tpu.memory_space<vmem>>, vector<16xf32>,
          %get3A_1397 = arith.index_cast %add3A_1307 : i32 to index
          %get3A_1398 = arith.constant 112 : index
          %get3A_1399 = tpu.vector_load %arg15[%get3A_1397, %get3A_1398] {strides = array<i32>} : memref<128x128xf32, #tpu.memory_space<vmem>>, vector<16xf32>,
          %mul3A_1400 = arith.mulf %get3A_1399, %gather3A_1389 : vector<16xf32>
          %swap3A_1401 = arith.index_cast %add3A_1307 : i32 to index
          %swap3A_1402 = arith.constant 112 : index
          %swap3A_1403 = tpu.vector_load %arg15[%swap3A_1401, %swap3A_1402] {strides = array<i32>} : memref<128x128xf32, #tpu.memory_space<vmem>>, vector<16xf32>,
          tpu.vector_store %arg15[%swap3A_1401, %swap3A_1402], %mul3A_1400 {strides = array<i32>} : memref<128x128xf32, #tpu.memory_space<vmem>>, vector<16xf32>,
          %mul3A_1404 = arith.constant 16 : i32
          %mul3A_1405 = arith.muli %select_n3A_106, %mul3A_1404 : i32
          %add3A_1406 = arith.constant 13 : i32
          %add3A_1407 = arith.addi %mul3A_1405, %add3A_1406 : i32
          %mul3A_1408 = arith.constant 512 : i32
          %mul3A_1409 = arith.muli %select_n3A, %mul3A_1408 : i32
          %mul3A_1410 = arith.constant 64 : i32
          %mul3A_1411 = arith.muli %select_n3A_106, %mul3A_1410 : i32
          %add3A_1412 = arith.addi %mul3A_1409, %mul3A_1411 : i32
          %broadcast_in_dim3A_1413 = arith.constant 52 : i32
          %broadcast_in_dim3A_1414 = vector.broadcast %broadcast_in_dim3A_1413 : i32 to vector<16xi32>
          %add3A_1415 = vector.broadcast %add3A_1412 : i32 to vector<16xi32>
          %add3A_1416 = arith.addi %add3A_1415, %broadcast_in_dim3A_1414 : vector<16xi32>
          %gather3A_1417 = tpu.vector_load_idx %arg14[%add3A_1416] : memref<4096xf32, #tpu.memory_space<vmem>>[vector<16xi32>], vector<16xf32>,
          %get3A_1418 = arith.index_cast %add3A_1407 : i32 to index
          %get3A_1419 = arith.constant 0 : index
          %get3A_1420 = tpu.vector_load %arg15[%get3A_1418, %get3A_1419] {strides = array<i32>} : memref<128x128xf32, #tpu.memory_space<vmem>>, vector<16xf32>,
          %mul3A_1421 = arith.mulf %get3A_1420, %gather3A_1417 : vector<16xf32>
          %swap3A_1422 = arith.index_cast %add3A_1407 : i32 to index
          %swap3A_1423 = arith.constant 0 : index
          %swap3A_1424 = tpu.vector_load %arg15[%swap3A_1422, %swap3A_1423] {strides = array<i32>} : memref<128x128xf32, #tpu.memory_space<vmem>>, vector<16xf32>,
          tpu.vector_store %arg15[%swap3A_1422, %swap3A_1423], %mul3A_1421 {strides = array<i32>} : memref<128x128xf32, #tpu.memory_space<vmem>>, vector<16xf32>,
          %get3A_1425 = arith.index_cast %add3A_1407 : i32 to index
          %get3A_1426 = arith.constant 16 : index
          %get3A_1427 = tpu.vector_load %arg15[%get3A_1425, %get3A_1426] {strides = array<i32>} : memref<128x128xf32, #tpu.memory_space<vmem>>, vector<16xf32>,
          %mul3A_1428 = arith.mulf %get3A_1427, %gather3A_1417 : vector<16xf32>
          %swap3A_1429 = arith.index_cast %add3A_1407 : i32 to index
          %swap3A_1430 = arith.constant 16 : index
          %swap3A_1431 = tpu.vector_load %arg15[%swap3A_1429, %swap3A_1430] {strides = array<i32>} : memref<128x128xf32, #tpu.memory_space<vmem>>, vector<16xf32>,
          tpu.vector_store %arg15[%swap3A_1429, %swap3A_1430], %mul3A_1428 {strides = array<i32>} : memref<128x128xf32, #tpu.memory_space<vmem>>, vector<16xf32>,
          %mul3A_1432 = arith.constant 512 : i32
          %mul3A_1433 = arith.muli %select_n3A, %mul3A_1432 : i32
          %mul3A_1434 = arith.constant 64 : i32
          %mul3A_1435 = arith.muli %select_n3A_106, %mul3A_1434 : i32
          %add3A_1436 = arith.addi %mul3A_1433, %mul3A_1435 : i32
          %broadcast_in_dim3A_1437 = arith.constant 53 : i32
          %broadcast_in_dim3A_1438 = vector.broadcast %broadcast_in_dim3A_1437 : i32 to vector<16xi32>
          %add3A_1439 = vector.broadcast %add3A_1436 : i32 to vector<16xi32>
          %add3A_1440 = arith.addi %add3A_1439, %broadcast_in_dim3A_1438 : vector<16xi32>
          %gather3A_1441 = tpu.vector_load_idx %arg14[%add3A_1440] : memref<4096xf32, #tpu.memory_space<vmem>>[vector<16xi32>], vector<16xf32>,
          %get3A_1442 = arith.index_cast %add3A_1407 : i32 to index
          %get3A_1443 = arith.constant 32 : index
          %get3A_1444 = tpu.vector_load %arg15[%get3A_1442, %get3A_1443] {strides = array<i32>} : memref<128x128xf32, #tpu.memory_space<vmem>>, vector<16xf32>,
          %mul3A_1445 = arith.mulf %get3A_1444, %gather3A_1441 : vector<16xf32>
          %swap3A_1446 = arith.index_cast %add3A_1407 : i32 to index
          %swap3A_1447 = arith.constant 32 : index
          %swap3A_1448 = tpu.vector_load %arg15[%swap3A_1446, %swap3A_1447] {strides = array<i32>} : memref<128x128xf32, #tpu.memory_space<vmem>>, vector<16xf32>,
          tpu.vector_store %arg15[%swap3A_1446, %swap3A_1447], %mul3A_1445 {strides = array<i32>} : memref<128x128xf32, #tpu.memory_space<vmem>>, vector<16xf32>,
          %get3A_1449 = arith.index_cast %add3A_1407 : i32 to index
          %get3A_1450 = arith.constant 48 : index
          %get3A_1451 = tpu.vector_load %arg15[%get3A_1449, %get3A_1450] {strides = array<i32>} : memref<128x128xf32, #tpu.memory_space<vmem>>, vector<16xf32>,
          %mul3A_1452 = arith.mulf %get3A_1451, %gather3A_1441 : vector<16xf32>
          %swap3A_1453 = arith.index_cast %add3A_1407 : i32 to index
          %swap3A_1454 = arith.constant 48 : index
          %swap3A_1455 = tpu.vector_load %arg15[%swap3A_1453, %swap3A_1454] {strides = array<i32>} : memref<128x128xf32, #tpu.memory_space<vmem>>, vector<16xf32>,
          tpu.vector_store %arg15[%swap3A_1453, %swap3A_1454], %mul3A_1452 {strides = array<i32>} : memref<128x128xf32, #tpu.memory_space<vmem>>, vector<16xf32>,
          %mul3A_1456 = arith.constant 512 : i32
          %mul3A_1457 = arith.muli %select_n3A, %mul3A_1456 : i32
          %mul3A_1458 = arith.constant 64 : i32
          %mul3A_1459 = arith.muli %select_n3A_106, %mul3A_1458 : i32
          %add3A_1460 = arith.addi %mul3A_1457, %mul3A_1459 : i32
          %broadcast_in_dim3A_1461 = arith.constant 54 : i32
          %broadcast_in_dim3A_1462 = vector.broadcast %broadcast_in_dim3A_1461 : i32 to vector<16xi32>
          %add3A_1463 = vector.broadcast %add3A_1460 : i32 to vector<16xi32>
          %add3A_1464 = arith.addi %add3A_1463, %broadcast_in_dim3A_1462 : vector<16xi32>
          %gather3A_1465 = tpu.vector_load_idx %arg14[%add3A_1464] : memref<4096xf32, #tpu.memory_space<vmem>>[vector<16xi32>], vector<16xf32>,
          %get3A_1466 = arith.index_cast %add3A_1407 : i32 to index
          %get3A_1467 = arith.constant 64 : index
          %get3A_1468 = tpu.vector_load %arg15[%get3A_1466, %get3A_1467] {strides = array<i32>} : memref<128x128xf32, #tpu.memory_space<vmem>>, vector<16xf32>,
          %mul3A_1469 = arith.mulf %get3A_1468, %gather3A_1465 : vector<16xf32>
          %swap3A_1470 = arith.index_cast %add3A_1407 : i32 to index
          %swap3A_1471 = arith.constant 64 : index
          %swap3A_1472 = tpu.vector_load %arg15[%swap3A_1470, %swap3A_1471] {strides = array<i32>} : memref<128x128xf32, #tpu.memory_space<vmem>>, vector<16xf32>,
          tpu.vector_store %arg15[%swap3A_1470, %swap3A_1471], %mul3A_1469 {strides = array<i32>} : memref<128x128xf32, #tpu.memory_space<vmem>>, vector<16xf32>,
          %get3A_1473 = arith.index_cast %add3A_1407 : i32 to index
          %get3A_1474 = arith.constant 80 : index
          %get3A_1475 = tpu.vector_load %arg15[%get3A_1473, %get3A_1474] {strides = array<i32>} : memref<128x128xf32, #tpu.memory_space<vmem>>, vector<16xf32>,
          %mul3A_1476 = arith.mulf %get3A_1475, %gather3A_1465 : vector<16xf32>
          %swap3A_1477 = arith.index_cast %add3A_1407 : i32 to index
          %swap3A_1478 = arith.constant 80 : index
          %swap3A_1479 = tpu.vector_load %arg15[%swap3A_1477, %swap3A_1478] {strides = array<i32>} : memref<128x128xf32, #tpu.memory_space<vmem>>, vector<16xf32>,
          tpu.vector_store %arg15[%swap3A_1477, %swap3A_1478], %mul3A_1476 {strides = array<i32>} : memref<128x128xf32, #tpu.memory_space<vmem>>, vector<16xf32>,
          %mul3A_1480 = arith.constant 512 : i32
          %mul3A_1481 = arith.muli %select_n3A, %mul3A_1480 : i32
          %mul3A_1482 = arith.constant 64 : i32
          %mul3A_1483 = arith.muli %select_n3A_106, %mul3A_1482 : i32
          %add3A_1484 = arith.addi %mul3A_1481, %mul3A_1483 : i32
          %broadcast_in_dim3A_1485 = arith.constant 55 : i32
          %broadcast_in_dim3A_1486 = vector.broadcast %broadcast_in_dim3A_1485 : i32 to vector<16xi32>
          %add3A_1487 = vector.broadcast %add3A_1484 : i32 to vector<16xi32>
          %add3A_1488 = arith.addi %add3A_1487, %broadcast_in_dim3A_1486 : vector<16xi32>
          %gather3A_1489 = tpu.vector_load_idx %arg14[%add3A_1488] : memref<4096xf32, #tpu.memory_space<vmem>>[vector<16xi32>], vector<16xf32>,
          %get3A_1490 = arith.index_cast %add3A_1407 : i32 to index
          %get3A_1491 = arith.constant 96 : index
          %get3A_1492 = tpu.vector_load %arg15[%get3A_1490, %get3A_1491] {strides = array<i32>} : memref<128x128xf32, #tpu.memory_space<vmem>>, vector<16xf32>,
          %mul3A_1493 = arith.mulf %get3A_1492, %gather3A_1489 : vector<16xf32>
          %swap3A_1494 = arith.index_cast %add3A_1407 : i32 to index
          %swap3A_1495 = arith.constant 96 : index
          %swap3A_1496 = tpu.vector_load %arg15[%swap3A_1494, %swap3A_1495] {strides = array<i32>} : memref<128x128xf32, #tpu.memory_space<vmem>>, vector<16xf32>,
          tpu.vector_store %arg15[%swap3A_1494, %swap3A_1495], %mul3A_1493 {strides = array<i32>} : memref<128x128xf32, #tpu.memory_space<vmem>>, vector<16xf32>,
          %get3A_1497 = arith.index_cast %add3A_1407 : i32 to index
          %get3A_1498 = arith.constant 112 : index
          %get3A_1499 = tpu.vector_load %arg15[%get3A_1497, %get3A_1498] {strides = array<i32>} : memref<128x128xf32, #tpu.memory_space<vmem>>, vector<16xf32>,
          %mul3A_1500 = arith.mulf %get3A_1499, %gather3A_1489 : vector<16xf32>
          %swap3A_1501 = arith.index_cast %add3A_1407 : i32 to index
          %swap3A_1502 = arith.constant 112 : index
          %swap3A_1503 = tpu.vector_load %arg15[%swap3A_1501, %swap3A_1502] {strides = array<i32>} : memref<128x128xf32, #tpu.memory_space<vmem>>, vector<16xf32>,
          tpu.vector_store %arg15[%swap3A_1501, %swap3A_1502], %mul3A_1500 {strides = array<i32>} : memref<128x128xf32, #tpu.memory_space<vmem>>, vector<16xf32>,
          %mul3A_1504 = arith.constant 16 : i32
          %mul3A_1505 = arith.muli %select_n3A_106, %mul3A_1504 : i32
          %add3A_1506 = arith.constant 14 : i32
          %add3A_1507 = arith.addi %mul3A_1505, %add3A_1506 : i32
          %mul3A_1508 = arith.constant 512 : i32
          %mul3A_1509 = arith.muli %select_n3A, %mul3A_1508 : i32
          %mul3A_1510 = arith.constant 64 : i32
          %mul3A_1511 = arith.muli %select_n3A_106, %mul3A_1510 : i32
          %add3A_1512 = arith.addi %mul3A_1509, %mul3A_1511 : i32
          %broadcast_in_dim3A_1513 = arith.constant 56 : i32
          %broadcast_in_dim3A_1514 = vector.broadcast %broadcast_in_dim3A_1513 : i32 to vector<16xi32>
          %add3A_1515 = vector.broadcast %add3A_1512 : i32 to vector<16xi32>
          %add3A_1516 = arith.addi %add3A_1515, %broadcast_in_dim3A_1514 : vector<16xi32>
          %gather3A_1517 = tpu.vector_load_idx %arg14[%add3A_1516] : memref<4096xf32, #tpu.memory_space<vmem>>[vector<16xi32>], vector<16xf32>,
          %get3A_1518 = arith.index_cast %add3A_1507 : i32 to index
          %get3A_1519 = arith.constant 0 : index
          %get3A_1520 = tpu.vector_load %arg15[%get3A_1518, %get3A_1519] {strides = array<i32>} : memref<128x128xf32, #tpu.memory_space<vmem>>, vector<16xf32>,
          %mul3A_1521 = arith.mulf %get3A_1520, %gather3A_1517 : vector<16xf32>
          %swap3A_1522 = arith.index_cast %add3A_1507 : i32 to index
          %swap3A_1523 = arith.constant 0 : index
          %swap3A_1524 = tpu.vector_load %arg15[%swap3A_1522, %swap3A_1523] {strides = array<i32>} : memref<128x128xf32, #tpu.memory_space<vmem>>, vector<16xf32>,
          tpu.vector_store %arg15[%swap3A_1522, %swap3A_1523], %mul3A_1521 {strides = array<i32>} : memref<128x128xf32, #tpu.memory_space<vmem>>, vector<16xf32>,
          %get3A_1525 = arith.index_cast %add3A_1507 : i32 to index
          %get3A_1526 = arith.constant 16 : index
          %get3A_1527 = tpu.vector_load %arg15[%get3A_1525, %get3A_1526] {strides = array<i32>} : memref<128x128xf32, #tpu.memory_space<vmem>>, vector<16xf32>,
          %mul3A_1528 = arith.mulf %get3A_1527, %gather3A_1517 : vector<16xf32>
          %swap3A_1529 = arith.index_cast %add3A_1507 : i32 to index
          %swap3A_1530 = arith.constant 16 : index
          %swap3A_1531 = tpu.vector_load %arg15[%swap3A_1529, %swap3A_1530] {strides = array<i32>} : memref<128x128xf32, #tpu.memory_space<vmem>>, vector<16xf32>,
          tpu.vector_store %arg15[%swap3A_1529, %swap3A_1530], %mul3A_1528 {strides = array<i32>} : memref<128x128xf32, #tpu.memory_space<vmem>>, vector<16xf32>,
          %mul3A_1532 = arith.constant 512 : i32
          %mul3A_1533 = arith.muli %select_n3A, %mul3A_1532 : i32
          %mul3A_1534 = arith.constant 64 : i32
          %mul3A_1535 = arith.muli %select_n3A_106, %mul3A_1534 : i32
          %add3A_1536 = arith.addi %mul3A_1533, %mul3A_1535 : i32
          %broadcast_in_dim3A_1537 = arith.constant 57 : i32
          %broadcast_in_dim3A_1538 = vector.broadcast %broadcast_in_dim3A_1537 : i32 to vector<16xi32>
          %add3A_1539 = vector.broadcast %add3A_1536 : i32 to vector<16xi32>
          %add3A_1540 = arith.addi %add3A_1539, %broadcast_in_dim3A_1538 : vector<16xi32>
          %gather3A_1541 = tpu.vector_load_idx %arg14[%add3A_1540] : memref<4096xf32, #tpu.memory_space<vmem>>[vector<16xi32>], vector<16xf32>,
          %get3A_1542 = arith.index_cast %add3A_1507 : i32 to index
          %get3A_1543 = arith.constant 32 : index
          %get3A_1544 = tpu.vector_load %arg15[%get3A_1542, %get3A_1543] {strides = array<i32>} : memref<128x128xf32, #tpu.memory_space<vmem>>, vector<16xf32>,
          %mul3A_1545 = arith.mulf %get3A_1544, %gather3A_1541 : vector<16xf32>
          %swap3A_1546 = arith.index_cast %add3A_1507 : i32 to index
          %swap3A_1547 = arith.constant 32 : index
          %swap3A_1548 = tpu.vector_load %arg15[%swap3A_1546, %swap3A_1547] {strides = array<i32>} : memref<128x128xf32, #tpu.memory_space<vmem>>, vector<16xf32>,
          tpu.vector_store %arg15[%swap3A_1546, %swap3A_1547], %mul3A_1545 {strides = array<i32>} : memref<128x128xf32, #tpu.memory_space<vmem>>, vector<16xf32>,
          %get3A_1549 = arith.index_cast %add3A_1507 : i32 to index
          %get3A_1550 = arith.constant 48 : index
          %get3A_1551 = tpu.vector_load %arg15[%get3A_1549, %get3A_1550] {strides = array<i32>} : memref<128x128xf32, #tpu.memory_space<vmem>>, vector<16xf32>,
          %mul3A_1552 = arith.mulf %get3A_1551, %gather3A_1541 : vector<16xf32>
          %swap3A_1553 = arith.index_cast %add3A_1507 : i32 to index
          %swap3A_1554 = arith.constant 48 : index
          %swap3A_1555 = tpu.vector_load %arg15[%swap3A_1553, %swap3A_1554] {strides = array<i32>} : memref<128x128xf32, #tpu.memory_space<vmem>>, vector<16xf32>,
          tpu.vector_store %arg15[%swap3A_1553, %swap3A_1554], %mul3A_1552 {strides = array<i32>} : memref<128x128xf32, #tpu.memory_space<vmem>>, vector<16xf32>,
          %mul3A_1556 = arith.constant 512 : i32
          %mul3A_1557 = arith.muli %select_n3A, %mul3A_1556 : i32
          %mul3A_1558 = arith.constant 64 : i32
          %mul3A_1559 = arith.muli %select_n3A_106, %mul3A_1558 : i32
          %add3A_1560 = arith.addi %mul3A_1557, %mul3A_1559 : i32
          %broadcast_in_dim3A_1561 = arith.constant 58 : i32
          %broadcast_in_dim3A_1562 = vector.broadcast %broadcast_in_dim3A_1561 : i32 to vector<16xi32>
          %add3A_1563 = vector.broadcast %add3A_1560 : i32 to vector<16xi32>
          %add3A_1564 = arith.addi %add3A_1563, %broadcast_in_dim3A_1562 : vector<16xi32>
          %gather3A_1565 = tpu.vector_load_idx %arg14[%add3A_1564] : memref<4096xf32, #tpu.memory_space<vmem>>[vector<16xi32>], vector<16xf32>,
          %get3A_1566 = arith.index_cast %add3A_1507 : i32 to index
          %get3A_1567 = arith.constant 64 : index
          %get3A_1568 = tpu.vector_load %arg15[%get3A_1566, %get3A_1567] {strides = array<i32>} : memref<128x128xf32, #tpu.memory_space<vmem>>, vector<16xf32>,
          %mul3A_1569 = arith.mulf %get3A_1568, %gather3A_1565 : vector<16xf32>
          %swap3A_1570 = arith.index_cast %add3A_1507 : i32 to index
          %swap3A_1571 = arith.constant 64 : index
          %swap3A_1572 = tpu.vector_load %arg15[%swap3A_1570, %swap3A_1571] {strides = array<i32>} : memref<128x128xf32, #tpu.memory_space<vmem>>, vector<16xf32>,
          tpu.vector_store %arg15[%swap3A_1570, %swap3A_1571], %mul3A_1569 {strides = array<i32>} : memref<128x128xf32, #tpu.memory_space<vmem>>, vector<16xf32>,
          %get3A_1573 = arith.index_cast %add3A_1507 : i32 to index
          %get3A_1574 = arith.constant 80 : index
          %get3A_1575 = tpu.vector_load %arg15[%get3A_1573, %get3A_1574] {strides = array<i32>} : memref<128x128xf32, #tpu.memory_space<vmem>>, vector<16xf32>,
          %mul3A_1576 = arith.mulf %get3A_1575, %gather3A_1565 : vector<16xf32>
          %swap3A_1577 = arith.index_cast %add3A_1507 : i32 to index
          %swap3A_1578 = arith.constant 80 : index
          %swap3A_1579 = tpu.vector_load %arg15[%swap3A_1577, %swap3A_1578] {strides = array<i32>} : memref<128x128xf32, #tpu.memory_space<vmem>>, vector<16xf32>,
          tpu.vector_store %arg15[%swap3A_1577, %swap3A_1578], %mul3A_1576 {strides = array<i32>} : memref<128x128xf32, #tpu.memory_space<vmem>>, vector<16xf32>,
          %mul3A_1580 = arith.constant 512 : i32
          %mul3A_1581 = arith.muli %select_n3A, %mul3A_1580 : i32
          %mul3A_1582 = arith.constant 64 : i32
          %mul3A_1583 = arith.muli %select_n3A_106, %mul3A_1582 : i32
          %add3A_1584 = arith.addi %mul3A_1581, %mul3A_1583 : i32
          %broadcast_in_dim3A_1585 = arith.constant 59 : i32
          %broadcast_in_dim3A_1586 = vector.broadcast %broadcast_in_dim3A_1585 : i32 to vector<16xi32>
          %add3A_1587 = vector.broadcast %add3A_1584 : i32 to vector<16xi32>
          %add3A_1588 = arith.addi %add3A_1587, %broadcast_in_dim3A_1586 : vector<16xi32>
          %gather3A_1589 = tpu.vector_load_idx %arg14[%add3A_1588] : memref<4096xf32, #tpu.memory_space<vmem>>[vector<16xi32>], vector<16xf32>,
          %get3A_1590 = arith.index_cast %add3A_1507 : i32 to index
          %get3A_1591 = arith.constant 96 : index
          %get3A_1592 = tpu.vector_load %arg15[%get3A_1590, %get3A_1591] {strides = array<i32>} : memref<128x128xf32, #tpu.memory_space<vmem>>, vector<16xf32>,
          %mul3A_1593 = arith.mulf %get3A_1592, %gather3A_1589 : vector<16xf32>
          %swap3A_1594 = arith.index_cast %add3A_1507 : i32 to index
          %swap3A_1595 = arith.constant 96 : index
          %swap3A_1596 = tpu.vector_load %arg15[%swap3A_1594, %swap3A_1595] {strides = array<i32>} : memref<128x128xf32, #tpu.memory_space<vmem>>, vector<16xf32>,
          tpu.vector_store %arg15[%swap3A_1594, %swap3A_1595], %mul3A_1593 {strides = array<i32>} : memref<128x128xf32, #tpu.memory_space<vmem>>, vector<16xf32>,
          %get3A_1597 = arith.index_cast %add3A_1507 : i32 to index
          %get3A_1598 = arith.constant 112 : index
          %get3A_1599 = tpu.vector_load %arg15[%get3A_1597, %get3A_1598] {strides = array<i32>} : memref<128x128xf32, #tpu.memory_space<vmem>>, vector<16xf32>,
          %mul3A_1600 = arith.mulf %get3A_1599, %gather3A_1589 : vector<16xf32>
          %swap3A_1601 = arith.index_cast %add3A_1507 : i32 to index
          %swap3A_1602 = arith.constant 112 : index
          %swap3A_1603 = tpu.vector_load %arg15[%swap3A_1601, %swap3A_1602] {strides = array<i32>} : memref<128x128xf32, #tpu.memory_space<vmem>>, vector<16xf32>,
          tpu.vector_store %arg15[%swap3A_1601, %swap3A_1602], %mul3A_1600 {strides = array<i32>} : memref<128x128xf32, #tpu.memory_space<vmem>>, vector<16xf32>,
          %mul3A_1604 = arith.constant 16 : i32
          %mul3A_1605 = arith.muli %select_n3A_106, %mul3A_1604 : i32
          %add3A_1606 = arith.constant 15 : i32
          %add3A_1607 = arith.addi %mul3A_1605, %add3A_1606 : i32
          %mul3A_1608 = arith.constant 512 : i32
          %mul3A_1609 = arith.muli %select_n3A, %mul3A_1608 : i32
          %mul3A_1610 = arith.constant 64 : i32
          %mul3A_1611 = arith.muli %select_n3A_106, %mul3A_1610 : i32
          %add3A_1612 = arith.addi %mul3A_1609, %mul3A_1611 : i32
          %broadcast_in_dim3A_1613 = arith.constant 60 : i32
          %broadcast_in_dim3A_1614 = vector.broadcast %broadcast_in_dim3A_1613 : i32 to vector<16xi32>
          %add3A_1615 = vector.broadcast %add3A_1612 : i32 to vector<16xi32>
          %add3A_1616 = arith.addi %add3A_1615, %broadcast_in_dim3A_1614 : vector<16xi32>
          %gather3A_1617 = tpu.vector_load_idx %arg14[%add3A_1616] : memref<4096xf32, #tpu.memory_space<vmem>>[vector<16xi32>], vector<16xf32>,
          %get3A_1618 = arith.index_cast %add3A_1607 : i32 to index
          %get3A_1619 = arith.constant 0 : index
          %get3A_1620 = tpu.vector_load %arg15[%get3A_1618, %get3A_1619] {strides = array<i32>} : memref<128x128xf32, #tpu.memory_space<vmem>>, vector<16xf32>,
          %mul3A_1621 = arith.mulf %get3A_1620, %gather3A_1617 : vector<16xf32>
          %swap3A_1622 = arith.index_cast %add3A_1607 : i32 to index
          %swap3A_1623 = arith.constant 0 : index
          %swap3A_1624 = tpu.vector_load %arg15[%swap3A_1622, %swap3A_1623] {strides = array<i32>} : memref<128x128xf32, #tpu.memory_space<vmem>>, vector<16xf32>,
          tpu.vector_store %arg15[%swap3A_1622, %swap3A_1623], %mul3A_1621 {strides = array<i32>} : memref<128x128xf32, #tpu.memory_space<vmem>>, vector<16xf32>,
          %get3A_1625 = arith.index_cast %add3A_1607 : i32 to index
          %get3A_1626 = arith.constant 16 : index
          %get3A_1627 = tpu.vector_load %arg15[%get3A_1625, %get3A_1626] {strides = array<i32>} : memref<128x128xf32, #tpu.memory_space<vmem>>, vector<16xf32>,
          %mul3A_1628 = arith.mulf %get3A_1627, %gather3A_1617 : vector<16xf32>
          %swap3A_1629 = arith.index_cast %add3A_1607 : i32 to index
          %swap3A_1630 = arith.constant 16 : index
          %swap3A_1631 = tpu.vector_load %arg15[%swap3A_1629, %swap3A_1630] {strides = array<i32>} : memref<128x128xf32, #tpu.memory_space<vmem>>, vector<16xf32>,
          tpu.vector_store %arg15[%swap3A_1629, %swap3A_1630], %mul3A_1628 {strides = array<i32>} : memref<128x128xf32, #tpu.memory_space<vmem>>, vector<16xf32>,
          %mul3A_1632 = arith.constant 512 : i32
          %mul3A_1633 = arith.muli %select_n3A, %mul3A_1632 : i32
          %mul3A_1634 = arith.constant 64 : i32
          %mul3A_1635 = arith.muli %select_n3A_106, %mul3A_1634 : i32
          %add3A_1636 = arith.addi %mul3A_1633, %mul3A_1635 : i32
          %broadcast_in_dim3A_1637 = arith.constant 61 : i32
          %broadcast_in_dim3A_1638 = vector.broadcast %broadcast_in_dim3A_1637 : i32 to vector<16xi32>
          %add3A_1639 = vector.broadcast %add3A_1636 : i32 to vector<16xi32>
          %add3A_1640 = arith.addi %add3A_1639, %broadcast_in_dim3A_1638 : vector<16xi32>
          %gather3A_1641 = tpu.vector_load_idx %arg14[%add3A_1640] : memref<4096xf32, #tpu.memory_space<vmem>>[vector<16xi32>], vector<16xf32>,
          %get3A_1642 = arith.index_cast %add3A_1607 : i32 to index
          %get3A_1643 = arith.constant 32 : index
          %get3A_1644 = tpu.vector_load %arg15[%get3A_1642, %get3A_1643] {strides = array<i32>} : memref<128x128xf32, #tpu.memory_space<vmem>>, vector<16xf32>,
          %mul3A_1645 = arith.mulf %get3A_1644, %gather3A_1641 : vector<16xf32>
          %swap3A_1646 = arith.index_cast %add3A_1607 : i32 to index
          %swap3A_1647 = arith.constant 32 : index
          %swap3A_1648 = tpu.vector_load %arg15[%swap3A_1646, %swap3A_1647] {strides = array<i32>} : memref<128x128xf32, #tpu.memory_space<vmem>>, vector<16xf32>,
          tpu.vector_store %arg15[%swap3A_1646, %swap3A_1647], %mul3A_1645 {strides = array<i32>} : memref<128x128xf32, #tpu.memory_space<vmem>>, vector<16xf32>,
          %get3A_1649 = arith.index_cast %add3A_1607 : i32 to index
          %get3A_1650 = arith.constant 48 : index
          %get3A_1651 = tpu.vector_load %arg15[%get3A_1649, %get3A_1650] {strides = array<i32>} : memref<128x128xf32, #tpu.memory_space<vmem>>, vector<16xf32>,
          %mul3A_1652 = arith.mulf %get3A_1651, %gather3A_1641 : vector<16xf32>
          %swap3A_1653 = arith.index_cast %add3A_1607 : i32 to index
          %swap3A_1654 = arith.constant 48 : index
          %swap3A_1655 = tpu.vector_load %arg15[%swap3A_1653, %swap3A_1654] {strides = array<i32>} : memref<128x128xf32, #tpu.memory_space<vmem>>, vector<16xf32>,
          tpu.vector_store %arg15[%swap3A_1653, %swap3A_1654], %mul3A_1652 {strides = array<i32>} : memref<128x128xf32, #tpu.memory_space<vmem>>, vector<16xf32>,
          %mul3A_1656 = arith.constant 512 : i32
          %mul3A_1657 = arith.muli %select_n3A, %mul3A_1656 : i32
          %mul3A_1658 = arith.constant 64 : i32
          %mul3A_1659 = arith.muli %select_n3A_106, %mul3A_1658 : i32
          %add3A_1660 = arith.addi %mul3A_1657, %mul3A_1659 : i32
          %broadcast_in_dim3A_1661 = arith.constant 62 : i32
          %broadcast_in_dim3A_1662 = vector.broadcast %broadcast_in_dim3A_1661 : i32 to vector<16xi32>
          %add3A_1663 = vector.broadcast %add3A_1660 : i32 to vector<16xi32>
          %add3A_1664 = arith.addi %add3A_1663, %broadcast_in_dim3A_1662 : vector<16xi32>
          %gather3A_1665 = tpu.vector_load_idx %arg14[%add3A_1664] : memref<4096xf32, #tpu.memory_space<vmem>>[vector<16xi32>], vector<16xf32>,
          %get3A_1666 = arith.index_cast %add3A_1607 : i32 to index
          %get3A_1667 = arith.constant 64 : index
          %get3A_1668 = tpu.vector_load %arg15[%get3A_1666, %get3A_1667] {strides = array<i32>} : memref<128x128xf32, #tpu.memory_space<vmem>>, vector<16xf32>,
          %mul3A_1669 = arith.mulf %get3A_1668, %gather3A_1665 : vector<16xf32>
          %swap3A_1670 = arith.index_cast %add3A_1607 : i32 to index
          %swap3A_1671 = arith.constant 64 : index
          %swap3A_1672 = tpu.vector_load %arg15[%swap3A_1670, %swap3A_1671] {strides = array<i32>} : memref<128x128xf32, #tpu.memory_space<vmem>>, vector<16xf32>,
          tpu.vector_store %arg15[%swap3A_1670, %swap3A_1671], %mul3A_1669 {strides = array<i32>} : memref<128x128xf32, #tpu.memory_space<vmem>>, vector<16xf32>,
          %get3A_1673 = arith.index_cast %add3A_1607 : i32 to index
          %get3A_1674 = arith.constant 80 : index
          %get3A_1675 = tpu.vector_load %arg15[%get3A_1673, %get3A_1674] {strides = array<i32>} : memref<128x128xf32, #tpu.memory_space<vmem>>, vector<16xf32>,
          %mul3A_1676 = arith.mulf %get3A_1675, %gather3A_1665 : vector<16xf32>
          %swap3A_1677 = arith.index_cast %add3A_1607 : i32 to index
          %swap3A_1678 = arith.constant 80 : index
          %swap3A_1679 = tpu.vector_load %arg15[%swap3A_1677, %swap3A_1678] {strides = array<i32>} : memref<128x128xf32, #tpu.memory_space<vmem>>, vector<16xf32>,
          tpu.vector_store %arg15[%swap3A_1677, %swap3A_1678], %mul3A_1676 {strides = array<i32>} : memref<128x128xf32, #tpu.memory_space<vmem>>, vector<16xf32>,
          %mul3A_1680 = arith.constant 512 : i32
          %mul3A_1681 = arith.muli %select_n3A, %mul3A_1680 : i32
          %mul3A_1682 = arith.constant 64 : i32
          %mul3A_1683 = arith.muli %select_n3A_106, %mul3A_1682 : i32
          %add3A_1684 = arith.addi %mul3A_1681, %mul3A_1683 : i32
          %broadcast_in_dim3A_1685 = arith.constant 63 : i32
          %broadcast_in_dim3A_1686 = vector.broadcast %broadcast_in_dim3A_1685 : i32 to vector<16xi32>
          %add3A_1687 = vector.broadcast %add3A_1684 : i32 to vector<16xi32>
          %add3A_1688 = arith.addi %add3A_1687, %broadcast_in_dim3A_1686 : vector<16xi32>
          %gather3A_1689 = tpu.vector_load_idx %arg14[%add3A_1688] : memref<4096xf32, #tpu.memory_space<vmem>>[vector<16xi32>], vector<16xf32>,
          %get3A_1690 = arith.index_cast %add3A_1607 : i32 to index
          %get3A_1691 = arith.constant 96 : index
          %get3A_1692 = tpu.vector_load %arg15[%get3A_1690, %get3A_1691] {strides = array<i32>} : memref<128x128xf32, #tpu.memory_space<vmem>>, vector<16xf32>,
          %mul3A_1693 = arith.mulf %get3A_1692, %gather3A_1689 : vector<16xf32>
          %swap3A_1694 = arith.index_cast %add3A_1607 : i32 to index
          %swap3A_1695 = arith.constant 96 : index
          %swap3A_1696 = tpu.vector_load %arg15[%swap3A_1694, %swap3A_1695] {strides = array<i32>} : memref<128x128xf32, #tpu.memory_space<vmem>>, vector<16xf32>,
          tpu.vector_store %arg15[%swap3A_1694, %swap3A_1695], %mul3A_1693 {strides = array<i32>} : memref<128x128xf32, #tpu.memory_space<vmem>>, vector<16xf32>,
          %get3A_1697 = arith.index_cast %add3A_1607 : i32 to index
          %get3A_1698 = arith.constant 112 : index
          %get3A_1699 = tpu.vector_load %arg15[%get3A_1697, %get3A_1698] {strides = array<i32>} : memref<128x128xf32, #tpu.memory_space<vmem>>, vector<16xf32>,
          %mul3A_1700 = arith.mulf %get3A_1699, %gather3A_1689 : vector<16xf32>
          %swap3A_1701 = arith.index_cast %add3A_1607 : i32 to index
          %swap3A_1702 = arith.constant 112 : index
          %swap3A_1703 = tpu.vector_load %arg15[%swap3A_1701, %swap3A_1702] {strides = array<i32>} : memref<128x128xf32, #tpu.memory_space<vmem>>, vector<16xf32>,
          tpu.vector_store %arg15[%swap3A_1701, %swap3A_1702], %mul3A_1700 {strides = array<i32>} : memref<128x128xf32, #tpu.memory_space<vmem>>, vector<16xf32>,
        }
        %while3A_75 = arith.constant 1 : i32
        scf.for %while3A_76 = %while3A_73 to %while3A_69 step %while3A_75  : i32 {
          %jit3A = arith.constant 8 : i32
          %div3A = arith.divsi %while3A_76, %jit3A : i32
          %sign3A = arith.constant 0 : i32
          %sign3A_77 = arith.cmpi sgt, %while3A_76, %sign3A : i32
          %sign3A_78 = arith.extui %sign3A_77 : i1 to i32
          %sign3A_79 = arith.constant 0 : i32
          %sign3A_80 = arith.cmpi slt, %while3A_76, %sign3A_79 : i32
          %sign3A_81 = arith.extui %sign3A_80 : i1 to i32
          %sign3A_82 = arith.subi %sign3A_78, %sign3A_81 : i32
          %sign3A_83 = arith.constant 0 : i32
          %sign3A_84 = arith.cmpi sgt, %jit3A, %sign3A_83 : i32
          %sign3A_85 = arith.extui %sign3A_84 : i1 to i32
          %sign3A_86 = arith.constant 0 : i32
          %sign3A_87 = arith.cmpi slt, %jit3A, %sign3A_86 : i32
          %sign3A_88 = arith.extui %sign3A_87 : i1 to i32
          %sign3A_89 = arith.subi %sign3A_85, %sign3A_88 : i32
          %ne3A = arith.cmpi ne, %sign3A_82, %sign3A_89 : i32
          %rem3A = arith.remsi %while3A_76, %jit3A : i32
          %ne3A_90 = arith.constant 0 : i32
          %ne3A_91 = arith.cmpi ne, %rem3A, %ne3A_90 : i32
          %and3A = arith.andi %ne3A, %ne3A_91 : i1
          %sub3A = arith.constant 1 : i32
          %sub3A_92 = arith.subi %div3A, %sub3A : i32
          %select_n3A = arith.select %and3A, %sub3A_92, %div3A : i32
          %jit3A_93 = arith.constant 8 : i32
          %eq3A = arith.constant 0 : i32
          %eq3A_94 = arith.cmpi eq, %jit3A_93, %eq3A : i32
          %jit3A_95 = arith.constant 1 : i32
          %select_n3A_96 = arith.select %eq3A_94, %jit3A_95, %jit3A_93 : i32
          %rem3A_97 = arith.remsi %while3A_76, %select_n3A_96 : i32
          %ne3A_98 = arith.constant 0 : i32
          %ne3A_99 = arith.cmpi ne, %rem3A_97, %ne3A_98 : i32
          %lt3A = arith.constant 0 : i32
          %lt3A_100 = arith.cmpi slt, %rem3A_97, %lt3A : i32
          %lt3A_101 = arith.constant 0 : i32
          %lt3A_102 = arith.cmpi slt, %select_n3A_96, %lt3A_101 : i32
          %ne3A_103 = arith.xori %lt3A_100, %lt3A_102 : i1
          %and3A_104 = arith.andi %ne3A_103, %ne3A_99 : i1
          %add3A_105 = arith.addi %rem3A_97, %select_n3A_96 : i32
          %select_n3A_106 = arith.select %and3A_104, %add3A_105, %rem3A_97 : i32
          %mul3A_107 = arith.constant 16 : i32
          %mul3A_108 = arith.muli %select_n3A_106, %mul3A_107 : i32
          %add3A_109 = arith.constant 0 : i32
          %add3A_110 = arith.addi %mul3A_108, %add3A_109 : i32
          %mul3A_111 = arith.constant 512 : i32
          %mul3A_112 = arith.muli %select_n3A, %mul3A_111 : i32
          %mul3A_113 = arith.constant 64 : i32
          %mul3A_114 = arith.muli %select_n3A_106, %mul3A_113 : i32
          %add3A_115 = arith.addi %mul3A_112, %mul3A_114 : i32
          %broadcast_in_dim3A_116 = arith.constant 0 : i32
          %broadcast_in_dim3A_117 = vector.broadcast %broadcast_in_dim3A_116 : i32 to vector<16xi32>
          %add3A_118 = vector.broadcast %add3A_115 : i32 to vector<16xi32>
          %add3A_119 = arith.addi %add3A_118, %broadcast_in_dim3A_117 : vector<16xi32>
          %gather3A = tpu.vector_load_idx %arg14[%add3A_119] : memref<4096xf32, #tpu.memory_space<vmem>>[vector<16xi32>], vector<16xf32>,
          %get3A = arith.index_cast %add3A_110 : i32 to index
          %get3A_120 = arith.constant 0 : index
          %get3A_121 = tpu.vector_load %arg15[%get3A, %get3A_120] {strides = array<i32>} : memref<128x128xf32, #tpu.memory_space<vmem>>, vector<16xf32>,
          %mul3A_122 = arith.mulf %get3A_121, %gather3A : vector<16xf32>
          %swap3A = arith.index_cast %add3A_110 : i32 to index
          %swap3A_123 = arith.constant 0 : index
          %swap3A_124 = tpu.vector_load %arg15[%swap3A, %swap3A_123] {strides = array<i32>} : memref<128x128xf32, #tpu.memory_space<vmem>>, vector<16xf32>,
          tpu.vector_store %arg15[%swap3A, %swap3A_123], %mul3A_122 {strides = array<i32>} : memref<128x128xf32, #tpu.memory_space<vmem>>, vector<16xf32>,
          %get3A_125 = arith.index_cast %add3A_110 : i32 to index
          %get3A_126 = arith.constant 16 : index
          %get3A_127 = tpu.vector_load %arg15[%get3A_125, %get3A_126] {strides = array<i32>} : memref<128x128xf32, #tpu.memory_space<vmem>>, vector<16xf32>,
          %mul3A_128 = arith.mulf %get3A_127, %gather3A : vector<16xf32>
          %swap3A_129 = arith.index_cast %add3A_110 : i32 to index
          %swap3A_130 = arith.constant 16 : index
          %swap3A_131 = tpu.vector_load %arg15[%swap3A_129, %swap3A_130] {strides = array<i32>} : memref<128x128xf32, #tpu.memory_space<vmem>>, vector<16xf32>,
          tpu.vector_store %arg15[%swap3A_129, %swap3A_130], %mul3A_128 {strides = array<i32>} : memref<128x128xf32, #tpu.memory_space<vmem>>, vector<16xf32>,
          %mul3A_132 = arith.constant 512 : i32
          %mul3A_133 = arith.muli %select_n3A, %mul3A_132 : i32
          %mul3A_134 = arith.constant 64 : i32
          %mul3A_135 = arith.muli %select_n3A_106, %mul3A_134 : i32
          %add3A_136 = arith.addi %mul3A_133, %mul3A_135 : i32
          %broadcast_in_dim3A_137 = arith.constant 1 : i32
          %broadcast_in_dim3A_138 = vector.broadcast %broadcast_in_dim3A_137 : i32 to vector<16xi32>
          %add3A_139 = vector.broadcast %add3A_136 : i32 to vector<16xi32>
          %add3A_140 = arith.addi %add3A_139, %broadcast_in_dim3A_138 : vector<16xi32>
          %gather3A_141 = tpu.vector_load_idx %arg14[%add3A_140] : memref<4096xf32, #tpu.memory_space<vmem>>[vector<16xi32>], vector<16xf32>,
          %get3A_142 = arith.index_cast %add3A_110 : i32 to index
          %get3A_143 = arith.constant 32 : index
          %get3A_144 = tpu.vector_load %arg15[%get3A_142, %get3A_143] {strides = array<i32>} : memref<128x128xf32, #tpu.memory_space<vmem>>, vector<16xf32>,
          %mul3A_145 = arith.mulf %get3A_144, %gather3A_141 : vector<16xf32>
          %swap3A_146 = arith.index_cast %add3A_110 : i32 to index
          %swap3A_147 = arith.constant 32 : index
          %swap3A_148 = tpu.vector_load %arg15[%swap3A_146, %swap3A_147] {strides = array<i32>} : memref<128x128xf32, #tpu.memory_space<vmem>>, vector<16xf32>,
          tpu.vector_store %arg15[%swap3A_146, %swap3A_147], %mul3A_145 {strides = array<i32>} : memref<128x128xf32, #tpu.memory_space<vmem>>, vector<16xf32>,
          %get3A_149 = arith.index_cast %add3A_110 : i32 to index
          %get3A_150 = arith.constant 48 : index
          %get3A_151 = tpu.vector_load %arg15[%get3A_149, %get3A_150] {strides = array<i32>} : memref<128x128xf32, #tpu.memory_space<vmem>>, vector<16xf32>,
          %mul3A_152 = arith.mulf %get3A_151, %gather3A_141 : vector<16xf32>
          %swap3A_153 = arith.index_cast %add3A_110 : i32 to index
          %swap3A_154 = arith.constant 48 : index
          %swap3A_155 = tpu.vector_load %arg15[%swap3A_153, %swap3A_154] {strides = array<i32>} : memref<128x128xf32, #tpu.memory_space<vmem>>, vector<16xf32>,
          tpu.vector_store %arg15[%swap3A_153, %swap3A_154], %mul3A_152 {strides = array<i32>} : memref<128x128xf32, #tpu.memory_space<vmem>>, vector<16xf32>,
          %mul3A_156 = arith.constant 512 : i32
          %mul3A_157 = arith.muli %select_n3A, %mul3A_156 : i32
          %mul3A_158 = arith.constant 64 : i32
          %mul3A_159 = arith.muli %select_n3A_106, %mul3A_158 : i32
          %add3A_160 = arith.addi %mul3A_157, %mul3A_159 : i32
          %broadcast_in_dim3A_161 = arith.constant 2 : i32
          %broadcast_in_dim3A_162 = vector.broadcast %broadcast_in_dim3A_161 : i32 to vector<16xi32>
          %add3A_163 = vector.broadcast %add3A_160 : i32 to vector<16xi32>
          %add3A_164 = arith.addi %add3A_163, %broadcast_in_dim3A_162 : vector<16xi32>
          %gather3A_165 = tpu.vector_load_idx %arg14[%add3A_164] : memref<4096xf32, #tpu.memory_space<vmem>>[vector<16xi32>], vector<16xf32>,
          %get3A_166 = arith.index_cast %add3A_110 : i32 to index
          %get3A_167 = arith.constant 64 : index
          %get3A_168 = tpu.vector_load %arg15[%get3A_166, %get3A_167] {strides = array<i32>} : memref<128x128xf32, #tpu.memory_space<vmem>>, vector<16xf32>,
          %mul3A_169 = arith.mulf %get3A_168, %gather3A_165 : vector<16xf32>
          %swap3A_170 = arith.index_cast %add3A_110 : i32 to index
          %swap3A_171 = arith.constant 64 : index
          %swap3A_172 = tpu.vector_load %arg15[%swap3A_170, %swap3A_171] {strides = array<i32>} : memref<128x128xf32, #tpu.memory_space<vmem>>, vector<16xf32>,
          tpu.vector_store %arg15[%swap3A_170, %swap3A_171], %mul3A_169 {strides = array<i32>} : memref<128x128xf32, #tpu.memory_space<vmem>>, vector<16xf32>,
          %get3A_173 = arith.index_cast %add3A_110 : i32 to index
          %get3A_174 = arith.constant 80 : index
          %get3A_175 = tpu.vector_load %arg15[%get3A_173, %get3A_174] {strides = array<i32>} : memref<128x128xf32, #tpu.memory_space<vmem>>, vector<16xf32>,
          %mul3A_176 = arith.mulf %get3A_175, %gather3A_165 : vector<16xf32>
          %swap3A_177 = arith.index_cast %add3A_110 : i32 to index
          %swap3A_178 = arith.constant 80 : index
          %swap3A_179 = tpu.vector_load %arg15[%swap3A_177, %swap3A_178] {strides = array<i32>} : memref<128x128xf32, #tpu.memory_space<vmem>>, vector<16xf32>,
          tpu.vector_store %arg15[%swap3A_177, %swap3A_178], %mul3A_176 {strides = array<i32>} : memref<128x128xf32, #tpu.memory_space<vmem>>, vector<16xf32>,
          %mul3A_180 = arith.constant 512 : i32
          %mul3A_181 = arith.muli %select_n3A, %mul3A_180 : i32
          %mul3A_182 = arith.constant 64 : i32
          %mul3A_183 = arith.muli %select_n3A_106, %mul3A_182 : i32
          %add3A_184 = arith.addi %mul3A_181, %mul3A_183 : i32
          %broadcast_in_dim3A_185 = arith.constant 3 : i32
          %broadcast_in_dim3A_186 = vector.broadcast %broadcast_in_dim3A_185 : i32 to vector<16xi32>
          %add3A_187 = vector.broadcast %add3A_184 : i32 to vector<16xi32>
          %add3A_188 = arith.addi %add3A_187, %broadcast_in_dim3A_186 : vector<16xi32>
          %gather3A_189 = tpu.vector_load_idx %arg14[%add3A_188] : memref<4096xf32, #tpu.memory_space<vmem>>[vector<16xi32>], vector<16xf32>,
          %get3A_190 = arith.index_cast %add3A_110 : i32 to index
          %get3A_191 = arith.constant 96 : index
          %get3A_192 = tpu.vector_load %arg15[%get3A_190, %get3A_191] {strides = array<i32>} : memref<128x128xf32, #tpu.memory_space<vmem>>, vector<16xf32>,
          %mul3A_193 = arith.mulf %get3A_192, %gather3A_189 : vector<16xf32>
          %swap3A_194 = arith.index_cast %add3A_110 : i32 to index
          %swap3A_195 = arith.constant 96 : index
          %swap3A_196 = tpu.vector_load %arg15[%swap3A_194, %swap3A_195] {strides = array<i32>} : memref<128x128xf32, #tpu.memory_space<vmem>>, vector<16xf32>,
          tpu.vector_store %arg15[%swap3A_194, %swap3A_195], %mul3A_193 {strides = array<i32>} : memref<128x128xf32, #tpu.memory_space<vmem>>, vector<16xf32>,
          %get3A_197 = arith.index_cast %add3A_110 : i32 to index
          %get3A_198 = arith.constant 112 : index
          %get3A_199 = tpu.vector_load %arg15[%get3A_197, %get3A_198] {strides = array<i32>} : memref<128x128xf32, #tpu.memory_space<vmem>>, vector<16xf32>,
          %mul3A_200 = arith.mulf %get3A_199, %gather3A_189 : vector<16xf32>
          %swap3A_201 = arith.index_cast %add3A_110 : i32 to index
          %swap3A_202 = arith.constant 112 : index
          %swap3A_203 = tpu.vector_load %arg15[%swap3A_201, %swap3A_202] {strides = array<i32>} : memref<128x128xf32, #tpu.memory_space<vmem>>, vector<16xf32>,
          tpu.vector_store %arg15[%swap3A_201, %swap3A_202], %mul3A_200 {strides = array<i32>} : memref<128x128xf32, #tpu.memory_space<vmem>>, vector<16xf32>,
          %mul3A_204 = arith.constant 16 : i32
          %mul3A_205 = arith.muli %select_n3A_106, %mul3A_204 : i32
          %add3A_206 = arith.constant 1 : i32
          %add3A_207 = arith.addi %mul3A_205, %add3A_206 : i32
          %mul3A_208 = arith.constant 512 : i32
          %mul3A_209 = arith.muli %select_n3A, %mul3A_208 : i32
          %mul3A_210 = arith.constant 64 : i32
          %mul3A_211 = arith.muli %select_n3A_106, %mul3A_210 : i32
          %add3A_212 = arith.addi %mul3A_209, %mul3A_211 : i32
          %broadcast_in_dim3A_213 = arith.constant 4 : i32
          %broadcast_in_dim3A_214 = vector.broadcast %broadcast_in_dim3A_213 : i32 to vector<16xi32>
          %add3A_215 = vector.broadcast %add3A_212 : i32 to vector<16xi32>
          %add3A_216 = arith.addi %add3A_215, %broadcast_in_dim3A_214 : vector<16xi32>
          %gather3A_217 = tpu.vector_load_idx %arg14[%add3A_216] : memref<4096xf32, #tpu.memory_space<vmem>>[vector<16xi32>], vector<16xf32>,
          %get3A_218 = arith.index_cast %add3A_207 : i32 to index
          %get3A_219 = arith.constant 0 : index
          %get3A_220 = tpu.vector_load %arg15[%get3A_218, %get3A_219] {strides = array<i32>} : memref<128x128xf32, #tpu.memory_space<vmem>>, vector<16xf32>,
          %mul3A_221 = arith.mulf %get3A_220, %gather3A_217 : vector<16xf32>
          %swap3A_222 = arith.index_cast %add3A_207 : i32 to index
          %swap3A_223 = arith.constant 0 : index
          %swap3A_224 = tpu.vector_load %arg15[%swap3A_222, %swap3A_223] {strides = array<i32>} : memref<128x128xf32, #tpu.memory_space<vmem>>, vector<16xf32>,
          tpu.vector_store %arg15[%swap3A_222, %swap3A_223], %mul3A_221 {strides = array<i32>} : memref<128x128xf32, #tpu.memory_space<vmem>>, vector<16xf32>,
          %get3A_225 = arith.index_cast %add3A_207 : i32 to index
          %get3A_226 = arith.constant 16 : index
          %get3A_227 = tpu.vector_load %arg15[%get3A_225, %get3A_226] {strides = array<i32>} : memref<128x128xf32, #tpu.memory_space<vmem>>, vector<16xf32>,
          %mul3A_228 = arith.mulf %get3A_227, %gather3A_217 : vector<16xf32>
          %swap3A_229 = arith.index_cast %add3A_207 : i32 to index
          %swap3A_230 = arith.constant 16 : index
          %swap3A_231 = tpu.vector_load %arg15[%swap3A_229, %swap3A_230] {strides = array<i32>} : memref<128x128xf32, #tpu.memory_space<vmem>>, vector<16xf32>,
          tpu.vector_store %arg15[%swap3A_229, %swap3A_230], %mul3A_228 {strides = array<i32>} : memref<128x128xf32, #tpu.memory_space<vmem>>, vector<16xf32>,
          %mul3A_232 = arith.constant 512 : i32
          %mul3A_233 = arith.muli %select_n3A, %mul3A_232 : i32
          %mul3A_234 = arith.constant 64 : i32
          %mul3A_235 = arith.muli %select_n3A_106, %mul3A_234 : i32
          %add3A_236 = arith.addi %mul3A_233, %mul3A_235 : i32
          %broadcast_in_dim3A_237 = arith.constant 5 : i32
          %broadcast_in_dim3A_238 = vector.broadcast %broadcast_in_dim3A_237 : i32 to vector<16xi32>
          %add3A_239 = vector.broadcast %add3A_236 : i32 to vector<16xi32>
          %add3A_240 = arith.addi %add3A_239, %broadcast_in_dim3A_238 : vector<16xi32>
          %gather3A_241 = tpu.vector_load_idx %arg14[%add3A_240] : memref<4096xf32, #tpu.memory_space<vmem>>[vector<16xi32>], vector<16xf32>,
          %get3A_242 = arith.index_cast %add3A_207 : i32 to index
          %get3A_243 = arith.constant 32 : index
          %get3A_244 = tpu.vector_load %arg15[%get3A_242, %get3A_243] {strides = array<i32>} : memref<128x128xf32, #tpu.memory_space<vmem>>, vector<16xf32>,
          %mul3A_245 = arith.mulf %get3A_244, %gather3A_241 : vector<16xf32>
          %swap3A_246 = arith.index_cast %add3A_207 : i32 to index
          %swap3A_247 = arith.constant 32 : index
          %swap3A_248 = tpu.vector_load %arg15[%swap3A_246, %swap3A_247] {strides = array<i32>} : memref<128x128xf32, #tpu.memory_space<vmem>>, vector<16xf32>,
          tpu.vector_store %arg15[%swap3A_246, %swap3A_247], %mul3A_245 {strides = array<i32>} : memref<128x128xf32, #tpu.memory_space<vmem>>, vector<16xf32>,
          %get3A_249 = arith.index_cast %add3A_207 : i32 to index
          %get3A_250 = arith.constant 48 : index
          %get3A_251 = tpu.vector_load %arg15[%get3A_249, %get3A_250] {strides = array<i32>} : memref<128x128xf32, #tpu.memory_space<vmem>>, vector<16xf32>,
          %mul3A_252 = arith.mulf %get3A_251, %gather3A_241 : vector<16xf32>
          %swap3A_253 = arith.index_cast %add3A_207 : i32 to index
          %swap3A_254 = arith.constant 48 : index
          %swap3A_255 = tpu.vector_load %arg15[%swap3A_253, %swap3A_254] {strides = array<i32>} : memref<128x128xf32, #tpu.memory_space<vmem>>, vector<16xf32>,
          tpu.vector_store %arg15[%swap3A_253, %swap3A_254], %mul3A_252 {strides = array<i32>} : memref<128x128xf32, #tpu.memory_space<vmem>>, vector<16xf32>,
          %mul3A_256 = arith.constant 512 : i32
          %mul3A_257 = arith.muli %select_n3A, %mul3A_256 : i32
          %mul3A_258 = arith.constant 64 : i32
          %mul3A_259 = arith.muli %select_n3A_106, %mul3A_258 : i32
          %add3A_260 = arith.addi %mul3A_257, %mul3A_259 : i32
          %broadcast_in_dim3A_261 = arith.constant 6 : i32
          %broadcast_in_dim3A_262 = vector.broadcast %broadcast_in_dim3A_261 : i32 to vector<16xi32>
          %add3A_263 = vector.broadcast %add3A_260 : i32 to vector<16xi32>
          %add3A_264 = arith.addi %add3A_263, %broadcast_in_dim3A_262 : vector<16xi32>
          %gather3A_265 = tpu.vector_load_idx %arg14[%add3A_264] : memref<4096xf32, #tpu.memory_space<vmem>>[vector<16xi32>], vector<16xf32>,
          %get3A_266 = arith.index_cast %add3A_207 : i32 to index
          %get3A_267 = arith.constant 64 : index
          %get3A_268 = tpu.vector_load %arg15[%get3A_266, %get3A_267] {strides = array<i32>} : memref<128x128xf32, #tpu.memory_space<vmem>>, vector<16xf32>,
          %mul3A_269 = arith.mulf %get3A_268, %gather3A_265 : vector<16xf32>
          %swap3A_270 = arith.index_cast %add3A_207 : i32 to index
          %swap3A_271 = arith.constant 64 : index
          %swap3A_272 = tpu.vector_load %arg15[%swap3A_270, %swap3A_271] {strides = array<i32>} : memref<128x128xf32, #tpu.memory_space<vmem>>, vector<16xf32>,
          tpu.vector_store %arg15[%swap3A_270, %swap3A_271], %mul3A_269 {strides = array<i32>} : memref<128x128xf32, #tpu.memory_space<vmem>>, vector<16xf32>,
          %get3A_273 = arith.index_cast %add3A_207 : i32 to index
          %get3A_274 = arith.constant 80 : index
          %get3A_275 = tpu.vector_load %arg15[%get3A_273, %get3A_274] {strides = array<i32>} : memref<128x128xf32, #tpu.memory_space<vmem>>, vector<16xf32>,
          %mul3A_276 = arith.mulf %get3A_275, %gather3A_265 : vector<16xf32>
          %swap3A_277 = arith.index_cast %add3A_207 : i32 to index
          %swap3A_278 = arith.constant 80 : index
          %swap3A_279 = tpu.vector_load %arg15[%swap3A_277, %swap3A_278] {strides = array<i32>} : memref<128x128xf32, #tpu.memory_space<vmem>>, vector<16xf32>,
          tpu.vector_store %arg15[%swap3A_277, %swap3A_278], %mul3A_276 {strides = array<i32>} : memref<128x128xf32, #tpu.memory_space<vmem>>, vector<16xf32>,
          %mul3A_280 = arith.constant 512 : i32
          %mul3A_281 = arith.muli %select_n3A, %mul3A_280 : i32
          %mul3A_282 = arith.constant 64 : i32
          %mul3A_283 = arith.muli %select_n3A_106, %mul3A_282 : i32
          %add3A_284 = arith.addi %mul3A_281, %mul3A_283 : i32
          %broadcast_in_dim3A_285 = arith.constant 7 : i32
          %broadcast_in_dim3A_286 = vector.broadcast %broadcast_in_dim3A_285 : i32 to vector<16xi32>
          %add3A_287 = vector.broadcast %add3A_284 : i32 to vector<16xi32>
          %add3A_288 = arith.addi %add3A_287, %broadcast_in_dim3A_286 : vector<16xi32>
          %gather3A_289 = tpu.vector_load_idx %arg14[%add3A_288] : memref<4096xf32, #tpu.memory_space<vmem>>[vector<16xi32>], vector<16xf32>,
          %get3A_290 = arith.index_cast %add3A_207 : i32 to index
          %get3A_291 = arith.constant 96 : index
          %get3A_292 = tpu.vector_load %arg15[%get3A_290, %get3A_291] {strides = array<i32>} : memref<128x128xf32, #tpu.memory_space<vmem>>, vector<16xf32>,
          %mul3A_293 = arith.mulf %get3A_292, %gather3A_289 : vector<16xf32>
          %swap3A_294 = arith.index_cast %add3A_207 : i32 to index
          %swap3A_295 = arith.constant 96 : index
          %swap3A_296 = tpu.vector_load %arg15[%swap3A_294, %swap3A_295] {strides = array<i32>} : memref<128x128xf32, #tpu.memory_space<vmem>>, vector<16xf32>,
          tpu.vector_store %arg15[%swap3A_294, %swap3A_295], %mul3A_293 {strides = array<i32>} : memref<128x128xf32, #tpu.memory_space<vmem>>, vector<16xf32>,
          %get3A_297 = arith.index_cast %add3A_207 : i32 to index
          %get3A_298 = arith.constant 112 : index
          %get3A_299 = tpu.vector_load %arg15[%get3A_297, %get3A_298] {strides = array<i32>} : memref<128x128xf32, #tpu.memory_space<vmem>>, vector<16xf32>,
          %mul3A_300 = arith.mulf %get3A_299, %gather3A_289 : vector<16xf32>
          %swap3A_301 = arith.index_cast %add3A_207 : i32 to index
          %swap3A_302 = arith.constant 112 : index
          %swap3A_303 = tpu.vector_load %arg15[%swap3A_301, %swap3A_302] {strides = array<i32>} : memref<128x128xf32, #tpu.memory_space<vmem>>, vector<16xf32>,
          tpu.vector_store %arg15[%swap3A_301, %swap3A_302], %mul3A_300 {strides = array<i32>} : memref<128x128xf32, #tpu.memory_space<vmem>>, vector<16xf32>,
          %mul3A_304 = arith.constant 16 : i32
          %mul3A_305 = arith.muli %select_n3A_106, %mul3A_304 : i32
          %add3A_306 = arith.constant 2 : i32
          %add3A_307 = arith.addi %mul3A_305, %add3A_306 : i32
          %mul3A_308 = arith.constant 512 : i32
          %mul3A_309 = arith.muli %select_n3A, %mul3A_308 : i32
          %mul3A_310 = arith.constant 64 : i32
          %mul3A_311 = arith.muli %select_n3A_106, %mul3A_310 : i32
          %add3A_312 = arith.addi %mul3A_309, %mul3A_311 : i32
          %broadcast_in_dim3A_313 = arith.constant 8 : i32
          %broadcast_in_dim3A_314 = vector.broadcast %broadcast_in_dim3A_313 : i32 to vector<16xi32>
          %add3A_315 = vector.broadcast %add3A_312 : i32 to vector<16xi32>
          %add3A_316 = arith.addi %add3A_315, %broadcast_in_dim3A_314 : vector<16xi32>
          %gather3A_317 = tpu.vector_load_idx %arg14[%add3A_316] : memref<4096xf32, #tpu.memory_space<vmem>>[vector<16xi32>], vector<16xf32>,
          %get3A_318 = arith.index_cast %add3A_307 : i32 to index
          %get3A_319 = arith.constant 0 : index
          %get3A_320 = tpu.vector_load %arg15[%get3A_318, %get3A_319] {strides = array<i32>} : memref<128x128xf32, #tpu.memory_space<vmem>>, vector<16xf32>,
          %mul3A_321 = arith.mulf %get3A_320, %gather3A_317 : vector<16xf32>
          %swap3A_322 = arith.index_cast %add3A_307 : i32 to index
          %swap3A_323 = arith.constant 0 : index
          %swap3A_324 = tpu.vector_load %arg15[%swap3A_322, %swap3A_323] {strides = array<i32>} : memref<128x128xf32, #tpu.memory_space<vmem>>, vector<16xf32>,
          tpu.vector_store %arg15[%swap3A_322, %swap3A_323], %mul3A_321 {strides = array<i32>} : memref<128x128xf32, #tpu.memory_space<vmem>>, vector<16xf32>,
          %get3A_325 = arith.index_cast %add3A_307 : i32 to index
          %get3A_326 = arith.constant 16 : index
          %get3A_327 = tpu.vector_load %arg15[%get3A_325, %get3A_326] {strides = array<i32>} : memref<128x128xf32, #tpu.memory_space<vmem>>, vector<16xf32>,
          %mul3A_328 = arith.mulf %get3A_327, %gather3A_317 : vector<16xf32>
          %swap3A_329 = arith.index_cast %add3A_307 : i32 to index
          %swap3A_330 = arith.constant 16 : index
          %swap3A_331 = tpu.vector_load %arg15[%swap3A_329, %swap3A_330] {strides = array<i32>} : memref<128x128xf32, #tpu.memory_space<vmem>>, vector<16xf32>,
          tpu.vector_store %arg15[%swap3A_329, %swap3A_330], %mul3A_328 {strides = array<i32>} : memref<128x128xf32, #tpu.memory_space<vmem>>, vector<16xf32>,
          %mul3A_332 = arith.constant 512 : i32
          %mul3A_333 = arith.muli %select_n3A, %mul3A_332 : i32
          %mul3A_334 = arith.constant 64 : i32
          %mul3A_335 = arith.muli %select_n3A_106, %mul3A_334 : i32
          %add3A_336 = arith.addi %mul3A_333, %mul3A_335 : i32
          %broadcast_in_dim3A_337 = arith.constant 9 : i32
          %broadcast_in_dim3A_338 = vector.broadcast %broadcast_in_dim3A_337 : i32 to vector<16xi32>
          %add3A_339 = vector.broadcast %add3A_336 : i32 to vector<16xi32>
          %add3A_340 = arith.addi %add3A_339, %broadcast_in_dim3A_338 : vector<16xi32>
          %gather3A_341 = tpu.vector_load_idx %arg14[%add3A_340] : memref<4096xf32, #tpu.memory_space<vmem>>[vector<16xi32>], vector<16xf32>,
          %get3A_342 = arith.index_cast %add3A_307 : i32 to index
          %get3A_343 = arith.constant 32 : index
          %get3A_344 = tpu.vector_load %arg15[%get3A_342, %get3A_343] {strides = array<i32>} : memref<128x128xf32, #tpu.memory_space<vmem>>, vector<16xf32>,
          %mul3A_345 = arith.mulf %get3A_344, %gather3A_341 : vector<16xf32>
          %swap3A_346 = arith.index_cast %add3A_307 : i32 to index
          %swap3A_347 = arith.constant 32 : index
          %swap3A_348 = tpu.vector_load %arg15[%swap3A_346, %swap3A_347] {strides = array<i32>} : memref<128x128xf32, #tpu.memory_space<vmem>>, vector<16xf32>,
          tpu.vector_store %arg15[%swap3A_346, %swap3A_347], %mul3A_345 {strides = array<i32>} : memref<128x128xf32, #tpu.memory_space<vmem>>, vector<16xf32>,
          %get3A_349 = arith.index_cast %add3A_307 : i32 to index
          %get3A_350 = arith.constant 48 : index
          %get3A_351 = tpu.vector_load %arg15[%get3A_349, %get3A_350] {strides = array<i32>} : memref<128x128xf32, #tpu.memory_space<vmem>>, vector<16xf32>,
          %mul3A_352 = arith.mulf %get3A_351, %gather3A_341 : vector<16xf32>
          %swap3A_353 = arith.index_cast %add3A_307 : i32 to index
          %swap3A_354 = arith.constant 48 : index
          %swap3A_355 = tpu.vector_load %arg15[%swap3A_353, %swap3A_354] {strides = array<i32>} : memref<128x128xf32, #tpu.memory_space<vmem>>, vector<16xf32>,
          tpu.vector_store %arg15[%swap3A_353, %swap3A_354], %mul3A_352 {strides = array<i32>} : memref<128x128xf32, #tpu.memory_space<vmem>>, vector<16xf32>,
          %mul3A_356 = arith.constant 512 : i32
          %mul3A_357 = arith.muli %select_n3A, %mul3A_356 : i32
          %mul3A_358 = arith.constant 64 : i32
          %mul3A_359 = arith.muli %select_n3A_106, %mul3A_358 : i32
          %add3A_360 = arith.addi %mul3A_357, %mul3A_359 : i32
          %broadcast_in_dim3A_361 = arith.constant 10 : i32
          %broadcast_in_dim3A_362 = vector.broadcast %broadcast_in_dim3A_361 : i32 to vector<16xi32>
          %add3A_363 = vector.broadcast %add3A_360 : i32 to vector<16xi32>
          %add3A_364 = arith.addi %add3A_363, %broadcast_in_dim3A_362 : vector<16xi32>
          %gather3A_365 = tpu.vector_load_idx %arg14[%add3A_364] : memref<4096xf32, #tpu.memory_space<vmem>>[vector<16xi32>], vector<16xf32>,
          %get3A_366 = arith.index_cast %add3A_307 : i32 to index
          %get3A_367 = arith.constant 64 : index
          %get3A_368 = tpu.vector_load %arg15[%get3A_366, %get3A_367] {strides = array<i32>} : memref<128x128xf32, #tpu.memory_space<vmem>>, vector<16xf32>,
          %mul3A_369 = arith.mulf %get3A_368, %gather3A_365 : vector<16xf32>
          %swap3A_370 = arith.index_cast %add3A_307 : i32 to index
          %swap3A_371 = arith.constant 64 : index
          %swap3A_372 = tpu.vector_load %arg15[%swap3A_370, %swap3A_371] {strides = array<i32>} : memref<128x128xf32, #tpu.memory_space<vmem>>, vector<16xf32>,
          tpu.vector_store %arg15[%swap3A_370, %swap3A_371], %mul3A_369 {strides = array<i32>} : memref<128x128xf32, #tpu.memory_space<vmem>>, vector<16xf32>,
          %get3A_373 = arith.index_cast %add3A_307 : i32 to index
          %get3A_374 = arith.constant 80 : index
          %get3A_375 = tpu.vector_load %arg15[%get3A_373, %get3A_374] {strides = array<i32>} : memref<128x128xf32, #tpu.memory_space<vmem>>, vector<16xf32>,
          %mul3A_376 = arith.mulf %get3A_375, %gather3A_365 : vector<16xf32>
          %swap3A_377 = arith.index_cast %add3A_307 : i32 to index
          %swap3A_378 = arith.constant 80 : index
          %swap3A_379 = tpu.vector_load %arg15[%swap3A_377, %swap3A_378] {strides = array<i32>} : memref<128x128xf32, #tpu.memory_space<vmem>>, vector<16xf32>,
          tpu.vector_store %arg15[%swap3A_377, %swap3A_378], %mul3A_376 {strides = array<i32>} : memref<128x128xf32, #tpu.memory_space<vmem>>, vector<16xf32>,
          %mul3A_380 = arith.constant 512 : i32
          %mul3A_381 = arith.muli %select_n3A, %mul3A_380 : i32
          %mul3A_382 = arith.constant 64 : i32
          %mul3A_383 = arith.muli %select_n3A_106, %mul3A_382 : i32
          %add3A_384 = arith.addi %mul3A_381, %mul3A_383 : i32
          %broadcast_in_dim3A_385 = arith.constant 11 : i32
          %broadcast_in_dim3A_386 = vector.broadcast %broadcast_in_dim3A_385 : i32 to vector<16xi32>
          %add3A_387 = vector.broadcast %add3A_384 : i32 to vector<16xi32>
          %add3A_388 = arith.addi %add3A_387, %broadcast_in_dim3A_386 : vector<16xi32>
          %gather3A_389 = tpu.vector_load_idx %arg14[%add3A_388] : memref<4096xf32, #tpu.memory_space<vmem>>[vector<16xi32>], vector<16xf32>,
          %get3A_390 = arith.index_cast %add3A_307 : i32 to index
          %get3A_391 = arith.constant 96 : index
          %get3A_392 = tpu.vector_load %arg15[%get3A_390, %get3A_391] {strides = array<i32>} : memref<128x128xf32, #tpu.memory_space<vmem>>, vector<16xf32>,
          %mul3A_393 = arith.mulf %get3A_392, %gather3A_389 : vector<16xf32>
          %swap3A_394 = arith.index_cast %add3A_307 : i32 to index
          %swap3A_395 = arith.constant 96 : index
          %swap3A_396 = tpu.vector_load %arg15[%swap3A_394, %swap3A_395] {strides = array<i32>} : memref<128x128xf32, #tpu.memory_space<vmem>>, vector<16xf32>,
          tpu.vector_store %arg15[%swap3A_394, %swap3A_395], %mul3A_393 {strides = array<i32>} : memref<128x128xf32, #tpu.memory_space<vmem>>, vector<16xf32>,
          %get3A_397 = arith.index_cast %add3A_307 : i32 to index
          %get3A_398 = arith.constant 112 : index
          %get3A_399 = tpu.vector_load %arg15[%get3A_397, %get3A_398] {strides = array<i32>} : memref<128x128xf32, #tpu.memory_space<vmem>>, vector<16xf32>,
          %mul3A_400 = arith.mulf %get3A_399, %gather3A_389 : vector<16xf32>
          %swap3A_401 = arith.index_cast %add3A_307 : i32 to index
          %swap3A_402 = arith.constant 112 : index
          %swap3A_403 = tpu.vector_load %arg15[%swap3A_401, %swap3A_402] {strides = array<i32>} : memref<128x128xf32, #tpu.memory_space<vmem>>, vector<16xf32>,
          tpu.vector_store %arg15[%swap3A_401, %swap3A_402], %mul3A_400 {strides = array<i32>} : memref<128x128xf32, #tpu.memory_space<vmem>>, vector<16xf32>,
          %mul3A_404 = arith.constant 16 : i32
          %mul3A_405 = arith.muli %select_n3A_106, %mul3A_404 : i32
          %add3A_406 = arith.constant 3 : i32
          %add3A_407 = arith.addi %mul3A_405, %add3A_406 : i32
          %mul3A_408 = arith.constant 512 : i32
          %mul3A_409 = arith.muli %select_n3A, %mul3A_408 : i32
          %mul3A_410 = arith.constant 64 : i32
          %mul3A_411 = arith.muli %select_n3A_106, %mul3A_410 : i32
          %add3A_412 = arith.addi %mul3A_409, %mul3A_411 : i32
          %broadcast_in_dim3A_413 = arith.constant 12 : i32
          %broadcast_in_dim3A_414 = vector.broadcast %broadcast_in_dim3A_413 : i32 to vector<16xi32>
          %add3A_415 = vector.broadcast %add3A_412 : i32 to vector<16xi32>
          %add3A_416 = arith.addi %add3A_415, %broadcast_in_dim3A_414 : vector<16xi32>
          %gather3A_417 = tpu.vector_load_idx %arg14[%add3A_416] : memref<4096xf32, #tpu.memory_space<vmem>>[vector<16xi32>], vector<16xf32>,
          %get3A_418 = arith.index_cast %add3A_407 : i32 to index
          %get3A_419 = arith.constant 0 : index
          %get3A_420 = tpu.vector_load %arg15[%get3A_418, %get3A_419] {strides = array<i32>} : memref<128x128xf32, #tpu.memory_space<vmem>>, vector<16xf32>,
          %mul3A_421 = arith.mulf %get3A_420, %gather3A_417 : vector<16xf32>
          %swap3A_422 = arith.index_cast %add3A_407 : i32 to index
          %swap3A_423 = arith.constant 0 : index
          %swap3A_424 = tpu.vector_load %arg15[%swap3A_422, %swap3A_423] {strides = array<i32>} : memref<128x128xf32, #tpu.memory_space<vmem>>, vector<16xf32>,
          tpu.vector_store %arg15[%swap3A_422, %swap3A_423], %mul3A_421 {strides = array<i32>} : memref<128x128xf32, #tpu.memory_space<vmem>>, vector<16xf32>,
          %get3A_425 = arith.index_cast %add3A_407 : i32 to index
          %get3A_426 = arith.constant 16 : index
          %get3A_427 = tpu.vector_load %arg15[%get3A_425, %get3A_426] {strides = array<i32>} : memref<128x128xf32, #tpu.memory_space<vmem>>, vector<16xf32>,
          %mul3A_428 = arith.mulf %get3A_427, %gather3A_417 : vector<16xf32>
          %swap3A_429 = arith.index_cast %add3A_407 : i32 to index
          %swap3A_430 = arith.constant 16 : index
          %swap3A_431 = tpu.vector_load %arg15[%swap3A_429, %swap3A_430] {strides = array<i32>} : memref<128x128xf32, #tpu.memory_space<vmem>>, vector<16xf32>,
          tpu.vector_store %arg15[%swap3A_429, %swap3A_430], %mul3A_428 {strides = array<i32>} : memref<128x128xf32, #tpu.memory_space<vmem>>, vector<16xf32>,
          %mul3A_432 = arith.constant 512 : i32
          %mul3A_433 = arith.muli %select_n3A, %mul3A_432 : i32
          %mul3A_434 = arith.constant 64 : i32
          %mul3A_435 = arith.muli %select_n3A_106, %mul3A_434 : i32
          %add3A_436 = arith.addi %mul3A_433, %mul3A_435 : i32
          %broadcast_in_dim3A_437 = arith.constant 13 : i32
          %broadcast_in_dim3A_438 = vector.broadcast %broadcast_in_dim3A_437 : i32 to vector<16xi32>
          %add3A_439 = vector.broadcast %add3A_436 : i32 to vector<16xi32>
          %add3A_440 = arith.addi %add3A_439, %broadcast_in_dim3A_438 : vector<16xi32>
          %gather3A_441 = tpu.vector_load_idx %arg14[%add3A_440] : memref<4096xf32, #tpu.memory_space<vmem>>[vector<16xi32>], vector<16xf32>,
          %get3A_442 = arith.index_cast %add3A_407 : i32 to index
          %get3A_443 = arith.constant 32 : index
          %get3A_444 = tpu.vector_load %arg15[%get3A_442, %get3A_443] {strides = array<i32>} : memref<128x128xf32, #tpu.memory_space<vmem>>, vector<16xf32>,
          %mul3A_445 = arith.mulf %get3A_444, %gather3A_441 : vector<16xf32>
          %swap3A_446 = arith.index_cast %add3A_407 : i32 to index
          %swap3A_447 = arith.constant 32 : index
          %swap3A_448 = tpu.vector_load %arg15[%swap3A_446, %swap3A_447] {strides = array<i32>} : memref<128x128xf32, #tpu.memory_space<vmem>>, vector<16xf32>,
          tpu.vector_store %arg15[%swap3A_446, %swap3A_447], %mul3A_445 {strides = array<i32>} : memref<128x128xf32, #tpu.memory_space<vmem>>, vector<16xf32>,
          %get3A_449 = arith.index_cast %add3A_407 : i32 to index
          %get3A_450 = arith.constant 48 : index
          %get3A_451 = tpu.vector_load %arg15[%get3A_449, %get3A_450] {strides = array<i32>} : memref<128x128xf32, #tpu.memory_space<vmem>>, vector<16xf32>,
          %mul3A_452 = arith.mulf %get3A_451, %gather3A_441 : vector<16xf32>
          %swap3A_453 = arith.index_cast %add3A_407 : i32 to index
          %swap3A_454 = arith.constant 48 : index
          %swap3A_455 = tpu.vector_load %arg15[%swap3A_453, %swap3A_454] {strides = array<i32>} : memref<128x128xf32, #tpu.memory_space<vmem>>, vector<16xf32>,
          tpu.vector_store %arg15[%swap3A_453, %swap3A_454], %mul3A_452 {strides = array<i32>} : memref<128x128xf32, #tpu.memory_space<vmem>>, vector<16xf32>,
          %mul3A_456 = arith.constant 512 : i32
          %mul3A_457 = arith.muli %select_n3A, %mul3A_456 : i32
          %mul3A_458 = arith.constant 64 : i32
          %mul3A_459 = arith.muli %select_n3A_106, %mul3A_458 : i32
          %add3A_460 = arith.addi %mul3A_457, %mul3A_459 : i32
          %broadcast_in_dim3A_461 = arith.constant 14 : i32
          %broadcast_in_dim3A_462 = vector.broadcast %broadcast_in_dim3A_461 : i32 to vector<16xi32>
          %add3A_463 = vector.broadcast %add3A_460 : i32 to vector<16xi32>
          %add3A_464 = arith.addi %add3A_463, %broadcast_in_dim3A_462 : vector<16xi32>
          %gather3A_465 = tpu.vector_load_idx %arg14[%add3A_464] : memref<4096xf32, #tpu.memory_space<vmem>>[vector<16xi32>], vector<16xf32>,
          %get3A_466 = arith.index_cast %add3A_407 : i32 to index
          %get3A_467 = arith.constant 64 : index
          %get3A_468 = tpu.vector_load %arg15[%get3A_466, %get3A_467] {strides = array<i32>} : memref<128x128xf32, #tpu.memory_space<vmem>>, vector<16xf32>,
          %mul3A_469 = arith.mulf %get3A_468, %gather3A_465 : vector<16xf32>
          %swap3A_470 = arith.index_cast %add3A_407 : i32 to index
          %swap3A_471 = arith.constant 64 : index
          %swap3A_472 = tpu.vector_load %arg15[%swap3A_470, %swap3A_471] {strides = array<i32>} : memref<128x128xf32, #tpu.memory_space<vmem>>, vector<16xf32>,
          tpu.vector_store %arg15[%swap3A_470, %swap3A_471], %mul3A_469 {strides = array<i32>} : memref<128x128xf32, #tpu.memory_space<vmem>>, vector<16xf32>,
          %get3A_473 = arith.index_cast %add3A_407 : i32 to index
          %get3A_474 = arith.constant 80 : index
          %get3A_475 = tpu.vector_load %arg15[%get3A_473, %get3A_474] {strides = array<i32>} : memref<128x128xf32, #tpu.memory_space<vmem>>, vector<16xf32>,
          %mul3A_476 = arith.mulf %get3A_475, %gather3A_465 : vector<16xf32>
          %swap3A_477 = arith.index_cast %add3A_407 : i32 to index
          %swap3A_478 = arith.constant 80 : index
          %swap3A_479 = tpu.vector_load %arg15[%swap3A_477, %swap3A_478] {strides = array<i32>} : memref<128x128xf32, #tpu.memory_space<vmem>>, vector<16xf32>,
          tpu.vector_store %arg15[%swap3A_477, %swap3A_478], %mul3A_476 {strides = array<i32>} : memref<128x128xf32, #tpu.memory_space<vmem>>, vector<16xf32>,
          %mul3A_480 = arith.constant 512 : i32
          %mul3A_481 = arith.muli %select_n3A, %mul3A_480 : i32
          %mul3A_482 = arith.constant 64 : i32
          %mul3A_483 = arith.muli %select_n3A_106, %mul3A_482 : i32
          %add3A_484 = arith.addi %mul3A_481, %mul3A_483 : i32
          %broadcast_in_dim3A_485 = arith.constant 15 : i32
          %broadcast_in_dim3A_486 = vector.broadcast %broadcast_in_dim3A_485 : i32 to vector<16xi32>
          %add3A_487 = vector.broadcast %add3A_484 : i32 to vector<16xi32>
          %add3A_488 = arith.addi %add3A_487, %broadcast_in_dim3A_486 : vector<16xi32>
          %gather3A_489 = tpu.vector_load_idx %arg14[%add3A_488] : memref<4096xf32, #tpu.memory_space<vmem>>[vector<16xi32>], vector<16xf32>,
          %get3A_490 = arith.index_cast %add3A_407 : i32 to index
          %get3A_491 = arith.constant 96 : index
          %get3A_492 = tpu.vector_load %arg15[%get3A_490, %get3A_491] {strides = array<i32>} : memref<128x128xf32, #tpu.memory_space<vmem>>, vector<16xf32>,
          %mul3A_493 = arith.mulf %get3A_492, %gather3A_489 : vector<16xf32>
          %swap3A_494 = arith.index_cast %add3A_407 : i32 to index
          %swap3A_495 = arith.constant 96 : index
          %swap3A_496 = tpu.vector_load %arg15[%swap3A_494, %swap3A_495] {strides = array<i32>} : memref<128x128xf32, #tpu.memory_space<vmem>>, vector<16xf32>,
          tpu.vector_store %arg15[%swap3A_494, %swap3A_495], %mul3A_493 {strides = array<i32>} : memref<128x128xf32, #tpu.memory_space<vmem>>, vector<16xf32>,
          %get3A_497 = arith.index_cast %add3A_407 : i32 to index
          %get3A_498 = arith.constant 112 : index
          %get3A_499 = tpu.vector_load %arg15[%get3A_497, %get3A_498] {strides = array<i32>} : memref<128x128xf32, #tpu.memory_space<vmem>>, vector<16xf32>,
          %mul3A_500 = arith.mulf %get3A_499, %gather3A_489 : vector<16xf32>
          %swap3A_501 = arith.index_cast %add3A_407 : i32 to index
          %swap3A_502 = arith.constant 112 : index
          %swap3A_503 = tpu.vector_load %arg15[%swap3A_501, %swap3A_502] {strides = array<i32>} : memref<128x128xf32, #tpu.memory_space<vmem>>, vector<16xf32>,
          tpu.vector_store %arg15[%swap3A_501, %swap3A_502], %mul3A_500 {strides = array<i32>} : memref<128x128xf32, #tpu.memory_space<vmem>>, vector<16xf32>,
          %mul3A_504 = arith.constant 16 : i32
          %mul3A_505 = arith.muli %select_n3A_106, %mul3A_504 : i32
          %add3A_506 = arith.constant 4 : i32
          %add3A_507 = arith.addi %mul3A_505, %add3A_506 : i32
          %mul3A_508 = arith.constant 512 : i32
          %mul3A_509 = arith.muli %select_n3A, %mul3A_508 : i32
          %mul3A_510 = arith.constant 64 : i32
          %mul3A_511 = arith.muli %select_n3A_106, %mul3A_510 : i32
          %add3A_512 = arith.addi %mul3A_509, %mul3A_511 : i32
          %broadcast_in_dim3A_513 = arith.constant 16 : i32
          %broadcast_in_dim3A_514 = vector.broadcast %broadcast_in_dim3A_513 : i32 to vector<16xi32>
          %add3A_515 = vector.broadcast %add3A_512 : i32 to vector<16xi32>
          %add3A_516 = arith.addi %add3A_515, %broadcast_in_dim3A_514 : vector<16xi32>
          %gather3A_517 = tpu.vector_load_idx %arg14[%add3A_516] : memref<4096xf32, #tpu.memory_space<vmem>>[vector<16xi32>], vector<16xf32>,
          %get3A_518 = arith.index_cast %add3A_507 : i32 to index
          %get3A_519 = arith.constant 0 : index
          %get3A_520 = tpu.vector_load %arg15[%get3A_518, %get3A_519] {strides = array<i32>} : memref<128x128xf32, #tpu.memory_space<vmem>>, vector<16xf32>,
          %mul3A_521 = arith.mulf %get3A_520, %gather3A_517 : vector<16xf32>
          %swap3A_522 = arith.index_cast %add3A_507 : i32 to index
          %swap3A_523 = arith.constant 0 : index
          %swap3A_524 = tpu.vector_load %arg15[%swap3A_522, %swap3A_523] {strides = array<i32>} : memref<128x128xf32, #tpu.memory_space<vmem>>, vector<16xf32>,
          tpu.vector_store %arg15[%swap3A_522, %swap3A_523], %mul3A_521 {strides = array<i32>} : memref<128x128xf32, #tpu.memory_space<vmem>>, vector<16xf32>,
          %get3A_525 = arith.index_cast %add3A_507 : i32 to index
          %get3A_526 = arith.constant 16 : index
          %get3A_527 = tpu.vector_load %arg15[%get3A_525, %get3A_526] {strides = array<i32>} : memref<128x128xf32, #tpu.memory_space<vmem>>, vector<16xf32>,
          %mul3A_528 = arith.mulf %get3A_527, %gather3A_517 : vector<16xf32>
          %swap3A_529 = arith.index_cast %add3A_507 : i32 to index
          %swap3A_530 = arith.constant 16 : index
          %swap3A_531 = tpu.vector_load %arg15[%swap3A_529, %swap3A_530] {strides = array<i32>} : memref<128x128xf32, #tpu.memory_space<vmem>>, vector<16xf32>,
          tpu.vector_store %arg15[%swap3A_529, %swap3A_530], %mul3A_528 {strides = array<i32>} : memref<128x128xf32, #tpu.memory_space<vmem>>, vector<16xf32>,
          %mul3A_532 = arith.constant 512 : i32
          %mul3A_533 = arith.muli %select_n3A, %mul3A_532 : i32
          %mul3A_534 = arith.constant 64 : i32
          %mul3A_535 = arith.muli %select_n3A_106, %mul3A_534 : i32
          %add3A_536 = arith.addi %mul3A_533, %mul3A_535 : i32
          %broadcast_in_dim3A_537 = arith.constant 17 : i32
          %broadcast_in_dim3A_538 = vector.broadcast %broadcast_in_dim3A_537 : i32 to vector<16xi32>
          %add3A_539 = vector.broadcast %add3A_536 : i32 to vector<16xi32>
          %add3A_540 = arith.addi %add3A_539, %broadcast_in_dim3A_538 : vector<16xi32>
          %gather3A_541 = tpu.vector_load_idx %arg14[%add3A_540] : memref<4096xf32, #tpu.memory_space<vmem>>[vector<16xi32>], vector<16xf32>,
          %get3A_542 = arith.index_cast %add3A_507 : i32 to index
          %get3A_543 = arith.constant 32 : index
          %get3A_544 = tpu.vector_load %arg15[%get3A_542, %get3A_543] {strides = array<i32>} : memref<128x128xf32, #tpu.memory_space<vmem>>, vector<16xf32>,
          %mul3A_545 = arith.mulf %get3A_544, %gather3A_541 : vector<16xf32>
          %swap3A_546 = arith.index_cast %add3A_507 : i32 to index
          %swap3A_547 = arith.constant 32 : index
          %swap3A_548 = tpu.vector_load %arg15[%swap3A_546, %swap3A_547] {strides = array<i32>} : memref<128x128xf32, #tpu.memory_space<vmem>>, vector<16xf32>,
          tpu.vector_store %arg15[%swap3A_546, %swap3A_547], %mul3A_545 {strides = array<i32>} : memref<128x128xf32, #tpu.memory_space<vmem>>, vector<16xf32>,
          %get3A_549 = arith.index_cast %add3A_507 : i32 to index
          %get3A_550 = arith.constant 48 : index
          %get3A_551 = tpu.vector_load %arg15[%get3A_549, %get3A_550] {strides = array<i32>} : memref<128x128xf32, #tpu.memory_space<vmem>>, vector<16xf32>,
          %mul3A_552 = arith.mulf %get3A_551, %gather3A_541 : vector<16xf32>
          %swap3A_553 = arith.index_cast %add3A_507 : i32 to index
          %swap3A_554 = arith.constant 48 : index
          %swap3A_555 = tpu.vector_load %arg15[%swap3A_553, %swap3A_554] {strides = array<i32>} : memref<128x128xf32, #tpu.memory_space<vmem>>, vector<16xf32>,
          tpu.vector_store %arg15[%swap3A_553, %swap3A_554], %mul3A_552 {strides = array<i32>} : memref<128x128xf32, #tpu.memory_space<vmem>>, vector<16xf32>,
          %mul3A_556 = arith.constant 512 : i32
          %mul3A_557 = arith.muli %select_n3A, %mul3A_556 : i32
          %mul3A_558 = arith.constant 64 : i32
          %mul3A_559 = arith.muli %select_n3A_106, %mul3A_558 : i32
          %add3A_560 = arith.addi %mul3A_557, %mul3A_559 : i32
          %broadcast_in_dim3A_561 = arith.constant 18 : i32
          %broadcast_in_dim3A_562 = vector.broadcast %broadcast_in_dim3A_561 : i32 to vector<16xi32>
          %add3A_563 = vector.broadcast %add3A_560 : i32 to vector<16xi32>
          %add3A_564 = arith.addi %add3A_563, %broadcast_in_dim3A_562 : vector<16xi32>
          %gather3A_565 = tpu.vector_load_idx %arg14[%add3A_564] : memref<4096xf32, #tpu.memory_space<vmem>>[vector<16xi32>], vector<16xf32>,
          %get3A_566 = arith.index_cast %add3A_507 : i32 to index
          %get3A_567 = arith.constant 64 : index
          %get3A_568 = tpu.vector_load %arg15[%get3A_566, %get3A_567] {strides = array<i32>} : memref<128x128xf32, #tpu.memory_space<vmem>>, vector<16xf32>,
          %mul3A_569 = arith.mulf %get3A_568, %gather3A_565 : vector<16xf32>
          %swap3A_570 = arith.index_cast %add3A_507 : i32 to index
          %swap3A_571 = arith.constant 64 : index
          %swap3A_572 = tpu.vector_load %arg15[%swap3A_570, %swap3A_571] {strides = array<i32>} : memref<128x128xf32, #tpu.memory_space<vmem>>, vector<16xf32>,
          tpu.vector_store %arg15[%swap3A_570, %swap3A_571], %mul3A_569 {strides = array<i32>} : memref<128x128xf32, #tpu.memory_space<vmem>>, vector<16xf32>,
          %get3A_573 = arith.index_cast %add3A_507 : i32 to index
          %get3A_574 = arith.constant 80 : index
          %get3A_575 = tpu.vector_load %arg15[%get3A_573, %get3A_574] {strides = array<i32>} : memref<128x128xf32, #tpu.memory_space<vmem>>, vector<16xf32>,
          %mul3A_576 = arith.mulf %get3A_575, %gather3A_565 : vector<16xf32>
          %swap3A_577 = arith.index_cast %add3A_507 : i32 to index
          %swap3A_578 = arith.constant 80 : index
          %swap3A_579 = tpu.vector_load %arg15[%swap3A_577, %swap3A_578] {strides = array<i32>} : memref<128x128xf32, #tpu.memory_space<vmem>>, vector<16xf32>,
          tpu.vector_store %arg15[%swap3A_577, %swap3A_578], %mul3A_576 {strides = array<i32>} : memref<128x128xf32, #tpu.memory_space<vmem>>, vector<16xf32>,
          %mul3A_580 = arith.constant 512 : i32
          %mul3A_581 = arith.muli %select_n3A, %mul3A_580 : i32
          %mul3A_582 = arith.constant 64 : i32
          %mul3A_583 = arith.muli %select_n3A_106, %mul3A_582 : i32
          %add3A_584 = arith.addi %mul3A_581, %mul3A_583 : i32
          %broadcast_in_dim3A_585 = arith.constant 19 : i32
          %broadcast_in_dim3A_586 = vector.broadcast %broadcast_in_dim3A_585 : i32 to vector<16xi32>
          %add3A_587 = vector.broadcast %add3A_584 : i32 to vector<16xi32>
          %add3A_588 = arith.addi %add3A_587, %broadcast_in_dim3A_586 : vector<16xi32>
          %gather3A_589 = tpu.vector_load_idx %arg14[%add3A_588] : memref<4096xf32, #tpu.memory_space<vmem>>[vector<16xi32>], vector<16xf32>,
          %get3A_590 = arith.index_cast %add3A_507 : i32 to index
          %get3A_591 = arith.constant 96 : index
          %get3A_592 = tpu.vector_load %arg15[%get3A_590, %get3A_591] {strides = array<i32>} : memref<128x128xf32, #tpu.memory_space<vmem>>, vector<16xf32>,
          %mul3A_593 = arith.mulf %get3A_592, %gather3A_589 : vector<16xf32>
          %swap3A_594 = arith.index_cast %add3A_507 : i32 to index
          %swap3A_595 = arith.constant 96 : index
          %swap3A_596 = tpu.vector_load %arg15[%swap3A_594, %swap3A_595] {strides = array<i32>} : memref<128x128xf32, #tpu.memory_space<vmem>>, vector<16xf32>,
          tpu.vector_store %arg15[%swap3A_594, %swap3A_595], %mul3A_593 {strides = array<i32>} : memref<128x128xf32, #tpu.memory_space<vmem>>, vector<16xf32>,
          %get3A_597 = arith.index_cast %add3A_507 : i32 to index
          %get3A_598 = arith.constant 112 : index
          %get3A_599 = tpu.vector_load %arg15[%get3A_597, %get3A_598] {strides = array<i32>} : memref<128x128xf32, #tpu.memory_space<vmem>>, vector<16xf32>,
          %mul3A_600 = arith.mulf %get3A_599, %gather3A_589 : vector<16xf32>
          %swap3A_601 = arith.index_cast %add3A_507 : i32 to index
          %swap3A_602 = arith.constant 112 : index
          %swap3A_603 = tpu.vector_load %arg15[%swap3A_601, %swap3A_602] {strides = array<i32>} : memref<128x128xf32, #tpu.memory_space<vmem>>, vector<16xf32>,
          tpu.vector_store %arg15[%swap3A_601, %swap3A_602], %mul3A_600 {strides = array<i32>} : memref<128x128xf32, #tpu.memory_space<vmem>>, vector<16xf32>,
          %mul3A_604 = arith.constant 16 : i32
          %mul3A_605 = arith.muli %select_n3A_106, %mul3A_604 : i32
          %add3A_606 = arith.constant 5 : i32
          %add3A_607 = arith.addi %mul3A_605, %add3A_606 : i32
          %mul3A_608 = arith.constant 512 : i32
          %mul3A_609 = arith.muli %select_n3A, %mul3A_608 : i32
          %mul3A_610 = arith.constant 64 : i32
          %mul3A_611 = arith.muli %select_n3A_106, %mul3A_610 : i32
          %add3A_612 = arith.addi %mul3A_609, %mul3A_611 : i32
          %broadcast_in_dim3A_613 = arith.constant 20 : i32
          %broadcast_in_dim3A_614 = vector.broadcast %broadcast_in_dim3A_613 : i32 to vector<16xi32>
          %add3A_615 = vector.broadcast %add3A_612 : i32 to vector<16xi32>
          %add3A_616 = arith.addi %add3A_615, %broadcast_in_dim3A_614 : vector<16xi32>
          %gather3A_617 = tpu.vector_load_idx %arg14[%add3A_616] : memref<4096xf32, #tpu.memory_space<vmem>>[vector<16xi32>], vector<16xf32>,
          %get3A_618 = arith.index_cast %add3A_607 : i32 to index
          %get3A_619 = arith.constant 0 : index
          %get3A_620 = tpu.vector_load %arg15[%get3A_618, %get3A_619] {strides = array<i32>} : memref<128x128xf32, #tpu.memory_space<vmem>>, vector<16xf32>,
          %mul3A_621 = arith.mulf %get3A_620, %gather3A_617 : vector<16xf32>
          %swap3A_622 = arith.index_cast %add3A_607 : i32 to index
          %swap3A_623 = arith.constant 0 : index
          %swap3A_624 = tpu.vector_load %arg15[%swap3A_622, %swap3A_623] {strides = array<i32>} : memref<128x128xf32, #tpu.memory_space<vmem>>, vector<16xf32>,
          tpu.vector_store %arg15[%swap3A_622, %swap3A_623], %mul3A_621 {strides = array<i32>} : memref<128x128xf32, #tpu.memory_space<vmem>>, vector<16xf32>,
          %get3A_625 = arith.index_cast %add3A_607 : i32 to index
          %get3A_626 = arith.constant 16 : index
          %get3A_627 = tpu.vector_load %arg15[%get3A_625, %get3A_626] {strides = array<i32>} : memref<128x128xf32, #tpu.memory_space<vmem>>, vector<16xf32>,
          %mul3A_628 = arith.mulf %get3A_627, %gather3A_617 : vector<16xf32>
          %swap3A_629 = arith.index_cast %add3A_607 : i32 to index
          %swap3A_630 = arith.constant 16 : index
          %swap3A_631 = tpu.vector_load %arg15[%swap3A_629, %swap3A_630] {strides = array<i32>} : memref<128x128xf32, #tpu.memory_space<vmem>>, vector<16xf32>,
          tpu.vector_store %arg15[%swap3A_629, %swap3A_630], %mul3A_628 {strides = array<i32>} : memref<128x128xf32, #tpu.memory_space<vmem>>, vector<16xf32>,
          %mul3A_632 = arith.constant 512 : i32
          %mul3A_633 = arith.muli %select_n3A, %mul3A_632 : i32
          %mul3A_634 = arith.constant 64 : i32
          %mul3A_635 = arith.muli %select_n3A_106, %mul3A_634 : i32
          %add3A_636 = arith.addi %mul3A_633, %mul3A_635 : i32
          %broadcast_in_dim3A_637 = arith.constant 21 : i32
          %broadcast_in_dim3A_638 = vector.broadcast %broadcast_in_dim3A_637 : i32 to vector<16xi32>
          %add3A_639 = vector.broadcast %add3A_636 : i32 to vector<16xi32>
          %add3A_640 = arith.addi %add3A_639, %broadcast_in_dim3A_638 : vector<16xi32>
          %gather3A_641 = tpu.vector_load_idx %arg14[%add3A_640] : memref<4096xf32, #tpu.memory_space<vmem>>[vector<16xi32>], vector<16xf32>,
          %get3A_642 = arith.index_cast %add3A_607 : i32 to index
          %get3A_643 = arith.constant 32 : index
          %get3A_644 = tpu.vector_load %arg15[%get3A_642, %get3A_643] {strides = array<i32>} : memref<128x128xf32, #tpu.memory_space<vmem>>, vector<16xf32>,
          %mul3A_645 = arith.mulf %get3A_644, %gather3A_641 : vector<16xf32>
          %swap3A_646 = arith.index_cast %add3A_607 : i32 to index
          %swap3A_647 = arith.constant 32 : index
          %swap3A_648 = tpu.vector_load %arg15[%swap3A_646, %swap3A_647] {strides = array<i32>} : memref<128x128xf32, #tpu.memory_space<vmem>>, vector<16xf32>,
          tpu.vector_store %arg15[%swap3A_646, %swap3A_647], %mul3A_645 {strides = array<i32>} : memref<128x128xf32, #tpu.memory_space<vmem>>, vector<16xf32>,
          %get3A_649 = arith.index_cast %add3A_607 : i32 to index
          %get3A_650 = arith.constant 48 : index
          %get3A_651 = tpu.vector_load %arg15[%get3A_649, %get3A_650] {strides = array<i32>} : memref<128x128xf32, #tpu.memory_space<vmem>>, vector<16xf32>,
          %mul3A_652 = arith.mulf %get3A_651, %gather3A_641 : vector<16xf32>
          %swap3A_653 = arith.index_cast %add3A_607 : i32 to index
          %swap3A_654 = arith.constant 48 : index
          %swap3A_655 = tpu.vector_load %arg15[%swap3A_653, %swap3A_654] {strides = array<i32>} : memref<128x128xf32, #tpu.memory_space<vmem>>, vector<16xf32>,
          tpu.vector_store %arg15[%swap3A_653, %swap3A_654], %mul3A_652 {strides = array<i32>} : memref<128x128xf32, #tpu.memory_space<vmem>>, vector<16xf32>,
          %mul3A_656 = arith.constant 512 : i32
          %mul3A_657 = arith.muli %select_n3A, %mul3A_656 : i32
          %mul3A_658 = arith.constant 64 : i32
          %mul3A_659 = arith.muli %select_n3A_106, %mul3A_658 : i32
          %add3A_660 = arith.addi %mul3A_657, %mul3A_659 : i32
          %broadcast_in_dim3A_661 = arith.constant 22 : i32
          %broadcast_in_dim3A_662 = vector.broadcast %broadcast_in_dim3A_661 : i32 to vector<16xi32>
          %add3A_663 = vector.broadcast %add3A_660 : i32 to vector<16xi32>
          %add3A_664 = arith.addi %add3A_663, %broadcast_in_dim3A_662 : vector<16xi32>
          %gather3A_665 = tpu.vector_load_idx %arg14[%add3A_664] : memref<4096xf32, #tpu.memory_space<vmem>>[vector<16xi32>], vector<16xf32>,
          %get3A_666 = arith.index_cast %add3A_607 : i32 to index
          %get3A_667 = arith.constant 64 : index
          %get3A_668 = tpu.vector_load %arg15[%get3A_666, %get3A_667] {strides = array<i32>} : memref<128x128xf32, #tpu.memory_space<vmem>>, vector<16xf32>,
          %mul3A_669 = arith.mulf %get3A_668, %gather3A_665 : vector<16xf32>
          %swap3A_670 = arith.index_cast %add3A_607 : i32 to index
          %swap3A_671 = arith.constant 64 : index
          %swap3A_672 = tpu.vector_load %arg15[%swap3A_670, %swap3A_671] {strides = array<i32>} : memref<128x128xf32, #tpu.memory_space<vmem>>, vector<16xf32>,
          tpu.vector_store %arg15[%swap3A_670, %swap3A_671], %mul3A_669 {strides = array<i32>} : memref<128x128xf32, #tpu.memory_space<vmem>>, vector<16xf32>,
          %get3A_673 = arith.index_cast %add3A_607 : i32 to index
          %get3A_674 = arith.constant 80 : index
          %get3A_675 = tpu.vector_load %arg15[%get3A_673, %get3A_674] {strides = array<i32>} : memref<128x128xf32, #tpu.memory_space<vmem>>, vector<16xf32>,
          %mul3A_676 = arith.mulf %get3A_675, %gather3A_665 : vector<16xf32>
          %swap3A_677 = arith.index_cast %add3A_607 : i32 to index
          %swap3A_678 = arith.constant 80 : index
          %swap3A_679 = tpu.vector_load %arg15[%swap3A_677, %swap3A_678] {strides = array<i32>} : memref<128x128xf32, #tpu.memory_space<vmem>>, vector<16xf32>,
          tpu.vector_store %arg15[%swap3A_677, %swap3A_678], %mul3A_676 {strides = array<i32>} : memref<128x128xf32, #tpu.memory_space<vmem>>, vector<16xf32>,
          %mul3A_680 = arith.constant 512 : i32
          %mul3A_681 = arith.muli %select_n3A, %mul3A_680 : i32
          %mul3A_682 = arith.constant 64 : i32
          %mul3A_683 = arith.muli %select_n3A_106, %mul3A_682 : i32
          %add3A_684 = arith.addi %mul3A_681, %mul3A_683 : i32
          %broadcast_in_dim3A_685 = arith.constant 23 : i32
          %broadcast_in_dim3A_686 = vector.broadcast %broadcast_in_dim3A_685 : i32 to vector<16xi32>
          %add3A_687 = vector.broadcast %add3A_684 : i32 to vector<16xi32>
          %add3A_688 = arith.addi %add3A_687, %broadcast_in_dim3A_686 : vector<16xi32>
          %gather3A_689 = tpu.vector_load_idx %arg14[%add3A_688] : memref<4096xf32, #tpu.memory_space<vmem>>[vector<16xi32>], vector<16xf32>,
          %get3A_690 = arith.index_cast %add3A_607 : i32 to index
          %get3A_691 = arith.constant 96 : index
          %get3A_692 = tpu.vector_load %arg15[%get3A_690, %get3A_691] {strides = array<i32>} : memref<128x128xf32, #tpu.memory_space<vmem>>, vector<16xf32>,
          %mul3A_693 = arith.mulf %get3A_692, %gather3A_689 : vector<16xf32>
          %swap3A_694 = arith.index_cast %add3A_607 : i32 to index
          %swap3A_695 = arith.constant 96 : index
          %swap3A_696 = tpu.vector_load %arg15[%swap3A_694, %swap3A_695] {strides = array<i32>} : memref<128x128xf32, #tpu.memory_space<vmem>>, vector<16xf32>,
          tpu.vector_store %arg15[%swap3A_694, %swap3A_695], %mul3A_693 {strides = array<i32>} : memref<128x128xf32, #tpu.memory_space<vmem>>, vector<16xf32>,
          %get3A_697 = arith.index_cast %add3A_607 : i32 to index
          %get3A_698 = arith.constant 112 : index
          %get3A_699 = tpu.vector_load %arg15[%get3A_697, %get3A_698] {strides = array<i32>} : memref<128x128xf32, #tpu.memory_space<vmem>>, vector<16xf32>,
          %mul3A_700 = arith.mulf %get3A_699, %gather3A_689 : vector<16xf32>
          %swap3A_701 = arith.index_cast %add3A_607 : i32 to index
          %swap3A_702 = arith.constant 112 : index
          %swap3A_703 = tpu.vector_load %arg15[%swap3A_701, %swap3A_702] {strides = array<i32>} : memref<128x128xf32, #tpu.memory_space<vmem>>, vector<16xf32>,
          tpu.vector_store %arg15[%swap3A_701, %swap3A_702], %mul3A_700 {strides = array<i32>} : memref<128x128xf32, #tpu.memory_space<vmem>>, vector<16xf32>,
          %mul3A_704 = arith.constant 16 : i32
          %mul3A_705 = arith.muli %select_n3A_106, %mul3A_704 : i32
          %add3A_706 = arith.constant 6 : i32
          %add3A_707 = arith.addi %mul3A_705, %add3A_706 : i32
          %mul3A_708 = arith.constant 512 : i32
          %mul3A_709 = arith.muli %select_n3A, %mul3A_708 : i32
          %mul3A_710 = arith.constant 64 : i32
          %mul3A_711 = arith.muli %select_n3A_106, %mul3A_710 : i32
          %add3A_712 = arith.addi %mul3A_709, %mul3A_711 : i32
          %broadcast_in_dim3A_713 = arith.constant 24 : i32
          %broadcast_in_dim3A_714 = vector.broadcast %broadcast_in_dim3A_713 : i32 to vector<16xi32>
          %add3A_715 = vector.broadcast %add3A_712 : i32 to vector<16xi32>
          %add3A_716 = arith.addi %add3A_715, %broadcast_in_dim3A_714 : vector<16xi32>
          %gather3A_717 = tpu.vector_load_idx %arg14[%add3A_716] : memref<4096xf32, #tpu.memory_space<vmem>>[vector<16xi32>], vector<16xf32>,
          %get3A_718 = arith.index_cast %add3A_707 : i32 to index
          %get3A_719 = arith.constant 0 : index
          %get3A_720 = tpu.vector_load %arg15[%get3A_718, %get3A_719] {strides = array<i32>} : memref<128x128xf32, #tpu.memory_space<vmem>>, vector<16xf32>,
          %mul3A_721 = arith.mulf %get3A_720, %gather3A_717 : vector<16xf32>
          %swap3A_722 = arith.index_cast %add3A_707 : i32 to index
          %swap3A_723 = arith.constant 0 : index
          %swap3A_724 = tpu.vector_load %arg15[%swap3A_722, %swap3A_723] {strides = array<i32>} : memref<128x128xf32, #tpu.memory_space<vmem>>, vector<16xf32>,
          tpu.vector_store %arg15[%swap3A_722, %swap3A_723], %mul3A_721 {strides = array<i32>} : memref<128x128xf32, #tpu.memory_space<vmem>>, vector<16xf32>,
          %get3A_725 = arith.index_cast %add3A_707 : i32 to index
          %get3A_726 = arith.constant 16 : index
          %get3A_727 = tpu.vector_load %arg15[%get3A_725, %get3A_726] {strides = array<i32>} : memref<128x128xf32, #tpu.memory_space<vmem>>, vector<16xf32>,
          %mul3A_728 = arith.mulf %get3A_727, %gather3A_717 : vector<16xf32>
          %swap3A_729 = arith.index_cast %add3A_707 : i32 to index
          %swap3A_730 = arith.constant 16 : index
          %swap3A_731 = tpu.vector_load %arg15[%swap3A_729, %swap3A_730] {strides = array<i32>} : memref<128x128xf32, #tpu.memory_space<vmem>>, vector<16xf32>,
          tpu.vector_store %arg15[%swap3A_729, %swap3A_730], %mul3A_728 {strides = array<i32>} : memref<128x128xf32, #tpu.memory_space<vmem>>, vector<16xf32>,
          %mul3A_732 = arith.constant 512 : i32
          %mul3A_733 = arith.muli %select_n3A, %mul3A_732 : i32
          %mul3A_734 = arith.constant 64 : i32
          %mul3A_735 = arith.muli %select_n3A_106, %mul3A_734 : i32
          %add3A_736 = arith.addi %mul3A_733, %mul3A_735 : i32
          %broadcast_in_dim3A_737 = arith.constant 25 : i32
          %broadcast_in_dim3A_738 = vector.broadcast %broadcast_in_dim3A_737 : i32 to vector<16xi32>
          %add3A_739 = vector.broadcast %add3A_736 : i32 to vector<16xi32>
          %add3A_740 = arith.addi %add3A_739, %broadcast_in_dim3A_738 : vector<16xi32>
          %gather3A_741 = tpu.vector_load_idx %arg14[%add3A_740] : memref<4096xf32, #tpu.memory_space<vmem>>[vector<16xi32>], vector<16xf32>,
          %get3A_742 = arith.index_cast %add3A_707 : i32 to index
          %get3A_743 = arith.constant 32 : index
          %get3A_744 = tpu.vector_load %arg15[%get3A_742, %get3A_743] {strides = array<i32>} : memref<128x128xf32, #tpu.memory_space<vmem>>, vector<16xf32>,
          %mul3A_745 = arith.mulf %get3A_744, %gather3A_741 : vector<16xf32>
          %swap3A_746 = arith.index_cast %add3A_707 : i32 to index
          %swap3A_747 = arith.constant 32 : index
          %swap3A_748 = tpu.vector_load %arg15[%swap3A_746, %swap3A_747] {strides = array<i32>} : memref<128x128xf32, #tpu.memory_space<vmem>>, vector<16xf32>,
          tpu.vector_store %arg15[%swap3A_746, %swap3A_747], %mul3A_745 {strides = array<i32>} : memref<128x128xf32, #tpu.memory_space<vmem>>, vector<16xf32>,
          %get3A_749 = arith.index_cast %add3A_707 : i32 to index
          %get3A_750 = arith.constant 48 : index
          %get3A_751 = tpu.vector_load %arg15[%get3A_749, %get3A_750] {strides = array<i32>} : memref<128x128xf32, #tpu.memory_space<vmem>>, vector<16xf32>,
          %mul3A_752 = arith.mulf %get3A_751, %gather3A_741 : vector<16xf32>
          %swap3A_753 = arith.index_cast %add3A_707 : i32 to index
          %swap3A_754 = arith.constant 48 : index
          %swap3A_755 = tpu.vector_load %arg15[%swap3A_753, %swap3A_754] {strides = array<i32>} : memref<128x128xf32, #tpu.memory_space<vmem>>, vector<16xf32>,
          tpu.vector_store %arg15[%swap3A_753, %swap3A_754], %mul3A_752 {strides = array<i32>} : memref<128x128xf32, #tpu.memory_space<vmem>>, vector<16xf32>,
          %mul3A_756 = arith.constant 512 : i32
          %mul3A_757 = arith.muli %select_n3A, %mul3A_756 : i32
          %mul3A_758 = arith.constant 64 : i32
          %mul3A_759 = arith.muli %select_n3A_106, %mul3A_758 : i32
          %add3A_760 = arith.addi %mul3A_757, %mul3A_759 : i32
          %broadcast_in_dim3A_761 = arith.constant 26 : i32
          %broadcast_in_dim3A_762 = vector.broadcast %broadcast_in_dim3A_761 : i32 to vector<16xi32>
          %add3A_763 = vector.broadcast %add3A_760 : i32 to vector<16xi32>
          %add3A_764 = arith.addi %add3A_763, %broadcast_in_dim3A_762 : vector<16xi32>
          %gather3A_765 = tpu.vector_load_idx %arg14[%add3A_764] : memref<4096xf32, #tpu.memory_space<vmem>>[vector<16xi32>], vector<16xf32>,
          %get3A_766 = arith.index_cast %add3A_707 : i32 to index
          %get3A_767 = arith.constant 64 : index
          %get3A_768 = tpu.vector_load %arg15[%get3A_766, %get3A_767] {strides = array<i32>} : memref<128x128xf32, #tpu.memory_space<vmem>>, vector<16xf32>,
          %mul3A_769 = arith.mulf %get3A_768, %gather3A_765 : vector<16xf32>
          %swap3A_770 = arith.index_cast %add3A_707 : i32 to index
          %swap3A_771 = arith.constant 64 : index
          %swap3A_772 = tpu.vector_load %arg15[%swap3A_770, %swap3A_771] {strides = array<i32>} : memref<128x128xf32, #tpu.memory_space<vmem>>, vector<16xf32>,
          tpu.vector_store %arg15[%swap3A_770, %swap3A_771], %mul3A_769 {strides = array<i32>} : memref<128x128xf32, #tpu.memory_space<vmem>>, vector<16xf32>,
          %get3A_773 = arith.index_cast %add3A_707 : i32 to index
          %get3A_774 = arith.constant 80 : index
          %get3A_775 = tpu.vector_load %arg15[%get3A_773, %get3A_774] {strides = array<i32>} : memref<128x128xf32, #tpu.memory_space<vmem>>, vector<16xf32>,
          %mul3A_776 = arith.mulf %get3A_775, %gather3A_765 : vector<16xf32>
          %swap3A_777 = arith.index_cast %add3A_707 : i32 to index
          %swap3A_778 = arith.constant 80 : index
          %swap3A_779 = tpu.vector_load %arg15[%swap3A_777, %swap3A_778] {strides = array<i32>} : memref<128x128xf32, #tpu.memory_space<vmem>>, vector<16xf32>,
          tpu.vector_store %arg15[%swap3A_777, %swap3A_778], %mul3A_776 {strides = array<i32>} : memref<128x128xf32, #tpu.memory_space<vmem>>, vector<16xf32>,
          %mul3A_780 = arith.constant 512 : i32
          %mul3A_781 = arith.muli %select_n3A, %mul3A_780 : i32
          %mul3A_782 = arith.constant 64 : i32
          %mul3A_783 = arith.muli %select_n3A_106, %mul3A_782 : i32
          %add3A_784 = arith.addi %mul3A_781, %mul3A_783 : i32
          %broadcast_in_dim3A_785 = arith.constant 27 : i32
          %broadcast_in_dim3A_786 = vector.broadcast %broadcast_in_dim3A_785 : i32 to vector<16xi32>
          %add3A_787 = vector.broadcast %add3A_784 : i32 to vector<16xi32>
          %add3A_788 = arith.addi %add3A_787, %broadcast_in_dim3A_786 : vector<16xi32>
          %gather3A_789 = tpu.vector_load_idx %arg14[%add3A_788] : memref<4096xf32, #tpu.memory_space<vmem>>[vector<16xi32>], vector<16xf32>,
          %get3A_790 = arith.index_cast %add3A_707 : i32 to index
          %get3A_791 = arith.constant 96 : index
          %get3A_792 = tpu.vector_load %arg15[%get3A_790, %get3A_791] {strides = array<i32>} : memref<128x128xf32, #tpu.memory_space<vmem>>, vector<16xf32>,
          %mul3A_793 = arith.mulf %get3A_792, %gather3A_789 : vector<16xf32>
          %swap3A_794 = arith.index_cast %add3A_707 : i32 to index
          %swap3A_795 = arith.constant 96 : index
          %swap3A_796 = tpu.vector_load %arg15[%swap3A_794, %swap3A_795] {strides = array<i32>} : memref<128x128xf32, #tpu.memory_space<vmem>>, vector<16xf32>,
          tpu.vector_store %arg15[%swap3A_794, %swap3A_795], %mul3A_793 {strides = array<i32>} : memref<128x128xf32, #tpu.memory_space<vmem>>, vector<16xf32>,
          %get3A_797 = arith.index_cast %add3A_707 : i32 to index
          %get3A_798 = arith.constant 112 : index
          %get3A_799 = tpu.vector_load %arg15[%get3A_797, %get3A_798] {strides = array<i32>} : memref<128x128xf32, #tpu.memory_space<vmem>>, vector<16xf32>,
          %mul3A_800 = arith.mulf %get3A_799, %gather3A_789 : vector<16xf32>
          %swap3A_801 = arith.index_cast %add3A_707 : i32 to index
          %swap3A_802 = arith.constant 112 : index
          %swap3A_803 = tpu.vector_load %arg15[%swap3A_801, %swap3A_802] {strides = array<i32>} : memref<128x128xf32, #tpu.memory_space<vmem>>, vector<16xf32>,
          tpu.vector_store %arg15[%swap3A_801, %swap3A_802], %mul3A_800 {strides = array<i32>} : memref<128x128xf32, #tpu.memory_space<vmem>>, vector<16xf32>,
          %mul3A_804 = arith.constant 16 : i32
          %mul3A_805 = arith.muli %select_n3A_106, %mul3A_804 : i32
          %add3A_806 = arith.constant 7 : i32
          %add3A_807 = arith.addi %mul3A_805, %add3A_806 : i32
          %mul3A_808 = arith.constant 512 : i32
          %mul3A_809 = arith.muli %select_n3A, %mul3A_808 : i32
          %mul3A_810 = arith.constant 64 : i32
          %mul3A_811 = arith.muli %select_n3A_106, %mul3A_810 : i32
          %add3A_812 = arith.addi %mul3A_809, %mul3A_811 : i32
          %broadcast_in_dim3A_813 = arith.constant 28 : i32
          %broadcast_in_dim3A_814 = vector.broadcast %broadcast_in_dim3A_813 : i32 to vector<16xi32>
          %add3A_815 = vector.broadcast %add3A_812 : i32 to vector<16xi32>
          %add3A_816 = arith.addi %add3A_815, %broadcast_in_dim3A_814 : vector<16xi32>
          %gather3A_817 = tpu.vector_load_idx %arg14[%add3A_816] : memref<4096xf32, #tpu.memory_space<vmem>>[vector<16xi32>], vector<16xf32>,
          %get3A_818 = arith.index_cast %add3A_807 : i32 to index
          %get3A_819 = arith.constant 0 : index
          %get3A_820 = tpu.vector_load %arg15[%get3A_818, %get3A_819] {strides = array<i32>} : memref<128x128xf32, #tpu.memory_space<vmem>>, vector<16xf32>,
          %mul3A_821 = arith.mulf %get3A_820, %gather3A_817 : vector<16xf32>
          %swap3A_822 = arith.index_cast %add3A_807 : i32 to index
          %swap3A_823 = arith.constant 0 : index
          %swap3A_824 = tpu.vector_load %arg15[%swap3A_822, %swap3A_823] {strides = array<i32>} : memref<128x128xf32, #tpu.memory_space<vmem>>, vector<16xf32>,
          tpu.vector_store %arg15[%swap3A_822, %swap3A_823], %mul3A_821 {strides = array<i32>} : memref<128x128xf32, #tpu.memory_space<vmem>>, vector<16xf32>,
          %get3A_825 = arith.index_cast %add3A_807 : i32 to index
          %get3A_826 = arith.constant 16 : index
          %get3A_827 = tpu.vector_load %arg15[%get3A_825, %get3A_826] {strides = array<i32>} : memref<128x128xf32, #tpu.memory_space<vmem>>, vector<16xf32>,
          %mul3A_828 = arith.mulf %get3A_827, %gather3A_817 : vector<16xf32>
          %swap3A_829 = arith.index_cast %add3A_807 : i32 to index
          %swap3A_830 = arith.constant 16 : index
          %swap3A_831 = tpu.vector_load %arg15[%swap3A_829, %swap3A_830] {strides = array<i32>} : memref<128x128xf32, #tpu.memory_space<vmem>>, vector<16xf32>,
          tpu.vector_store %arg15[%swap3A_829, %swap3A_830], %mul3A_828 {strides = array<i32>} : memref<128x128xf32, #tpu.memory_space<vmem>>, vector<16xf32>,
          %mul3A_832 = arith.constant 512 : i32
          %mul3A_833 = arith.muli %select_n3A, %mul3A_832 : i32
          %mul3A_834 = arith.constant 64 : i32
          %mul3A_835 = arith.muli %select_n3A_106, %mul3A_834 : i32
          %add3A_836 = arith.addi %mul3A_833, %mul3A_835 : i32
          %broadcast_in_dim3A_837 = arith.constant 29 : i32
          %broadcast_in_dim3A_838 = vector.broadcast %broadcast_in_dim3A_837 : i32 to vector<16xi32>
          %add3A_839 = vector.broadcast %add3A_836 : i32 to vector<16xi32>
          %add3A_840 = arith.addi %add3A_839, %broadcast_in_dim3A_838 : vector<16xi32>
          %gather3A_841 = tpu.vector_load_idx %arg14[%add3A_840] : memref<4096xf32, #tpu.memory_space<vmem>>[vector<16xi32>], vector<16xf32>,
          %get3A_842 = arith.index_cast %add3A_807 : i32 to index
          %get3A_843 = arith.constant 32 : index
          %get3A_844 = tpu.vector_load %arg15[%get3A_842, %get3A_843] {strides = array<i32>} : memref<128x128xf32, #tpu.memory_space<vmem>>, vector<16xf32>,
          %mul3A_845 = arith.mulf %get3A_844, %gather3A_841 : vector<16xf32>
          %swap3A_846 = arith.index_cast %add3A_807 : i32 to index
          %swap3A_847 = arith.constant 32 : index
          %swap3A_848 = tpu.vector_load %arg15[%swap3A_846, %swap3A_847] {strides = array<i32>} : memref<128x128xf32, #tpu.memory_space<vmem>>, vector<16xf32>,
          tpu.vector_store %arg15[%swap3A_846, %swap3A_847], %mul3A_845 {strides = array<i32>} : memref<128x128xf32, #tpu.memory_space<vmem>>, vector<16xf32>,
          %get3A_849 = arith.index_cast %add3A_807 : i32 to index
          %get3A_850 = arith.constant 48 : index
          %get3A_851 = tpu.vector_load %arg15[%get3A_849, %get3A_850] {strides = array<i32>} : memref<128x128xf32, #tpu.memory_space<vmem>>, vector<16xf32>,
          %mul3A_852 = arith.mulf %get3A_851, %gather3A_841 : vector<16xf32>
          %swap3A_853 = arith.index_cast %add3A_807 : i32 to index
          %swap3A_854 = arith.constant 48 : index
          %swap3A_855 = tpu.vector_load %arg15[%swap3A_853, %swap3A_854] {strides = array<i32>} : memref<128x128xf32, #tpu.memory_space<vmem>>, vector<16xf32>,
          tpu.vector_store %arg15[%swap3A_853, %swap3A_854], %mul3A_852 {strides = array<i32>} : memref<128x128xf32, #tpu.memory_space<vmem>>, vector<16xf32>,
          %mul3A_856 = arith.constant 512 : i32
          %mul3A_857 = arith.muli %select_n3A, %mul3A_856 : i32
          %mul3A_858 = arith.constant 64 : i32
          %mul3A_859 = arith.muli %select_n3A_106, %mul3A_858 : i32
          %add3A_860 = arith.addi %mul3A_857, %mul3A_859 : i32
          %broadcast_in_dim3A_861 = arith.constant 30 : i32
          %broadcast_in_dim3A_862 = vector.broadcast %broadcast_in_dim3A_861 : i32 to vector<16xi32>
          %add3A_863 = vector.broadcast %add3A_860 : i32 to vector<16xi32>
          %add3A_864 = arith.addi %add3A_863, %broadcast_in_dim3A_862 : vector<16xi32>
          %gather3A_865 = tpu.vector_load_idx %arg14[%add3A_864] : memref<4096xf32, #tpu.memory_space<vmem>>[vector<16xi32>], vector<16xf32>,
          %get3A_866 = arith.index_cast %add3A_807 : i32 to index
          %get3A_867 = arith.constant 64 : index
          %get3A_868 = tpu.vector_load %arg15[%get3A_866, %get3A_867] {strides = array<i32>} : memref<128x128xf32, #tpu.memory_space<vmem>>, vector<16xf32>,
          %mul3A_869 = arith.mulf %get3A_868, %gather3A_865 : vector<16xf32>
          %swap3A_870 = arith.index_cast %add3A_807 : i32 to index
          %swap3A_871 = arith.constant 64 : index
          %swap3A_872 = tpu.vector_load %arg15[%swap3A_870, %swap3A_871] {strides = array<i32>} : memref<128x128xf32, #tpu.memory_space<vmem>>, vector<16xf32>,
          tpu.vector_store %arg15[%swap3A_870, %swap3A_871], %mul3A_869 {strides = array<i32>} : memref<128x128xf32, #tpu.memory_space<vmem>>, vector<16xf32>,
          %get3A_873 = arith.index_cast %add3A_807 : i32 to index
          %get3A_874 = arith.constant 80 : index
          %get3A_875 = tpu.vector_load %arg15[%get3A_873, %get3A_874] {strides = array<i32>} : memref<128x128xf32, #tpu.memory_space<vmem>>, vector<16xf32>,
          %mul3A_876 = arith.mulf %get3A_875, %gather3A_865 : vector<16xf32>
          %swap3A_877 = arith.index_cast %add3A_807 : i32 to index
          %swap3A_878 = arith.constant 80 : index
          %swap3A_879 = tpu.vector_load %arg15[%swap3A_877, %swap3A_878] {strides = array<i32>} : memref<128x128xf32, #tpu.memory_space<vmem>>, vector<16xf32>,
          tpu.vector_store %arg15[%swap3A_877, %swap3A_878], %mul3A_876 {strides = array<i32>} : memref<128x128xf32, #tpu.memory_space<vmem>>, vector<16xf32>,
          %mul3A_880 = arith.constant 512 : i32
          %mul3A_881 = arith.muli %select_n3A, %mul3A_880 : i32
          %mul3A_882 = arith.constant 64 : i32
          %mul3A_883 = arith.muli %select_n3A_106, %mul3A_882 : i32
          %add3A_884 = arith.addi %mul3A_881, %mul3A_883 : i32
          %broadcast_in_dim3A_885 = arith.constant 31 : i32
          %broadcast_in_dim3A_886 = vector.broadcast %broadcast_in_dim3A_885 : i32 to vector<16xi32>
          %add3A_887 = vector.broadcast %add3A_884 : i32 to vector<16xi32>
          %add3A_888 = arith.addi %add3A_887, %broadcast_in_dim3A_886 : vector<16xi32>
          %gather3A_889 = tpu.vector_load_idx %arg14[%add3A_888] : memref<4096xf32, #tpu.memory_space<vmem>>[vector<16xi32>], vector<16xf32>,
          %get3A_890 = arith.index_cast %add3A_807 : i32 to index
          %get3A_891 = arith.constant 96 : index
          %get3A_892 = tpu.vector_load %arg15[%get3A_890, %get3A_891] {strides = array<i32>} : memref<128x128xf32, #tpu.memory_space<vmem>>, vector<16xf32>,
          %mul3A_893 = arith.mulf %get3A_892, %gather3A_889 : vector<16xf32>
          %swap3A_894 = arith.index_cast %add3A_807 : i32 to index
          %swap3A_895 = arith.constant 96 : index
          %swap3A_896 = tpu.vector_load %arg15[%swap3A_894, %swap3A_895] {strides = array<i32>} : memref<128x128xf32, #tpu.memory_space<vmem>>, vector<16xf32>,
          tpu.vector_store %arg15[%swap3A_894, %swap3A_895], %mul3A_893 {strides = array<i32>} : memref<128x128xf32, #tpu.memory_space<vmem>>, vector<16xf32>,
          %get3A_897 = arith.index_cast %add3A_807 : i32 to index
          %get3A_898 = arith.constant 112 : index
          %get3A_899 = tpu.vector_load %arg15[%get3A_897, %get3A_898] {strides = array<i32>} : memref<128x128xf32, #tpu.memory_space<vmem>>, vector<16xf32>,
          %mul3A_900 = arith.mulf %get3A_899, %gather3A_889 : vector<16xf32>
          %swap3A_901 = arith.index_cast %add3A_807 : i32 to index
          %swap3A_902 = arith.constant 112 : index
          %swap3A_903 = tpu.vector_load %arg15[%swap3A_901, %swap3A_902] {strides = array<i32>} : memref<128x128xf32, #tpu.memory_space<vmem>>, vector<16xf32>,
          tpu.vector_store %arg15[%swap3A_901, %swap3A_902], %mul3A_900 {strides = array<i32>} : memref<128x128xf32, #tpu.memory_space<vmem>>, vector<16xf32>,
          %mul3A_904 = arith.constant 16 : i32
          %mul3A_905 = arith.muli %select_n3A_106, %mul3A_904 : i32
          %add3A_906 = arith.constant 8 : i32
          %add3A_907 = arith.addi %mul3A_905, %add3A_906 : i32
          %mul3A_908 = arith.constant 512 : i32
          %mul3A_909 = arith.muli %select_n3A, %mul3A_908 : i32
          %mul3A_910 = arith.constant 64 : i32
          %mul3A_911 = arith.muli %select_n3A_106, %mul3A_910 : i32
          %add3A_912 = arith.addi %mul3A_909, %mul3A_911 : i32
          %broadcast_in_dim3A_913 = arith.constant 32 : i32
          %broadcast_in_dim3A_914 = vector.broadcast %broadcast_in_dim3A_913 : i32 to vector<16xi32>
          %add3A_915 = vector.broadcast %add3A_912 : i32 to vector<16xi32>
          %add3A_916 = arith.addi %add3A_915, %broadcast_in_dim3A_914 : vector<16xi32>
          %gather3A_917 = tpu.vector_load_idx %arg14[%add3A_916] : memref<4096xf32, #tpu.memory_space<vmem>>[vector<16xi32>], vector<16xf32>,
          %get3A_918 = arith.index_cast %add3A_907 : i32 to index
          %get3A_919 = arith.constant 0 : index
          %get3A_920 = tpu.vector_load %arg15[%get3A_918, %get3A_919] {strides = array<i32>} : memref<128x128xf32, #tpu.memory_space<vmem>>, vector<16xf32>,
          %mul3A_921 = arith.mulf %get3A_920, %gather3A_917 : vector<16xf32>
          %swap3A_922 = arith.index_cast %add3A_907 : i32 to index
          %swap3A_923 = arith.constant 0 : index
          %swap3A_924 = tpu.vector_load %arg15[%swap3A_922, %swap3A_923] {strides = array<i32>} : memref<128x128xf32, #tpu.memory_space<vmem>>, vector<16xf32>,
          tpu.vector_store %arg15[%swap3A_922, %swap3A_923], %mul3A_921 {strides = array<i32>} : memref<128x128xf32, #tpu.memory_space<vmem>>, vector<16xf32>,
          %get3A_925 = arith.index_cast %add3A_907 : i32 to index
          %get3A_926 = arith.constant 16 : index
          %get3A_927 = tpu.vector_load %arg15[%get3A_925, %get3A_926] {strides = array<i32>} : memref<128x128xf32, #tpu.memory_space<vmem>>, vector<16xf32>,
          %mul3A_928 = arith.mulf %get3A_927, %gather3A_917 : vector<16xf32>
          %swap3A_929 = arith.index_cast %add3A_907 : i32 to index
          %swap3A_930 = arith.constant 16 : index
          %swap3A_931 = tpu.vector_load %arg15[%swap3A_929, %swap3A_930] {strides = array<i32>} : memref<128x128xf32, #tpu.memory_space<vmem>>, vector<16xf32>,
          tpu.vector_store %arg15[%swap3A_929, %swap3A_930], %mul3A_928 {strides = array<i32>} : memref<128x128xf32, #tpu.memory_space<vmem>>, vector<16xf32>,
          %mul3A_932 = arith.constant 512 : i32
          %mul3A_933 = arith.muli %select_n3A, %mul3A_932 : i32
          %mul3A_934 = arith.constant 64 : i32
          %mul3A_935 = arith.muli %select_n3A_106, %mul3A_934 : i32
          %add3A_936 = arith.addi %mul3A_933, %mul3A_935 : i32
          %broadcast_in_dim3A_937 = arith.constant 33 : i32
          %broadcast_in_dim3A_938 = vector.broadcast %broadcast_in_dim3A_937 : i32 to vector<16xi32>
          %add3A_939 = vector.broadcast %add3A_936 : i32 to vector<16xi32>
          %add3A_940 = arith.addi %add3A_939, %broadcast_in_dim3A_938 : vector<16xi32>
          %gather3A_941 = tpu.vector_load_idx %arg14[%add3A_940] : memref<4096xf32, #tpu.memory_space<vmem>>[vector<16xi32>], vector<16xf32>,
          %get3A_942 = arith.index_cast %add3A_907 : i32 to index
          %get3A_943 = arith.constant 32 : index
          %get3A_944 = tpu.vector_load %arg15[%get3A_942, %get3A_943] {strides = array<i32>} : memref<128x128xf32, #tpu.memory_space<vmem>>, vector<16xf32>,
          %mul3A_945 = arith.mulf %get3A_944, %gather3A_941 : vector<16xf32>
          %swap3A_946 = arith.index_cast %add3A_907 : i32 to index
          %swap3A_947 = arith.constant 32 : index
          %swap3A_948 = tpu.vector_load %arg15[%swap3A_946, %swap3A_947] {strides = array<i32>} : memref<128x128xf32, #tpu.memory_space<vmem>>, vector<16xf32>,
          tpu.vector_store %arg15[%swap3A_946, %swap3A_947], %mul3A_945 {strides = array<i32>} : memref<128x128xf32, #tpu.memory_space<vmem>>, vector<16xf32>,
          %get3A_949 = arith.index_cast %add3A_907 : i32 to index
          %get3A_950 = arith.constant 48 : index
          %get3A_951 = tpu.vector_load %arg15[%get3A_949, %get3A_950] {strides = array<i32>} : memref<128x128xf32, #tpu.memory_space<vmem>>, vector<16xf32>,
          %mul3A_952 = arith.mulf %get3A_951, %gather3A_941 : vector<16xf32>
          %swap3A_953 = arith.index_cast %add3A_907 : i32 to index
          %swap3A_954 = arith.constant 48 : index
          %swap3A_955 = tpu.vector_load %arg15[%swap3A_953, %swap3A_954] {strides = array<i32>} : memref<128x128xf32, #tpu.memory_space<vmem>>, vector<16xf32>,
          tpu.vector_store %arg15[%swap3A_953, %swap3A_954], %mul3A_952 {strides = array<i32>} : memref<128x128xf32, #tpu.memory_space<vmem>>, vector<16xf32>,
          %mul3A_956 = arith.constant 512 : i32
          %mul3A_957 = arith.muli %select_n3A, %mul3A_956 : i32
          %mul3A_958 = arith.constant 64 : i32
          %mul3A_959 = arith.muli %select_n3A_106, %mul3A_958 : i32
          %add3A_960 = arith.addi %mul3A_957, %mul3A_959 : i32
          %broadcast_in_dim3A_961 = arith.constant 34 : i32
          %broadcast_in_dim3A_962 = vector.broadcast %broadcast_in_dim3A_961 : i32 to vector<16xi32>
          %add3A_963 = vector.broadcast %add3A_960 : i32 to vector<16xi32>
          %add3A_964 = arith.addi %add3A_963, %broadcast_in_dim3A_962 : vector<16xi32>
          %gather3A_965 = tpu.vector_load_idx %arg14[%add3A_964] : memref<4096xf32, #tpu.memory_space<vmem>>[vector<16xi32>], vector<16xf32>,
          %get3A_966 = arith.index_cast %add3A_907 : i32 to index
          %get3A_967 = arith.constant 64 : index
          %get3A_968 = tpu.vector_load %arg15[%get3A_966, %get3A_967] {strides = array<i32>} : memref<128x128xf32, #tpu.memory_space<vmem>>, vector<16xf32>,
          %mul3A_969 = arith.mulf %get3A_968, %gather3A_965 : vector<16xf32>
          %swap3A_970 = arith.index_cast %add3A_907 : i32 to index
          %swap3A_971 = arith.constant 64 : index
          %swap3A_972 = tpu.vector_load %arg15[%swap3A_970, %swap3A_971] {strides = array<i32>} : memref<128x128xf32, #tpu.memory_space<vmem>>, vector<16xf32>,
          tpu.vector_store %arg15[%swap3A_970, %swap3A_971], %mul3A_969 {strides = array<i32>} : memref<128x128xf32, #tpu.memory_space<vmem>>, vector<16xf32>,
          %get3A_973 = arith.index_cast %add3A_907 : i32 to index
          %get3A_974 = arith.constant 80 : index
          %get3A_975 = tpu.vector_load %arg15[%get3A_973, %get3A_974] {strides = array<i32>} : memref<128x128xf32, #tpu.memory_space<vmem>>, vector<16xf32>,
          %mul3A_976 = arith.mulf %get3A_975, %gather3A_965 : vector<16xf32>
          %swap3A_977 = arith.index_cast %add3A_907 : i32 to index
          %swap3A_978 = arith.constant 80 : index
          %swap3A_979 = tpu.vector_load %arg15[%swap3A_977, %swap3A_978] {strides = array<i32>} : memref<128x128xf32, #tpu.memory_space<vmem>>, vector<16xf32>,
          tpu.vector_store %arg15[%swap3A_977, %swap3A_978], %mul3A_976 {strides = array<i32>} : memref<128x128xf32, #tpu.memory_space<vmem>>, vector<16xf32>,
          %mul3A_980 = arith.constant 512 : i32
          %mul3A_981 = arith.muli %select_n3A, %mul3A_980 : i32
          %mul3A_982 = arith.constant 64 : i32
          %mul3A_983 = arith.muli %select_n3A_106, %mul3A_982 : i32
          %add3A_984 = arith.addi %mul3A_981, %mul3A_983 : i32
          %broadcast_in_dim3A_985 = arith.constant 35 : i32
          %broadcast_in_dim3A_986 = vector.broadcast %broadcast_in_dim3A_985 : i32 to vector<16xi32>
          %add3A_987 = vector.broadcast %add3A_984 : i32 to vector<16xi32>
          %add3A_988 = arith.addi %add3A_987, %broadcast_in_dim3A_986 : vector<16xi32>
          %gather3A_989 = tpu.vector_load_idx %arg14[%add3A_988] : memref<4096xf32, #tpu.memory_space<vmem>>[vector<16xi32>], vector<16xf32>,
          %get3A_990 = arith.index_cast %add3A_907 : i32 to index
          %get3A_991 = arith.constant 96 : index
          %get3A_992 = tpu.vector_load %arg15[%get3A_990, %get3A_991] {strides = array<i32>} : memref<128x128xf32, #tpu.memory_space<vmem>>, vector<16xf32>,
          %mul3A_993 = arith.mulf %get3A_992, %gather3A_989 : vector<16xf32>
          %swap3A_994 = arith.index_cast %add3A_907 : i32 to index
          %swap3A_995 = arith.constant 96 : index
          %swap3A_996 = tpu.vector_load %arg15[%swap3A_994, %swap3A_995] {strides = array<i32>} : memref<128x128xf32, #tpu.memory_space<vmem>>, vector<16xf32>,
          tpu.vector_store %arg15[%swap3A_994, %swap3A_995], %mul3A_993 {strides = array<i32>} : memref<128x128xf32, #tpu.memory_space<vmem>>, vector<16xf32>,
          %get3A_997 = arith.index_cast %add3A_907 : i32 to index
          %get3A_998 = arith.constant 112 : index
          %get3A_999 = tpu.vector_load %arg15[%get3A_997, %get3A_998] {strides = array<i32>} : memref<128x128xf32, #tpu.memory_space<vmem>>, vector<16xf32>,
          %mul3A_1000 = arith.mulf %get3A_999, %gather3A_989 : vector<16xf32>
          %swap3A_1001 = arith.index_cast %add3A_907 : i32 to index
          %swap3A_1002 = arith.constant 112 : index
          %swap3A_1003 = tpu.vector_load %arg15[%swap3A_1001, %swap3A_1002] {strides = array<i32>} : memref<128x128xf32, #tpu.memory_space<vmem>>, vector<16xf32>,
          tpu.vector_store %arg15[%swap3A_1001, %swap3A_1002], %mul3A_1000 {strides = array<i32>} : memref<128x128xf32, #tpu.memory_space<vmem>>, vector<16xf32>,
          %mul3A_1004 = arith.constant 16 : i32
          %mul3A_1005 = arith.muli %select_n3A_106, %mul3A_1004 : i32
          %add3A_1006 = arith.constant 9 : i32
          %add3A_1007 = arith.addi %mul3A_1005, %add3A_1006 : i32
          %mul3A_1008 = arith.constant 512 : i32
          %mul3A_1009 = arith.muli %select_n3A, %mul3A_1008 : i32
          %mul3A_1010 = arith.constant 64 : i32
          %mul3A_1011 = arith.muli %select_n3A_106, %mul3A_1010 : i32
          %add3A_1012 = arith.addi %mul3A_1009, %mul3A_1011 : i32
          %broadcast_in_dim3A_1013 = arith.constant 36 : i32
          %broadcast_in_dim3A_1014 = vector.broadcast %broadcast_in_dim3A_1013 : i32 to vector<16xi32>
          %add3A_1015 = vector.broadcast %add3A_1012 : i32 to vector<16xi32>
          %add3A_1016 = arith.addi %add3A_1015, %broadcast_in_dim3A_1014 : vector<16xi32>
          %gather3A_1017 = tpu.vector_load_idx %arg14[%add3A_1016] : memref<4096xf32, #tpu.memory_space<vmem>>[vector<16xi32>], vector<16xf32>,
          %get3A_1018 = arith.index_cast %add3A_1007 : i32 to index
          %get3A_1019 = arith.constant 0 : index
          %get3A_1020 = tpu.vector_load %arg15[%get3A_1018, %get3A_1019] {strides = array<i32>} : memref<128x128xf32, #tpu.memory_space<vmem>>, vector<16xf32>,
          %mul3A_1021 = arith.mulf %get3A_1020, %gather3A_1017 : vector<16xf32>
          %swap3A_1022 = arith.index_cast %add3A_1007 : i32 to index
          %swap3A_1023 = arith.constant 0 : index
          %swap3A_1024 = tpu.vector_load %arg15[%swap3A_1022, %swap3A_1023] {strides = array<i32>} : memref<128x128xf32, #tpu.memory_space<vmem>>, vector<16xf32>,
          tpu.vector_store %arg15[%swap3A_1022, %swap3A_1023], %mul3A_1021 {strides = array<i32>} : memref<128x128xf32, #tpu.memory_space<vmem>>, vector<16xf32>,
          %get3A_1025 = arith.index_cast %add3A_1007 : i32 to index
          %get3A_1026 = arith.constant 16 : index
          %get3A_1027 = tpu.vector_load %arg15[%get3A_1025, %get3A_1026] {strides = array<i32>} : memref<128x128xf32, #tpu.memory_space<vmem>>, vector<16xf32>,
          %mul3A_1028 = arith.mulf %get3A_1027, %gather3A_1017 : vector<16xf32>
          %swap3A_1029 = arith.index_cast %add3A_1007 : i32 to index
          %swap3A_1030 = arith.constant 16 : index
          %swap3A_1031 = tpu.vector_load %arg15[%swap3A_1029, %swap3A_1030] {strides = array<i32>} : memref<128x128xf32, #tpu.memory_space<vmem>>, vector<16xf32>,
          tpu.vector_store %arg15[%swap3A_1029, %swap3A_1030], %mul3A_1028 {strides = array<i32>} : memref<128x128xf32, #tpu.memory_space<vmem>>, vector<16xf32>,
          %mul3A_1032 = arith.constant 512 : i32
          %mul3A_1033 = arith.muli %select_n3A, %mul3A_1032 : i32
          %mul3A_1034 = arith.constant 64 : i32
          %mul3A_1035 = arith.muli %select_n3A_106, %mul3A_1034 : i32
          %add3A_1036 = arith.addi %mul3A_1033, %mul3A_1035 : i32
          %broadcast_in_dim3A_1037 = arith.constant 37 : i32
          %broadcast_in_dim3A_1038 = vector.broadcast %broadcast_in_dim3A_1037 : i32 to vector<16xi32>
          %add3A_1039 = vector.broadcast %add3A_1036 : i32 to vector<16xi32>
          %add3A_1040 = arith.addi %add3A_1039, %broadcast_in_dim3A_1038 : vector<16xi32>
          %gather3A_1041 = tpu.vector_load_idx %arg14[%add3A_1040] : memref<4096xf32, #tpu.memory_space<vmem>>[vector<16xi32>], vector<16xf32>,
          %get3A_1042 = arith.index_cast %add3A_1007 : i32 to index
          %get3A_1043 = arith.constant 32 : index
          %get3A_1044 = tpu.vector_load %arg15[%get3A_1042, %get3A_1043] {strides = array<i32>} : memref<128x128xf32, #tpu.memory_space<vmem>>, vector<16xf32>,
          %mul3A_1045 = arith.mulf %get3A_1044, %gather3A_1041 : vector<16xf32>
          %swap3A_1046 = arith.index_cast %add3A_1007 : i32 to index
          %swap3A_1047 = arith.constant 32 : index
          %swap3A_1048 = tpu.vector_load %arg15[%swap3A_1046, %swap3A_1047] {strides = array<i32>} : memref<128x128xf32, #tpu.memory_space<vmem>>, vector<16xf32>,
          tpu.vector_store %arg15[%swap3A_1046, %swap3A_1047], %mul3A_1045 {strides = array<i32>} : memref<128x128xf32, #tpu.memory_space<vmem>>, vector<16xf32>,
          %get3A_1049 = arith.index_cast %add3A_1007 : i32 to index
          %get3A_1050 = arith.constant 48 : index
          %get3A_1051 = tpu.vector_load %arg15[%get3A_1049, %get3A_1050] {strides = array<i32>} : memref<128x128xf32, #tpu.memory_space<vmem>>, vector<16xf32>,
          %mul3A_1052 = arith.mulf %get3A_1051, %gather3A_1041 : vector<16xf32>
          %swap3A_1053 = arith.index_cast %add3A_1007 : i32 to index
          %swap3A_1054 = arith.constant 48 : index
          %swap3A_1055 = tpu.vector_load %arg15[%swap3A_1053, %swap3A_1054] {strides = array<i32>} : memref<128x128xf32, #tpu.memory_space<vmem>>, vector<16xf32>,
          tpu.vector_store %arg15[%swap3A_1053, %swap3A_1054], %mul3A_1052 {strides = array<i32>} : memref<128x128xf32, #tpu.memory_space<vmem>>, vector<16xf32>,
          %mul3A_1056 = arith.constant 512 : i32
          %mul3A_1057 = arith.muli %select_n3A, %mul3A_1056 : i32
          %mul3A_1058 = arith.constant 64 : i32
          %mul3A_1059 = arith.muli %select_n3A_106, %mul3A_1058 : i32
          %add3A_1060 = arith.addi %mul3A_1057, %mul3A_1059 : i32
          %broadcast_in_dim3A_1061 = arith.constant 38 : i32
          %broadcast_in_dim3A_1062 = vector.broadcast %broadcast_in_dim3A_1061 : i32 to vector<16xi32>
          %add3A_1063 = vector.broadcast %add3A_1060 : i32 to vector<16xi32>
          %add3A_1064 = arith.addi %add3A_1063, %broadcast_in_dim3A_1062 : vector<16xi32>
          %gather3A_1065 = tpu.vector_load_idx %arg14[%add3A_1064] : memref<4096xf32, #tpu.memory_space<vmem>>[vector<16xi32>], vector<16xf32>,
          %get3A_1066 = arith.index_cast %add3A_1007 : i32 to index
          %get3A_1067 = arith.constant 64 : index
          %get3A_1068 = tpu.vector_load %arg15[%get3A_1066, %get3A_1067] {strides = array<i32>} : memref<128x128xf32, #tpu.memory_space<vmem>>, vector<16xf32>,
          %mul3A_1069 = arith.mulf %get3A_1068, %gather3A_1065 : vector<16xf32>
          %swap3A_1070 = arith.index_cast %add3A_1007 : i32 to index
          %swap3A_1071 = arith.constant 64 : index
          %swap3A_1072 = tpu.vector_load %arg15[%swap3A_1070, %swap3A_1071] {strides = array<i32>} : memref<128x128xf32, #tpu.memory_space<vmem>>, vector<16xf32>,
          tpu.vector_store %arg15[%swap3A_1070, %swap3A_1071], %mul3A_1069 {strides = array<i32>} : memref<128x128xf32, #tpu.memory_space<vmem>>, vector<16xf32>,
          %get3A_1073 = arith.index_cast %add3A_1007 : i32 to index
          %get3A_1074 = arith.constant 80 : index
          %get3A_1075 = tpu.vector_load %arg15[%get3A_1073, %get3A_1074] {strides = array<i32>} : memref<128x128xf32, #tpu.memory_space<vmem>>, vector<16xf32>,
          %mul3A_1076 = arith.mulf %get3A_1075, %gather3A_1065 : vector<16xf32>
          %swap3A_1077 = arith.index_cast %add3A_1007 : i32 to index
          %swap3A_1078 = arith.constant 80 : index
          %swap3A_1079 = tpu.vector_load %arg15[%swap3A_1077, %swap3A_1078] {strides = array<i32>} : memref<128x128xf32, #tpu.memory_space<vmem>>, vector<16xf32>,
          tpu.vector_store %arg15[%swap3A_1077, %swap3A_1078], %mul3A_1076 {strides = array<i32>} : memref<128x128xf32, #tpu.memory_space<vmem>>, vector<16xf32>,
          %mul3A_1080 = arith.constant 512 : i32
          %mul3A_1081 = arith.muli %select_n3A, %mul3A_1080 : i32
          %mul3A_1082 = arith.constant 64 : i32
          %mul3A_1083 = arith.muli %select_n3A_106, %mul3A_1082 : i32
          %add3A_1084 = arith.addi %mul3A_1081, %mul3A_1083 : i32
          %broadcast_in_dim3A_1085 = arith.constant 39 : i32
          %broadcast_in_dim3A_1086 = vector.broadcast %broadcast_in_dim3A_1085 : i32 to vector<16xi32>
          %add3A_1087 = vector.broadcast %add3A_1084 : i32 to vector<16xi32>
          %add3A_1088 = arith.addi %add3A_1087, %broadcast_in_dim3A_1086 : vector<16xi32>
          %gather3A_1089 = tpu.vector_load_idx %arg14[%add3A_1088] : memref<4096xf32, #tpu.memory_space<vmem>>[vector<16xi32>], vector<16xf32>,
          %get3A_1090 = arith.index_cast %add3A_1007 : i32 to index
          %get3A_1091 = arith.constant 96 : index
          %get3A_1092 = tpu.vector_load %arg15[%get3A_1090, %get3A_1091] {strides = array<i32>} : memref<128x128xf32, #tpu.memory_space<vmem>>, vector<16xf32>,
          %mul3A_1093 = arith.mulf %get3A_1092, %gather3A_1089 : vector<16xf32>
          %swap3A_1094 = arith.index_cast %add3A_1007 : i32 to index
          %swap3A_1095 = arith.constant 96 : index
          %swap3A_1096 = tpu.vector_load %arg15[%swap3A_1094, %swap3A_1095] {strides = array<i32>} : memref<128x128xf32, #tpu.memory_space<vmem>>, vector<16xf32>,
          tpu.vector_store %arg15[%swap3A_1094, %swap3A_1095], %mul3A_1093 {strides = array<i32>} : memref<128x128xf32, #tpu.memory_space<vmem>>, vector<16xf32>,
          %get3A_1097 = arith.index_cast %add3A_1007 : i32 to index
          %get3A_1098 = arith.constant 112 : index
          %get3A_1099 = tpu.vector_load %arg15[%get3A_1097, %get3A_1098] {strides = array<i32>} : memref<128x128xf32, #tpu.memory_space<vmem>>, vector<16xf32>,
          %mul3A_1100 = arith.mulf %get3A_1099, %gather3A_1089 : vector<16xf32>
          %swap3A_1101 = arith.index_cast %add3A_1007 : i32 to index
          %swap3A_1102 = arith.constant 112 : index
          %swap3A_1103 = tpu.vector_load %arg15[%swap3A_1101, %swap3A_1102] {strides = array<i32>} : memref<128x128xf32, #tpu.memory_space<vmem>>, vector<16xf32>,
          tpu.vector_store %arg15[%swap3A_1101, %swap3A_1102], %mul3A_1100 {strides = array<i32>} : memref<128x128xf32, #tpu.memory_space<vmem>>, vector<16xf32>,
          %mul3A_1104 = arith.constant 16 : i32
          %mul3A_1105 = arith.muli %select_n3A_106, %mul3A_1104 : i32
          %add3A_1106 = arith.constant 10 : i32
          %add3A_1107 = arith.addi %mul3A_1105, %add3A_1106 : i32
          %mul3A_1108 = arith.constant 512 : i32
          %mul3A_1109 = arith.muli %select_n3A, %mul3A_1108 : i32
          %mul3A_1110 = arith.constant 64 : i32
          %mul3A_1111 = arith.muli %select_n3A_106, %mul3A_1110 : i32
          %add3A_1112 = arith.addi %mul3A_1109, %mul3A_1111 : i32
          %broadcast_in_dim3A_1113 = arith.constant 40 : i32
          %broadcast_in_dim3A_1114 = vector.broadcast %broadcast_in_dim3A_1113 : i32 to vector<16xi32>
          %add3A_1115 = vector.broadcast %add3A_1112 : i32 to vector<16xi32>
          %add3A_1116 = arith.addi %add3A_1115, %broadcast_in_dim3A_1114 : vector<16xi32>
          %gather3A_1117 = tpu.vector_load_idx %arg14[%add3A_1116] : memref<4096xf32, #tpu.memory_space<vmem>>[vector<16xi32>], vector<16xf32>,
          %get3A_1118 = arith.index_cast %add3A_1107 : i32 to index
          %get3A_1119 = arith.constant 0 : index
          %get3A_1120 = tpu.vector_load %arg15[%get3A_1118, %get3A_1119] {strides = array<i32>} : memref<128x128xf32, #tpu.memory_space<vmem>>, vector<16xf32>,
          %mul3A_1121 = arith.mulf %get3A_1120, %gather3A_1117 : vector<16xf32>
          %swap3A_1122 = arith.index_cast %add3A_1107 : i32 to index
          %swap3A_1123 = arith.constant 0 : index
          %swap3A_1124 = tpu.vector_load %arg15[%swap3A_1122, %swap3A_1123] {strides = array<i32>} : memref<128x128xf32, #tpu.memory_space<vmem>>, vector<16xf32>,
          tpu.vector_store %arg15[%swap3A_1122, %swap3A_1123], %mul3A_1121 {strides = array<i32>} : memref<128x128xf32, #tpu.memory_space<vmem>>, vector<16xf32>,
          %get3A_1125 = arith.index_cast %add3A_1107 : i32 to index
          %get3A_1126 = arith.constant 16 : index
          %get3A_1127 = tpu.vector_load %arg15[%get3A_1125, %get3A_1126] {strides = array<i32>} : memref<128x128xf32, #tpu.memory_space<vmem>>, vector<16xf32>,
          %mul3A_1128 = arith.mulf %get3A_1127, %gather3A_1117 : vector<16xf32>
          %swap3A_1129 = arith.index_cast %add3A_1107 : i32 to index
          %swap3A_1130 = arith.constant 16 : index
          %swap3A_1131 = tpu.vector_load %arg15[%swap3A_1129, %swap3A_1130] {strides = array<i32>} : memref<128x128xf32, #tpu.memory_space<vmem>>, vector<16xf32>,
          tpu.vector_store %arg15[%swap3A_1129, %swap3A_1130], %mul3A_1128 {strides = array<i32>} : memref<128x128xf32, #tpu.memory_space<vmem>>, vector<16xf32>,
          %mul3A_1132 = arith.constant 512 : i32
          %mul3A_1133 = arith.muli %select_n3A, %mul3A_1132 : i32
          %mul3A_1134 = arith.constant 64 : i32
          %mul3A_1135 = arith.muli %select_n3A_106, %mul3A_1134 : i32
          %add3A_1136 = arith.addi %mul3A_1133, %mul3A_1135 : i32
          %broadcast_in_dim3A_1137 = arith.constant 41 : i32
          %broadcast_in_dim3A_1138 = vector.broadcast %broadcast_in_dim3A_1137 : i32 to vector<16xi32>
          %add3A_1139 = vector.broadcast %add3A_1136 : i32 to vector<16xi32>
          %add3A_1140 = arith.addi %add3A_1139, %broadcast_in_dim3A_1138 : vector<16xi32>
          %gather3A_1141 = tpu.vector_load_idx %arg14[%add3A_1140] : memref<4096xf32, #tpu.memory_space<vmem>>[vector<16xi32>], vector<16xf32>,
          %get3A_1142 = arith.index_cast %add3A_1107 : i32 to index
          %get3A_1143 = arith.constant 32 : index
          %get3A_1144 = tpu.vector_load %arg15[%get3A_1142, %get3A_1143] {strides = array<i32>} : memref<128x128xf32, #tpu.memory_space<vmem>>, vector<16xf32>,
          %mul3A_1145 = arith.mulf %get3A_1144, %gather3A_1141 : vector<16xf32>
          %swap3A_1146 = arith.index_cast %add3A_1107 : i32 to index
          %swap3A_1147 = arith.constant 32 : index
          %swap3A_1148 = tpu.vector_load %arg15[%swap3A_1146, %swap3A_1147] {strides = array<i32>} : memref<128x128xf32, #tpu.memory_space<vmem>>, vector<16xf32>,
          tpu.vector_store %arg15[%swap3A_1146, %swap3A_1147], %mul3A_1145 {strides = array<i32>} : memref<128x128xf32, #tpu.memory_space<vmem>>, vector<16xf32>,
          %get3A_1149 = arith.index_cast %add3A_1107 : i32 to index
          %get3A_1150 = arith.constant 48 : index
          %get3A_1151 = tpu.vector_load %arg15[%get3A_1149, %get3A_1150] {strides = array<i32>} : memref<128x128xf32, #tpu.memory_space<vmem>>, vector<16xf32>,
          %mul3A_1152 = arith.mulf %get3A_1151, %gather3A_1141 : vector<16xf32>
          %swap3A_1153 = arith.index_cast %add3A_1107 : i32 to index
          %swap3A_1154 = arith.constant 48 : index
          %swap3A_1155 = tpu.vector_load %arg15[%swap3A_1153, %swap3A_1154] {strides = array<i32>} : memref<128x128xf32, #tpu.memory_space<vmem>>, vector<16xf32>,
          tpu.vector_store %arg15[%swap3A_1153, %swap3A_1154], %mul3A_1152 {strides = array<i32>} : memref<128x128xf32, #tpu.memory_space<vmem>>, vector<16xf32>,
          %mul3A_1156 = arith.constant 512 : i32
          %mul3A_1157 = arith.muli %select_n3A, %mul3A_1156 : i32
          %mul3A_1158 = arith.constant 64 : i32
          %mul3A_1159 = arith.muli %select_n3A_106, %mul3A_1158 : i32
          %add3A_1160 = arith.addi %mul3A_1157, %mul3A_1159 : i32
          %broadcast_in_dim3A_1161 = arith.constant 42 : i32
          %broadcast_in_dim3A_1162 = vector.broadcast %broadcast_in_dim3A_1161 : i32 to vector<16xi32>
          %add3A_1163 = vector.broadcast %add3A_1160 : i32 to vector<16xi32>
          %add3A_1164 = arith.addi %add3A_1163, %broadcast_in_dim3A_1162 : vector<16xi32>
          %gather3A_1165 = tpu.vector_load_idx %arg14[%add3A_1164] : memref<4096xf32, #tpu.memory_space<vmem>>[vector<16xi32>], vector<16xf32>,
          %get3A_1166 = arith.index_cast %add3A_1107 : i32 to index
          %get3A_1167 = arith.constant 64 : index
          %get3A_1168 = tpu.vector_load %arg15[%get3A_1166, %get3A_1167] {strides = array<i32>} : memref<128x128xf32, #tpu.memory_space<vmem>>, vector<16xf32>,
          %mul3A_1169 = arith.mulf %get3A_1168, %gather3A_1165 : vector<16xf32>
          %swap3A_1170 = arith.index_cast %add3A_1107 : i32 to index
          %swap3A_1171 = arith.constant 64 : index
          %swap3A_1172 = tpu.vector_load %arg15[%swap3A_1170, %swap3A_1171] {strides = array<i32>} : memref<128x128xf32, #tpu.memory_space<vmem>>, vector<16xf32>,
          tpu.vector_store %arg15[%swap3A_1170, %swap3A_1171], %mul3A_1169 {strides = array<i32>} : memref<128x128xf32, #tpu.memory_space<vmem>>, vector<16xf32>,
          %get3A_1173 = arith.index_cast %add3A_1107 : i32 to index
          %get3A_1174 = arith.constant 80 : index
          %get3A_1175 = tpu.vector_load %arg15[%get3A_1173, %get3A_1174] {strides = array<i32>} : memref<128x128xf32, #tpu.memory_space<vmem>>, vector<16xf32>,
          %mul3A_1176 = arith.mulf %get3A_1175, %gather3A_1165 : vector<16xf32>
          %swap3A_1177 = arith.index_cast %add3A_1107 : i32 to index
          %swap3A_1178 = arith.constant 80 : index
          %swap3A_1179 = tpu.vector_load %arg15[%swap3A_1177, %swap3A_1178] {strides = array<i32>} : memref<128x128xf32, #tpu.memory_space<vmem>>, vector<16xf32>,
          tpu.vector_store %arg15[%swap3A_1177, %swap3A_1178], %mul3A_1176 {strides = array<i32>} : memref<128x128xf32, #tpu.memory_space<vmem>>, vector<16xf32>,
          %mul3A_1180 = arith.constant 512 : i32
          %mul3A_1181 = arith.muli %select_n3A, %mul3A_1180 : i32
          %mul3A_1182 = arith.constant 64 : i32
          %mul3A_1183 = arith.muli %select_n3A_106, %mul3A_1182 : i32
          %add3A_1184 = arith.addi %mul3A_1181, %mul3A_1183 : i32
          %broadcast_in_dim3A_1185 = arith.constant 43 : i32
          %broadcast_in_dim3A_1186 = vector.broadcast %broadcast_in_dim3A_1185 : i32 to vector<16xi32>
          %add3A_1187 = vector.broadcast %add3A_1184 : i32 to vector<16xi32>
          %add3A_1188 = arith.addi %add3A_1187, %broadcast_in_dim3A_1186 : vector<16xi32>
          %gather3A_1189 = tpu.vector_load_idx %arg14[%add3A_1188] : memref<4096xf32, #tpu.memory_space<vmem>>[vector<16xi32>], vector<16xf32>,
          %get3A_1190 = arith.index_cast %add3A_1107 : i32 to index
          %get3A_1191 = arith.constant 96 : index
          %get3A_1192 = tpu.vector_load %arg15[%get3A_1190, %get3A_1191] {strides = array<i32>} : memref<128x128xf32, #tpu.memory_space<vmem>>, vector<16xf32>,
          %mul3A_1193 = arith.mulf %get3A_1192, %gather3A_1189 : vector<16xf32>
          %swap3A_1194 = arith.index_cast %add3A_1107 : i32 to index
          %swap3A_1195 = arith.constant 96 : index
          %swap3A_1196 = tpu.vector_load %arg15[%swap3A_1194, %swap3A_1195] {strides = array<i32>} : memref<128x128xf32, #tpu.memory_space<vmem>>, vector<16xf32>,
          tpu.vector_store %arg15[%swap3A_1194, %swap3A_1195], %mul3A_1193 {strides = array<i32>} : memref<128x128xf32, #tpu.memory_space<vmem>>, vector<16xf32>,
          %get3A_1197 = arith.index_cast %add3A_1107 : i32 to index
          %get3A_1198 = arith.constant 112 : index
          %get3A_1199 = tpu.vector_load %arg15[%get3A_1197, %get3A_1198] {strides = array<i32>} : memref<128x128xf32, #tpu.memory_space<vmem>>, vector<16xf32>,
          %mul3A_1200 = arith.mulf %get3A_1199, %gather3A_1189 : vector<16xf32>
          %swap3A_1201 = arith.index_cast %add3A_1107 : i32 to index
          %swap3A_1202 = arith.constant 112 : index
          %swap3A_1203 = tpu.vector_load %arg15[%swap3A_1201, %swap3A_1202] {strides = array<i32>} : memref<128x128xf32, #tpu.memory_space<vmem>>, vector<16xf32>,
          tpu.vector_store %arg15[%swap3A_1201, %swap3A_1202], %mul3A_1200 {strides = array<i32>} : memref<128x128xf32, #tpu.memory_space<vmem>>, vector<16xf32>,
          %mul3A_1204 = arith.constant 16 : i32
          %mul3A_1205 = arith.muli %select_n3A_106, %mul3A_1204 : i32
          %add3A_1206 = arith.constant 11 : i32
          %add3A_1207 = arith.addi %mul3A_1205, %add3A_1206 : i32
          %mul3A_1208 = arith.constant 512 : i32
          %mul3A_1209 = arith.muli %select_n3A, %mul3A_1208 : i32
          %mul3A_1210 = arith.constant 64 : i32
          %mul3A_1211 = arith.muli %select_n3A_106, %mul3A_1210 : i32
          %add3A_1212 = arith.addi %mul3A_1209, %mul3A_1211 : i32
          %broadcast_in_dim3A_1213 = arith.constant 44 : i32
          %broadcast_in_dim3A_1214 = vector.broadcast %broadcast_in_dim3A_1213 : i32 to vector<16xi32>
          %add3A_1215 = vector.broadcast %add3A_1212 : i32 to vector<16xi32>
          %add3A_1216 = arith.addi %add3A_1215, %broadcast_in_dim3A_1214 : vector<16xi32>
          %gather3A_1217 = tpu.vector_load_idx %arg14[%add3A_1216] : memref<4096xf32, #tpu.memory_space<vmem>>[vector<16xi32>], vector<16xf32>,
          %get3A_1218 = arith.index_cast %add3A_1207 : i32 to index
          %get3A_1219 = arith.constant 0 : index
          %get3A_1220 = tpu.vector_load %arg15[%get3A_1218, %get3A_1219] {strides = array<i32>} : memref<128x128xf32, #tpu.memory_space<vmem>>, vector<16xf32>,
          %mul3A_1221 = arith.mulf %get3A_1220, %gather3A_1217 : vector<16xf32>
          %swap3A_1222 = arith.index_cast %add3A_1207 : i32 to index
          %swap3A_1223 = arith.constant 0 : index
          %swap3A_1224 = tpu.vector_load %arg15[%swap3A_1222, %swap3A_1223] {strides = array<i32>} : memref<128x128xf32, #tpu.memory_space<vmem>>, vector<16xf32>,
          tpu.vector_store %arg15[%swap3A_1222, %swap3A_1223], %mul3A_1221 {strides = array<i32>} : memref<128x128xf32, #tpu.memory_space<vmem>>, vector<16xf32>,
          %get3A_1225 = arith.index_cast %add3A_1207 : i32 to index
          %get3A_1226 = arith.constant 16 : index
          %get3A_1227 = tpu.vector_load %arg15[%get3A_1225, %get3A_1226] {strides = array<i32>} : memref<128x128xf32, #tpu.memory_space<vmem>>, vector<16xf32>,
          %mul3A_1228 = arith.mulf %get3A_1227, %gather3A_1217 : vector<16xf32>
          %swap3A_1229 = arith.index_cast %add3A_1207 : i32 to index
          %swap3A_1230 = arith.constant 16 : index
          %swap3A_1231 = tpu.vector_load %arg15[%swap3A_1229, %swap3A_1230] {strides = array<i32>} : memref<128x128xf32, #tpu.memory_space<vmem>>, vector<16xf32>,
          tpu.vector_store %arg15[%swap3A_1229, %swap3A_1230], %mul3A_1228 {strides = array<i32>} : memref<128x128xf32, #tpu.memory_space<vmem>>, vector<16xf32>,
          %mul3A_1232 = arith.constant 512 : i32
          %mul3A_1233 = arith.muli %select_n3A, %mul3A_1232 : i32
          %mul3A_1234 = arith.constant 64 : i32
          %mul3A_1235 = arith.muli %select_n3A_106, %mul3A_1234 : i32
          %add3A_1236 = arith.addi %mul3A_1233, %mul3A_1235 : i32
          %broadcast_in_dim3A_1237 = arith.constant 45 : i32
          %broadcast_in_dim3A_1238 = vector.broadcast %broadcast_in_dim3A_1237 : i32 to vector<16xi32>
          %add3A_1239 = vector.broadcast %add3A_1236 : i32 to vector<16xi32>
          %add3A_1240 = arith.addi %add3A_1239, %broadcast_in_dim3A_1238 : vector<16xi32>
          %gather3A_1241 = tpu.vector_load_idx %arg14[%add3A_1240] : memref<4096xf32, #tpu.memory_space<vmem>>[vector<16xi32>], vector<16xf32>,
          %get3A_1242 = arith.index_cast %add3A_1207 : i32 to index
          %get3A_1243 = arith.constant 32 : index
          %get3A_1244 = tpu.vector_load %arg15[%get3A_1242, %get3A_1243] {strides = array<i32>} : memref<128x128xf32, #tpu.memory_space<vmem>>, vector<16xf32>,
          %mul3A_1245 = arith.mulf %get3A_1244, %gather3A_1241 : vector<16xf32>
          %swap3A_1246 = arith.index_cast %add3A_1207 : i32 to index
          %swap3A_1247 = arith.constant 32 : index
          %swap3A_1248 = tpu.vector_load %arg15[%swap3A_1246, %swap3A_1247] {strides = array<i32>} : memref<128x128xf32, #tpu.memory_space<vmem>>, vector<16xf32>,
          tpu.vector_store %arg15[%swap3A_1246, %swap3A_1247], %mul3A_1245 {strides = array<i32>} : memref<128x128xf32, #tpu.memory_space<vmem>>, vector<16xf32>,
          %get3A_1249 = arith.index_cast %add3A_1207 : i32 to index
          %get3A_1250 = arith.constant 48 : index
          %get3A_1251 = tpu.vector_load %arg15[%get3A_1249, %get3A_1250] {strides = array<i32>} : memref<128x128xf32, #tpu.memory_space<vmem>>, vector<16xf32>,
          %mul3A_1252 = arith.mulf %get3A_1251, %gather3A_1241 : vector<16xf32>
          %swap3A_1253 = arith.index_cast %add3A_1207 : i32 to index
          %swap3A_1254 = arith.constant 48 : index
          %swap3A_1255 = tpu.vector_load %arg15[%swap3A_1253, %swap3A_1254] {strides = array<i32>} : memref<128x128xf32, #tpu.memory_space<vmem>>, vector<16xf32>,
          tpu.vector_store %arg15[%swap3A_1253, %swap3A_1254], %mul3A_1252 {strides = array<i32>} : memref<128x128xf32, #tpu.memory_space<vmem>>, vector<16xf32>,
          %mul3A_1256 = arith.constant 512 : i32
          %mul3A_1257 = arith.muli %select_n3A, %mul3A_1256 : i32
          %mul3A_1258 = arith.constant 64 : i32
          %mul3A_1259 = arith.muli %select_n3A_106, %mul3A_1258 : i32
          %add3A_1260 = arith.addi %mul3A_1257, %mul3A_1259 : i32
          %broadcast_in_dim3A_1261 = arith.constant 46 : i32
          %broadcast_in_dim3A_1262 = vector.broadcast %broadcast_in_dim3A_1261 : i32 to vector<16xi32>
          %add3A_1263 = vector.broadcast %add3A_1260 : i32 to vector<16xi32>
          %add3A_1264 = arith.addi %add3A_1263, %broadcast_in_dim3A_1262 : vector<16xi32>
          %gather3A_1265 = tpu.vector_load_idx %arg14[%add3A_1264] : memref<4096xf32, #tpu.memory_space<vmem>>[vector<16xi32>], vector<16xf32>,
          %get3A_1266 = arith.index_cast %add3A_1207 : i32 to index
          %get3A_1267 = arith.constant 64 : index
          %get3A_1268 = tpu.vector_load %arg15[%get3A_1266, %get3A_1267] {strides = array<i32>} : memref<128x128xf32, #tpu.memory_space<vmem>>, vector<16xf32>,
          %mul3A_1269 = arith.mulf %get3A_1268, %gather3A_1265 : vector<16xf32>
          %swap3A_1270 = arith.index_cast %add3A_1207 : i32 to index
          %swap3A_1271 = arith.constant 64 : index
          %swap3A_1272 = tpu.vector_load %arg15[%swap3A_1270, %swap3A_1271] {strides = array<i32>} : memref<128x128xf32, #tpu.memory_space<vmem>>, vector<16xf32>,
          tpu.vector_store %arg15[%swap3A_1270, %swap3A_1271], %mul3A_1269 {strides = array<i32>} : memref<128x128xf32, #tpu.memory_space<vmem>>, vector<16xf32>,
          %get3A_1273 = arith.index_cast %add3A_1207 : i32 to index
          %get3A_1274 = arith.constant 80 : index
          %get3A_1275 = tpu.vector_load %arg15[%get3A_1273, %get3A_1274] {strides = array<i32>} : memref<128x128xf32, #tpu.memory_space<vmem>>, vector<16xf32>,
          %mul3A_1276 = arith.mulf %get3A_1275, %gather3A_1265 : vector<16xf32>
          %swap3A_1277 = arith.index_cast %add3A_1207 : i32 to index
          %swap3A_1278 = arith.constant 80 : index
          %swap3A_1279 = tpu.vector_load %arg15[%swap3A_1277, %swap3A_1278] {strides = array<i32>} : memref<128x128xf32, #tpu.memory_space<vmem>>, vector<16xf32>,
          tpu.vector_store %arg15[%swap3A_1277, %swap3A_1278], %mul3A_1276 {strides = array<i32>} : memref<128x128xf32, #tpu.memory_space<vmem>>, vector<16xf32>,
          %mul3A_1280 = arith.constant 512 : i32
          %mul3A_1281 = arith.muli %select_n3A, %mul3A_1280 : i32
          %mul3A_1282 = arith.constant 64 : i32
          %mul3A_1283 = arith.muli %select_n3A_106, %mul3A_1282 : i32
          %add3A_1284 = arith.addi %mul3A_1281, %mul3A_1283 : i32
          %broadcast_in_dim3A_1285 = arith.constant 47 : i32
          %broadcast_in_dim3A_1286 = vector.broadcast %broadcast_in_dim3A_1285 : i32 to vector<16xi32>
          %add3A_1287 = vector.broadcast %add3A_1284 : i32 to vector<16xi32>
          %add3A_1288 = arith.addi %add3A_1287, %broadcast_in_dim3A_1286 : vector<16xi32>
          %gather3A_1289 = tpu.vector_load_idx %arg14[%add3A_1288] : memref<4096xf32, #tpu.memory_space<vmem>>[vector<16xi32>], vector<16xf32>,
          %get3A_1290 = arith.index_cast %add3A_1207 : i32 to index
          %get3A_1291 = arith.constant 96 : index
          %get3A_1292 = tpu.vector_load %arg15[%get3A_1290, %get3A_1291] {strides = array<i32>} : memref<128x128xf32, #tpu.memory_space<vmem>>, vector<16xf32>,
          %mul3A_1293 = arith.mulf %get3A_1292, %gather3A_1289 : vector<16xf32>
          %swap3A_1294 = arith.index_cast %add3A_1207 : i32 to index
          %swap3A_1295 = arith.constant 96 : index
          %swap3A_1296 = tpu.vector_load %arg15[%swap3A_1294, %swap3A_1295] {strides = array<i32>} : memref<128x128xf32, #tpu.memory_space<vmem>>, vector<16xf32>,
          tpu.vector_store %arg15[%swap3A_1294, %swap3A_1295], %mul3A_1293 {strides = array<i32>} : memref<128x128xf32, #tpu.memory_space<vmem>>, vector<16xf32>,
          %get3A_1297 = arith.index_cast %add3A_1207 : i32 to index
          %get3A_1298 = arith.constant 112 : index
          %get3A_1299 = tpu.vector_load %arg15[%get3A_1297, %get3A_1298] {strides = array<i32>} : memref<128x128xf32, #tpu.memory_space<vmem>>, vector<16xf32>,
          %mul3A_1300 = arith.mulf %get3A_1299, %gather3A_1289 : vector<16xf32>
          %swap3A_1301 = arith.index_cast %add3A_1207 : i32 to index
          %swap3A_1302 = arith.constant 112 : index
          %swap3A_1303 = tpu.vector_load %arg15[%swap3A_1301, %swap3A_1302] {strides = array<i32>} : memref<128x128xf32, #tpu.memory_space<vmem>>, vector<16xf32>,
          tpu.vector_store %arg15[%swap3A_1301, %swap3A_1302], %mul3A_1300 {strides = array<i32>} : memref<128x128xf32, #tpu.memory_space<vmem>>, vector<16xf32>,
          %mul3A_1304 = arith.constant 16 : i32
          %mul3A_1305 = arith.muli %select_n3A_106, %mul3A_1304 : i32
          %add3A_1306 = arith.constant 12 : i32
          %add3A_1307 = arith.addi %mul3A_1305, %add3A_1306 : i32
          %mul3A_1308 = arith.constant 512 : i32
          %mul3A_1309 = arith.muli %select_n3A, %mul3A_1308 : i32
          %mul3A_1310 = arith.constant 64 : i32
          %mul3A_1311 = arith.muli %select_n3A_106, %mul3A_1310 : i32
          %add3A_1312 = arith.addi %mul3A_1309, %mul3A_1311 : i32
          %broadcast_in_dim3A_1313 = arith.constant 48 : i32
          %broadcast_in_dim3A_1314 = vector.broadcast %broadcast_in_dim3A_1313 : i32 to vector<16xi32>
          %add3A_1315 = vector.broadcast %add3A_1312 : i32 to vector<16xi32>
          %add3A_1316 = arith.addi %add3A_1315, %broadcast_in_dim3A_1314 : vector<16xi32>
          %gather3A_1317 = tpu.vector_load_idx %arg14[%add3A_1316] : memref<4096xf32, #tpu.memory_space<vmem>>[vector<16xi32>], vector<16xf32>,
          %get3A_1318 = arith.index_cast %add3A_1307 : i32 to index
          %get3A_1319 = arith.constant 0 : index
          %get3A_1320 = tpu.vector_load %arg15[%get3A_1318, %get3A_1319] {strides = array<i32>} : memref<128x128xf32, #tpu.memory_space<vmem>>, vector<16xf32>,
          %mul3A_1321 = arith.mulf %get3A_1320, %gather3A_1317 : vector<16xf32>
          %swap3A_1322 = arith.index_cast %add3A_1307 : i32 to index
          %swap3A_1323 = arith.constant 0 : index
          %swap3A_1324 = tpu.vector_load %arg15[%swap3A_1322, %swap3A_1323] {strides = array<i32>} : memref<128x128xf32, #tpu.memory_space<vmem>>, vector<16xf32>,
          tpu.vector_store %arg15[%swap3A_1322, %swap3A_1323], %mul3A_1321 {strides = array<i32>} : memref<128x128xf32, #tpu.memory_space<vmem>>, vector<16xf32>,
          %get3A_1325 = arith.index_cast %add3A_1307 : i32 to index
          %get3A_1326 = arith.constant 16 : index
          %get3A_1327 = tpu.vector_load %arg15[%get3A_1325, %get3A_1326] {strides = array<i32>} : memref<128x128xf32, #tpu.memory_space<vmem>>, vector<16xf32>,
          %mul3A_1328 = arith.mulf %get3A_1327, %gather3A_1317 : vector<16xf32>
          %swap3A_1329 = arith.index_cast %add3A_1307 : i32 to index
          %swap3A_1330 = arith.constant 16 : index
          %swap3A_1331 = tpu.vector_load %arg15[%swap3A_1329, %swap3A_1330] {strides = array<i32>} : memref<128x128xf32, #tpu.memory_space<vmem>>, vector<16xf32>,
          tpu.vector_store %arg15[%swap3A_1329, %swap3A_1330], %mul3A_1328 {strides = array<i32>} : memref<128x128xf32, #tpu.memory_space<vmem>>, vector<16xf32>,
          %mul3A_1332 = arith.constant 512 : i32
          %mul3A_1333 = arith.muli %select_n3A, %mul3A_1332 : i32
          %mul3A_1334 = arith.constant 64 : i32
          %mul3A_1335 = arith.muli %select_n3A_106, %mul3A_1334 : i32
          %add3A_1336 = arith.addi %mul3A_1333, %mul3A_1335 : i32
          %broadcast_in_dim3A_1337 = arith.constant 49 : i32
          %broadcast_in_dim3A_1338 = vector.broadcast %broadcast_in_dim3A_1337 : i32 to vector<16xi32>
          %add3A_1339 = vector.broadcast %add3A_1336 : i32 to vector<16xi32>
          %add3A_1340 = arith.addi %add3A_1339, %broadcast_in_dim3A_1338 : vector<16xi32>
          %gather3A_1341 = tpu.vector_load_idx %arg14[%add3A_1340] : memref<4096xf32, #tpu.memory_space<vmem>>[vector<16xi32>], vector<16xf32>,
          %get3A_1342 = arith.index_cast %add3A_1307 : i32 to index
          %get3A_1343 = arith.constant 32 : index
          %get3A_1344 = tpu.vector_load %arg15[%get3A_1342, %get3A_1343] {strides = array<i32>} : memref<128x128xf32, #tpu.memory_space<vmem>>, vector<16xf32>,
          %mul3A_1345 = arith.mulf %get3A_1344, %gather3A_1341 : vector<16xf32>
          %swap3A_1346 = arith.index_cast %add3A_1307 : i32 to index
          %swap3A_1347 = arith.constant 32 : index
          %swap3A_1348 = tpu.vector_load %arg15[%swap3A_1346, %swap3A_1347] {strides = array<i32>} : memref<128x128xf32, #tpu.memory_space<vmem>>, vector<16xf32>,
          tpu.vector_store %arg15[%swap3A_1346, %swap3A_1347], %mul3A_1345 {strides = array<i32>} : memref<128x128xf32, #tpu.memory_space<vmem>>, vector<16xf32>,
          %get3A_1349 = arith.index_cast %add3A_1307 : i32 to index
          %get3A_1350 = arith.constant 48 : index
          %get3A_1351 = tpu.vector_load %arg15[%get3A_1349, %get3A_1350] {strides = array<i32>} : memref<128x128xf32, #tpu.memory_space<vmem>>, vector<16xf32>,
          %mul3A_1352 = arith.mulf %get3A_1351, %gather3A_1341 : vector<16xf32>
          %swap3A_1353 = arith.index_cast %add3A_1307 : i32 to index
          %swap3A_1354 = arith.constant 48 : index
          %swap3A_1355 = tpu.vector_load %arg15[%swap3A_1353, %swap3A_1354] {strides = array<i32>} : memref<128x128xf32, #tpu.memory_space<vmem>>, vector<16xf32>,
          tpu.vector_store %arg15[%swap3A_1353, %swap3A_1354], %mul3A_1352 {strides = array<i32>} : memref<128x128xf32, #tpu.memory_space<vmem>>, vector<16xf32>,
          %mul3A_1356 = arith.constant 512 : i32
          %mul3A_1357 = arith.muli %select_n3A, %mul3A_1356 : i32
          %mul3A_1358 = arith.constant 64 : i32
          %mul3A_1359 = arith.muli %select_n3A_106, %mul3A_1358 : i32
          %add3A_1360 = arith.addi %mul3A_1357, %mul3A_1359 : i32
          %broadcast_in_dim3A_1361 = arith.constant 50 : i32
          %broadcast_in_dim3A_1362 = vector.broadcast %broadcast_in_dim3A_1361 : i32 to vector<16xi32>
          %add3A_1363 = vector.broadcast %add3A_1360 : i32 to vector<16xi32>
          %add3A_1364 = arith.addi %add3A_1363, %broadcast_in_dim3A_1362 : vector<16xi32>
          %gather3A_1365 = tpu.vector_load_idx %arg14[%add3A_1364] : memref<4096xf32, #tpu.memory_space<vmem>>[vector<16xi32>], vector<16xf32>,
          %get3A_1366 = arith.index_cast %add3A_1307 : i32 to index
          %get3A_1367 = arith.constant 64 : index
          %get3A_1368 = tpu.vector_load %arg15[%get3A_1366, %get3A_1367] {strides = array<i32>} : memref<128x128xf32, #tpu.memory_space<vmem>>, vector<16xf32>,
          %mul3A_1369 = arith.mulf %get3A_1368, %gather3A_1365 : vector<16xf32>
          %swap3A_1370 = arith.index_cast %add3A_1307 : i32 to index
          %swap3A_1371 = arith.constant 64 : index
          %swap3A_1372 = tpu.vector_load %arg15[%swap3A_1370, %swap3A_1371] {strides = array<i32>} : memref<128x128xf32, #tpu.memory_space<vmem>>, vector<16xf32>,
          tpu.vector_store %arg15[%swap3A_1370, %swap3A_1371], %mul3A_1369 {strides = array<i32>} : memref<128x128xf32, #tpu.memory_space<vmem>>, vector<16xf32>,
          %get3A_1373 = arith.index_cast %add3A_1307 : i32 to index
          %get3A_1374 = arith.constant 80 : index
          %get3A_1375 = tpu.vector_load %arg15[%get3A_1373, %get3A_1374] {strides = array<i32>} : memref<128x128xf32, #tpu.memory_space<vmem>>, vector<16xf32>,
          %mul3A_1376 = arith.mulf %get3A_1375, %gather3A_1365 : vector<16xf32>
          %swap3A_1377 = arith.index_cast %add3A_1307 : i32 to index
          %swap3A_1378 = arith.constant 80 : index
          %swap3A_1379 = tpu.vector_load %arg15[%swap3A_1377, %swap3A_1378] {strides = array<i32>} : memref<128x128xf32, #tpu.memory_space<vmem>>, vector<16xf32>,
          tpu.vector_store %arg15[%swap3A_1377, %swap3A_1378], %mul3A_1376 {strides = array<i32>} : memref<128x128xf32, #tpu.memory_space<vmem>>, vector<16xf32>,
          %mul3A_1380 = arith.constant 512 : i32
          %mul3A_1381 = arith.muli %select_n3A, %mul3A_1380 : i32
          %mul3A_1382 = arith.constant 64 : i32
          %mul3A_1383 = arith.muli %select_n3A_106, %mul3A_1382 : i32
          %add3A_1384 = arith.addi %mul3A_1381, %mul3A_1383 : i32
          %broadcast_in_dim3A_1385 = arith.constant 51 : i32
          %broadcast_in_dim3A_1386 = vector.broadcast %broadcast_in_dim3A_1385 : i32 to vector<16xi32>
          %add3A_1387 = vector.broadcast %add3A_1384 : i32 to vector<16xi32>
          %add3A_1388 = arith.addi %add3A_1387, %broadcast_in_dim3A_1386 : vector<16xi32>
          %gather3A_1389 = tpu.vector_load_idx %arg14[%add3A_1388] : memref<4096xf32, #tpu.memory_space<vmem>>[vector<16xi32>], vector<16xf32>,
          %get3A_1390 = arith.index_cast %add3A_1307 : i32 to index
          %get3A_1391 = arith.constant 96 : index
          %get3A_1392 = tpu.vector_load %arg15[%get3A_1390, %get3A_1391] {strides = array<i32>} : memref<128x128xf32, #tpu.memory_space<vmem>>, vector<16xf32>,
          %mul3A_1393 = arith.mulf %get3A_1392, %gather3A_1389 : vector<16xf32>
          %swap3A_1394 = arith.index_cast %add3A_1307 : i32 to index
          %swap3A_1395 = arith.constant 96 : index
          %swap3A_1396 = tpu.vector_load %arg15[%swap3A_1394, %swap3A_1395] {strides = array<i32>} : memref<128x128xf32, #tpu.memory_space<vmem>>, vector<16xf32>,
          tpu.vector_store %arg15[%swap3A_1394, %swap3A_1395], %mul3A_1393 {strides = array<i32>} : memref<128x128xf32, #tpu.memory_space<vmem>>, vector<16xf32>,
          %get3A_1397 = arith.index_cast %add3A_1307 : i32 to index
          %get3A_1398 = arith.constant 112 : index
          %get3A_1399 = tpu.vector_load %arg15[%get3A_1397, %get3A_1398] {strides = array<i32>} : memref<128x128xf32, #tpu.memory_space<vmem>>, vector<16xf32>,
          %mul3A_1400 = arith.mulf %get3A_1399, %gather3A_1389 : vector<16xf32>
          %swap3A_1401 = arith.index_cast %add3A_1307 : i32 to index
          %swap3A_1402 = arith.constant 112 : index
          %swap3A_1403 = tpu.vector_load %arg15[%swap3A_1401, %swap3A_1402] {strides = array<i32>} : memref<128x128xf32, #tpu.memory_space<vmem>>, vector<16xf32>,
          tpu.vector_store %arg15[%swap3A_1401, %swap3A_1402], %mul3A_1400 {strides = array<i32>} : memref<128x128xf32, #tpu.memory_space<vmem>>, vector<16xf32>,
          %mul3A_1404 = arith.constant 16 : i32
          %mul3A_1405 = arith.muli %select_n3A_106, %mul3A_1404 : i32
          %add3A_1406 = arith.constant 13 : i32
          %add3A_1407 = arith.addi %mul3A_1405, %add3A_1406 : i32
          %mul3A_1408 = arith.constant 512 : i32
          %mul3A_1409 = arith.muli %select_n3A, %mul3A_1408 : i32
          %mul3A_1410 = arith.constant 64 : i32
          %mul3A_1411 = arith.muli %select_n3A_106, %mul3A_1410 : i32
          %add3A_1412 = arith.addi %mul3A_1409, %mul3A_1411 : i32
          %broadcast_in_dim3A_1413 = arith.constant 52 : i32
          %broadcast_in_dim3A_1414 = vector.broadcast %broadcast_in_dim3A_1413 : i32 to vector<16xi32>
          %add3A_1415 = vector.broadcast %add3A_1412 : i32 to vector<16xi32>
          %add3A_1416 = arith.addi %add3A_1415, %broadcast_in_dim3A_1414 : vector<16xi32>
          %gather3A_1417 = tpu.vector_load_idx %arg14[%add3A_1416] : memref<4096xf32, #tpu.memory_space<vmem>>[vector<16xi32>], vector<16xf32>,
          %get3A_1418 = arith.index_cast %add3A_1407 : i32 to index
          %get3A_1419 = arith.constant 0 : index
          %get3A_1420 = tpu.vector_load %arg15[%get3A_1418, %get3A_1419] {strides = array<i32>} : memref<128x128xf32, #tpu.memory_space<vmem>>, vector<16xf32>,
          %mul3A_1421 = arith.mulf %get3A_1420, %gather3A_1417 : vector<16xf32>
          %swap3A_1422 = arith.index_cast %add3A_1407 : i32 to index
          %swap3A_1423 = arith.constant 0 : index
          %swap3A_1424 = tpu.vector_load %arg15[%swap3A_1422, %swap3A_1423] {strides = array<i32>} : memref<128x128xf32, #tpu.memory_space<vmem>>, vector<16xf32>,
          tpu.vector_store %arg15[%swap3A_1422, %swap3A_1423], %mul3A_1421 {strides = array<i32>} : memref<128x128xf32, #tpu.memory_space<vmem>>, vector<16xf32>,
          %get3A_1425 = arith.index_cast %add3A_1407 : i32 to index
          %get3A_1426 = arith.constant 16 : index
          %get3A_1427 = tpu.vector_load %arg15[%get3A_1425, %get3A_1426] {strides = array<i32>} : memref<128x128xf32, #tpu.memory_space<vmem>>, vector<16xf32>,
          %mul3A_1428 = arith.mulf %get3A_1427, %gather3A_1417 : vector<16xf32>
          %swap3A_1429 = arith.index_cast %add3A_1407 : i32 to index
          %swap3A_1430 = arith.constant 16 : index
          %swap3A_1431 = tpu.vector_load %arg15[%swap3A_1429, %swap3A_1430] {strides = array<i32>} : memref<128x128xf32, #tpu.memory_space<vmem>>, vector<16xf32>,
          tpu.vector_store %arg15[%swap3A_1429, %swap3A_1430], %mul3A_1428 {strides = array<i32>} : memref<128x128xf32, #tpu.memory_space<vmem>>, vector<16xf32>,
          %mul3A_1432 = arith.constant 512 : i32
          %mul3A_1433 = arith.muli %select_n3A, %mul3A_1432 : i32
          %mul3A_1434 = arith.constant 64 : i32
          %mul3A_1435 = arith.muli %select_n3A_106, %mul3A_1434 : i32
          %add3A_1436 = arith.addi %mul3A_1433, %mul3A_1435 : i32
          %broadcast_in_dim3A_1437 = arith.constant 53 : i32
          %broadcast_in_dim3A_1438 = vector.broadcast %broadcast_in_dim3A_1437 : i32 to vector<16xi32>
          %add3A_1439 = vector.broadcast %add3A_1436 : i32 to vector<16xi32>
          %add3A_1440 = arith.addi %add3A_1439, %broadcast_in_dim3A_1438 : vector<16xi32>
          %gather3A_1441 = tpu.vector_load_idx %arg14[%add3A_1440] : memref<4096xf32, #tpu.memory_space<vmem>>[vector<16xi32>], vector<16xf32>,
          %get3A_1442 = arith.index_cast %add3A_1407 : i32 to index
          %get3A_1443 = arith.constant 32 : index
          %get3A_1444 = tpu.vector_load %arg15[%get3A_1442, %get3A_1443] {strides = array<i32>} : memref<128x128xf32, #tpu.memory_space<vmem>>, vector<16xf32>,
          %mul3A_1445 = arith.mulf %get3A_1444, %gather3A_1441 : vector<16xf32>
          %swap3A_1446 = arith.index_cast %add3A_1407 : i32 to index
          %swap3A_1447 = arith.constant 32 : index
          %swap3A_1448 = tpu.vector_load %arg15[%swap3A_1446, %swap3A_1447] {strides = array<i32>} : memref<128x128xf32, #tpu.memory_space<vmem>>, vector<16xf32>,
          tpu.vector_store %arg15[%swap3A_1446, %swap3A_1447], %mul3A_1445 {strides = array<i32>} : memref<128x128xf32, #tpu.memory_space<vmem>>, vector<16xf32>,
          %get3A_1449 = arith.index_cast %add3A_1407 : i32 to index
          %get3A_1450 = arith.constant 48 : index
          %get3A_1451 = tpu.vector_load %arg15[%get3A_1449, %get3A_1450] {strides = array<i32>} : memref<128x128xf32, #tpu.memory_space<vmem>>, vector<16xf32>,
          %mul3A_1452 = arith.mulf %get3A_1451, %gather3A_1441 : vector<16xf32>
          %swap3A_1453 = arith.index_cast %add3A_1407 : i32 to index
          %swap3A_1454 = arith.constant 48 : index
          %swap3A_1455 = tpu.vector_load %arg15[%swap3A_1453, %swap3A_1454] {strides = array<i32>} : memref<128x128xf32, #tpu.memory_space<vmem>>, vector<16xf32>,
          tpu.vector_store %arg15[%swap3A_1453, %swap3A_1454], %mul3A_1452 {strides = array<i32>} : memref<128x128xf32, #tpu.memory_space<vmem>>, vector<16xf32>,
          %mul3A_1456 = arith.constant 512 : i32
          %mul3A_1457 = arith.muli %select_n3A, %mul3A_1456 : i32
          %mul3A_1458 = arith.constant 64 : i32
          %mul3A_1459 = arith.muli %select_n3A_106, %mul3A_1458 : i32
          %add3A_1460 = arith.addi %mul3A_1457, %mul3A_1459 : i32
          %broadcast_in_dim3A_1461 = arith.constant 54 : i32
          %broadcast_in_dim3A_1462 = vector.broadcast %broadcast_in_dim3A_1461 : i32 to vector<16xi32>
          %add3A_1463 = vector.broadcast %add3A_1460 : i32 to vector<16xi32>
          %add3A_1464 = arith.addi %add3A_1463, %broadcast_in_dim3A_1462 : vector<16xi32>
          %gather3A_1465 = tpu.vector_load_idx %arg14[%add3A_1464] : memref<4096xf32, #tpu.memory_space<vmem>>[vector<16xi32>], vector<16xf32>,
          %get3A_1466 = arith.index_cast %add3A_1407 : i32 to index
          %get3A_1467 = arith.constant 64 : index
          %get3A_1468 = tpu.vector_load %arg15[%get3A_1466, %get3A_1467] {strides = array<i32>} : memref<128x128xf32, #tpu.memory_space<vmem>>, vector<16xf32>,
          %mul3A_1469 = arith.mulf %get3A_1468, %gather3A_1465 : vector<16xf32>
          %swap3A_1470 = arith.index_cast %add3A_1407 : i32 to index
          %swap3A_1471 = arith.constant 64 : index
          %swap3A_1472 = tpu.vector_load %arg15[%swap3A_1470, %swap3A_1471] {strides = array<i32>} : memref<128x128xf32, #tpu.memory_space<vmem>>, vector<16xf32>,
          tpu.vector_store %arg15[%swap3A_1470, %swap3A_1471], %mul3A_1469 {strides = array<i32>} : memref<128x128xf32, #tpu.memory_space<vmem>>, vector<16xf32>,
          %get3A_1473 = arith.index_cast %add3A_1407 : i32 to index
          %get3A_1474 = arith.constant 80 : index
          %get3A_1475 = tpu.vector_load %arg15[%get3A_1473, %get3A_1474] {strides = array<i32>} : memref<128x128xf32, #tpu.memory_space<vmem>>, vector<16xf32>,
          %mul3A_1476 = arith.mulf %get3A_1475, %gather3A_1465 : vector<16xf32>
          %swap3A_1477 = arith.index_cast %add3A_1407 : i32 to index
          %swap3A_1478 = arith.constant 80 : index
          %swap3A_1479 = tpu.vector_load %arg15[%swap3A_1477, %swap3A_1478] {strides = array<i32>} : memref<128x128xf32, #tpu.memory_space<vmem>>, vector<16xf32>,
          tpu.vector_store %arg15[%swap3A_1477, %swap3A_1478], %mul3A_1476 {strides = array<i32>} : memref<128x128xf32, #tpu.memory_space<vmem>>, vector<16xf32>,
          %mul3A_1480 = arith.constant 512 : i32
          %mul3A_1481 = arith.muli %select_n3A, %mul3A_1480 : i32
          %mul3A_1482 = arith.constant 64 : i32
          %mul3A_1483 = arith.muli %select_n3A_106, %mul3A_1482 : i32
          %add3A_1484 = arith.addi %mul3A_1481, %mul3A_1483 : i32
          %broadcast_in_dim3A_1485 = arith.constant 55 : i32
          %broadcast_in_dim3A_1486 = vector.broadcast %broadcast_in_dim3A_1485 : i32 to vector<16xi32>
          %add3A_1487 = vector.broadcast %add3A_1484 : i32 to vector<16xi32>
          %add3A_1488 = arith.addi %add3A_1487, %broadcast_in_dim3A_1486 : vector<16xi32>
          %gather3A_1489 = tpu.vector_load_idx %arg14[%add3A_1488] : memref<4096xf32, #tpu.memory_space<vmem>>[vector<16xi32>], vector<16xf32>,
          %get3A_1490 = arith.index_cast %add3A_1407 : i32 to index
          %get3A_1491 = arith.constant 96 : index
          %get3A_1492 = tpu.vector_load %arg15[%get3A_1490, %get3A_1491] {strides = array<i32>} : memref<128x128xf32, #tpu.memory_space<vmem>>, vector<16xf32>,
          %mul3A_1493 = arith.mulf %get3A_1492, %gather3A_1489 : vector<16xf32>
          %swap3A_1494 = arith.index_cast %add3A_1407 : i32 to index
          %swap3A_1495 = arith.constant 96 : index
          %swap3A_1496 = tpu.vector_load %arg15[%swap3A_1494, %swap3A_1495] {strides = array<i32>} : memref<128x128xf32, #tpu.memory_space<vmem>>, vector<16xf32>,
          tpu.vector_store %arg15[%swap3A_1494, %swap3A_1495], %mul3A_1493 {strides = array<i32>} : memref<128x128xf32, #tpu.memory_space<vmem>>, vector<16xf32>,
          %get3A_1497 = arith.index_cast %add3A_1407 : i32 to index
          %get3A_1498 = arith.constant 112 : index
          %get3A_1499 = tpu.vector_load %arg15[%get3A_1497, %get3A_1498] {strides = array<i32>} : memref<128x128xf32, #tpu.memory_space<vmem>>, vector<16xf32>,
          %mul3A_1500 = arith.mulf %get3A_1499, %gather3A_1489 : vector<16xf32>
          %swap3A_1501 = arith.index_cast %add3A_1407 : i32 to index
          %swap3A_1502 = arith.constant 112 : index
          %swap3A_1503 = tpu.vector_load %arg15[%swap3A_1501, %swap3A_1502] {strides = array<i32>} : memref<128x128xf32, #tpu.memory_space<vmem>>, vector<16xf32>,
          tpu.vector_store %arg15[%swap3A_1501, %swap3A_1502], %mul3A_1500 {strides = array<i32>} : memref<128x128xf32, #tpu.memory_space<vmem>>, vector<16xf32>,
          %mul3A_1504 = arith.constant 16 : i32
          %mul3A_1505 = arith.muli %select_n3A_106, %mul3A_1504 : i32
          %add3A_1506 = arith.constant 14 : i32
          %add3A_1507 = arith.addi %mul3A_1505, %add3A_1506 : i32
          %mul3A_1508 = arith.constant 512 : i32
          %mul3A_1509 = arith.muli %select_n3A, %mul3A_1508 : i32
          %mul3A_1510 = arith.constant 64 : i32
          %mul3A_1511 = arith.muli %select_n3A_106, %mul3A_1510 : i32
          %add3A_1512 = arith.addi %mul3A_1509, %mul3A_1511 : i32
          %broadcast_in_dim3A_1513 = arith.constant 56 : i32
          %broadcast_in_dim3A_1514 = vector.broadcast %broadcast_in_dim3A_1513 : i32 to vector<16xi32>
          %add3A_1515 = vector.broadcast %add3A_1512 : i32 to vector<16xi32>
          %add3A_1516 = arith.addi %add3A_1515, %broadcast_in_dim3A_1514 : vector<16xi32>
          %gather3A_1517 = tpu.vector_load_idx %arg14[%add3A_1516] : memref<4096xf32, #tpu.memory_space<vmem>>[vector<16xi32>], vector<16xf32>,
          %get3A_1518 = arith.index_cast %add3A_1507 : i32 to index
          %get3A_1519 = arith.constant 0 : index
          %get3A_1520 = tpu.vector_load %arg15[%get3A_1518, %get3A_1519] {strides = array<i32>} : memref<128x128xf32, #tpu.memory_space<vmem>>, vector<16xf32>,
          %mul3A_1521 = arith.mulf %get3A_1520, %gather3A_1517 : vector<16xf32>
          %swap3A_1522 = arith.index_cast %add3A_1507 : i32 to index
          %swap3A_1523 = arith.constant 0 : index
          %swap3A_1524 = tpu.vector_load %arg15[%swap3A_1522, %swap3A_1523] {strides = array<i32>} : memref<128x128xf32, #tpu.memory_space<vmem>>, vector<16xf32>,
          tpu.vector_store %arg15[%swap3A_1522, %swap3A_1523], %mul3A_1521 {strides = array<i32>} : memref<128x128xf32, #tpu.memory_space<vmem>>, vector<16xf32>,
          %get3A_1525 = arith.index_cast %add3A_1507 : i32 to index
          %get3A_1526 = arith.constant 16 : index
          %get3A_1527 = tpu.vector_load %arg15[%get3A_1525, %get3A_1526] {strides = array<i32>} : memref<128x128xf32, #tpu.memory_space<vmem>>, vector<16xf32>,
          %mul3A_1528 = arith.mulf %get3A_1527, %gather3A_1517 : vector<16xf32>
          %swap3A_1529 = arith.index_cast %add3A_1507 : i32 to index
          %swap3A_1530 = arith.constant 16 : index
          %swap3A_1531 = tpu.vector_load %arg15[%swap3A_1529, %swap3A_1530] {strides = array<i32>} : memref<128x128xf32, #tpu.memory_space<vmem>>, vector<16xf32>,
          tpu.vector_store %arg15[%swap3A_1529, %swap3A_1530], %mul3A_1528 {strides = array<i32>} : memref<128x128xf32, #tpu.memory_space<vmem>>, vector<16xf32>,
          %mul3A_1532 = arith.constant 512 : i32
          %mul3A_1533 = arith.muli %select_n3A, %mul3A_1532 : i32
          %mul3A_1534 = arith.constant 64 : i32
          %mul3A_1535 = arith.muli %select_n3A_106, %mul3A_1534 : i32
          %add3A_1536 = arith.addi %mul3A_1533, %mul3A_1535 : i32
          %broadcast_in_dim3A_1537 = arith.constant 57 : i32
          %broadcast_in_dim3A_1538 = vector.broadcast %broadcast_in_dim3A_1537 : i32 to vector<16xi32>
          %add3A_1539 = vector.broadcast %add3A_1536 : i32 to vector<16xi32>
          %add3A_1540 = arith.addi %add3A_1539, %broadcast_in_dim3A_1538 : vector<16xi32>
          %gather3A_1541 = tpu.vector_load_idx %arg14[%add3A_1540] : memref<4096xf32, #tpu.memory_space<vmem>>[vector<16xi32>], vector<16xf32>,
          %get3A_1542 = arith.index_cast %add3A_1507 : i32 to index
          %get3A_1543 = arith.constant 32 : index
          %get3A_1544 = tpu.vector_load %arg15[%get3A_1542, %get3A_1543] {strides = array<i32>} : memref<128x128xf32, #tpu.memory_space<vmem>>, vector<16xf32>,
          %mul3A_1545 = arith.mulf %get3A_1544, %gather3A_1541 : vector<16xf32>
          %swap3A_1546 = arith.index_cast %add3A_1507 : i32 to index
          %swap3A_1547 = arith.constant 32 : index
          %swap3A_1548 = tpu.vector_load %arg15[%swap3A_1546, %swap3A_1547] {strides = array<i32>} : memref<128x128xf32, #tpu.memory_space<vmem>>, vector<16xf32>,
          tpu.vector_store %arg15[%swap3A_1546, %swap3A_1547], %mul3A_1545 {strides = array<i32>} : memref<128x128xf32, #tpu.memory_space<vmem>>, vector<16xf32>,
          %get3A_1549 = arith.index_cast %add3A_1507 : i32 to index
          %get3A_1550 = arith.constant 48 : index
          %get3A_1551 = tpu.vector_load %arg15[%get3A_1549, %get3A_1550] {strides = array<i32>} : memref<128x128xf32, #tpu.memory_space<vmem>>, vector<16xf32>,
          %mul3A_1552 = arith.mulf %get3A_1551, %gather3A_1541 : vector<16xf32>
          %swap3A_1553 = arith.index_cast %add3A_1507 : i32 to index
          %swap3A_1554 = arith.constant 48 : index
          %swap3A_1555 = tpu.vector_load %arg15[%swap3A_1553, %swap3A_1554] {strides = array<i32>} : memref<128x128xf32, #tpu.memory_space<vmem>>, vector<16xf32>,
          tpu.vector_store %arg15[%swap3A_1553, %swap3A_1554], %mul3A_1552 {strides = array<i32>} : memref<128x128xf32, #tpu.memory_space<vmem>>, vector<16xf32>,
          %mul3A_1556 = arith.constant 512 : i32
          %mul3A_1557 = arith.muli %select_n3A, %mul3A_1556 : i32
          %mul3A_1558 = arith.constant 64 : i32
          %mul3A_1559 = arith.muli %select_n3A_106, %mul3A_1558 : i32
          %add3A_1560 = arith.addi %mul3A_1557, %mul3A_1559 : i32
          %broadcast_in_dim3A_1561 = arith.constant 58 : i32
          %broadcast_in_dim3A_1562 = vector.broadcast %broadcast_in_dim3A_1561 : i32 to vector<16xi32>
          %add3A_1563 = vector.broadcast %add3A_1560 : i32 to vector<16xi32>
          %add3A_1564 = arith.addi %add3A_1563, %broadcast_in_dim3A_1562 : vector<16xi32>
          %gather3A_1565 = tpu.vector_load_idx %arg14[%add3A_1564] : memref<4096xf32, #tpu.memory_space<vmem>>[vector<16xi32>], vector<16xf32>,
          %get3A_1566 = arith.index_cast %add3A_1507 : i32 to index
          %get3A_1567 = arith.constant 64 : index
          %get3A_1568 = tpu.vector_load %arg15[%get3A_1566, %get3A_1567] {strides = array<i32>} : memref<128x128xf32, #tpu.memory_space<vmem>>, vector<16xf32>,
          %mul3A_1569 = arith.mulf %get3A_1568, %gather3A_1565 : vector<16xf32>
          %swap3A_1570 = arith.index_cast %add3A_1507 : i32 to index
          %swap3A_1571 = arith.constant 64 : index
          %swap3A_1572 = tpu.vector_load %arg15[%swap3A_1570, %swap3A_1571] {strides = array<i32>} : memref<128x128xf32, #tpu.memory_space<vmem>>, vector<16xf32>,
          tpu.vector_store %arg15[%swap3A_1570, %swap3A_1571], %mul3A_1569 {strides = array<i32>} : memref<128x128xf32, #tpu.memory_space<vmem>>, vector<16xf32>,
          %get3A_1573 = arith.index_cast %add3A_1507 : i32 to index
          %get3A_1574 = arith.constant 80 : index
          %get3A_1575 = tpu.vector_load %arg15[%get3A_1573, %get3A_1574] {strides = array<i32>} : memref<128x128xf32, #tpu.memory_space<vmem>>, vector<16xf32>,
          %mul3A_1576 = arith.mulf %get3A_1575, %gather3A_1565 : vector<16xf32>
          %swap3A_1577 = arith.index_cast %add3A_1507 : i32 to index
          %swap3A_1578 = arith.constant 80 : index
          %swap3A_1579 = tpu.vector_load %arg15[%swap3A_1577, %swap3A_1578] {strides = array<i32>} : memref<128x128xf32, #tpu.memory_space<vmem>>, vector<16xf32>,
          tpu.vector_store %arg15[%swap3A_1577, %swap3A_1578], %mul3A_1576 {strides = array<i32>} : memref<128x128xf32, #tpu.memory_space<vmem>>, vector<16xf32>,
          %mul3A_1580 = arith.constant 512 : i32
          %mul3A_1581 = arith.muli %select_n3A, %mul3A_1580 : i32
          %mul3A_1582 = arith.constant 64 : i32
          %mul3A_1583 = arith.muli %select_n3A_106, %mul3A_1582 : i32
          %add3A_1584 = arith.addi %mul3A_1581, %mul3A_1583 : i32
          %broadcast_in_dim3A_1585 = arith.constant 59 : i32
          %broadcast_in_dim3A_1586 = vector.broadcast %broadcast_in_dim3A_1585 : i32 to vector<16xi32>
          %add3A_1587 = vector.broadcast %add3A_1584 : i32 to vector<16xi32>
          %add3A_1588 = arith.addi %add3A_1587, %broadcast_in_dim3A_1586 : vector<16xi32>
          %gather3A_1589 = tpu.vector_load_idx %arg14[%add3A_1588] : memref<4096xf32, #tpu.memory_space<vmem>>[vector<16xi32>], vector<16xf32>,
          %get3A_1590 = arith.index_cast %add3A_1507 : i32 to index
          %get3A_1591 = arith.constant 96 : index
          %get3A_1592 = tpu.vector_load %arg15[%get3A_1590, %get3A_1591] {strides = array<i32>} : memref<128x128xf32, #tpu.memory_space<vmem>>, vector<16xf32>,
          %mul3A_1593 = arith.mulf %get3A_1592, %gather3A_1589 : vector<16xf32>
          %swap3A_1594 = arith.index_cast %add3A_1507 : i32 to index
          %swap3A_1595 = arith.constant 96 : index
          %swap3A_1596 = tpu.vector_load %arg15[%swap3A_1594, %swap3A_1595] {strides = array<i32>} : memref<128x128xf32, #tpu.memory_space<vmem>>, vector<16xf32>,
          tpu.vector_store %arg15[%swap3A_1594, %swap3A_1595], %mul3A_1593 {strides = array<i32>} : memref<128x128xf32, #tpu.memory_space<vmem>>, vector<16xf32>,
          %get3A_1597 = arith.index_cast %add3A_1507 : i32 to index
          %get3A_1598 = arith.constant 112 : index
          %get3A_1599 = tpu.vector_load %arg15[%get3A_1597, %get3A_1598] {strides = array<i32>} : memref<128x128xf32, #tpu.memory_space<vmem>>, vector<16xf32>,
          %mul3A_1600 = arith.mulf %get3A_1599, %gather3A_1589 : vector<16xf32>
          %swap3A_1601 = arith.index_cast %add3A_1507 : i32 to index
          %swap3A_1602 = arith.constant 112 : index
          %swap3A_1603 = tpu.vector_load %arg15[%swap3A_1601, %swap3A_1602] {strides = array<i32>} : memref<128x128xf32, #tpu.memory_space<vmem>>, vector<16xf32>,
          tpu.vector_store %arg15[%swap3A_1601, %swap3A_1602], %mul3A_1600 {strides = array<i32>} : memref<128x128xf32, #tpu.memory_space<vmem>>, vector<16xf32>,
          %mul3A_1604 = arith.constant 16 : i32
          %mul3A_1605 = arith.muli %select_n3A_106, %mul3A_1604 : i32
          %add3A_1606 = arith.constant 15 : i32
          %add3A_1607 = arith.addi %mul3A_1605, %add3A_1606 : i32
          %mul3A_1608 = arith.constant 512 : i32
          %mul3A_1609 = arith.muli %select_n3A, %mul3A_1608 : i32
          %mul3A_1610 = arith.constant 64 : i32
          %mul3A_1611 = arith.muli %select_n3A_106, %mul3A_1610 : i32
          %add3A_1612 = arith.addi %mul3A_1609, %mul3A_1611 : i32
          %broadcast_in_dim3A_1613 = arith.constant 60 : i32
          %broadcast_in_dim3A_1614 = vector.broadcast %broadcast_in_dim3A_1613 : i32 to vector<16xi32>
          %add3A_1615 = vector.broadcast %add3A_1612 : i32 to vector<16xi32>
          %add3A_1616 = arith.addi %add3A_1615, %broadcast_in_dim3A_1614 : vector<16xi32>
          %gather3A_1617 = tpu.vector_load_idx %arg14[%add3A_1616] : memref<4096xf32, #tpu.memory_space<vmem>>[vector<16xi32>], vector<16xf32>,
          %get3A_1618 = arith.index_cast %add3A_1607 : i32 to index
          %get3A_1619 = arith.constant 0 : index
          %get3A_1620 = tpu.vector_load %arg15[%get3A_1618, %get3A_1619] {strides = array<i32>} : memref<128x128xf32, #tpu.memory_space<vmem>>, vector<16xf32>,
          %mul3A_1621 = arith.mulf %get3A_1620, %gather3A_1617 : vector<16xf32>
          %swap3A_1622 = arith.index_cast %add3A_1607 : i32 to index
          %swap3A_1623 = arith.constant 0 : index
          %swap3A_1624 = tpu.vector_load %arg15[%swap3A_1622, %swap3A_1623] {strides = array<i32>} : memref<128x128xf32, #tpu.memory_space<vmem>>, vector<16xf32>,
          tpu.vector_store %arg15[%swap3A_1622, %swap3A_1623], %mul3A_1621 {strides = array<i32>} : memref<128x128xf32, #tpu.memory_space<vmem>>, vector<16xf32>,
          %get3A_1625 = arith.index_cast %add3A_1607 : i32 to index
          %get3A_1626 = arith.constant 16 : index
          %get3A_1627 = tpu.vector_load %arg15[%get3A_1625, %get3A_1626] {strides = array<i32>} : memref<128x128xf32, #tpu.memory_space<vmem>>, vector<16xf32>,
          %mul3A_1628 = arith.mulf %get3A_1627, %gather3A_1617 : vector<16xf32>
          %swap3A_1629 = arith.index_cast %add3A_1607 : i32 to index
          %swap3A_1630 = arith.constant 16 : index
          %swap3A_1631 = tpu.vector_load %arg15[%swap3A_1629, %swap3A_1630] {strides = array<i32>} : memref<128x128xf32, #tpu.memory_space<vmem>>, vector<16xf32>,
          tpu.vector_store %arg15[%swap3A_1629, %swap3A_1630], %mul3A_1628 {strides = array<i32>} : memref<128x128xf32, #tpu.memory_space<vmem>>, vector<16xf32>,
          %mul3A_1632 = arith.constant 512 : i32
          %mul3A_1633 = arith.muli %select_n3A, %mul3A_1632 : i32
          %mul3A_1634 = arith.constant 64 : i32
          %mul3A_1635 = arith.muli %select_n3A_106, %mul3A_1634 : i32
          %add3A_1636 = arith.addi %mul3A_1633, %mul3A_1635 : i32
          %broadcast_in_dim3A_1637 = arith.constant 61 : i32
          %broadcast_in_dim3A_1638 = vector.broadcast %broadcast_in_dim3A_1637 : i32 to vector<16xi32>
          %add3A_1639 = vector.broadcast %add3A_1636 : i32 to vector<16xi32>
          %add3A_1640 = arith.addi %add3A_1639, %broadcast_in_dim3A_1638 : vector<16xi32>
          %gather3A_1641 = tpu.vector_load_idx %arg14[%add3A_1640] : memref<4096xf32, #tpu.memory_space<vmem>>[vector<16xi32>], vector<16xf32>,
          %get3A_1642 = arith.index_cast %add3A_1607 : i32 to index
          %get3A_1643 = arith.constant 32 : index
          %get3A_1644 = tpu.vector_load %arg15[%get3A_1642, %get3A_1643] {strides = array<i32>} : memref<128x128xf32, #tpu.memory_space<vmem>>, vector<16xf32>,
          %mul3A_1645 = arith.mulf %get3A_1644, %gather3A_1641 : vector<16xf32>
          %swap3A_1646 = arith.index_cast %add3A_1607 : i32 to index
          %swap3A_1647 = arith.constant 32 : index
          %swap3A_1648 = tpu.vector_load %arg15[%swap3A_1646, %swap3A_1647] {strides = array<i32>} : memref<128x128xf32, #tpu.memory_space<vmem>>, vector<16xf32>,
          tpu.vector_store %arg15[%swap3A_1646, %swap3A_1647], %mul3A_1645 {strides = array<i32>} : memref<128x128xf32, #tpu.memory_space<vmem>>, vector<16xf32>,
          %get3A_1649 = arith.index_cast %add3A_1607 : i32 to index
          %get3A_1650 = arith.constant 48 : index
          %get3A_1651 = tpu.vector_load %arg15[%get3A_1649, %get3A_1650] {strides = array<i32>} : memref<128x128xf32, #tpu.memory_space<vmem>>, vector<16xf32>,
          %mul3A_1652 = arith.mulf %get3A_1651, %gather3A_1641 : vector<16xf32>
          %swap3A_1653 = arith.index_cast %add3A_1607 : i32 to index
          %swap3A_1654 = arith.constant 48 : index
          %swap3A_1655 = tpu.vector_load %arg15[%swap3A_1653, %swap3A_1654] {strides = array<i32>} : memref<128x128xf32, #tpu.memory_space<vmem>>, vector<16xf32>,
          tpu.vector_store %arg15[%swap3A_1653, %swap3A_1654], %mul3A_1652 {strides = array<i32>} : memref<128x128xf32, #tpu.memory_space<vmem>>, vector<16xf32>,
          %mul3A_1656 = arith.constant 512 : i32
          %mul3A_1657 = arith.muli %select_n3A, %mul3A_1656 : i32
          %mul3A_1658 = arith.constant 64 : i32
          %mul3A_1659 = arith.muli %select_n3A_106, %mul3A_1658 : i32
          %add3A_1660 = arith.addi %mul3A_1657, %mul3A_1659 : i32
          %broadcast_in_dim3A_1661 = arith.constant 62 : i32
          %broadcast_in_dim3A_1662 = vector.broadcast %broadcast_in_dim3A_1661 : i32 to vector<16xi32>
          %add3A_1663 = vector.broadcast %add3A_1660 : i32 to vector<16xi32>
          %add3A_1664 = arith.addi %add3A_1663, %broadcast_in_dim3A_1662 : vector<16xi32>
          %gather3A_1665 = tpu.vector_load_idx %arg14[%add3A_1664] : memref<4096xf32, #tpu.memory_space<vmem>>[vector<16xi32>], vector<16xf32>,
          %get3A_1666 = arith.index_cast %add3A_1607 : i32 to index
          %get3A_1667 = arith.constant 64 : index
          %get3A_1668 = tpu.vector_load %arg15[%get3A_1666, %get3A_1667] {strides = array<i32>} : memref<128x128xf32, #tpu.memory_space<vmem>>, vector<16xf32>,
          %mul3A_1669 = arith.mulf %get3A_1668, %gather3A_1665 : vector<16xf32>
          %swap3A_1670 = arith.index_cast %add3A_1607 : i32 to index
          %swap3A_1671 = arith.constant 64 : index
          %swap3A_1672 = tpu.vector_load %arg15[%swap3A_1670, %swap3A_1671] {strides = array<i32>} : memref<128x128xf32, #tpu.memory_space<vmem>>, vector<16xf32>,
          tpu.vector_store %arg15[%swap3A_1670, %swap3A_1671], %mul3A_1669 {strides = array<i32>} : memref<128x128xf32, #tpu.memory_space<vmem>>, vector<16xf32>,
          %get3A_1673 = arith.index_cast %add3A_1607 : i32 to index
          %get3A_1674 = arith.constant 80 : index
          %get3A_1675 = tpu.vector_load %arg15[%get3A_1673, %get3A_1674] {strides = array<i32>} : memref<128x128xf32, #tpu.memory_space<vmem>>, vector<16xf32>,
          %mul3A_1676 = arith.mulf %get3A_1675, %gather3A_1665 : vector<16xf32>
          %swap3A_1677 = arith.index_cast %add3A_1607 : i32 to index
          %swap3A_1678 = arith.constant 80 : index
          %swap3A_1679 = tpu.vector_load %arg15[%swap3A_1677, %swap3A_1678] {strides = array<i32>} : memref<128x128xf32, #tpu.memory_space<vmem>>, vector<16xf32>,
          tpu.vector_store %arg15[%swap3A_1677, %swap3A_1678], %mul3A_1676 {strides = array<i32>} : memref<128x128xf32, #tpu.memory_space<vmem>>, vector<16xf32>,
          %mul3A_1680 = arith.constant 512 : i32
          %mul3A_1681 = arith.muli %select_n3A, %mul3A_1680 : i32
          %mul3A_1682 = arith.constant 64 : i32
          %mul3A_1683 = arith.muli %select_n3A_106, %mul3A_1682 : i32
          %add3A_1684 = arith.addi %mul3A_1681, %mul3A_1683 : i32
          %broadcast_in_dim3A_1685 = arith.constant 63 : i32
          %broadcast_in_dim3A_1686 = vector.broadcast %broadcast_in_dim3A_1685 : i32 to vector<16xi32>
          %add3A_1687 = vector.broadcast %add3A_1684 : i32 to vector<16xi32>
          %add3A_1688 = arith.addi %add3A_1687, %broadcast_in_dim3A_1686 : vector<16xi32>
          %gather3A_1689 = tpu.vector_load_idx %arg14[%add3A_1688] : memref<4096xf32, #tpu.memory_space<vmem>>[vector<16xi32>], vector<16xf32>,
          %get3A_1690 = arith.index_cast %add3A_1607 : i32 to index
          %get3A_1691 = arith.constant 96 : index
          %get3A_1692 = tpu.vector_load %arg15[%get3A_1690, %get3A_1691] {strides = array<i32>} : memref<128x128xf32, #tpu.memory_space<vmem>>, vector<16xf32>,
          %mul3A_1693 = arith.mulf %get3A_1692, %gather3A_1689 : vector<16xf32>
          %swap3A_1694 = arith.index_cast %add3A_1607 : i32 to index
          %swap3A_1695 = arith.constant 96 : index
          %swap3A_1696 = tpu.vector_load %arg15[%swap3A_1694, %swap3A_1695] {strides = array<i32>} : memref<128x128xf32, #tpu.memory_space<vmem>>, vector<16xf32>,
          tpu.vector_store %arg15[%swap3A_1694, %swap3A_1695], %mul3A_1693 {strides = array<i32>} : memref<128x128xf32, #tpu.memory_space<vmem>>, vector<16xf32>,
          %get3A_1697 = arith.index_cast %add3A_1607 : i32 to index
          %get3A_1698 = arith.constant 112 : index
          %get3A_1699 = tpu.vector_load %arg15[%get3A_1697, %get3A_1698] {strides = array<i32>} : memref<128x128xf32, #tpu.memory_space<vmem>>, vector<16xf32>,
          %mul3A_1700 = arith.mulf %get3A_1699, %gather3A_1689 : vector<16xf32>
          %swap3A_1701 = arith.index_cast %add3A_1607 : i32 to index
          %swap3A_1702 = arith.constant 112 : index
          %swap3A_1703 = tpu.vector_load %arg15[%swap3A_1701, %swap3A_1702] {strides = array<i32>} : memref<128x128xf32, #tpu.memory_space<vmem>>, vector<16xf32>,
          tpu.vector_store %arg15[%swap3A_1701, %swap3A_1702], %mul3A_1700 {strides = array<i32>} : memref<128x128xf32, #tpu.memory_space<vmem>>, vector<16xf32>,
        }
        %run_scoped3A = arith.constant 1 : i32
        "tpu.region"() ({
          %run_scoped3A_76 = tpu.sem_alloc : memref<!tpu.dma_semaphore, #tpu.memory_space<semaphore_mem>>
          %dma_start3A_77 = arith.constant 0 : i32
          %dma_start3A_78 = tpu.memref_slice %arg12[%scan3A_47, %run_scoped3A, %dma_start3A_77] : memref<8x2x128xi32, #tpu.memory_space<vmem>> -> memref<1x1x128xi32, #tpu.memory_space<vmem>>
          %dma_start3A_79 = tpu.memref_squeeze %dma_start3A_78 : memref<1x1x128xi32, #tpu.memory_space<vmem>> -> memref<128xi32, #tpu.memory_space<vmem>>
          %dma_start3A_80 = arith.constant 0 : i32
          %dma_start3A_81 = arith.constant 0 : i32
          %dma_start3A_82 = tpu.memref_slice %arg17[%dma_start3A_80, %dma_start3A_81] : memref<10240x128xf32, #tpu.memory_space<vmem_shared>> -> memref<10240x128xf32, #tpu.memory_space<vmem_shared>>
          tpu.enqueue_indirect_dma source(%arg15 : memref<128x128xf32, #tpu.memory_space<vmem>>) target(%dma_start3A_82 : memref<10240x128xf32, #tpu.memory_space<vmem_shared>>) offsets(%dma_start3A_79 : memref<128xi32, #tpu.memory_space<vmem>>) semaphore(%run_scoped3A_76 : memref<!tpu.dma_semaphore, #tpu.memory_space<semaphore_mem>>) {add = true}
          %dma_wait3A_83 = arith.constant 0 : i32
          %dma_wait3A_84 = tpu.memref_slice %arg12[%scan3A_47, %run_scoped3A, %dma_wait3A_83] : memref<8x2x128xi32, #tpu.memory_space<vmem>> -> memref<1x1x128xi32, #tpu.memory_space<vmem>>
          %dma_wait3A_85 = tpu.memref_squeeze %dma_wait3A_84 : memref<1x1x128xi32, #tpu.memory_space<vmem>> -> memref<128xi32, #tpu.memory_space<vmem>>
          %dma_wait3A_86 = arith.constant 0 : i32
          %dma_wait3A_87 = arith.constant 0 : i32
          %dma_wait3A_88 = tpu.memref_slice %arg17[%dma_wait3A_86, %dma_wait3A_87] : memref<10240x128xf32, #tpu.memory_space<vmem_shared>> -> memref<10240x128xf32, #tpu.memory_space<vmem_shared>>
          tpu.wait_indirect_dma semaphore(%run_scoped3A_76 : memref<!tpu.dma_semaphore, #tpu.memory_space<semaphore_mem>>) src(%arg15 : memref<128x128xf32, #tpu.memory_space<vmem>>) dst(%dma_wait3A_88 : memref<10240x128xf32, #tpu.memory_space<vmem_shared>>)
          tpu.yield
        }) : () -> ()
      }
      %scan3A_46 = arith.constant 8 : i32
    }
    %scan3A_21 = arith.constant 10 : i32
    %barrier3A_22 = arith.constant 0 : index
    tpu.barrier barrier_id(%barrier3A_22)
    "tpu.region"() ({
      %run_scoped3A = tpu.sem_alloc : memref<!tpu.dma_semaphore, #tpu.memory_space<semaphore_mem>>
      %dma_start3A = arith.constant 0 : i32
      %dma_start3A_23 = tpu.memref_slice %arg9[%arg0, %mul3A_2, %dma_start3A] : memref<2x10240x128xf32, #tpu.memory_space<hbm>> -> memref<1x640x128xf32, #tpu.memory_space<hbm>>
      %dma_start3A_24 = tpu.memref_squeeze %dma_start3A_23 : memref<1x640x128xf32, #tpu.memory_space<hbm>> -> memref<640x128xf32, #tpu.memory_space<hbm>>
      %dma_start3A_25 = arith.constant 0 : i32
      %dma_start3A_26 = tpu.memref_slice %arg17[%mul3A_2, %dma_start3A_25] : memref<10240x128xf32, #tpu.memory_space<vmem_shared>> -> memref<640x128xf32, #tpu.memory_space<vmem_shared>>
      tpu.enqueue_dma source(%dma_start3A_26 : memref<640x128xf32, #tpu.memory_space<vmem_shared>>) target(%dma_start3A_24 : memref<640x128xf32, #tpu.memory_space<hbm>>) target_semaphore(%run_scoped3A : memref<!tpu.dma_semaphore, #tpu.memory_space<semaphore_mem>>)
      %dma_wait3A_27 = arith.constant 0 : i32
      %dma_wait3A_28 = tpu.memref_slice %arg9[%arg0, %mul3A_2, %dma_wait3A_27] : memref<2x10240x128xf32, #tpu.memory_space<hbm>> -> memref<1x640x128xf32, #tpu.memory_space<hbm>>
      %dma_wait3A_29 = tpu.memref_squeeze %dma_wait3A_28 : memref<1x640x128xf32, #tpu.memory_space<hbm>> -> memref<640x128xf32, #tpu.memory_space<hbm>>
      %dma_wait3A_30 = arith.constant 0 : i32
      %dma_wait3A_31 = tpu.memref_slice %arg17[%mul3A_2, %dma_wait3A_30] : memref<10240x128xf32, #tpu.memory_space<vmem_shared>> -> memref<640x128xf32, #tpu.memory_space<vmem_shared>>
      tpu.wait_dma2 semaphore(%run_scoped3A : memref<!tpu.dma_semaphore, #tpu.memory_space<semaphore_mem>>) src(%dma_wait3A_31 : memref<640x128xf32, #tpu.memory_space<vmem_shared>>) dst(%dma_wait3A_29 : memref<640x128xf32, #tpu.memory_space<hbm>>)
      tpu.yield
    }) : () -> ()
    return
  }
}

module attributes {stable_mosaic.version = 14 : i64} {
  func.func @_aed_body(%arg0: i32, %arg1: memref<2048x16xf32, #tpu.memory_space<vmem>>, %arg2: memref<16x128xf32, #tpu.memory_space<vmem>>, %arg3: memref<128x4xf32, #tpu.memory_space<vmem>>, %arg4: memref<2048x4xf32, #tpu.memory_space<vmem>>) attributes {dimension_semantics = [#tpu.dimension_semantics<arbitrary>], iteration_bounds = array<i64: 160>, scalar_prefetch = 0 : i64, scratch_operands = 0 : i64, tpu.core_type = #tpu.core_type<tc>, window_params = [{transform_indices = @transform_0, window_bounds = array<i64: 2048, 16>}, {pipeline_mode = #tpu.pipeline_mode<synchronous>, transform_indices = @transform_1, window_bounds = array<i64: 16, 128>}, {pipeline_mode = #tpu.pipeline_mode<synchronous>, transform_indices = @transform_2, window_bounds = array<i64: 128, 4>}, {transform_indices = @transform_3, window_bounds = array<i64: 2048, 4>}]} {
    %get3A = arith.constant 0 : index
    %get3A_0 = arith.constant 0 : index
    %get3A_1 = vector.load %arg2[%get3A, %get3A_0] : memref<16x128xf32, #tpu.memory_space<vmem>>, vector<16x128xf32>
    %get3A_2 = arith.constant 0 : index
    %get3A_3 = arith.constant 0 : index
    %get3A_4 = vector.load %arg3[%get3A_2, %get3A_3] : memref<128x4xf32, #tpu.memory_space<vmem>>, vector<128x4xf32>
    %dot_general3A = arith.constant dense<0.000000e+00> : vector<16x4xf32>
    %dot_general3A_5 = tpu.matmul %get3A_1, %get3A_4, %dot_general3A {dimension_numbers = #tpu.dot_dimension_numbers<[1], [0], [0], [1], [0, 0, 1, 1], [], []>, transpose_lhs_hint = false} : vector<16x128xf32>, vector<128x4xf32>, vector<16x4xf32> -> vector<16x4xf32>
    %get3A_6 = arith.constant 0 : index
    %get3A_7 = arith.constant 0 : index
    %get3A_8 = vector.load %arg1[%get3A_6, %get3A_7] : memref<2048x16xf32, #tpu.memory_space<vmem>>, vector<2048x16xf32>
    %dot_general3A_9 = arith.constant dense<0.000000e+00> : vector<2048x4xf32>
    %dot_general3A_10 = tpu.matmul %get3A_8, %dot_general3A_5, %dot_general3A_9 {dimension_numbers = #tpu.dot_dimension_numbers<[1], [0], [0], [1], [0, 0, 1, 1], [], []>, transpose_lhs_hint = false} : vector<2048x16xf32>, vector<16x4xf32>, vector<2048x4xf32> -> vector<2048x4xf32>
    %swap3A = arith.constant 0 : index
    %swap3A_11 = arith.constant 0 : index
    %swap3A_12 = vector.load %arg4[%swap3A, %swap3A_11] : memref<2048x4xf32, #tpu.memory_space<vmem>>, vector<2048x4xf32>
    tpu.vector_store %arg4[%swap3A, %swap3A_11], %dot_general3A_10 {strides = array<i32>} : memref<2048x4xf32, #tpu.memory_space<vmem>>, vector<2048x4xf32>,
    return
  }
  func.func @transform_0(%arg0: i32) -> (i32, i32) {
    %c0_i32 = arith.constant 0 : i32
    %c0_i32_0 = arith.constant 0 : i32
    return %arg0, %c0_i32 : i32, i32
  }
  func.func @transform_1(%arg0: i32) -> (i32, i32) {
    %c0_i32 = arith.constant 0 : i32
    %c0_i32_0 = arith.constant 0 : i32
    %c0_i32_1 = arith.constant 0 : i32
    return %c0_i32, %c0_i32_0 : i32, i32
  }
  func.func @transform_2(%arg0: i32) -> (i32, i32) {
    %c0_i32 = arith.constant 0 : i32
    %c0_i32_0 = arith.constant 0 : i32
    %c0_i32_1 = arith.constant 0 : i32
    return %c0_i32, %c0_i32_0 : i32, i32
  }
  func.func @transform_3(%arg0: i32) -> (i32, i32) {
    %c0_i32 = arith.constant 0 : i32
    %c0_i32_0 = arith.constant 0 : i32
    return %arg0, %c0_i32 : i32, i32
  }
}

module attributes {stable_mosaic.version = 14 : i64} {
  func.func @_pre_body(%arg0: i32, %arg1: memref<1024x128xf32, #tpu.memory_space<vmem>>, %arg2: memref<128x128xf32, #tpu.memory_space<vmem>>, %arg3: memref<128x128xf32, #tpu.memory_space<vmem>>, %arg4: memref<1024x128xf32, #tpu.memory_space<vmem>>, %arg5: memref<1024x128xf32, #tpu.memory_space<vmem>>) attributes {dimension_semantics = [#tpu.dimension_semantics<arbitrary>], iteration_bounds = array<i64: 10>, scalar_prefetch = 0 : i64, scratch_operands = 0 : i64, tpu.core_type = #tpu.core_type<tc>, window_params = [{transform_indices = @transform_0, window_bounds = array<i64: 1024, 128>}, {pipeline_mode = #tpu.pipeline_mode<synchronous>, transform_indices = @transform_1, window_bounds = array<i64: 128, 128>}, {pipeline_mode = #tpu.pipeline_mode<synchronous>, transform_indices = @transform_2, window_bounds = array<i64: 128, 128>}, {transform_indices = @transform_3, window_bounds = array<i64: 1024, 128>}, {transform_indices = @transform_4, window_bounds = array<i64: 1024, 128>}]} {
    %get3A = arith.constant 0 : index
    %get3A_0 = arith.constant 0 : index
    %get3A_1 = vector.load %arg1[%get3A, %get3A_0] : memref<1024x128xf32, #tpu.memory_space<vmem>>, vector<1024x128xf32>
    %get3A_2 = arith.constant 0 : index
    %get3A_3 = arith.constant 0 : index
    %get3A_4 = vector.load %arg2[%get3A_2, %get3A_3] : memref<128x128xf32, #tpu.memory_space<vmem>>, vector<128x128xf32>
    %dot_general3A = arith.constant dense<0.000000e+00> : vector<1024x128xf32>
    %dot_general3A_5 = tpu.matmul %get3A_1, %get3A_4, %dot_general3A {dimension_numbers = #tpu.dot_dimension_numbers<[1], [0], [0], [1], [0, 0, 1, 1], [], []>, transpose_lhs_hint = false} : vector<1024x128xf32>, vector<128x128xf32>, vector<1024x128xf32> -> vector<1024x128xf32>
    %swap3A = arith.constant 0 : index
    %swap3A_6 = arith.constant 0 : index
    %swap3A_7 = vector.load %arg4[%swap3A, %swap3A_6] : memref<1024x128xf32, #tpu.memory_space<vmem>>, vector<1024x128xf32>
    tpu.vector_store %arg4[%swap3A, %swap3A_6], %dot_general3A_5 {strides = array<i32>} : memref<1024x128xf32, #tpu.memory_space<vmem>>, vector<1024x128xf32>,
    %get3A_8 = arith.constant 0 : index
    %get3A_9 = arith.constant 0 : index
    %get3A_10 = vector.load %arg3[%get3A_8, %get3A_9] : memref<128x128xf32, #tpu.memory_space<vmem>>, vector<128x128xf32>
    %dot_general3A_11 = arith.constant dense<0.000000e+00> : vector<1024x128xf32>
    %dot_general3A_12 = tpu.matmul %dot_general3A_5, %get3A_10, %dot_general3A_11 {dimension_numbers = #tpu.dot_dimension_numbers<[1], [0], [0], [1], [0, 0, 1, 1], [], []>, transpose_lhs_hint = false} : vector<1024x128xf32>, vector<128x128xf32>, vector<1024x128xf32> -> vector<1024x128xf32>
    %swap3A_13 = arith.constant 0 : index
    %swap3A_14 = arith.constant 0 : index
    %swap3A_15 = vector.load %arg5[%swap3A_13, %swap3A_14] : memref<1024x128xf32, #tpu.memory_space<vmem>>, vector<1024x128xf32>
    tpu.vector_store %arg5[%swap3A_13, %swap3A_14], %dot_general3A_12 {strides = array<i32>} : memref<1024x128xf32, #tpu.memory_space<vmem>>, vector<1024x128xf32>,
    return
  }
  func.func @transform_0(%arg0: i32) -> (i32, i32) {
    %c0_i32 = arith.constant 0 : i32
    %c0_i32_0 = arith.constant 0 : i32
    return %arg0, %c0_i32 : i32, i32
  }
  func.func @transform_1(%arg0: i32) -> (i32, i32) {
    %c0_i32 = arith.constant 0 : i32
    %c0_i32_0 = arith.constant 0 : i32
    %c0_i32_1 = arith.constant 0 : i32
    return %c0_i32, %c0_i32_0 : i32, i32
  }
  func.func @transform_2(%arg0: i32) -> (i32, i32) {
    %c0_i32 = arith.constant 0 : i32
    %c0_i32_0 = arith.constant 0 : i32
    %c0_i32_1 = arith.constant 0 : i32
    return %c0_i32, %c0_i32_0 : i32, i32
  }
  func.func @transform_3(%arg0: i32) -> (i32, i32) {
    %c0_i32 = arith.constant 0 : i32
    %c0_i32_0 = arith.constant 0 : i32
    return %arg0, %c0_i32 : i32, i32
  }
  func.func @transform_4(%arg0: i32) -> (i32, i32) {
    %c0_i32 = arith.constant 0 : i32
    %c0_i32_0 = arith.constant 0 : i32
    return %arg0, %c0_i32 : i32, i32
  }
}

module attributes {stable_mosaic.version = 14 : i64} {
  func.func @_comb_body(%arg0: i32, %arg1: memref<2x1024x128xf32, #tpu.memory_space<vmem>>, %arg2: memref<1024x128xf32, #tpu.memory_space<vmem>>, %arg3: memref<1024x4xf32, #tpu.memory_space<vmem>>, %arg4: memref<1024x4xf32, #tpu.memory_space<vmem>>) attributes {dimension_semantics = [#tpu.dimension_semantics<arbitrary>], iteration_bounds = array<i64: 10>, scalar_prefetch = 0 : i64, scratch_operands = 0 : i64, tpu.core_type = #tpu.core_type<tc>, window_params = [{transform_indices = @transform_0, window_bounds = array<i64: 2, 1024, 128>}, {transform_indices = @transform_1, window_bounds = array<i64: 1024, 128>}, {transform_indices = @transform_2, window_bounds = array<i64: 1024, 4>}, {transform_indices = @transform_3, window_bounds = array<i64: 1024, 4>}]} {
    %get3A = arith.constant 0 : index
    %get3A_0 = arith.constant 0 : index
    %get3A_1 = arith.constant 0 : index
    %get3A_2 = vector.load %arg1[%get3A, %get3A_0, %get3A_1] : memref<2x1024x128xf32, #tpu.memory_space<vmem>>, vector<1x1024x128xf32>
    %get3A_3 = vector.shape_cast %get3A_2 : vector<1x1024x128xf32> to vector<1024x128xf32>
    %get3A_4 = arith.constant 1 : index
    %get3A_5 = arith.constant 0 : index
    %get3A_6 = arith.constant 0 : index
    %get3A_7 = vector.load %arg1[%get3A_4, %get3A_5, %get3A_6] : memref<2x1024x128xf32, #tpu.memory_space<vmem>>, vector<1x1024x128xf32>
    %get3A_8 = vector.shape_cast %get3A_7 : vector<1x1024x128xf32> to vector<1024x128xf32>
    %add3A = arith.addf %get3A_3, %get3A_8 : vector<1024x128xf32>
    %slice3A = vector.extract_strided_slice %add3A {offsets = [0, 12], sizes = [1024, 1], strides = [1, 1]} : vector<1024x128xf32> to vector<1024x1xf32>
    %max3A = arith.constant 1.000000e+00 : f32
    %max3A_9 = vector.broadcast %max3A : f32 to vector<1024x1xf32>
    %max3A_10 = arith.maximumf %slice3A, %max3A_9 : vector<1024x1xf32>
    %get3A_11 = arith.constant 0 : index
    %get3A_12 = arith.constant 0 : index
    %get3A_13 = vector.load %arg2[%get3A_11, %get3A_12] : memref<1024x128xf32, #tpu.memory_space<vmem>>, vector<1024x128xf32>
    %slice3A_14 = vector.extract_strided_slice %get3A_13 {offsets = [0, 0], sizes = [1024, 4], strides = [1, 1]} : vector<1024x128xf32> to vector<1024x4xf32>
    %slice3A_15 = vector.extract_strided_slice %get3A_13 {offsets = [0, 4], sizes = [1024, 4], strides = [1, 1]} : vector<1024x128xf32> to vector<1024x4xf32>
    %add3A_16 = arith.addf %slice3A_14, %slice3A_15 : vector<1024x4xf32>
    %slice3A_17 = vector.extract_strided_slice %add3A {offsets = [0, 8], sizes = [1024, 4], strides = [1, 1]} : vector<1024x128xf32> to vector<1024x4xf32>
    %div3A = vector.broadcast %max3A_10 : vector<1024x1xf32> to vector<1024x4xf32>
    %div3A_18 = arith.divf %slice3A_17, %div3A : vector<1024x4xf32>
    %add3A_19 = arith.addf %add3A_16, %div3A_18 : vector<1024x4xf32>
    %ge3A = arith.constant 0.000000e+00 : f32
    %ge3A_20 = vector.broadcast %ge3A : f32 to vector<1024x4xf32>
    %ge3A_21 = arith.cmpf oge, %add3A_19, %ge3A_20 : vector<1024x4xf32>
    %mul3A = arith.constant 2.000000e-01 : f32
    %mul3A_22 = vector.broadcast %mul3A : f32 to vector<1024x4xf32>
    %mul3A_23 = arith.mulf %mul3A_22, %add3A_19 : vector<1024x4xf32>
    %select_n3A = arith.select %ge3A_21, %add3A_19, %mul3A_23 : vector<1024x4xi1>, vector<1024x4xf32>
    %exp3A = math.exp %select_n3A : vector<1024x4xf32>
    %swap3A = arith.constant 0 : index
    %swap3A_24 = arith.constant 0 : index
    %swap3A_25 = vector.load %arg3[%swap3A, %swap3A_24] : memref<1024x4xf32, #tpu.memory_space<vmem>>, vector<1024x4xf32>
    tpu.vector_store %arg3[%swap3A, %swap3A_24], %exp3A {strides = array<i32>} : memref<1024x4xf32, #tpu.memory_space<vmem>>, vector<1024x4xf32>,
    %slice3A_26 = vector.extract_strided_slice %add3A {offsets = [0, 0], sizes = [1024, 4], strides = [1, 1]} : vector<1024x128xf32> to vector<1024x4xf32>
    %add3A_27 = arith.addf %slice3A_26, %exp3A : vector<1024x4xf32>
    %add3A_28 = arith.constant 1.000000e-16 : f32
    %add3A_29 = vector.broadcast %add3A_28 : f32 to vector<1024x4xf32>
    %add3A_30 = arith.addf %add3A_27, %add3A_29 : vector<1024x4xf32>
    %div3A_31 = arith.constant 1.000000e+00 : f32
    %div3A_32 = vector.broadcast %div3A_31 : f32 to vector<1024x4xf32>
    %div3A_33 = arith.divf %div3A_32, %add3A_30 : vector<1024x4xf32>
    %swap3A_34 = arith.constant 0 : index
    %swap3A_35 = arith.constant 0 : index
    %swap3A_36 = vector.load %arg4[%swap3A_34, %swap3A_35] : memref<1024x4xf32, #tpu.memory_space<vmem>>, vector<1024x4xf32>
    tpu.vector_store %arg4[%swap3A_34, %swap3A_35], %div3A_33 {strides = array<i32>} : memref<1024x4xf32, #tpu.memory_space<vmem>>, vector<1024x4xf32>,
    return
  }
  func.func @transform_0(%arg0: i32) -> (i32, i32, i32) {
    %c0_i32 = arith.constant 0 : i32
    %c0_i32_0 = arith.constant 0 : i32
    %c0_i32_1 = arith.constant 0 : i32
    return %c0_i32, %arg0, %c0_i32_0 : i32, i32, i32
  }
  func.func @transform_1(%arg0: i32) -> (i32, i32) {
    %c0_i32 = arith.constant 0 : i32
    %c0_i32_0 = arith.constant 0 : i32
    return %arg0, %c0_i32 : i32, i32
  }
  func.func @transform_2(%arg0: i32) -> (i32, i32) {
    %c0_i32 = arith.constant 0 : i32
    %c0_i32_0 = arith.constant 0 : i32
    return %arg0, %c0_i32 : i32, i32
  }
  func.func @transform_3(%arg0: i32) -> (i32, i32) {
    %c0_i32 = arith.constant 0 : i32
    %c0_i32_0 = arith.constant 0 : i32
    return %arg0, %c0_i32 : i32, i32
  }
}

module attributes {stable_mosaic.version = 14 : i64} {
  func.func @_tail_body(%arg0: i32, %arg1: memref<2x1024x128xf32, #tpu.memory_space<vmem>>, %arg2: memref<1024x128xf32, #tpu.memory_space<vmem>>, %arg3: memref<1024x4xf32, #tpu.memory_space<vmem>>, %arg4: memref<1024x4xf32, #tpu.memory_space<vmem>>, %arg5: memref<4x128xf32, #tpu.memory_space<vmem>>, %arg6: memref<1x128xf32, #tpu.memory_space<vmem>>, %arg7: memref<1x1x1024xi32, #tpu.memory_space<vmem>>, %arg8: memref<128x128xf32, #tpu.memory_space<vmem>>, %arg9: memref<1x128xf32, #tpu.memory_space<vmem>>, %arg10: memref<1x1xf32, #tpu.memory_space<vmem>>, %arg11: memref<128x32xf32, #tpu.memory_space<vmem>>, %arg12: memref<1x32xf32, #tpu.memory_space<vmem>>, %arg13: memref<32x128xf32, #tpu.memory_space<vmem>>, %arg14: memref<1x128xf32, #tpu.memory_space<vmem>>, %arg15: memref<128x64xf32, #tpu.memory_space<vmem>>, %arg16: memref<1x64xf32, #tpu.memory_space<vmem>>, %arg17: memref<64x1xf32, #tpu.memory_space<vmem>>, %arg18: memref<1x1xf32, #tpu.memory_space<vmem>>, %arg19: memref<1024x32xf32, #tpu.memory_space<vmem>>, %arg20: memref<64x1xf32, #tpu.memory_space<vmem>>, %arg21: memref<64x32xf32, #tpu.memory_space<vmem>>, %arg22: memref<64x1xf32, #tpu.memory_space<vmem>>) attributes {dimension_semantics = [#tpu.dimension_semantics<arbitrary>], iteration_bounds = array<i64: 10>, scalar_prefetch = 0 : i64, scratch_operands = 2 : i64, tpu.core_type = #tpu.core_type<tc>, window_params = [{transform_indices = @transform_0, window_bounds = array<i64: 2, 1024, 128>}, {transform_indices = @transform_1, window_bounds = array<i64: 1024, 128>}, {transform_indices = @transform_2, window_bounds = array<i64: 1024, 4>}, {transform_indices = @transform_3, window_bounds = array<i64: 1024, 4>}, {pipeline_mode = #tpu.pipeline_mode<synchronous>, transform_indices = @transform_4, window_bounds = array<i64: 4, 128>}, {pipeline_mode = #tpu.pipeline_mode<synchronous>, transform_indices = @transform_5, window_bounds = array<i64: 1, 128>}, {transform_indices = @transform_6, window_bounds = array<i64: 1, 1, 1024>}, {pipeline_mode = #tpu.pipeline_mode<synchronous>, transform_indices = @transform_7, window_bounds = array<i64: 128, 128>}, {pipeline_mode = #tpu.pipeline_mode<synchronous>, transform_indices = @transform_8, window_bounds = array<i64: 1, 128>}, {pipeline_mode = #tpu.pipeline_mode<synchronous>, transform_indices = @transform_9, window_bounds = array<i64: 1, 1>}, {pipeline_mode = #tpu.pipeline_mode<synchronous>, transform_indices = @transform_10, window_bounds = array<i64: 128, 32>}, {pipeline_mode = #tpu.pipeline_mode<synchronous>, transform_indices = @transform_11, window_bounds = array<i64: 1, 32>}, {pipeline_mode = #tpu.pipeline_mode<synchronous>, transform_indices = @transform_12, window_bounds = array<i64: 32, 128>}, {pipeline_mode = #tpu.pipeline_mode<synchronous>, transform_indices = @transform_13, window_bounds = array<i64: 1, 128>}, {pipeline_mode = #tpu.pipeline_mode<synchronous>, transform_indices = @transform_14, window_bounds = array<i64: 128, 64>}, {pipeline_mode = #tpu.pipeline_mode<synchronous>, transform_indices = @transform_15, window_bounds = array<i64: 1, 64>}, {pipeline_mode = #tpu.pipeline_mode<synchronous>, transform_indices = @transform_16, window_bounds = array<i64: 64, 1>}, {pipeline_mode = #tpu.pipeline_mode<synchronous>, transform_indices = @transform_17, window_bounds = array<i64: 1, 1>}, {transform_indices = @transform_18, window_bounds = array<i64: 1024, 32>}, {pipeline_mode = #tpu.pipeline_mode<synchronous>, transform_indices = @transform_19, window_bounds = array<i64: 64, 1>}]} {
    %get3A = arith.constant 0 : index
    %get3A_0 = arith.constant 0 : index
    %get3A_1 = vector.load %arg3[%get3A, %get3A_0] : memref<1024x4xf32, #tpu.memory_space<vmem>>, vector<1024x4xf32>
    %get3A_2 = arith.constant 0 : index
    %get3A_3 = arith.constant 0 : index
    %get3A_4 = vector.load %arg5[%get3A_2, %get3A_3] : memref<4x128xf32, #tpu.memory_space<vmem>>, vector<4x128xf32>
    %dot_general3A = arith.constant dense<0.000000e+00> : vector<1024x128xf32>
    %dot_general3A_5 = tpu.matmul %get3A_1, %get3A_4, %dot_general3A {dimension_numbers = #tpu.dot_dimension_numbers<[1], [0], [0], [1], [0, 0, 1, 1], [], []>, transpose_lhs_hint = false} : vector<1024x4xf32>, vector<4x128xf32>, vector<1024x128xf32> -> vector<1024x128xf32>
    %get3A_6 = arith.constant 0 : index
    %get3A_7 = arith.constant 0 : index
    %get3A_8 = vector.load %arg4[%get3A_6, %get3A_7] : memref<1024x4xf32, #tpu.memory_space<vmem>>, vector<1024x4xf32>
    %get3A_9 = arith.constant 0 : index
    %get3A_10 = arith.constant 0 : index
    %get3A_11 = vector.load %arg5[%get3A_9, %get3A_10] : memref<4x128xf32, #tpu.memory_space<vmem>>, vector<4x128xf32>
    %dot_general3A_12 = arith.constant dense<0.000000e+00> : vector<1024x128xf32>
    %dot_general3A_13 = tpu.matmul %get3A_8, %get3A_11, %dot_general3A_12 {dimension_numbers = #tpu.dot_dimension_numbers<[1], [0], [0], [1], [0, 0, 1, 1], [], []>, transpose_lhs_hint = false} : vector<1024x4xf32>, vector<4x128xf32>, vector<1024x128xf32> -> vector<1024x128xf32>
    %get3A_14 = arith.constant 0 : index
    %get3A_15 = arith.constant 0 : index
    %get3A_16 = arith.constant 0 : index
    %get3A_17 = vector.load %arg1[%get3A_14, %get3A_15, %get3A_16] : memref<2x1024x128xf32, #tpu.memory_space<vmem>>, vector<1x1024x128xf32>
    %get3A_18 = vector.shape_cast %get3A_17 : vector<1x1024x128xf32> to vector<1024x128xf32>
    %get3A_19 = arith.constant 1 : index
    %get3A_20 = arith.constant 0 : index
    %get3A_21 = arith.constant 0 : index
    %get3A_22 = vector.load %arg1[%get3A_19, %get3A_20, %get3A_21] : memref<2x1024x128xf32, #tpu.memory_space<vmem>>, vector<1x1024x128xf32>
    %get3A_23 = vector.shape_cast %get3A_22 : vector<1x1024x128xf32> to vector<1024x128xf32>
    %add3A = arith.addf %get3A_18, %get3A_23 : vector<1024x128xf32>
    %get3A_24 = arith.constant 0 : index
    %get3A_25 = arith.constant 0 : index
    %get3A_26 = vector.load %arg2[%get3A_24, %get3A_25] : memref<1024x128xf32, #tpu.memory_space<vmem>>, vector<1024x128xf32>
    %mul3A = arith.mulf %get3A_26, %dot_general3A_5 : vector<1024x128xf32>
    %add3A_27 = arith.addf %add3A, %mul3A : vector<1024x128xf32>
    %mul3A_28 = arith.mulf %add3A_27, %dot_general3A_13 : vector<1024x128xf32>
    %get3A_29 = arith.constant 0 : index
    %get3A_30 = arith.constant 0 : index
    %get3A_31 = vector.load %arg6[%get3A_29, %get3A_30] : memref<1x128xf32, #tpu.memory_space<vmem>>, vector<1x128xf32>
    %add3A_32 = vector.broadcast %get3A_31 : vector<1x128xf32> to vector<1024x128xf32>
    %add3A_33 = arith.addf %mul3A_28, %add3A_32 : vector<1024x128xf32>
    %gt3A = arith.constant 0.000000e+00 : f32
    %gt3A_34 = vector.broadcast %gt3A : f32 to vector<1024x128xf32>
    %gt3A_35 = arith.cmpf ogt, %add3A_33, %gt3A_34 : vector<1024x128xf32>
    %min3A = arith.constant 0.000000e+00 : f32
    %min3A_36 = vector.broadcast %min3A : f32 to vector<1024x128xf32>
    %min3A_37 = arith.minimumf %add3A_33, %min3A_36 : vector<1024x128xf32>
    %exp3A = math.exp %min3A_37 : vector<1024x128xf32>
    %sub3A = arith.constant 1.000000e+00 : f32
    %sub3A_38 = vector.broadcast %sub3A : f32 to vector<1024x128xf32>
    %sub3A_39 = arith.subf %exp3A, %sub3A_38 : vector<1024x128xf32>
    %select_n3A = arith.select %gt3A_35, %add3A_33, %sub3A_39 : vector<1024x128xi1>, vector<1024x128xf32>
    %get3A_40 = arith.constant 0 : index
    %get3A_41 = arith.constant 0 : index
    %get3A_42 = vector.load %arg8[%get3A_40, %get3A_41] : memref<128x128xf32, #tpu.memory_space<vmem>>, vector<128x128xf32>
    %dot_general3A_43 = arith.constant dense<0.000000e+00> : vector<1024x128xf32>
    %dot_general3A_44 = tpu.matmul %select_n3A, %get3A_42, %dot_general3A_43 {dimension_numbers = #tpu.dot_dimension_numbers<[1], [0], [0], [1], [0, 0, 1, 1], [], []>, transpose_lhs_hint = false} : vector<1024x128xf32>, vector<128x128xf32>, vector<1024x128xf32> -> vector<1024x128xf32>
    %get3A_45 = arith.constant 0 : index
    %get3A_46 = arith.constant 0 : index
    %get3A_47 = vector.load %arg9[%get3A_45, %get3A_46] : memref<1x128xf32, #tpu.memory_space<vmem>>, vector<1x128xf32>
    %add3A_48 = vector.broadcast %get3A_47 : vector<1x128xf32> to vector<1024x128xf32>
    %add3A_49 = arith.addf %dot_general3A_44, %add3A_48 : vector<1024x128xf32>
    %ge3A = arith.constant 0.000000e+00 : f32
    %ge3A_50 = vector.broadcast %ge3A : f32 to vector<1024x128xf32>
    %ge3A_51 = arith.cmpf oge, %add3A_49, %ge3A_50 : vector<1024x128xf32>
    %get3A_52 = arith.constant 0 : index
    %get3A_53 = arith.constant 0 : index
    %get3A_54 = vector.load %arg10[%get3A_52, %get3A_53] : memref<1x1xf32, #tpu.memory_space<vmem>>, vector<1x1xf32>
    %mul3A_55 = vector.broadcast %get3A_54 : vector<1x1xf32> to vector<1024x128xf32>
    %mul3A_56 = arith.mulf %mul3A_55, %add3A_49 : vector<1024x128xf32>
    %select_n3A_57 = arith.select %ge3A_51, %add3A_49, %mul3A_56 : vector<1024x128xi1>, vector<1024x128xf32>
    %get3A_58 = arith.constant 0 : index
    %get3A_59 = arith.constant 0 : index
    %get3A_60 = vector.load %arg11[%get3A_58, %get3A_59] : memref<128x32xf32, #tpu.memory_space<vmem>>, vector<128x32xf32>
    %dot_general3A_61 = arith.constant dense<0.000000e+00> : vector<1024x32xf32>
    %dot_general3A_62 = tpu.matmul %select_n3A_57, %get3A_60, %dot_general3A_61 {dimension_numbers = #tpu.dot_dimension_numbers<[1], [0], [0], [1], [0, 0, 1, 1], [], []>, transpose_lhs_hint = false} : vector<1024x128xf32>, vector<128x32xf32>, vector<1024x32xf32> -> vector<1024x32xf32>
    %get3A_63 = arith.constant 0 : index
    %get3A_64 = arith.constant 0 : index
    %get3A_65 = vector.load %arg12[%get3A_63, %get3A_64] : memref<1x32xf32, #tpu.memory_space<vmem>>, vector<1x32xf32>
    %add3A_66 = vector.broadcast %get3A_65 : vector<1x32xf32> to vector<1024x32xf32>
    %add3A_67 = arith.addf %dot_general3A_62, %add3A_66 : vector<1024x32xf32>
    %swap3A = arith.constant 0 : index
    %swap3A_68 = arith.constant 0 : index
    %swap3A_69 = vector.load %arg19[%swap3A, %swap3A_68] : memref<1024x32xf32, #tpu.memory_space<vmem>>, vector<1024x32xf32>
    tpu.vector_store %arg19[%swap3A, %swap3A_68], %add3A_67 {strides = array<i32>} : memref<1024x32xf32, #tpu.memory_space<vmem>>, vector<1024x32xf32>,
    %get3A_70 = arith.constant 0 : index
    %get3A_71 = arith.constant 0 : index
    %get3A_72 = arith.constant 0 : index
    %get3A_73 = vector.load %arg7[%get3A_70, %get3A_71, %get3A_72] : memref<1x1x1024xi32, #tpu.memory_space<vmem>>, vector<1x1x1024xi32>
    %get3A_74 = vector.shape_cast %get3A_73 : vector<1x1x1024xi32> to vector<1x1024xi32>
    %iota3A = tpu.iota {dimensions = array<i32: 0>} : vector<64x1xi32>
    %eq3A = vector.broadcast %get3A_74 : vector<1x1024xi32> to vector<64x1024xi32>
    %eq3A_75 = vector.broadcast %iota3A : vector<64x1xi32> to vector<64x1024xi32>
    %eq3A_76 = arith.cmpi eq, %eq3A, %eq3A_75 : vector<64x1024xi32>
    %convert_element_type3A = arith.extui %eq3A_76 : vector<64x1024xi1> to vector<64x1024xi32>
    %convert_element_type3A_77 = arith.sitofp %convert_element_type3A : vector<64x1024xi32> to vector<64x1024xf32>
    %dot_general3A_78 = arith.constant dense<0.000000e+00> : vector<64x32xf32>
    %dot_general3A_79 = tpu.matmul %convert_element_type3A_77, %add3A_67, %dot_general3A_78 {dimension_numbers = #tpu.dot_dimension_numbers<[1], [0], [0], [1], [0, 0, 1, 1], [], []>, transpose_lhs_hint = false} : vector<64x1024xf32>, vector<1024x32xf32>, vector<64x32xf32> -> vector<64x32xf32>
    %reduce_sum3A = arith.constant dense<0.000000e+00> : vector<64xf32>
    %reduce_sum3A_80 = vector.multi_reduction <add>, %convert_element_type3A_77, %reduce_sum3A [1] : vector<64x1024xf32> to vector<64xf32>
    %broadcast_in_dim3A = vector.shape_cast %reduce_sum3A_80 : vector<64xf32> to vector<64x1xf32>
    %eq3A_81 = arith.constant 0 : i32
    %eq3A_82 = arith.cmpi eq, %arg0, %eq3A_81 : i32
    %convert_element_type3A_83 = arith.extui %eq3A_82 : i1 to i32
    %cond3A = arith.constant 0 : i32
    %cond3A_84 = arith.cmpi ne, %convert_element_type3A_83, %cond3A : i32
    scf.if %cond3A_84 {
      %swap3A_95 = arith.constant 0 : index
      %swap3A_96 = arith.constant 0 : index
      %swap3A_97 = vector.load %arg21[%swap3A_95, %swap3A_96] : memref<64x32xf32, #tpu.memory_space<vmem>>, vector<64x32xf32>
      tpu.vector_store %arg21[%swap3A_95, %swap3A_96], %dot_general3A_79 {strides = array<i32>} : memref<64x32xf32, #tpu.memory_space<vmem>>, vector<64x32xf32>,
      %swap3A_98 = arith.constant 0 : index
      %swap3A_99 = arith.constant 0 : index
      %swap3A_100 = vector.load %arg22[%swap3A_98, %swap3A_99] : memref<64x1xf32, #tpu.memory_space<vmem>>, vector<64x1xf32>
      tpu.vector_store %arg22[%swap3A_98, %swap3A_99], %broadcast_in_dim3A {strides = array<i32>} : memref<64x1xf32, #tpu.memory_space<vmem>>, vector<64x1xf32>,
    } else {
    }
    %gt3A_85 = arith.constant 0 : i32
    %gt3A_86 = arith.cmpi sgt, %arg0, %gt3A_85 : i32
    %convert_element_type3A_87 = arith.extui %gt3A_86 : i1 to i32
    %cond3A_88 = arith.constant 0 : i32
    %cond3A_89 = arith.cmpi ne, %convert_element_type3A_87, %cond3A_88 : i32
    scf.if %cond3A_89 {
      %get3A_95 = arith.constant 0 : index
      %get3A_96 = arith.constant 0 : index
      %get3A_97 = vector.load %arg21[%get3A_95, %get3A_96] : memref<64x32xf32, #tpu.memory_space<vmem>>, vector<64x32xf32>
      %add3A_98 = arith.addf %get3A_97, %dot_general3A_79 : vector<64x32xf32>
      %swap3A_99 = arith.constant 0 : index
      %swap3A_100 = arith.constant 0 : index
      %swap3A_101 = vector.load %arg21[%swap3A_99, %swap3A_100] : memref<64x32xf32, #tpu.memory_space<vmem>>, vector<64x32xf32>
      tpu.vector_store %arg21[%swap3A_99, %swap3A_100], %add3A_98 {strides = array<i32>} : memref<64x32xf32, #tpu.memory_space<vmem>>, vector<64x32xf32>,
      %get3A_102 = arith.constant 0 : index
      %get3A_103 = arith.constant 0 : index
      %get3A_104 = vector.load %arg22[%get3A_102, %get3A_103] : memref<64x1xf32, #tpu.memory_space<vmem>>, vector<64x1xf32>
      %add3A_105 = arith.addf %get3A_104, %broadcast_in_dim3A : vector<64x1xf32>
      %swap3A_106 = arith.constant 0 : index
      %swap3A_107 = arith.constant 0 : index
      %swap3A_108 = vector.load %arg22[%swap3A_106, %swap3A_107] : memref<64x1xf32, #tpu.memory_space<vmem>>, vector<64x1xf32>
      tpu.vector_store %arg22[%swap3A_106, %swap3A_107], %add3A_105 {strides = array<i32>} : memref<64x1xf32, #tpu.memory_space<vmem>>, vector<64x1xf32>,
    } else {
    }
    %eq3A_90 = arith.constant 9 : i32
    %eq3A_91 = arith.cmpi eq, %arg0, %eq3A_90 : i32
    %convert_element_type3A_92 = arith.extui %eq3A_91 : i1 to i32
    %cond3A_93 = arith.constant 0 : i32
    %cond3A_94 = arith.cmpi ne, %convert_element_type3A_92, %cond3A_93 : i32
    scf.if %cond3A_94 {
      %get3A_95 = arith.constant 0 : index
      %get3A_96 = arith.constant 0 : index
      %get3A_97 = vector.load %arg21[%get3A_95, %get3A_96] : memref<64x32xf32, #tpu.memory_space<vmem>>, vector<64x32xf32>
      %get3A_98 = arith.constant 0 : index
      %get3A_99 = arith.constant 0 : index
      %get3A_100 = vector.load %arg22[%get3A_98, %get3A_99] : memref<64x1xf32, #tpu.memory_space<vmem>>, vector<64x1xf32>
      %max3A = arith.constant 1.000000e+00 : f32
      %max3A_101 = vector.broadcast %max3A : f32 to vector<64x1xf32>
      %max3A_102 = arith.maximumf %get3A_100, %max3A_101 : vector<64x1xf32>
      %div3A = vector.broadcast %max3A_102 : vector<64x1xf32> to vector<64x32xf32>
      %div3A_103 = arith.divf %get3A_97, %div3A : vector<64x32xf32>
      %get3A_104 = arith.constant 0 : index
      %get3A_105 = arith.constant 0 : index
      %get3A_106 = vector.load %arg13[%get3A_104, %get3A_105] : memref<32x128xf32, #tpu.memory_space<vmem>>, vector<32x128xf32>
      %dot_general3A_107 = arith.constant dense<0.000000e+00> : vector<64x128xf32>
      %dot_general3A_108 = tpu.matmul %div3A_103, %get3A_106, %dot_general3A_107 {dimension_numbers = #tpu.dot_dimension_numbers<[1], [0], [0], [1], [0, 0, 1, 1], [], []>, transpose_lhs_hint = false} : vector<64x32xf32>, vector<32x128xf32>, vector<64x128xf32> -> vector<64x128xf32>
      %get3A_109 = arith.constant 0 : index
      %get3A_110 = arith.constant 0 : index
      %get3A_111 = vector.load %arg14[%get3A_109, %get3A_110] : memref<1x128xf32, #tpu.memory_space<vmem>>, vector<1x128xf32>
      %add3A_112 = vector.broadcast %get3A_111 : vector<1x128xf32> to vector<64x128xf32>
      %add3A_113 = arith.addf %dot_general3A_108, %add3A_112 : vector<64x128xf32>
      %neg3A = arith.constant 0.000000e+00 : f32
      %neg3A_114 = vector.broadcast %neg3A : f32 to vector<64x128xf32>
      %neg3A_115 = arith.subf %neg3A_114, %add3A_113 : vector<64x128xf32>
      %exp3A_116 = math.exp %neg3A_115 : vector<64x128xf32>
      %add3A_117 = arith.constant 1.000000e+00 : f32
      %add3A_118 = vector.broadcast %add3A_117 : f32 to vector<64x128xf32>
      %add3A_119 = arith.addf %add3A_118, %exp3A_116 : vector<64x128xf32>
      %div3A_120 = arith.divf %add3A_113, %add3A_119 : vector<64x128xf32>
      %get3A_121 = arith.constant 0 : index
      %get3A_122 = arith.constant 0 : index
      %get3A_123 = vector.load %arg15[%get3A_121, %get3A_122] : memref<128x64xf32, #tpu.memory_space<vmem>>, vector<128x64xf32>
      %dot_general3A_124 = arith.constant dense<0.000000e+00> : vector<64x64xf32>
      %dot_general3A_125 = tpu.matmul %div3A_120, %get3A_123, %dot_general3A_124 {dimension_numbers = #tpu.dot_dimension_numbers<[1], [0], [0], [1], [0, 0, 1, 1], [], []>, transpose_lhs_hint = false} : vector<64x128xf32>, vector<128x64xf32>, vector<64x64xf32> -> vector<64x64xf32>
      %get3A_126 = arith.constant 0 : index
      %get3A_127 = arith.constant 0 : index
      %get3A_128 = vector.load %arg16[%get3A_126, %get3A_127] : memref<1x64xf32, #tpu.memory_space<vmem>>, vector<1x64xf32>
      %add3A_129 = vector.broadcast %get3A_128 : vector<1x64xf32> to vector<64x64xf32>
      %add3A_130 = arith.addf %dot_general3A_125, %add3A_129 : vector<64x64xf32>
      %neg3A_131 = arith.constant 0.000000e+00 : f32
      %neg3A_132 = vector.broadcast %neg3A_131 : f32 to vector<64x64xf32>
      %neg3A_133 = arith.subf %neg3A_132, %add3A_130 : vector<64x64xf32>
      %exp3A_134 = math.exp %neg3A_133 : vector<64x64xf32>
      %add3A_135 = arith.constant 1.000000e+00 : f32
      %add3A_136 = vector.broadcast %add3A_135 : f32 to vector<64x64xf32>
      %add3A_137 = arith.addf %add3A_136, %exp3A_134 : vector<64x64xf32>
      %div3A_138 = arith.divf %add3A_130, %add3A_137 : vector<64x64xf32>
      %get3A_139 = arith.constant 0 : index
      %get3A_140 = arith.constant 0 : index
      %get3A_141 = vector.load %arg17[%get3A_139, %get3A_140] : memref<64x1xf32, #tpu.memory_space<vmem>>, vector<64x1xf32>
      %dot_general3A_142 = arith.constant dense<0.000000e+00> : vector<64x1xf32>
      %dot_general3A_143 = tpu.matmul %div3A_138, %get3A_141, %dot_general3A_142 {dimension_numbers = #tpu.dot_dimension_numbers<[1], [0], [0], [1], [0, 0, 1, 1], [], []>, transpose_lhs_hint = false} : vector<64x64xf32>, vector<64x1xf32>, vector<64x1xf32> -> vector<64x1xf32>
      %get3A_144 = arith.constant 0 : index
      %get3A_145 = arith.constant 0 : index
      %get3A_146 = vector.load %arg18[%get3A_144, %get3A_145] : memref<1x1xf32, #tpu.memory_space<vmem>>, vector<1x1xf32>
      %add3A_147 = vector.broadcast %get3A_146 : vector<1x1xf32> to vector<64x1xf32>
      %add3A_148 = arith.addf %dot_general3A_143, %add3A_147 : vector<64x1xf32>
      %swap3A_149 = arith.constant 0 : index
      %swap3A_150 = arith.constant 0 : index
      %swap3A_151 = vector.load %arg20[%swap3A_149, %swap3A_150] : memref<64x1xf32, #tpu.memory_space<vmem>>, vector<64x1xf32>
      tpu.vector_store %arg20[%swap3A_149, %swap3A_150], %add3A_148 {strides = array<i32>} : memref<64x1xf32, #tpu.memory_space<vmem>>, vector<64x1xf32>,
    } else {
    }
    return
  }
  func.func @transform_0(%arg0: i32) -> (i32, i32, i32) {
    %c0_i32 = arith.constant 0 : i32
    %c0_i32_0 = arith.constant 0 : i32
    %c0_i32_1 = arith.constant 0 : i32
    return %c0_i32, %arg0, %c0_i32_0 : i32, i32, i32
  }
  func.func @transform_1(%arg0: i32) -> (i32, i32) {
    %c0_i32 = arith.constant 0 : i32
    %c0_i32_0 = arith.constant 0 : i32
    return %arg0, %c0_i32 : i32, i32
  }
  func.func @transform_2(%arg0: i32) -> (i32, i32) {
    %c0_i32 = arith.constant 0 : i32
    %c0_i32_0 = arith.constant 0 : i32
    return %arg0, %c0_i32 : i32, i32
  }
  func.func @transform_3(%arg0: i32) -> (i32, i32) {
    %c0_i32 = arith.constant 0 : i32
    %c0_i32_0 = arith.constant 0 : i32
    return %arg0, %c0_i32 : i32, i32
  }
  func.func @transform_4(%arg0: i32) -> (i32, i32) {
    %c0_i32 = arith.constant 0 : i32
    %c0_i32_0 = arith.constant 0 : i32
    %c0_i32_1 = arith.constant 0 : i32
    return %c0_i32, %c0_i32_0 : i32, i32
  }
  func.func @transform_5(%arg0: i32) -> (i32, i32) {
    %c0_i32 = arith.constant 0 : i32
    %c0_i32_0 = arith.constant 0 : i32
    %c0_i32_1 = arith.constant 0 : i32
    return %c0_i32, %c0_i32_0 : i32, i32
  }
  func.func @transform_6(%arg0: i32) -> (i32, i32, i32) {
    %c0_i32 = arith.constant 0 : i32
    %c0_i32_0 = arith.constant 0 : i32
    %c0_i32_1 = arith.constant 0 : i32
    return %arg0, %c0_i32, %c0_i32_0 : i32, i32, i32
  }
  func.func @transform_7(%arg0: i32) -> (i32, i32) {
    %c0_i32 = arith.constant 0 : i32
    %c0_i32_0 = arith.constant 0 : i32
    %c0_i32_1 = arith.constant 0 : i32
    return %c0_i32, %c0_i32_0 : i32, i32
  }
  func.func @transform_8(%arg0: i32) -> (i32, i32) {
    %c0_i32 = arith.constant 0 : i32
    %c0_i32_0 = arith.constant 0 : i32
    %c0_i32_1 = arith.constant 0 : i32
    return %c0_i32, %c0_i32_0 : i32, i32
  }
  func.func @transform_9(%arg0: i32) -> (i32, i32) {
    %c0_i32 = arith.constant 0 : i32
    %c0_i32_0 = arith.constant 0 : i32
    %c0_i32_1 = arith.constant 0 : i32
    return %c0_i32, %c0_i32_0 : i32, i32
  }
  func.func @transform_10(%arg0: i32) -> (i32, i32) {
    %c0_i32 = arith.constant 0 : i32
    %c0_i32_0 = arith.constant 0 : i32
    %c0_i32_1 = arith.constant 0 : i32
    return %c0_i32, %c0_i32_0 : i32, i32
  }
  func.func @transform_11(%arg0: i32) -> (i32, i32) {
    %c0_i32 = arith.constant 0 : i32
    %c0_i32_0 = arith.constant 0 : i32
    %c0_i32_1 = arith.constant 0 : i32
    return %c0_i32, %c0_i32_0 : i32, i32
  }
  func.func @transform_12(%arg0: i32) -> (i32, i32) {
    %c0_i32 = arith.constant 0 : i32
    %c0_i32_0 = arith.constant 0 : i32
    %c0_i32_1 = arith.constant 0 : i32
    return %c0_i32, %c0_i32_0 : i32, i32
  }
  func.func @transform_13(%arg0: i32) -> (i32, i32) {
    %c0_i32 = arith.constant 0 : i32
    %c0_i32_0 = arith.constant 0 : i32
    %c0_i32_1 = arith.constant 0 : i32
    return %c0_i32, %c0_i32_0 : i32, i32
  }
  func.func @transform_14(%arg0: i32) -> (i32, i32) {
    %c0_i32 = arith.constant 0 : i32
    %c0_i32_0 = arith.constant 0 : i32
    %c0_i32_1 = arith.constant 0 : i32
    return %c0_i32, %c0_i32_0 : i32, i32
  }
  func.func @transform_15(%arg0: i32) -> (i32, i32) {
    %c0_i32 = arith.constant 0 : i32
    %c0_i32_0 = arith.constant 0 : i32
    %c0_i32_1 = arith.constant 0 : i32
    return %c0_i32, %c0_i32_0 : i32, i32
  }
  func.func @transform_16(%arg0: i32) -> (i32, i32) {
    %c0_i32 = arith.constant 0 : i32
    %c0_i32_0 = arith.constant 0 : i32
    %c0_i32_1 = arith.constant 0 : i32
    return %c0_i32, %c0_i32_0 : i32, i32
  }
  func.func @transform_17(%arg0: i32) -> (i32, i32) {
    %c0_i32 = arith.constant 0 : i32
    %c0_i32_0 = arith.constant 0 : i32
    %c0_i32_1 = arith.constant 0 : i32
    return %c0_i32, %c0_i32_0 : i32, i32
  }
  func.func @transform_18(%arg0: i32) -> (i32, i32) {
    %c0_i32 = arith.constant 0 : i32
    %c0_i32_0 = arith.constant 0 : i32
    return %arg0, %c0_i32 : i32, i32
  }
  func.func @transform_19(%arg0: i32) -> (i32, i32) {
    %c0_i32 = arith.constant 0 : i32
    %c0_i32_0 = arith.constant 0 : i32
    %c0_i32_1 = arith.constant 0 : i32
    return %c0_i32, %c0_i32_0 : i32, i32
  }
}

</mosaic_0001>

<sc_bundles>
// kernel: kernel.7.cloned.1.call-start
scs
__scs_entry_jumppad:
0x0: {  	(pc) =	sbr.rel $0x88, $3  }
0x1: {  	(tag) =	ssettag $0x0;
	lr =	simm.s32 $0x1  }
0x2: {  	[smem:$0x3F8C] =	sst lr;
	_ =	strace $0xD0000000  }
0x3: {  	_ = 	snop  }
0x4: {  	_ = 	snop  }
0x5: {  	_ = 	snop  }
0x6: {  	_ = 	snop  }
0x7: {  	_ = 	snop  }
__scs_overlays_trampoline_lowered:
0x8: {  	[smem:$0x3F9B] =	sst s0  }
0x9: {  	[smem:$0x3F9C] =	sst s1  }
0xa: {  	[smem:$0x3F9D] =	sst s2  }
0xb: {  	[smem:$0x3F9E] =	sst s3  }
0xc: {  	[smem:$0x3F9F] =	sst s4  }
0xd: {  	[smem:$0x3FA0] =	sst s5  }
0xe: {  	[smem:$0x3FA1] =	sst s6  }
0xf: {  	[smem:$0x3FA2] =	sst s7  }
0x10: {  	[smem:$0x3FA3] =	sst s8  }
0x11: {  	[smem:$0x3FA4] =	sst s9;
	s0 =	simm.s32 @!p0 $0x0  }
0x12: {  	s1 =	sld [smem:$0x3F8A];
	s0 =	simm.s32 @p0 $0x1  }
0x13: {  	[smem:$0x3FA5] =	sst s0;
	s0 =	simm.s32 @!p1 $0x0  }
0x14: {  	s2 =	sld [smem:$0x3F89];
	s0 =	simm.s32 @p1 $0x1  }
0x15: {  	[smem:$0x3FA6] =	sst s0;
	s0 =	simm.s32 @!p2 $0x0  }
0x16: {  	s3 =	sld [smem:$0x3FDB];
	s0 =	simm.s32 @p2 $0x1  }
0x17: {  	s4 =	simm.s32 $0x1BF5;
	[smem:$0x3FA8] =	sst s0  }
0x18: {  	s0 =	sld [smem:$0x3F8B];
	_ =	swait.ge [sflag:s4], $0x0  }
0x19: {  	s7 =	sld [smem:$0x3F8C]  }
0x1a: {  	s8 =	sadd.s32 $0xFFFFE003, lr  }
0x1b: {  	s9 =	sadd.s32 $0xFFFFFEF7, lr;
	s5 =	simm.s32 $0xFFFFFFFF;
	p2 =	slt.u32 s8, $0xFFFFF086  }
0x1c: {  	p1 =	slt.u32 s9, $0xF7A;
	s5 =	simm.s32 @!p2 $0x0  }
0x1d: {  	s5 =	simm.s32 @p1 $0x1;
	p0 =	seq.s32 s7, s2  }
0x1e: {  	s7 =	smul.u32 @!p0 $0xF7A, s2;
	p2 =	seq.s32 @!p0 s5, $0x0  }
0x1f: {  	s9 =	smul.u32 $0xF7A, s1;
	s8 =	simm.s32 @!p0 $0x1BF5;
	p2 =	por !p2, p0  }
0x20: {  	[sflag:s8] =	ssyncset.s32 @!p0 $0xFFFFF086;
	s6 =	sadd.s32 @!p0 s3, s7;
	s7 =	simm.s32 @!p0 $0x108  }
0x21: {  	s3 =	sadd.s32 s3, s9;
	s6 =	sadd.s32 @!p0 $0x88, s6;
	s7 =	simm.s32 @p2 $0x1082  }
0x22: {  	[simem:s7], [sflag:s8] =	dma.local @!p0 [hbm:s6], $0xF7A  }
0x23: {  	s9 =	sor.u32 $0xD0000000, s2;
	s6 =	simm.s32 $0x108;
	_ =	swait.ge @!p0 [sflag:s8], $0x0  }
0x24: {  	s3 =	sadd.s32 $0x88, s3;
	s6 =	simm.s32 @!p1 $0x1082;
	[sflag:s4] =	ssyncset.s32 $0xFFFFF086  }
0x25: {  	[simem:s6], [sflag:s4] =	dma.local [hbm:s3], $0xF7A  }
0x26: {  	[smem:$0x3F8C] =	sst s1;
	(tag) =	ssettag s2;
	_ =	strace s9  }
0x27: {  	s1 =	sld [smem:$0x3F9C]  }
0x28: {  	s2 =	sld [smem:$0x3F9D]  }
0x29: {  	s4 =	sld [smem:$0x3F9F]  }
0x2a: {  	p0 =	seq.s32 s5, $0x0;
	s5 =	sld [smem:$0x3FA0]  }
0x2b: {  	s6 =	sld [smem:$0x3FA1]  }
0x2c: {  	s7 =	sld [smem:$0x3FA2]  }
0x2d: {  	s3 =	simm.s32 $0x108;
	s8 =	sld [smem:$0x3FA3]  }
0x2e: {  	s3 =	simm.s32 @!p0 $0x1082;
	s9 =	sld [smem:$0x3FA4]  }
0x2f: {  	lr =	sadd.s32 s0, s3;
	s0 =	sld [smem:$0x3F9B]  }
0x30: {  	s3 =	sld [smem:$0x3F9E]  }
0x31: {  	[smem:$0x3FA7] =	sst s10  }
0x32: {  	s10 =	sld [smem:$0x3FA5];
	_ =	sdelay $0x3  }
0x33: {  	p0 =	seq.s32 s10, $0x1;
	s10 =	sld [smem:$0x3FA7];
	_ =	sdelay $0x3  }
0x34: {  	[smem:$0x3FA7] =	sst s10  }
0x35: {  	s10 =	sld [smem:$0x3FA6];
	_ =	sdelay $0x3  }
0x36: {  	p1 =	seq.s32 s10, $0x1;
	s10 =	sld [smem:$0x3FA7];
	_ =	sdelay $0x3  }
0x37: {  	[smem:$0x3FA7] =	sst s10  }
0x38: {  	s10 =	sld [smem:$0x3FA8]  }
0x39: {  	_ = 	snop;
	(pc) =	sbr.ind lr, $3  }
0x3a: {  	_ = 	snop  }
0x3b: {  	_ = 	snop  }
0x3c: {  	p2 =	seq.s32 s10, $0x1;
	s10 =	sld [smem:$0x3FA7]  }
0x3d: {  	_ =	shalt  }
0x3e: {  	_ =	shalt  }
0x3f: {  	_ =	shalt  }
0x40: {  	_ =	shalt  }
0x41: {  	_ =	shalt  }
0x42: {  	_ =	shalt  }
0x43: {  	_ =	shalt  }
0x44: {  	_ =	shalt  }
0x45: {  	_ =	shalt  }
0x46: {  	_ =	shalt  }
0x47: {  	_ =	shalt  }
0x48: {  	_ =	shalt  }
0x49: {  	_ =	shalt  }
0x4a: {  	_ =	shalt  }
0x4b: {  	_ =	shalt  }
0x4c: {  	_ =	shalt  }
0x4d: {  	_ =	shalt  }
0x4e: {  	_ =	shalt  }
0x4f: {  	_ =	shalt  }
0x50: {  	_ =	shalt  }
0x51: {  	_ =	shalt  }
0x52: {  	_ =	shalt  }
0x53: {  	_ =	shalt  }
0x54: {  	_ =	shalt  }
0x55: {  	_ =	shalt  }
0x56: {  	_ =	shalt  }
0x57: {  	_ =	shalt  }
0x58: {  	_ =	shalt  }
0x59: {  	_ =	shalt  }
0x5a: {  	_ =	shalt  }
0x5b: {  	_ =	shalt  }
0x5c: {  	_ =	shalt  }
0x5d: {  	_ =	shalt  }
0x5e: {  	_ =	shalt  }
0x5f: {  	_ =	shalt  }
0x60: {  	_ =	shalt  }
0x61: {  	_ =	shalt  }
0x62: {  	_ =	shalt  }
0x63: {  	_ =	shalt  }
0x64: {  	_ =	shalt  }
0x65: {  	_ =	shalt  }
0x66: {  	_ =	shalt  }
0x67: {  	_ =	shalt  }
0x68: {  	_ =	shalt  }
0x69: {  	_ =	shalt  }
0x6a: {  	_ =	shalt  }
0x6b: {  	_ =	shalt  }
0x6c: {  	_ =	shalt  }
0x6d: {  	_ =	shalt  }
0x6e: {  	_ =	shalt  }
0x6f: {  	_ =	shalt  }
0x70: {  	_ =	shalt  }
0x71: {  	_ =	shalt  }
0x72: {  	_ =	shalt  }
0x73: {  	_ =	shalt  }
0x74: {  	_ =	shalt  }
0x75: {  	_ =	shalt  }
0x76: {  	_ =	shalt  }
0x77: {  	_ =	shalt  }
0x78: {  	_ =	shalt  }
0x79: {  	_ =	shalt  }
0x7a: {  	_ =	shalt  }
0x7b: {  	_ =	shalt  }
0x7c: {  	_ =	shalt  }
0x7d: {  	_ =	shalt  }
0x7e: {  	_ =	shalt  }
0x7f: {  	_ =	shalt  }
0x80: {  	_ =	shalt  }
0x81: {  	_ =	shalt  }
0x82: {  	_ =	shalt  }
0x83: {  	_ =	shalt  }
0x84: {  	_ =	shalt  }
0x85: {  	_ =	shalt  }
0x86: {  	_ =	shalt  }
0x87: {  	_ =	shalt  }
.Lfunc_end0:
.L_simem_size_0:
called_computation_lowered:
.L_overlay_start_0:
0x88: {  	s2 =	sld [smem:$0x3FD9]  }
0x89: {  	s3 =	sld [smem:$0x3FFE];
	_ =	sdelay $0x1  }
0x8a: {  	s1 =	srdreg.scid  }
0x8b: {  	s0 =	sand.u32 $0x1, s1  }
0x8c: {  	s16 =	sshll.u32 s0, $0xA;
	s2 =	sadd.s32 s3, s2  }
0x8d: {  	s2 =	sadd.s32 s2, s16  }
0x8e: {  	[smem:$0x3FB3] =	sst s2  }
0x8f: {  	_ = 	snop  }
0x90: {  	(tm) =	ssettm $0x1  }
0x91: {  	s17 =	sld [smem:$0x3FFB];
	_ =	sdelay $0x3  }
0x92: {  	_ =	strace s17  }
0x93: {  	s2 =	sld [smem:$0x3FFC];
	_ =	sdelay $0x3  }
0x94: {  	_ =	strace s2  }
0x95: {  	s2 =	sld [smem:$0x3FFD];
	_ =	sdelay $0x3  }
0x96: {  	_ =	strace s2  }
0x97: {  	_ =	strace $0x8FFFFFFF  }
0x98: {  	s18 =	sld [smem:$0x3FDB];
	_ =	sdelay $0x1  }
0x99: {  	s19 =	simm.s32 $_scs_section_size  }
0x9a: {  	s4 =	simm.s32 $_size__tile_overlayer_lowered;
	s5 =	simm.s32 $_tile_overlayer_lowered  }
0x9b: {  	s22 =	simm.s32 $0x1BFF;
	s21 =	sshll.u32 s5, $0x1;
	s2 =	sadd.s32 s19, s18  }
0x9c: {  	s6 =	simm.s32 $0x0;
	s20 =	sshll.u32 s4, $0x1;
	s4 =	sadd.s32 s21, s2  }
0x9d: {  	[timem:s6], [sflag:s22] =	dma.local [hbm:s4], s20  }
0x9e: {  	_ =	swait.ge [sflag:s22], s20  }
0x9f: {  	s3 =	ssub.s32 $0x0, s20;
	[sflag:s22] =	ssyncset.done $0x0  }
0xa0: {  	[sflag:s22] =	ssyncadd.s32 s3;
	_ =	sdelay $0x1  }
0xa1: {  	s23 =	simm.s32 $0x1B8B  }
0xa2: {  	_ =	swait.ge [sflag:s23], $0x1  }
0xa3: {  	[sflag:s23] =	ssyncset.done $0x0  }
0xa4: {  	s25 =	simm.s32 $0x1B8E;
	s24 =	sld [smem:$0x3FFE];
	[sflag:s23] =	ssyncadd.s32 $0xFFFFFFFF  }
0xa5: {  	s26 =	simm.s32 $execute0_lowered;
	[smem:$0x3FD2] =	sst s25  }
0xa6: {  	s4 =	sshll.u32 s26, $0x1;
	_ =	strace $0x80000046;
	[dreg:$0x1] =	wrdreg $0xFFFFFFFF  }
0xa7: {  	s28 =	simm.s32 $_size_execute0_lowered;
	s2 =	sadd.s32 s2, s4;
	[dreg:$0x0] =	wrdreg $0x0  }
0xa8: {  	s4 =	sshll.u32 s28, $0x1;
	[dreg:$0x2] =	wrdreg s2  }
0xa9: {  	[dreg:$0x3] =	wrdreg s4  }
0xaa: {  	[dreg:$0x4] =	wrdreg $0xC0  }
0xab: {  	_ =	task [dreg:s6], $0x5FFFF  }
0xac: {  	[dreg:$0x1] =	wrdreg $0xFFFFFFFF  }
0xad: {  	[dreg:$0x0] =	wrdreg $0x60  }
0xae: {  	[dreg:$0x2] =	wrdreg s24  }
0xaf: {  	[dreg:$0x3] =	wrdreg $0xA4000  }
0xb0: {  	[dreg:$0x4] =	wrdreg $0x9  }
0xb1: {  	_ =	task.clear_ibuf [dreg:s6], $0x5FFFF;
	_ =	strace $0x90000046  }
0xb2: {  	s29 =	simm.s32 $0x9;
	_ =	strace $0x80000048  }
0xb3: {  	_ =	swait.ge [sflag:s29], $0x1  }
0xb4: {  	[sflag:s29] =	ssyncadd.s32 $0xFFFFFFFF  }
0xb5: {  	_ =	strace $0x90000048  }
0xb6: {  	_ =	sfence  }
0xb7: {  	s30 =	sld [smem:$0x0];
	_ =	sdelay $0x2  }
0xb8: {  	s31 =	sshll.u32 s1, $0xD;
	s1 =	sshrl.u32 s1, $0x2  }
0xb9: {  	s3 =	sand.u32 $0x4000, s31;
	s1 =	sadd.s32 s1, s30  }
0xba: {  	s0 =	sor.u32 s3, s0;
	s1 =	sshll.u32 s1, $0x11  }
0xbb: {  	s0 =	sor.u32 s1, s0  }
0xbc: {  	s0 =	sadd.s32 $0x8F2B, s0  }
0xbd: {  	[sflag:s0] =	ssyncadd.remote.s32 $0x1  }
0xbe: {  	_ =	sfence.sel $0xFFFF  }
0xbf: {  	[dreg:$0x0] =	wrdreg $0xFFFFFFFF;
	(pc) =	sbr.abs _section_cstart, $3  }
0xc0: {  	[dreg:$0x1] =	wrdreg $0xFFFFFFFF  }
0xc1: {  	_ =	task.clear_ibuf [dreg:s6], $0x2FFFF;
	_ =	strace $0x9FFFFFFF  }
0xc2: {  	(tm) =	ssettm $0x7FFFFFFF  }
0xc3: {  	_ =	shalt  }
tec
execute0_lowered:
.L_overlay_start_1:
0x0: {  	(tag) =	ssettag $0x1  }
0x1: {  	s0 =	rddreg [dreg:$0x0]  }
0x2: {  	s2 =	rddreg [dreg:$0x1]  }
0x3: {  	s3 =	simm.s32 $0x0;
	s12 =	stileid.u32;
	s1 =	srdreg.scid  }
0x4: {  	s17 =	simm.s32 $0x3;
	s18 =	simm.s32 $0xC00;
	s19 =	simm.s32 $0x1  }
0x5: {  	s20 =	simm.s32 $0x80;
	s21 =	simm.s32 $0x2400;
	s22 =	simm.s32 $0x6400  }
0x6: {  	s23 =	simm.s32 $0x1400;
	s24 =	simm.s32 $0x2;
	[smem:$0x7FF] =	sst s3  }
0x7: {  	s8 =	smul.u32 $0x14000, s12;
	s1 =	sand.u32 $0x1, s1;
	s4 =	sadd.s32 $0x36600, s0  }
0x8: {  	s5 =	sadd.s32 $0xE600, s0;
	s6 =	sadd.s32 $0x4A600, s0;
	s7 =	sadd.s32 $0x72600, s0  }
0x9: {  	s11 =	smul.u32 $0x50000, s12;
	s29 =	sshll.u32 s12, $0x6;
	_ =	strace $0x80000047  }
0xa: {  	s9 =	smul.u32 $0x140000, s1;
	s25 =	ssub.s32 $0x2, s1;
	s1 =	sshll.u32 s1, $0x4  }
0xb: {  	s10 =	sshrl.u32 s8, $0x3;
	s26 =	sshrl.u32 s25, $0x1;
	s28 =	sshrl.u32 s11, $0x2  }
0xc: {  	s1 =	sor.u32 s12, s1;
	s10 =	sadd.s32 s10, s0;
	s8 =	sadd.s32 s8, s9  }
0xd: {  	s14 =	sadd.s32 s28, s2;
	s11 =	smul.u32 $0x5000, s1;
	s8 =	sshrl.u32 s8, $0x3  }
0xe: {  	s12 =	smul.u32 $0xA000, s1;
	s9 =	sadd.s32 $0x9A600, s10;
	s13 =	sadd.s32 s8, s0  }
0xf: {  	s10 =	sor.u32 $0x1C03, s29;
	s8 =	sadd.s32 $0xC2600, s0;
	s30 =	sadd.s32 $0xEA600, s13  }
0x10: {  	s0 =	ssub.s32 s25, s26;
	s31 =	sadd.s32 $0x13A600, s13;
	[dreg:$0x3] =	wrdreg s30  }
0x11: {  	s16 =	sshrl.u32 s14, $0x3;
	s0 =	smax.u32 s0, $0x1;
	[dreg:$0x4] =	wrdreg s31  }
0x12: {  	v0 =	vlaneseq.u32;
	v1 =	vimm.f32 $1.000000000e+00;
	s25 =	simm.s32 $0x400;
	s26 =	simm.s32 $0x0;
	[dreg:$0x5] =	wrdreg s0  }
.LBB2_1:
0x13: {  	[spmem:s16], [sflag:s10] =	dma.local [hbm:s9], $0x2800  }
0x14: {  	_ =	swait.ge [sflag:s17], $0x2800  }
0x15: {  	[sflag:s17] =	ssyncset.done $0x0  }
0x16: {  	[sflag:s17] =	ssyncadd.s32 $0xFFFFD800  }
0x17: {  	s0 =	simm.s32 $0x0;
	[bflag:$0x0] =	sbarrier.arrive $0xFFFF  }
.LBB2_2:
0x18: {  	p0 =	seq.s32 s0, $0x0  }
0x19: {  	s13 =	sshll.u32 s0, $0xA;
	s1 =	simm.s32 @!p0 $0x2  }
0x1a: {  	s13 =	sadd.s32 s11, s13;
	_ =	swait.ge @!p0 [sflag:s1], $0x4000  }
0x1b: {  	s31 =	sshll.u32 s0, $0xB;
	s13 =	sshrl.u32 s13, $0x3;
	[sflag:s1] =	ssyncset.done @!p0 $0x0  }
0x1c: {  	s13 =	sadd.s32 s4, s13;
	[sflag:s1] =	ssyncadd.s32 @!p0 $0xFFFFC000;
	s1 =	simm.s32 $0x0  }
0x1d: {  	[tilespmem:s1], [sflag:$0x3] =	stream.linear.gather [hbm4b:s13+s1], $0x400, $0x38;
	[tilespmem:$0x1E400] =	vst v63  }
0x1e: {  	s13 =	sadd.s32 s12, s31;
	_ =	swait.ge [sflag:s17], $0x400  }
0x1f: {  	s13 =	sshrl.u32 s13, $0x3;
	[sflag:s17] =	ssyncset.done $0x0  }
0x20: {  	s14 =	sadd.s32 s5, s13;
	[sflag:s17] =	ssyncadd.s32 $0xFFFFFC00  }
0x21: {  	[tilespmem:s18], [sflag:$0x1] =	stream.linear.gather [hbm4b:s14+s1], $0x800, $0x38;
	[tilespmem:$0x1E400] =	vst v63  }
0x22: {  	_ =	swait.ge [sflag:s19], $0x800  }
0x23: {  	[sflag:s19] =	ssyncset.done $0x0  }
0x24: {  	s28 =	simm.s32 $0x0;
	s29 =	simm.s32 $0x0;
	[sflag:s19] =	ssyncadd.s32 $0xFFFFF800  }
.LBB2_3:
0x25: {  	s14 =	sshll.u32 s29, $0x8;
	p0 =	seq.s32 s29, $0x0  }
0x26: {  	s14 =	sand.u32 $0x3FFFFF00, s14;
	s15 =	simm.s32 @!p0 $0x2  }
0x27: {  	[tilespmem:s21], [sflag:$0x1] =	stream.indirect.gather [hbm4b:s6+s20], $0x80, s14, s20, $0xb8;
	[tilespmem:$0x1E400] =	vst v63  }
0x28: {  	_ =	swait.ge @!p0 [sflag:s15], $0x4000  }
0x29: {  	[sflag:s15] =	ssyncset.done @!p0 $0x0  }
0x2a: {  	s30 =	sadd.s32 $0x80, s14;
	[sflag:s15] =	ssyncadd.s32 @!p0 $0xFFFFC000  }
0x2b: {  	[tilespmem:s22], [sflag:$0x1] =	stream.indirect.gather [hbm4b:s6+s20], $0x80, s30, s20, $0xb8;
	[tilespmem:$0x1E400] =	vst v63  }
0x2c: {  	v2 =	vor.u32 s1, v0;
	_ =	swait.ge [sflag:s19], $0x4000  }
0x2d: {  	v3 =	vshll.u32 v2, $0x7;
	[sflag:s19] =	ssyncset.done $0x0  }
0x2e: {  	v4 =	vor.u32 $0x4, v3;
	[sflag:s19] =	ssyncadd.s32 $0xFFFFC000  }
0x2f: {  	v2 =	vshll.u32 v2, $0x2;
	v5 =	vor.u32 $0x5, v3;
	s15 =	sand.u32 $0xFFFFFE00, s28;
	_ =	swait.ge [sflag:s19], $0x4000  }
0x30: {  	v2 =	vor.u32 s15, v2;
	[sflag:s19] =	ssyncset.done $0x0  }
0x31: {  	v6 =	vor.u32 $0x1, v3;
	[sflag:s19] =	ssyncadd.s32 $0xFFFFC000  }
0x32: {  	v7 =	vor.u32 $0x6, v3;
	v8 =	vld.idx.msk [tilespmem:v3+s21+$0x0], $0xffff  }
0x33: {  	v9 =	vor.u32 $0x1, v2;
	v4 =	vld.idx.msk [tilespmem:v4+s22+$0x0], $0xffff  }
0x34: {  	v10 =	vor.u32 $0x2, v3;
	v5 =	vld.idx.msk [tilespmem:v5+s22+$0x0], $0xffff  }
0x35: {  	v11 =	vor.u32 $0x7, v3;
	v12 =	vld.idx.msk [tilespmem:v2+s18+$0x0], $0xffff  }
0x36: {  	v14 =	vor.u32 $0x2, v2;
	v13 =	vld.idx.msk [tilespmem:v6+s21+$0x0], $0xffff  }
0x37: {  	v15 =	vor.u32 $0x3, v3;
	v7 =	vld.idx.msk [tilespmem:v7+s22+$0x0], $0xffff  }
0x38: {  	v16 =	vld.idx.msk [tilespmem:v9+s18+$0x0], $0xffff;
	v4 =	vadd.f32 v4, v8  }
0x39: {  	v17 =	vor.u32 $0x3, v2;
	v8 =	vld.idx.msk [tilespmem:v10+s21+$0x0], $0xffff  }
0x3a: {  	v11 =	vld.idx.msk [tilespmem:v11+s22+$0x0], $0xffff;
	v18 =	vadd.f32 v12, v4  }
0x3b: {  	v19 =	vld.idx.msk [tilespmem:v14+s18+$0x0], $0xffff;
	v4 =	vadd.f32 v5, v13  }
0x3c: {  	v5 =	vld.idx.msk [tilespmem:v15+s21+$0x0], $0xffff;
	v62 =	vmul.f32 $2.000000030e-01, v18  }
0x3d: {  	vm0 =	vge.f32 v18, $0.0e+00;
	v20 =	vadd.f32 v16, v4  }
0x3e: {  	v4 =	vld.idx.msk [tilespmem:v17+s18+$0x0], $0xffff;
	v7 =	vadd.f32 v7, v8;
	v13 =	vsel vm0, v18, v62  }
0x3f: {  	v63 =	vmul.f32 $2.000000030e-01, v20;
	v8 =	vmul.f32 $1.442695020e+00, v13  }
0x40: {  	vm13 =	vge.f32 v20, $0.0e+00;
	v7 =	vadd.f32 v19, v7  }
0x41: {  	v5 =	vadd.f32 v11, v5;
	v13 =	vsel vm13, v20, v63;
	(erf) = vpow2.f32 v8  }
0x42: {  	v8 =	vmul.f32 $1.442695020e+00, v13;
	v11 =	vmul.f32 $2.000000030e-01, v7  }
0x43: {  	vm14 =	vge.f32 v7, $0.0e+00;
	v5 =	vadd.f32 v4, v5  }
0x44: {  	v7 =	vsel vm14, v7, v11;
	(erf) = vpow2.f32 v8  }
0x45: {  	v8 =	vor.u32 $0xC, v3;
	v11 =	vmul.f32 $2.000000030e-01, v5;
	v7 =	vmul.f32 $1.442695020e+00, v7  }
0x46: {  	vm15 =	vge.f32 v5, $0.0e+00  }
0x47: {  	v5 =	vsel vm15, v5, v11;
	(erf) = vpow2.f32 v7  }
0x48: {  	v7 =	vor.u32 $0x8, v3;
	v5 =	vmul.f32 $1.442695020e+00, v5;
	_ =	sdelay $0x1  }
0x49: {  	[tilespmem:v8+s22+$0x0] =	vst.idx.msk $0xffff, v1;
	v8 =	vpop (erf);
	(erf) = vpow2.f32 v5  }
0x4a: {  	[tilespmem:v2+s23+$0x0] =	vst.idx.msk $0xffff, v8;
	v2 =	vor.u32 $0x9, v3  }
0x4b: {  	[tilespmem:v3+s22+$0x0] =	vst.idx.msk $0xffff, v8  }
0x4c: {  	v5 =	vpop (erf);
	[tilespmem:v7+s22+$0x0] =	vst.idx.msk $0xffff, v12  }
0x4d: {  	v8 =	vor.u32 $0xA, v3;
	[tilespmem:v9+s23+$0x0] =	vst.idx.msk $0xffff, v5  }
0x4e: {  	[tilespmem:v6+s22+$0x0] =	vst.idx.msk $0xffff, v5  }
0x4f: {  	s15 =	simm.s32 $0x10;
	[tilespmem:v2+s22+$0x0] =	vst.idx.msk $0xffff, v16;
	v2 =	vpop (erf)  }
0x50: {  	v7 =	vor.u32 $0xB, v3;
	v5 =	vor.u32 s15, v0;
	[tilespmem:v14+s23+$0x0] =	vst.idx.msk $0xffff, v2  }
0x51: {  	[tilespmem:v10+s22+$0x0] =	vst.idx.msk $0xffff, v2;
	v2 =	vshll.u32 v5, $0x7  }
0x52: {  	s31 =	sadd.s32 $0x40, s28;
	[tilespmem:v8+s22+$0x0] =	vst.idx.msk $0xffff, v19;
	v11 =	vpop (erf);
	v10 =	vor.u32 $0x4, v2  }
0x53: {  	s15 =	sand.u32 $0xFFFFFE00, s31;
	v5 =	vshll.u32 v5, $0x2;
	v3 =	vor.u32 $0x1, v2;
	v9 =	vor.u32 $0x5, v2;
	[tilespmem:v17+s23+$0x0] =	vst.idx.msk $0xffff, v11  }
0x54: {  	s14 =	simm.s32 $0x20;
	v8 =	vor.u32 $0x6, v2;
	v6 =	vor.u32 $0x7, v2;
	v5 =	vor.u32 s15, v5;
	[tilespmem:v15+s22+$0x0] =	vst.idx.msk $0xffff, v11  }
.LBB2_4:
0x55: {  	p0 =	sne.s32 s14, $0x70;
	[tilespmem:v7+s22+$0x0] =	vst.idx.msk $0xffff, v4;
	s15 =	smov.u32 s14;
	s14 =	sadd.s32 $0x10, s14  }
0x56: {  	v4 =	vld.idx.msk [tilespmem:v2+s21+$0x0], $0xffff  }
0x57: {  	v7 =	vld.idx.msk [tilespmem:v10+s22+$0x0], $0xffff;
	v10 =	vor.u32 $0x1, v5  }
0x58: {  	v11 =	vor.u32 $0x2, v2;
	v9 =	vld.idx.msk [tilespmem:v9+s22+$0x0], $0xffff  }
0x59: {  	v12 =	vld.idx.msk [tilespmem:v5+s18+$0x0], $0xffff  }
0x5a: {  	v14 =	vor.u32 $0x2, v5;
	v13 =	vld.idx.msk [tilespmem:v3+s21+$0x0], $0xffff  }
0x5b: {  	v15 =	vor.u32 $0x3, v2;
	v8 =	vld.idx.msk [tilespmem:v8+s22+$0x0], $0xffff  }
0x5c: {  	v16 =	vld.idx.msk [tilespmem:v10+s18+$0x0], $0xffff  }
0x5d: {  	v18 =	vor.u32 $0x3, v5;
	v4 =	vadd.f32 v7, v4;
	v17 =	vld.idx.msk [tilespmem:v11+s21+$0x0], $0xffff  }
0x5e: {  	v6 =	vld.idx.msk [tilespmem:v6+s22+$0x0], $0xffff  }
0x5f: {  	v7 =	vadd.f32 v12, v4;
	v19 =	vld.idx.msk [tilespmem:v14+s18+$0x0], $0xffff  }
0x60: {  	v9 =	vadd.f32 v9, v13;
	v20 =	vld.idx.msk [tilespmem:v15+s21+$0x0], $0xffff  }
0x61: {  	v13 =	vmul.f32 $2.000000030e-01, v7  }
0x62: {  	vm0 =	vge.f32 v7, $0.0e+00;
	v9 =	vadd.f32 v16, v9;
	v4 =	vld.idx.msk [tilespmem:v18+s18+$0x0], $0xffff  }
0x63: {  	v7 =	vsel vm0, v7, v13;
	v8 =	vadd.f32 v8, v17  }
0x64: {  	v7 =	vmul.f32 $1.442695020e+00, v7;
	v13 =	vmul.f32 $2.000000030e-01, v9  }
0x65: {  	vm0 =	vge.f32 v9, $0.0e+00;
	v8 =	vadd.f32 v19, v8  }
0x66: {  	v9 =	vsel vm0, v9, v13;
	v6 =	vadd.f32 v6, v20;
	(erf) = vpow2.f32 v7  }
0x67: {  	v7 =	vmul.f32 $1.442695020e+00, v9;
	v9 =	vmul.f32 $2.000000030e-01, v8  }
0x68: {  	vm0 =	vge.f32 v8, $0.0e+00;
	v6 =	vadd.f32 v4, v6  }
0x69: {  	v8 =	vsel vm0, v8, v9;
	(erf) = vpow2.f32 v7  }
0x6a: {  	v7 =	vor.u32 $0xC, v2;
	v8 =	vmul.f32 $1.442695020e+00, v8;
	v9 =	vmul.f32 $2.000000030e-01, v6  }
0x6b: {  	vm0 =	vge.f32 v6, $0.0e+00  }
0x6c: {  	v6 =	vsel vm0, v6, v9;
	(erf) = vpow2.f32 v8  }
0x6d: {  	v8 =	vor.u32 $0x8, v2;
	v6 =	vmul.f32 $1.442695020e+00, v6;
	_ =	sdelay $0x1  }
0x6e: {  	[tilespmem:v7+s22+$0x0] =	vst.idx.msk $0xffff, v1;
	v7 =	vpop (erf);
	(erf) = vpow2.f32 v6  }
0x6f: {  	[tilespmem:v5+s23+$0x0] =	vst.idx.msk $0xffff, v7;
	v5 =	vor.u32 $0x9, v2  }
0x70: {  	[tilespmem:v2+s22+$0x0] =	vst.idx.msk $0xffff, v7  }
0x71: {  	[tilespmem:v8+s22+$0x0] =	vst.idx.msk $0xffff, v12;
	v6 =	vpop (erf)  }
0x72: {  	v8 =	vor.u32 $0xA, v2;
	[tilespmem:v10+s23+$0x0] =	vst.idx.msk $0xffff, v6  }
0x73: {  	[tilespmem:v3+s22+$0x0] =	vst.idx.msk $0xffff, v6  }
0x74: {  	[tilespmem:v5+s22+$0x0] =	vst.idx.msk $0xffff, v16;
	v3 =	vpop (erf)  }
.Ltmp0:
0x75: {  	v7 =	vor.u32 $0xB, v2;
	v5 =	vor.u32 s15, v0;
	[tilespmem:v14+s23+$0x0] =	vst.idx.msk $0xffff, v3;
	(pc) =	sbr.rel @p0 .LBB2_4-.Ltmp0, $4  }
0x76: {  	v2 =	vshll.u32 v5, $0x7;
	v5 =	vshll.u32 v5, $0x2;
	[tilespmem:v11+s22+$0x0] =	vst.idx.msk $0xffff, v3  }
0x77: {  	s31 =	sadd.s32 $0x40, s31;
	v10 =	vor.u32 $0x4, v2;
	v3 =	vor.u32 $0x1, v2;
	v9 =	vor.u32 $0x5, v2;
	[tilespmem:v8+s22+$0x0] =	vst.idx.msk $0xffff, v19;
	v11 =	vpop (erf)  }
0x78: {  	s15 =	sand.u32 $0xFFFFFE00, s31;
	v6 =	vor.u32 $0x7, v2;
	v8 =	vor.u32 $0x6, v2;
	[tilespmem:v18+s23+$0x0] =	vst.idx.msk $0xffff, v11  }
0x79: {  	v5 =	vor.u32 s15, v5;
	[tilespmem:v15+s22+$0x0] =	vst.idx.msk $0xffff, v11  }
0x7a: {  	_ =	sdelay $0x3  }
0x7b: {  	[tilespmem:v7+s22+$0x0] =	vst.idx.msk $0xffff, v4  }
0x7c: {  	v4 =	vld.idx.msk [tilespmem:v2+s21+$0x0], $0xffff  }
0x7d: {  	v51 =	vor.u32 $0x1, v5;
	v7 =	vld.idx.msk [tilespmem:v10+s22+$0x0], $0xffff  }
0x7e: {  	v11 =	vor.u32 $0x2, v2;
	v9 =	vld.idx.msk [tilespmem:v9+s22+$0x0], $0xffff  }
0x7f: {  	v12 =	vld.idx.msk [tilespmem:v5+s18+$0x0], $0xffff  }
0x80: {  	v14 =	vor.u32 $0x2, v5;
	v13 =	vld.idx.msk [tilespmem:v3+s21+$0x0], $0xffff  }
0x81: {  	v15 =	vor.u32 $0x3, v2;
	v8 =	vld.idx.msk [tilespmem:v8+s22+$0x0], $0xffff  }
0x82: {  	v16 =	vld.idx.msk [tilespmem:v51+s18+$0x0], $0xffff;
	v4 =	vadd.f32 v7, v4  }
0x83: {  	v17 =	vor.u32 $0x3, v5;
	v52 =	vld.idx.msk [tilespmem:v11+s21+$0x0], $0xffff  }
0x84: {  	v6 =	vld.idx.msk [tilespmem:v6+s22+$0x0], $0xffff;
	v4 =	vadd.f32 v12, v4  }
0x85: {  	v18 =	vld.idx.msk [tilespmem:v14+s18+$0x0], $0xffff;
	v9 =	vadd.f32 v9, v13  }
0x86: {  	v53 =	vld.idx.msk [tilespmem:v15+s21+$0x0], $0xffff;
	v19 =	vmul.f32 $2.000000030e-01, v4  }
0x87: {  	vm0 =	vge.f32 v4, $0.0e+00;
	v9 =	vadd.f32 v16, v9  }
0x88: {  	v20 =	vld.idx.msk [tilespmem:v17+s18+$0x0], $0xffff;
	v7 =	vadd.f32 v8, v52;
	v4 =	vsel vm0, v4, v19  }
0x89: {  	v54 =	vmul.f32 $2.000000030e-01, v9;
	v4 =	vmul.f32 $1.442695020e+00, v4  }
0x8a: {  	vm13 =	vge.f32 v9, $0.0e+00;
	v7 =	vadd.f32 v18, v7  }
0x8b: {  	v6 =	vadd.f32 v6, v53;
	v8 =	vsel vm13, v9, v54;
	(erf) = vpow2.f32 v4  }
0x8c: {  	v56 =	vmul.f32 $2.000000030e-01, v7;
	v55 =	vmul.f32 $1.442695020e+00, v8  }
0x8d: {  	v6 =	vadd.f32 v20, v6;
	vm14 =	vge.f32 v7, $0.0e+00  }
0x8e: {  	v7 =	vsel vm14, v7, v56;
	(erf) = vpow2.f32 v55  }
0x8f: {  	v57 =	vor.u32 $0xC, v2;
	v58 =	vmul.f32 $2.000000030e-01, v6;
	v7 =	vmul.f32 $1.442695020e+00, v7  }
0x90: {  	vm15 =	vge.f32 v6, $0.0e+00  }
0x91: {  	v6 =	vsel vm15, v6, v58;
	(erf) = vpow2.f32 v7  }
0x92: {  	v59 =	vor.u32 $0x8, v2;
	v6 =	vmul.f32 $1.442695020e+00, v6;
	_ =	sdelay $0x1  }
0x93: {  	[tilespmem:v57+s22+$0x0] =	vst.idx.msk $0xffff, v1;
	v60 =	vpop (erf);
	(erf) = vpow2.f32 v6  }
0x94: {  	v61 =	vor.u32 $0x9, v2;
	[tilespmem:v5+s23+$0x0] =	vst.idx.msk $0xffff, v60  }
0x95: {  	[tilespmem:v2+s22+$0x0] =	vst.idx.msk $0xffff, v60  }
0x96: {  	v62 =	vpop (erf);
	[tilespmem:v59+s22+$0x0] =	vst.idx.msk $0xffff, v12  }
0x97: {  	v63 =	vor.u32 $0xA, v2;
	[tilespmem:v51+s23+$0x0] =	vst.idx.msk $0xffff, v62  }
0x98: {  	[tilespmem:v3+s22+$0x0] =	vst.idx.msk $0xffff, v62  }
0x99: {  	v3 =	vpop (erf);
	[tilespmem:v61+s22+$0x0] =	vst.idx.msk $0xffff, v16  }
0x9a: {  	s29 =	sadd.s32 $0x1, s29;
	v2 =	vor.u32 $0xB, v2;
	[tilespmem:v14+s23+$0x0] =	vst.idx.msk $0xffff, v3  }
0x9b: {  	p0 =	sne.s32 s29, $0x4;
	[tilespmem:v11+s22+$0x0] =	vst.idx.msk $0xffff, v3  }
.Ltmp1:
0x9c: {  	[tilespmem:v63+s22+$0x0] =	vst.idx.msk $0xffff, v18;
	v3 =	vpop (erf);
	(pc) =	sbr.rel @p0 .LBB2_3-.Ltmp1, $4  }
0x9d: {  	[tilespmem:v17+s23+$0x0] =	vst.idx.msk $0xffff, v3  }
0x9e: {  	[tilespmem:v15+s22+$0x0] =	vst.idx.msk $0xffff, v3  }
0x9f: {  	s28 =	sadd.s32 $0x200, s28;
	[tilespmem:v2+s22+$0x0] =	vst.idx.msk $0xffff, v20  }
0xa0: {  	[spmem:s2] =	stream.indirect.scatter.add.f32 [tilespmem:s22], [sflag:$0x2], $0x80, s30, s20, $0xb8;
	[tilespmem:$0x1E400] =	vst v63  }
0xa1: {  	s0 =	sadd.s32 $0x1, s0  }
0xa2: {  	p0 =	sne.s32 s0, $0x14  }
.Ltmp2:
0xa3: {  	s1 =	sadd.s32 s8, s13;
	(pc) =	sbr.rel @p0 .LBB2_2-.Ltmp2, $4  }
0xa4: {  	[hbm4b:s1+s3] =	stream.linear.scatter [tilespmem:s23], [sflag:$0x3], $0x800, $0x38;
	[tilespmem:$0x1E400] =	vst v63  }
0xa5: {  	_ =	swait.ge [sflag:s17], $0x800  }
0xa6: {  	[sflag:s17] =	ssyncset.done $0x0  }
0xa7: {  	[sflag:s17] =	ssyncadd.s32 $0xFFFFF800  }
0xa8: {  	_ =	swait.ge [sflag:s24], $0x4000  }
0xa9: {  	[sflag:s24] =	ssyncset.done $0x0  }
0xaa: {  	[sflag:s24] =	ssyncadd.s32 $0xFFFFC000  }
0xab: {  	[bflag:$0x0] =	sbarrier.arrive $0xFFFF  }
0xac: {  	s0 =	rddreg [dreg:$0x3]  }
0xad: {  	[hbm:s0], [sflag:s10] =	dma.local [spmem:s16], $0x2800  }
0xae: {  	_ =	swait.ge [sflag:s17], $0x2800  }
0xaf: {  	[sflag:s17] =	ssyncset.done $0x0  }
0xb0: {  	[sflag:s17] =	ssyncadd.s32 $0xFFFFD800  }
0xb1: {  	[spmem:s16], [sflag:s10] =	dma.local [hbm:s9], $0x2800  }
0xb2: {  	_ =	swait.ge [sflag:s17], $0x2800  }
0xb3: {  	[sflag:s17] =	ssyncset.done $0x0  }
0xb4: {  	[sflag:s17] =	ssyncadd.s32 $0xFFFFD800  }
0xb5: {  	s28 =	simm.s32 $0x0;
	s29 =	simm.s32 $0x0;
	[bflag:$0x0] =	sbarrier.arrive $0xFFFF  }
.LBB2_8:
0xb6: {  	s0 =	sshll.u32 s29, $0xB  }
0xb7: {  	s0 =	sadd.s32 s11, s0  }
0xb8: {  	s0 =	sshrl.u32 s0, $0x3  }
0xb9: {  	s15 =	sshll.u32 s29, $0xC;
	s0 =	sadd.s32 s4, s0  }
0xba: {  	[tilespmem:s25], [sflag:$0x3] =	stream.linear.gather [hbm4b:s0+s28], $0x800, $0x38;
	[tilespmem:$0x1E400] =	vst v63  }
0xbb: {  	s0 =	sadd.s32 s12, s15;
	_ =	swait.ge [sflag:s17], $0x800  }
0xbc: {  	s0 =	sshrl.u32 s0, $0x3;
	[sflag:s17] =	ssyncset.done $0x0  }
0xbd: {  	s0 =	sadd.s32 s8, s0;
	[sflag:s17] =	ssyncadd.s32 $0xFFFFF800  }
0xbe: {  	[tilespmem:s23], [sflag:$0x1] =	stream.linear.gather [hbm4b:s0+s28], $0x1000, $0x38;
	[tilespmem:$0x1E400] =	vst v63  }
0xbf: {  	_ =	swait.ge [sflag:s19], $0x1000  }
0xc0: {  	[sflag:s19] =	ssyncset.done $0x0  }
0xc1: {  	s30 =	simm.s32 $0x8;
	s31 =	simm.s32 $0x0;
	[sflag:s19] =	ssyncadd.s32 $0xFFFFF000  }
.LBB2_9:
0xc2: {  	s0 =	sshll.u32 s31, $0x8  }
0xc3: {  	s0 =	sand.u32 $0x3FFFFF00, s0  }
0xc4: {  	s1 =	sadd.s32 $0x400, s0  }
0xc5: {  	[tilespmem:s21], [sflag:$0x1] =	stream.indirect.gather [hbm4b:s7+s20], $0x80, s1, s20, $0xb8;
	[tilespmem:$0x1E400] =	vst v63  }
0xc6: {  	_ =	swait.ge [sflag:s19], $0x4000  }
0xc7: {  	[sflag:s19] =	ssyncset.done $0x0  }
0xc8: {  	s1 =	sshll.u32 s31, $0x3;
	[sflag:s19] =	ssyncadd.s32 $0xFFFFC000  }
.LBB2_10:
0xc9: {  	s13 =	sshll.u32 s1, $0x6  }
0xca: {  	v2 =	vmov s13;
	_ =	sdelay $0x1  }
0xcb: {  	s15 =	sshll.u32 s1, $0xB  }
0xcc: {  	s13 =	sand.u32 $0x3800, s15  }
0xcd: {  	v4 =	vld [tilespmem:s13+$0x2400]  }
0xce: {  	v3 =	vld.idx.msk [tilespmem:v2+s23+$0x0], $0xffff  }
0xcf: {  	v5 =	vld [tilespmem:s13+$0x2410];
	_ =	sdelay $0x2  }
0xd0: {  	v6 =	vor.u32 $0x1, v2  }
0xd1: {  	v4 =	vmul.f32 v4, v3  }
0xd2: {  	v3 =	vmul.f32 v5, v3  }
0xd3: {  	[tilespmem:s13+$0x2400] =	vst v4  }
0xd4: {  	v43 =	vld [tilespmem:s13+$0x2420];
	[tilespmem:s13+$0x2410] =	vst v3  }
0xd5: {  	v3 =	vld.idx.msk [tilespmem:v6+s23+$0x0], $0xffff  }
0xd6: {  	v44 =	vld [tilespmem:s13+$0x2430];
	_ =	sdelay $0x2  }
0xd7: {  	v45 =	vor.u32 $0x2, v2  }
0xd8: {  	v4 =	vmul.f32 v43, v3  }
0xd9: {  	v3 =	vmul.f32 v44, v3  }
0xda: {  	[tilespmem:s13+$0x2420] =	vst v4  }
0xdb: {  	v46 =	vld [tilespmem:s13+$0x2440];
	[tilespmem:s13+$0x2430] =	vst v3  }
0xdc: {  	v3 =	vld.idx.msk [tilespmem:v45+s23+$0x0], $0xffff  }
0xdd: {  	v47 =	vld [tilespmem:s13+$0x2450];
	_ =	sdelay $0x2  }
0xde: {  	v48 =	vor.u32 $0x3, v2  }
0xdf: {  	v4 =	vmul.f32 v46, v3  }
0xe0: {  	v3 =	vmul.f32 v47, v3  }
0xe1: {  	[tilespmem:s13+$0x2440] =	vst v4  }
0xe2: {  	v49 =	vld [tilespmem:s13+$0x2460];
	[tilespmem:s13+$0x2450] =	vst v3  }
0xe3: {  	v3 =	vld.idx.msk [tilespmem:v48+s23+$0x0], $0xffff  }
0xe4: {  	v50 =	vld [tilespmem:s13+$0x2470];
	_ =	sdelay $0x2  }
0xe5: {  	v51 =	vor.u32 $0x4, v2  }
0xe6: {  	v4 =	vmul.f32 v49, v3  }
0xe7: {  	v3 =	vmul.f32 v50, v3  }
0xe8: {  	[tilespmem:s13+$0x2460] =	vst v4  }
0xe9: {  	v52 =	vld [tilespmem:s13+$0x2480];
	[tilespmem:s13+$0x2470] =	vst v3  }
0xea: {  	v3 =	vld.idx.msk [tilespmem:v51+s23+$0x0], $0xffff  }
0xeb: {  	v53 =	vld [tilespmem:s13+$0x2490];
	_ =	sdelay $0x2  }
0xec: {  	v54 =	vor.u32 $0x5, v2  }
0xed: {  	v4 =	vmul.f32 v52, v3  }
0xee: {  	v3 =	vmul.f32 v53, v3  }
0xef: {  	[tilespmem:s13+$0x2480] =	vst v4  }
0xf0: {  	v55 =	vld [tilespmem:s13+$0x24A0];
	[tilespmem:s13+$0x2490] =	vst v3  }
0xf1: {  	v3 =	vld.idx.msk [tilespmem:v54+s23+$0x0], $0xffff  }
0xf2: {  	v56 =	vld [tilespmem:s13+$0x24B0];
	_ =	sdelay $0x2  }
0xf3: {  	v57 =	vor.u32 $0x6, v2  }
0xf4: {  	v4 =	vmul.f32 v55, v3  }
0xf5: {  	v3 =	vmul.f32 v56, v3  }
0xf6: {  	[tilespmem:s13+$0x24A0] =	vst v4  }
0xf7: {  	v58 =	vld [tilespmem:s13+$0x24C0];
	[tilespmem:s13+$0x24B0] =	vst v3  }
0xf8: {  	v3 =	vld.idx.msk [tilespmem:v57+s23+$0x0], $0xffff  }
0xf9: {  	v59 =	vld [tilespmem:s13+$0x24D0];
	_ =	sdelay $0x2  }
0xfa: {  	v60 =	vor.u32 $0x7, v2  }
0xfb: {  	v4 =	vmul.f32 v58, v3  }
0xfc: {  	v3 =	vmul.f32 v59, v3  }
0xfd: {  	[tilespmem:s13+$0x24C0] =	vst v4  }
0xfe: {  	v61 =	vld [tilespmem:s13+$0x24E0];
	[tilespmem:s13+$0x24D0] =	vst v3  }
0xff: {  	v3 =	vld.idx.msk [tilespmem:v60+s23+$0x0], $0xffff  }
0x100: {  	v62 =	vld [tilespmem:s13+$0x24F0];
	_ =	sdelay $0x2  }
0x101: {  	v63 =	vor.u32 $0x8, v2  }
0x102: {  	v4 =	vmul.f32 v61, v3  }
0x103: {  	v3 =	vmul.f32 v62, v3  }
0x104: {  	[tilespmem:s13+$0x24E0] =	vst v4  }
0x105: {  	v9 =	vld [tilespmem:s13+$0x2500];
	[tilespmem:s13+$0x24F0] =	vst v3  }
0x106: {  	v3 =	vld.idx.msk [tilespmem:v63+s23+$0x0], $0xffff  }
0x107: {  	v10 =	vld [tilespmem:s13+$0x2510];
	_ =	sdelay $0x2  }
0x108: {  	v11 =	vor.u32 $0x9, v2  }
0x109: {  	v4 =	vmul.f32 v9, v3  }
0x10a: {  	v3 =	vmul.f32 v10, v3  }
0x10b: {  	[tilespmem:s13+$0x2500] =	vst v4  }
0x10c: {  	v12 =	vld [tilespmem:s13+$0x2520];
	[tilespmem:s13+$0x2510] =	vst v3  }
0x10d: {  	v3 =	vld.idx.msk [tilespmem:v11+s23+$0x0], $0xffff  }
0x10e: {  	v13 =	vld [tilespmem:s13+$0x2530];
	_ =	sdelay $0x2  }
0x10f: {  	v14 =	vor.u32 $0xA, v2  }
0x110: {  	v4 =	vmul.f32 v12, v3  }
0x111: {  	v3 =	vmul.f32 v13, v3  }
0x112: {  	[tilespmem:s13+$0x2520] =	vst v4  }
0x113: {  	v15 =	vld [tilespmem:s13+$0x2540];
	[tilespmem:s13+$0x2530] =	vst v3  }
0x114: {  	v3 =	vld.idx.msk [tilespmem:v14+s23+$0x0], $0xffff  }
0x115: {  	v16 =	vld [tilespmem:s13+$0x2550];
	_ =	sdelay $0x2  }
0x116: {  	v17 =	vor.u32 $0xB, v2  }
0x117: {  	v4 =	vmul.f32 v15, v3  }
0x118: {  	v3 =	vmul.f32 v16, v3  }
0x119: {  	[tilespmem:s13+$0x2540] =	vst v4  }
0x11a: {  	v18 =	vld [tilespmem:s13+$0x2560];
	[tilespmem:s13+$0x2550] =	vst v3  }
0x11b: {  	v3 =	vld.idx.msk [tilespmem:v17+s23+$0x0], $0xffff  }
0x11c: {  	v19 =	vld [tilespmem:s13+$0x2570];
	_ =	sdelay $0x2  }
0x11d: {  	v20 =	vor.u32 $0xC, v2  }
0x11e: {  	v4 =	vmul.f32 v18, v3  }
0x11f: {  	v3 =	vmul.f32 v19, v3  }
0x120: {  	[tilespmem:s13+$0x2560] =	vst v4  }
0x121: {  	v21 =	vld [tilespmem:s13+$0x2580];
	[tilespmem:s13+$0x2570] =	vst v3  }
0x122: {  	v3 =	vld.idx.msk [tilespmem:v20+s23+$0x0], $0xffff  }
0x123: {  	v22 =	vld [tilespmem:s13+$0x2590];
	_ =	sdelay $0x2  }
0x124: {  	v23 =	vor.u32 $0xD, v2  }
0x125: {  	v4 =	vmul.f32 v21, v3  }
0x126: {  	v3 =	vmul.f32 v22, v3  }
0x127: {  	[tilespmem:s13+$0x2580] =	vst v4  }
0x128: {  	v24 =	vld [tilespmem:s13+$0x25A0];
	[tilespmem:s13+$0x2590] =	vst v3  }
0x129: {  	v3 =	vld.idx.msk [tilespmem:v23+s23+$0x0], $0xffff  }
0x12a: {  	v25 =	vld [tilespmem:s13+$0x25B0];
	_ =	sdelay $0x2  }
0x12b: {  	v26 =	vor.u32 $0xE, v2  }
0x12c: {  	v4 =	vmul.f32 v24, v3  }
0x12d: {  	v3 =	vmul.f32 v25, v3  }
0x12e: {  	[tilespmem:s13+$0x25A0] =	vst v4  }
0x12f: {  	v27 =	vld [tilespmem:s13+$0x25C0];
	[tilespmem:s13+$0x25B0] =	vst v3  }
0x130: {  	v3 =	vld.idx.msk [tilespmem:v26+s23+$0x0], $0xffff  }
0x131: {  	v28 =	vld [tilespmem:s13+$0x25D0];
	_ =	sdelay $0x2  }
0x132: {  	v29 =	vor.u32 $0xF, v2  }
0x133: {  	v4 =	vmul.f32 v27, v3  }
0x134: {  	v3 =	vmul.f32 v28, v3  }
0x135: {  	[tilespmem:s13+$0x25C0] =	vst v4  }
0x136: {  	v30 =	vld [tilespmem:s13+$0x25E0];
	[tilespmem:s13+$0x25D0] =	vst v3  }
0x137: {  	v3 =	vld.idx.msk [tilespmem:v29+s23+$0x0], $0xffff  }
0x138: {  	v31 =	vld [tilespmem:s13+$0x25F0];
	_ =	sdelay $0x2  }
0x139: {  	v32 =	vor.u32 $0x10, v2  }
0x13a: {  	v4 =	vmul.f32 v30, v3  }
0x13b: {  	v3 =	vmul.f32 v31, v3  }
0x13c: {  	[tilespmem:s13+$0x25E0] =	vst v4  }
0x13d: {  	v33 =	vld [tilespmem:s13+$0x2600];
	[tilespmem:s13+$0x25F0] =	vst v3  }
0x13e: {  	v3 =	vld.idx.msk [tilespmem:v32+s23+$0x0], $0xffff  }
0x13f: {  	v34 =	vld [tilespmem:s13+$0x2610];
	_ =	sdelay $0x2  }
0x140: {  	v35 =	vor.u32 $0x11, v2  }
0x141: {  	v4 =	vmul.f32 v33, v3  }
0x142: {  	v3 =	vmul.f32 v34, v3  }
0x143: {  	[tilespmem:s13+$0x2600] =	vst v4  }
0x144: {  	v36 =	vld [tilespmem:s13+$0x2620];
	[tilespmem:s13+$0x2610] =	vst v3  }
0x145: {  	v3 =	vld.idx.msk [tilespmem:v35+s23+$0x0], $0xffff  }
0x146: {  	v37 =	vld [tilespmem:s13+$0x2630];
	_ =	sdelay $0x2  }
0x147: {  	v38 =	vor.u32 $0x12, v2  }
0x148: {  	v4 =	vmul.f32 v36, v3  }
0x149: {  	v3 =	vmul.f32 v37, v3  }
0x14a: {  	[tilespmem:s13+$0x2620] =	vst v4  }
0x14b: {  	v39 =	vld [tilespmem:s13+$0x2640];
	[tilespmem:s13+$0x2630] =	vst v3  }
0x14c: {  	v3 =	vld.idx.msk [tilespmem:v38+s23+$0x0], $0xffff  }
0x14d: {  	v40 =	vld [tilespmem:s13+$0x2650];
	_ =	sdelay $0x2  }
0x14e: {  	v41 =	vor.u32 $0x13, v2  }
0x14f: {  	v4 =	vmul.f32 v39, v3  }
0x150: {  	v3 =	vmul.f32 v40, v3  }
0x151: {  	[tilespmem:s13+$0x2640] =	vst v4  }
0x152: {  	v42 =	vld [tilespmem:s13+$0x2660];
	[tilespmem:s13+$0x2650] =	vst v3  }
0x153: {  	v3 =	vld.idx.msk [tilespmem:v41+s23+$0x0], $0xffff  }
0x154: {  	v43 =	vld [tilespmem:s13+$0x2670];
	_ =	sdelay $0x2  }
0x155: {  	v44 =	vor.u32 $0x14, v2  }
0x156: {  	v4 =	vmul.f32 v42, v3  }
0x157: {  	v3 =	vmul.f32 v43, v3  }
0x158: {  	[tilespmem:s13+$0x2660] =	vst v4  }
0x159: {  	v45 =	vld [tilespmem:s13+$0x2680];
	[tilespmem:s13+$0x2670] =	vst v3  }
0x15a: {  	v3 =	vld.idx.msk [tilespmem:v44+s23+$0x0], $0xffff  }
0x15b: {  	v46 =	vld [tilespmem:s13+$0x2690];
	_ =	sdelay $0x2  }
0x15c: {  	v47 =	vor.u32 $0x15, v2  }
0x15d: {  	v4 =	vmul.f32 v45, v3  }
0x15e: {  	v3 =	vmul.f32 v46, v3  }
0x15f: {  	[tilespmem:s13+$0x2680] =	vst v4  }
0x160: {  	v48 =	vld [tilespmem:s13+$0x26A0];
	[tilespmem:s13+$0x2690] =	vst v3  }
0x161: {  	v3 =	vld.idx.msk [tilespmem:v47+s23+$0x0], $0xffff  }
0x162: {  	v49 =	vld [tilespmem:s13+$0x26B0];
	_ =	sdelay $0x2  }
0x163: {  	v50 =	vor.u32 $0x16, v2  }
0x164: {  	v4 =	vmul.f32 v48, v3  }
0x165: {  	v3 =	vmul.f32 v49, v3  }
0x166: {  	[tilespmem:s13+$0x26A0] =	vst v4  }
0x167: {  	v51 =	vld [tilespmem:s13+$0x26C0];
	[tilespmem:s13+$0x26B0] =	vst v3  }
0x168: {  	v3 =	vld.idx.msk [tilespmem:v50+s23+$0x0], $0xffff  }
0x169: {  	v52 =	vld [tilespmem:s13+$0x26D0];
	_ =	sdelay $0x2  }
0x16a: {  	v53 =	vor.u32 $0x17, v2  }
0x16b: {  	v4 =	vmul.f32 v51, v3  }
0x16c: {  	v3 =	vmul.f32 v52, v3  }
0x16d: {  	[tilespmem:s13+$0x26C0] =	vst v4  }
0x16e: {  	v54 =	vld [tilespmem:s13+$0x26E0];
	[tilespmem:s13+$0x26D0] =	vst v3  }
0x16f: {  	v3 =	vld.idx.msk [tilespmem:v53+s23+$0x0], $0xffff  }
0x170: {  	v55 =	vld [tilespmem:s13+$0x26F0];
	_ =	sdelay $0x2  }
0x171: {  	v56 =	vor.u32 $0x18, v2  }
0x172: {  	v4 =	vmul.f32 v54, v3  }
0x173: {  	v3 =	vmul.f32 v55, v3  }
0x174: {  	[tilespmem:s13+$0x26E0] =	vst v4  }
0x175: {  	v57 =	vld [tilespmem:s13+$0x2700];
	[tilespmem:s13+$0x26F0] =	vst v3  }
0x176: {  	v3 =	vld.idx.msk [tilespmem:v56+s23+$0x0], $0xffff  }
0x177: {  	v58 =	vld [tilespmem:s13+$0x2710];
	_ =	sdelay $0x2  }
0x178: {  	v59 =	vor.u32 $0x19, v2  }
0x179: {  	v4 =	vmul.f32 v57, v3  }
0x17a: {  	v3 =	vmul.f32 v58, v3  }
0x17b: {  	[tilespmem:s13+$0x2700] =	vst v4  }
0x17c: {  	v60 =	vld [tilespmem:s13+$0x2720];
	[tilespmem:s13+$0x2710] =	vst v3  }
0x17d: {  	v3 =	vld.idx.msk [tilespmem:v59+s23+$0x0], $0xffff  }
0x17e: {  	v61 =	vld [tilespmem:s13+$0x2730];
	_ =	sdelay $0x2  }
0x17f: {  	v62 =	vor.u32 $0x1A, v2  }
0x180: {  	v4 =	vmul.f32 v60, v3  }
0x181: {  	v3 =	vmul.f32 v61, v3  }
0x182: {  	[tilespmem:s13+$0x2720] =	vst v4  }
0x183: {  	v63 =	vld [tilespmem:s13+$0x2740];
	[tilespmem:s13+$0x2730] =	vst v3  }
0x184: {  	v3 =	vld.idx.msk [tilespmem:v62+s23+$0x0], $0xffff  }
0x185: {  	v9 =	vld [tilespmem:s13+$0x2750];
	_ =	sdelay $0x2  }
0x186: {  	v10 =	vor.u32 $0x1B, v2  }
0x187: {  	v4 =	vmul.f32 v63, v3  }
0x188: {  	v3 =	vmul.f32 v9, v3  }
0x189: {  	[tilespmem:s13+$0x2740] =	vst v4  }
0x18a: {  	v11 =	vld [tilespmem:s13+$0x2760];
	[tilespmem:s13+$0x2750] =	vst v3  }
0x18b: {  	v3 =	vld.idx.msk [tilespmem:v10+s23+$0x0], $0xffff  }
0x18c: {  	v12 =	vld [tilespmem:s13+$0x2770];
	_ =	sdelay $0x2  }
0x18d: {  	v13 =	vor.u32 $0x1C, v2  }
0x18e: {  	v4 =	vmul.f32 v11, v3  }
0x18f: {  	v3 =	vmul.f32 v12, v3  }
0x190: {  	[tilespmem:s13+$0x2760] =	vst v4  }
0x191: {  	v14 =	vld [tilespmem:s13+$0x2780];
	[tilespmem:s13+$0x2770] =	vst v3  }
0x192: {  	v3 =	vld.idx.msk [tilespmem:v13+s23+$0x0], $0xffff  }
0x193: {  	v15 =	vld [tilespmem:s13+$0x2790];
	_ =	sdelay $0x2  }
0x194: {  	v16 =	vor.u32 $0x1D, v2  }
0x195: {  	v4 =	vmul.f32 v14, v3  }
0x196: {  	v3 =	vmul.f32 v15, v3  }
0x197: {  	[tilespmem:s13+$0x2780] =	vst v4  }
0x198: {  	v17 =	vld [tilespmem:s13+$0x27A0];
	[tilespmem:s13+$0x2790] =	vst v3  }
0x199: {  	v3 =	vld.idx.msk [tilespmem:v16+s23+$0x0], $0xffff  }
0x19a: {  	v18 =	vld [tilespmem:s13+$0x27B0];
	_ =	sdelay $0x2  }
0x19b: {  	v19 =	vor.u32 $0x1E, v2  }
0x19c: {  	v4 =	vmul.f32 v17, v3  }
0x19d: {  	v3 =	vmul.f32 v18, v3  }
0x19e: {  	[tilespmem:s13+$0x27A0] =	vst v4  }
0x19f: {  	v20 =	vld [tilespmem:s13+$0x27C0];
	[tilespmem:s13+$0x27B0] =	vst v3  }
0x1a0: {  	v3 =	vld.idx.msk [tilespmem:v19+s23+$0x0], $0xffff  }
0x1a1: {  	v21 =	vld [tilespmem:s13+$0x27D0];
	_ =	sdelay $0x2  }
0x1a2: {  	v22 =	vor.u32 $0x1F, v2  }
0x1a3: {  	v4 =	vmul.f32 v20, v3  }
0x1a4: {  	v3 =	vmul.f32 v21, v3  }
0x1a5: {  	[tilespmem:s13+$0x27C0] =	vst v4  }
0x1a6: {  	v23 =	vld [tilespmem:s13+$0x27E0];
	[tilespmem:s13+$0x27D0] =	vst v3  }
0x1a7: {  	v3 =	vld.idx.msk [tilespmem:v22+s23+$0x0], $0xffff  }
0x1a8: {  	v24 =	vld [tilespmem:s13+$0x27F0];
	_ =	sdelay $0x2  }
0x1a9: {  	v25 =	vor.u32 $0x20, v2  }
0x1aa: {  	v4 =	vmul.f32 v23, v3  }
0x1ab: {  	v3 =	vmul.f32 v24, v3  }
0x1ac: {  	[tilespmem:s13+$0x27E0] =	vst v4  }
0x1ad: {  	v26 =	vld [tilespmem:s13+$0x2800];
	[tilespmem:s13+$0x27F0] =	vst v3  }
0x1ae: {  	v3 =	vld.idx.msk [tilespmem:v25+s23+$0x0], $0xffff  }
0x1af: {  	v27 =	vld [tilespmem:s13+$0x2810];
	_ =	sdelay $0x2  }
0x1b0: {  	v28 =	vor.u32 $0x21, v2  }
0x1b1: {  	v4 =	vmul.f32 v26, v3  }
0x1b2: {  	v3 =	vmul.f32 v27, v3  }
0x1b3: {  	[tilespmem:s13+$0x2800] =	vst v4  }
0x1b4: {  	v29 =	vld [tilespmem:s13+$0x2820];
	[tilespmem:s13+$0x2810] =	vst v3  }
0x1b5: {  	v3 =	vld.idx.msk [tilespmem:v28+s23+$0x0], $0xffff  }
0x1b6: {  	v30 =	vld [tilespmem:s13+$0x2830];
	_ =	sdelay $0x2  }
0x1b7: {  	v31 =	vor.u32 $0x22, v2  }
0x1b8: {  	v4 =	vmul.f32 v29, v3  }
0x1b9: {  	v3 =	vmul.f32 v30, v3  }
0x1ba: {  	[tilespmem:s13+$0x2820] =	vst v4  }
0x1bb: {  	v32 =	vld [tilespmem:s13+$0x2840];
	[tilespmem:s13+$0x2830] =	vst v3  }
0x1bc: {  	v3 =	vld.idx.msk [tilespmem:v31+s23+$0x0], $0xffff  }
0x1bd: {  	v33 =	vld [tilespmem:s13+$0x2850];
	_ =	sdelay $0x2  }
0x1be: {  	v34 =	vor.u32 $0x23, v2  }
0x1bf: {  	v4 =	vmul.f32 v32, v3  }
0x1c0: {  	v3 =	vmul.f32 v33, v3  }
0x1c1: {  	[tilespmem:s13+$0x2840] =	vst v4  }
0x1c2: {  	v35 =	vld [tilespmem:s13+$0x2860];
	[tilespmem:s13+$0x2850] =	vst v3  }
0x1c3: {  	v3 =	vld.idx.msk [tilespmem:v34+s23+$0x0], $0xffff  }
0x1c4: {  	v36 =	vld [tilespmem:s13+$0x2870];
	_ =	sdelay $0x2  }
0x1c5: {  	v37 =	vor.u32 $0x24, v2  }
0x1c6: {  	v4 =	vmul.f32 v35, v3  }
0x1c7: {  	v3 =	vmul.f32 v36, v3  }
0x1c8: {  	[tilespmem:s13+$0x2860] =	vst v4  }
0x1c9: {  	v38 =	vld [tilespmem:s13+$0x2880];
	[tilespmem:s13+$0x2870] =	vst v3  }
0x1ca: {  	v3 =	vld.idx.msk [tilespmem:v37+s23+$0x0], $0xffff  }
0x1cb: {  	v39 =	vld [tilespmem:s13+$0x2890];
	_ =	sdelay $0x2  }
0x1cc: {  	v40 =	vor.u32 $0x25, v2  }
0x1cd: {  	v4 =	vmul.f32 v38, v3  }
0x1ce: {  	v3 =	vmul.f32 v39, v3  }
0x1cf: {  	[tilespmem:s13+$0x2880] =	vst v4  }
0x1d0: {  	v41 =	vld [tilespmem:s13+$0x28A0];
	[tilespmem:s13+$0x2890] =	vst v3  }
0x1d1: {  	v3 =	vld.idx.msk [tilespmem:v40+s23+$0x0], $0xffff  }
0x1d2: {  	v42 =	vld [tilespmem:s13+$0x28B0];
	_ =	sdelay $0x2  }
0x1d3: {  	v43 =	vor.u32 $0x26, v2  }
0x1d4: {  	v4 =	vmul.f32 v41, v3  }
0x1d5: {  	v3 =	vmul.f32 v42, v3  }
0x1d6: {  	[tilespmem:s13+$0x28A0] =	vst v4  }
0x1d7: {  	v44 =	vld [tilespmem:s13+$0x28C0];
	[tilespmem:s13+$0x28B0] =	vst v3  }
0x1d8: {  	v3 =	vld.idx.msk [tilespmem:v43+s23+$0x0], $0xffff  }
0x1d9: {  	v45 =	vld [tilespmem:s13+$0x28D0];
	_ =	sdelay $0x2  }
0x1da: {  	v46 =	vor.u32 $0x27, v2  }
0x1db: {  	v4 =	vmul.f32 v44, v3  }
0x1dc: {  	v3 =	vmul.f32 v45, v3  }
0x1dd: {  	[tilespmem:s13+$0x28C0] =	vst v4  }
0x1de: {  	v47 =	vld [tilespmem:s13+$0x28E0];
	[tilespmem:s13+$0x28D0] =	vst v3  }
0x1df: {  	v3 =	vld.idx.msk [tilespmem:v46+s23+$0x0], $0xffff  }
0x1e0: {  	v48 =	vld [tilespmem:s13+$0x28F0];
	_ =	sdelay $0x2  }
0x1e1: {  	v49 =	vor.u32 $0x28, v2  }
0x1e2: {  	v4 =	vmul.f32 v47, v3  }
0x1e3: {  	v3 =	vmul.f32 v48, v3  }
0x1e4: {  	[tilespmem:s13+$0x28E0] =	vst v4  }
0x1e5: {  	v50 =	vld [tilespmem:s13+$0x2900];
	[tilespmem:s13+$0x28F0] =	vst v3  }
0x1e6: {  	v3 =	vld.idx.msk [tilespmem:v49+s23+$0x0], $0xffff  }
0x1e7: {  	v51 =	vld [tilespmem:s13+$0x2910];
	_ =	sdelay $0x2  }
0x1e8: {  	v52 =	vor.u32 $0x29, v2  }
0x1e9: {  	v4 =	vmul.f32 v50, v3  }
0x1ea: {  	v3 =	vmul.f32 v51, v3  }
0x1eb: {  	[tilespmem:s13+$0x2900] =	vst v4  }
0x1ec: {  	v53 =	vld [tilespmem:s13+$0x2920];
	[tilespmem:s13+$0x2910] =	vst v3  }
0x1ed: {  	v3 =	vld.idx.msk [tilespmem:v52+s23+$0x0], $0xffff  }
0x1ee: {  	v54 =	vld [tilespmem:s13+$0x2930];
	_ =	sdelay $0x2  }
0x1ef: {  	v55 =	vor.u32 $0x2A, v2  }
0x1f0: {  	v4 =	vmul.f32 v53, v3  }
0x1f1: {  	v3 =	vmul.f32 v54, v3  }
0x1f2: {  	[tilespmem:s13+$0x2920] =	vst v4  }
0x1f3: {  	v56 =	vld [tilespmem:s13+$0x2940];
	[tilespmem:s13+$0x2930] =	vst v3  }
0x1f4: {  	v3 =	vld.idx.msk [tilespmem:v55+s23+$0x0], $0xffff  }
0x1f5: {  	v57 =	vld [tilespmem:s13+$0x2950];
	_ =	sdelay $0x2  }
0x1f6: {  	v58 =	vor.u32 $0x2B, v2  }
0x1f7: {  	v4 =	vmul.f32 v56, v3  }
0x1f8: {  	v3 =	vmul.f32 v57, v3  }
0x1f9: {  	[tilespmem:s13+$0x2940] =	vst v4  }
0x1fa: {  	v59 =	vld [tilespmem:s13+$0x2960];
	[tilespmem:s13+$0x2950] =	vst v3  }
0x1fb: {  	v3 =	vld.idx.msk [tilespmem:v58+s23+$0x0], $0xffff  }
0x1fc: {  	v60 =	vld [tilespmem:s13+$0x2970];
	_ =	sdelay $0x2  }
0x1fd: {  	v61 =	vor.u32 $0x2C, v2  }
0x1fe: {  	v4 =	vmul.f32 v59, v3  }
0x1ff: {  	v3 =	vmul.f32 v60, v3  }
0x200: {  	[tilespmem:s13+$0x2960] =	vst v4  }
0x201: {  	v62 =	vld [tilespmem:s13+$0x2980];
	[tilespmem:s13+$0x2970] =	vst v3  }
0x202: {  	v3 =	vld.idx.msk [tilespmem:v61+s23+$0x0], $0xffff  }
0x203: {  	v63 =	vld [tilespmem:s13+$0x2990];
	_ =	sdelay $0x2  }
0x204: {  	v9 =	vor.u32 $0x2D, v2  }
0x205: {  	v4 =	vmul.f32 v62, v3  }
0x206: {  	v3 =	vmul.f32 v63, v3  }
0x207: {  	[tilespmem:s13+$0x2980] =	vst v4  }
0x208: {  	v10 =	vld [tilespmem:s13+$0x29A0];
	[tilespmem:s13+$0x2990] =	vst v3  }
0x209: {  	v3 =	vld.idx.msk [tilespmem:v9+s23+$0x0], $0xffff  }
0x20a: {  	v11 =	vld [tilespmem:s13+$0x29B0];
	_ =	sdelay $0x2  }
0x20b: {  	v12 =	vor.u32 $0x2E, v2  }
0x20c: {  	v4 =	vmul.f32 v10, v3  }
0x20d: {  	v3 =	vmul.f32 v11, v3  }
0x20e: {  	[tilespmem:s13+$0x29A0] =	vst v4  }
0x20f: {  	v13 =	vld [tilespmem:s13+$0x29C0];
	[tilespmem:s13+$0x29B0] =	vst v3  }
0x210: {  	v3 =	vld.idx.msk [tilespmem:v12+s23+$0x0], $0xffff  }
0x211: {  	v14 =	vld [tilespmem:s13+$0x29D0];
	_ =	sdelay $0x2  }
0x212: {  	v15 =	vor.u32 $0x2F, v2  }
0x213: {  	v4 =	vmul.f32 v13, v3  }
0x214: {  	v3 =	vmul.f32 v14, v3  }
0x215: {  	[tilespmem:s13+$0x29C0] =	vst v4  }
0x216: {  	v16 =	vld [tilespmem:s13+$0x29E0];
	[tilespmem:s13+$0x29D0] =	vst v3  }
0x217: {  	v3 =	vld.idx.msk [tilespmem:v15+s23+$0x0], $0xffff  }
0x218: {  	v17 =	vld [tilespmem:s13+$0x29F0];
	_ =	sdelay $0x2  }
0x219: {  	v18 =	vor.u32 $0x30, v2  }
0x21a: {  	v4 =	vmul.f32 v16, v3  }
0x21b: {  	v3 =	vmul.f32 v17, v3  }
0x21c: {  	[tilespmem:s13+$0x29E0] =	vst v4  }
0x21d: {  	v19 =	vld [tilespmem:s13+$0x2A00];
	[tilespmem:s13+$0x29F0] =	vst v3  }
0x21e: {  	v3 =	vld.idx.msk [tilespmem:v18+s23+$0x0], $0xffff  }
0x21f: {  	v20 =	vld [tilespmem:s13+$0x2A10];
	_ =	sdelay $0x2  }
0x220: {  	v21 =	vor.u32 $0x31, v2  }
0x221: {  	v4 =	vmul.f32 v19, v3  }
0x222: {  	v3 =	vmul.f32 v20, v3  }
0x223: {  	[tilespmem:s13+$0x2A00] =	vst v4  }
0x224: {  	v22 =	vld [tilespmem:s13+$0x2A20];
	[tilespmem:s13+$0x2A10] =	vst v3  }
0x225: {  	v3 =	vld.idx.msk [tilespmem:v21+s23+$0x0], $0xffff  }
0x226: {  	v23 =	vld [tilespmem:s13+$0x2A30];
	_ =	sdelay $0x2  }
0x227: {  	v24 =	vor.u32 $0x32, v2  }
0x228: {  	v4 =	vmul.f32 v22, v3  }
0x229: {  	v3 =	vmul.f32 v23, v3  }
0x22a: {  	[tilespmem:s13+$0x2A20] =	vst v4  }
0x22b: {  	v25 =	vld [tilespmem:s13+$0x2A40];
	[tilespmem:s13+$0x2A30] =	vst v3  }
0x22c: {  	v3 =	vld.idx.msk [tilespmem:v24+s23+$0x0], $0xffff  }
0x22d: {  	v26 =	vld [tilespmem:s13+$0x2A50];
	_ =	sdelay $0x2  }
0x22e: {  	v27 =	vor.u32 $0x33, v2  }
0x22f: {  	v4 =	vmul.f32 v25, v3  }
0x230: {  	v3 =	vmul.f32 v26, v3  }
0x231: {  	[tilespmem:s13+$0x2A40] =	vst v4  }
0x232: {  	v28 =	vld [tilespmem:s13+$0x2A60];
	[tilespmem:s13+$0x2A50] =	vst v3  }
0x233: {  	v3 =	vld.idx.msk [tilespmem:v27+s23+$0x0], $0xffff  }
0x234: {  	v29 =	vld [tilespmem:s13+$0x2A70];
	_ =	sdelay $0x2  }
0x235: {  	v30 =	vor.u32 $0x34, v2  }
0x236: {  	v4 =	vmul.f32 v28, v3  }
0x237: {  	v3 =	vmul.f32 v29, v3  }
0x238: {  	[tilespmem:s13+$0x2A60] =	vst v4  }
0x239: {  	v31 =	vld [tilespmem:s13+$0x2A80];
	[tilespmem:s13+$0x2A70] =	vst v3  }
0x23a: {  	v3 =	vld.idx.msk [tilespmem:v30+s23+$0x0], $0xffff  }
0x23b: {  	v32 =	vld [tilespmem:s13+$0x2A90];
	_ =	sdelay $0x2  }
0x23c: {  	v33 =	vor.u32 $0x35, v2  }
0x23d: {  	v4 =	vmul.f32 v31, v3  }
0x23e: {  	v3 =	vmul.f32 v32, v3  }
0x23f: {  	[tilespmem:s13+$0x2A80] =	vst v4  }
0x240: {  	v34 =	vld [tilespmem:s13+$0x2AA0];
	[tilespmem:s13+$0x2A90] =	vst v3  }
0x241: {  	v3 =	vld.idx.msk [tilespmem:v33+s23+$0x0], $0xffff  }
0x242: {  	v35 =	vld [tilespmem:s13+$0x2AB0];
	_ =	sdelay $0x2  }
0x243: {  	v36 =	vor.u32 $0x36, v2  }
0x244: {  	v4 =	vmul.f32 v34, v3  }
0x245: {  	v3 =	vmul.f32 v35, v3  }
0x246: {  	[tilespmem:s13+$0x2AA0] =	vst v4  }
0x247: {  	v37 =	vld [tilespmem:s13+$0x2AC0];
	[tilespmem:s13+$0x2AB0] =	vst v3  }
0x248: {  	v3 =	vld.idx.msk [tilespmem:v36+s23+$0x0], $0xffff  }
0x249: {  	v38 =	vld [tilespmem:s13+$0x2AD0];
	_ =	sdelay $0x2  }
0x24a: {  	v39 =	vor.u32 $0x37, v2  }
0x24b: {  	v4 =	vmul.f32 v37, v3  }
0x24c: {  	v3 =	vmul.f32 v38, v3  }
0x24d: {  	[tilespmem:s13+$0x2AC0] =	vst v4  }
0x24e: {  	v40 =	vld [tilespmem:s13+$0x2AE0];
	[tilespmem:s13+$0x2AD0] =	vst v3  }
0x24f: {  	v3 =	vld.idx.msk [tilespmem:v39+s23+$0x0], $0xffff  }
0x250: {  	v41 =	vld [tilespmem:s13+$0x2AF0];
	_ =	sdelay $0x2  }
0x251: {  	v42 =	vor.u32 $0x38, v2  }
0x252: {  	v4 =	vmul.f32 v40, v3  }
0x253: {  	v3 =	vmul.f32 v41, v3  }
0x254: {  	[tilespmem:s13+$0x2AE0] =	vst v4  }
0x255: {  	v43 =	vld [tilespmem:s13+$0x2B00];
	[tilespmem:s13+$0x2AF0] =	vst v3  }
0x256: {  	v3 =	vld.idx.msk [tilespmem:v42+s23+$0x0], $0xffff  }
0x257: {  	v44 =	vld [tilespmem:s13+$0x2B10];
	_ =	sdelay $0x2  }
0x258: {  	v45 =	vor.u32 $0x39, v2  }
0x259: {  	v4 =	vmul.f32 v43, v3  }
0x25a: {  	v3 =	vmul.f32 v44, v3  }
0x25b: {  	[tilespmem:s13+$0x2B00] =	vst v4  }
0x25c: {  	v46 =	vld [tilespmem:s13+$0x2B20];
	[tilespmem:s13+$0x2B10] =	vst v3  }
0x25d: {  	v3 =	vld.idx.msk [tilespmem:v45+s23+$0x0], $0xffff  }
0x25e: {  	v47 =	vld [tilespmem:s13+$0x2B30];
	_ =	sdelay $0x2  }
0x25f: {  	v48 =	vor.u32 $0x3A, v2  }
0x260: {  	v4 =	vmul.f32 v46, v3  }
0x261: {  	v3 =	vmul.f32 v47, v3  }
0x262: {  	[tilespmem:s13+$0x2B20] =	vst v4  }
0x263: {  	v49 =	vld [tilespmem:s13+$0x2B40];
	[tilespmem:s13+$0x2B30] =	vst v3  }
0x264: {  	v3 =	vld.idx.msk [tilespmem:v48+s23+$0x0], $0xffff  }
0x265: {  	v50 =	vld [tilespmem:s13+$0x2B50];
	_ =	sdelay $0x2  }
0x266: {  	v51 =	vor.u32 $0x3B, v2  }
0x267: {  	v4 =	vmul.f32 v49, v3  }
0x268: {  	v3 =	vmul.f32 v50, v3  }
0x269: {  	[tilespmem:s13+$0x2B40] =	vst v4  }
0x26a: {  	v52 =	vld [tilespmem:s13+$0x2B60];
	[tilespmem:s13+$0x2B50] =	vst v3  }
0x26b: {  	v3 =	vld.idx.msk [tilespmem:v51+s23+$0x0], $0xffff  }
0x26c: {  	v53 =	vld [tilespmem:s13+$0x2B70];
	_ =	sdelay $0x2  }
0x26d: {  	v54 =	vor.u32 $0x3C, v2  }
0x26e: {  	v4 =	vmul.f32 v52, v3  }
0x26f: {  	v3 =	vmul.f32 v53, v3  }
0x270: {  	[tilespmem:s13+$0x2B60] =	vst v4  }
0x271: {  	v55 =	vld [tilespmem:s13+$0x2B80];
	[tilespmem:s13+$0x2B70] =	vst v3  }
0x272: {  	v3 =	vld.idx.msk [tilespmem:v54+s23+$0x0], $0xffff  }
0x273: {  	v56 =	vld [tilespmem:s13+$0x2B90];
	_ =	sdelay $0x2  }
0x274: {  	v57 =	vor.u32 $0x3D, v2  }
0x275: {  	v4 =	vmul.f32 v55, v3  }
0x276: {  	v3 =	vmul.f32 v56, v3  }
0x277: {  	[tilespmem:s13+$0x2B80] =	vst v4  }
0x278: {  	v58 =	vld [tilespmem:s13+$0x2BA0];
	[tilespmem:s13+$0x2B90] =	vst v3  }
0x279: {  	v3 =	vld.idx.msk [tilespmem:v57+s23+$0x0], $0xffff  }
0x27a: {  	v59 =	vld [tilespmem:s13+$0x2BB0];
	_ =	sdelay $0x2  }
0x27b: {  	v60 =	vor.u32 $0x3E, v2  }
0x27c: {  	v4 =	vmul.f32 v58, v3  }
0x27d: {  	v3 =	vmul.f32 v59, v3  }
0x27e: {  	[tilespmem:s13+$0x2BA0] =	vst v4  }
0x27f: {  	v61 =	vld [tilespmem:s13+$0x2BC0];
	[tilespmem:s13+$0x2BB0] =	vst v3  }
0x280: {  	v3 =	vld.idx.msk [tilespmem:v60+s23+$0x0], $0xffff  }
0x281: {  	v62 =	vld [tilespmem:s13+$0x2BD0];
	_ =	sdelay $0x2  }
0x282: {  	v2 =	vor.u32 $0x3F, v2  }
0x283: {  	v4 =	vmul.f32 v61, v3  }
0x284: {  	v3 =	vmul.f32 v62, v3  }
0x285: {  	[tilespmem:s13+$0x2BC0] =	vst v4  }
0x286: {  	[tilespmem:s13+$0x2BD0] =	vst v3;
	v3 =	vld [tilespmem:s13+$0x2BE0]  }
0x287: {  	v2 =	vld.idx.msk [tilespmem:v2+s23+$0x0], $0xffff  }
0x288: {  	v63 =	vld [tilespmem:s13+$0x2BF0]  }
0x289: {  	s1 =	sadd.s32 $0x1, s1  }
0x28a: {  	p0 =	sne.s32 s1, s30  }
.Ltmp3:
0x28b: {  	_ = 	snop;
	(pc) =	sbr.rel @p0 .LBB2_10-.Ltmp3, $4  }
0x28c: {  	v3 =	vmul.f32 v3, v2  }
0x28d: {  	v2 =	vmul.f32 v63, v2  }
0x28e: {  	[tilespmem:s13+$0x2BE0] =	vst v3  }
0x28f: {  	[tilespmem:s13+$0x2BF0] =	vst v2  }
0x290: {  	s31 =	sadd.s32 $0x1, s31  }
0x291: {  	p0 =	sne.s32 s31, $0x8  }
.Ltmp4:
0x292: {  	s0 =	sadd.s32 $0x480, s0;
	(pc) =	sbr.rel @p0 .LBB2_9-.Ltmp4, $4  }
0x293: {  	[spmem:s2] =	stream.indirect.scatter.add.f32 [tilespmem:s21], [sflag:$0x3], $0x80, s0, s20, $0xb8;
	[tilespmem:$0x1E400] =	vst v63  }
0x294: {  	_ =	swait.ge [sflag:s17], $0x4000  }
0x295: {  	[sflag:s17] =	ssyncset.done $0x0  }
0x296: {  	s30 =	sadd.s32 $0x8, s30;
	[sflag:s17] =	ssyncadd.s32 $0xFFFFC000  }
0x297: {  	s29 =	sadd.s32 $0x1, s29  }
0x298: {  	p0 =	sne.s32 s29, $0xA  }
.Ltmp5:
0x299: {  	_ = 	snop;
	(pc) =	sbr.rel @p0 .LBB2_8-.Ltmp5, $1  }
0x29a: {  	_ =	sdelay $0x3  }
0x29b: {  	[bflag:$0x0] =	sbarrier.arrive $0xFFFF  }
0x29c: {  	s0 =	rddreg [dreg:$0x4]  }
0x29d: {  	[hbm:s0], [sflag:s10] =	dma.local [spmem:s16], $0x2800  }
0x29e: {  	_ =	swait.ge [sflag:s17], $0x2800  }
0x29f: {  	s26 =	sadd.s32 $0x1, s26;
	s31 =	rddreg [dreg:$0x5]  }
0x2a0: {  	p0 =	sne.s32 s26, s31  }
.Ltmp6:
0x2a1: {  	_ = 	snop;
	(pc) =	sbr.rel @p0 .LBB2_1-.Ltmp6, $3  }
0x2a2: {  	_ =	sdelay $0x1  }
0x2a3: {  	[sflag:s17] =	ssyncset.done $0x0  }
0x2a4: {  	[sflag:s17] =	ssyncadd.s32 $0xFFFFD800  }
0x2a5: {  	_ =	sfence.sel $0x180000  }
0x2a6: {  	[bflag:$0x0] =	sbarrier.arrive $0xFFFF  }
0x2a7: {  	_ =	strace $0x90000047  }
0x2a8: {  	s0 =	stileid.u32;
	[bflag:$0x2] =	sbarrier.arrive $0xFFFF  }
0x2a9: {  	p0 =	sne.s32 s0, $0x0;
	s0 =	rddreg [dreg:$0x2]  }
0x2aa: {  	s0 =	sadd.s32 @!p0 $0x100000, s0  }
0x2ab: {  	[sflag:s0] =	ssyncadd.tile.s32 @!p0 $0x1;
	_ =	shalt  }
.Lfunc_end2:
_tile_overlayer_lowered:
.L_overlay_start_2:
0x2ac: {  	(tag) =	ssettag $0x2  }
0x2ad: {  	s0 =	rddreg [dreg:$0x0];
	s2 =	stileid.u32  }
0x2ae: {  	s1 =	rddreg [dreg:$0x1];
	p0 =	sne.s32 s2, $0x0  }
0x2af: {  	s3 =	rddreg [dreg:$0x2];
	[bflag:$0x3] =	sbarrier.arrive $0xFFFF;
	s2 =	simm.s32 @!p0 $0x1C03  }
0x2b0: {  	[timem:s3], [sflag:s2] =	dma.local @!p0 [hbm:s0], s1  }
0x2b1: {  	s0 =	simm.s32 @!p0 $0x3  }
0x2b2: {  	_ =	swait.ge @!p0 [sflag:s0], s1  }
0x2b3: {  	s1 =	ssub.s32 @!p0 $0x0, s1;
	[sflag:s0] =	ssyncset.done @!p0 $0x0  }
0x2b4: {  	[sflag:s0] =	ssyncadd.s32 @!p0 s1  }
0x2b5: {  	[bflag:$0x3] =	sbarrier.arrive $0xFFFF  }
0x2b6: {  	_ =	shalt  }

</sc_bundles>
